<compile_context>
chip_gen: v7x
topology: tpu7x:2x2x1
jax: 0.10.2.dev20260603
libtpu: 0.0.44.dev20260713+nightly
codegen_flags: <defaults>
</compile_context>

<pallas_src>
import functools

import jax
import jax.numpy as jnp
from jax import lax
from jax.experimental import pallas as pl
from jax.experimental.pallas import tpu as pltpu
from jax.experimental.pallas import tpu_sc as plsc

NX, NY = 432, 496
S = NX * NY
NV, MP, CP = 16000, 32, 4
CO = 64
EPS = 1e-3
VX, VY, VZ = 0.16, 0.16, 4.0
XOFF = VX / 2 + 0.0
YOFF = VY / 2 + (-39.68)
ZOFF = VZ / 2 + (-3.0)

BLK = 200
NBLK = NV // BLK

BANDS = 62
SS = S // BANDS
NTILE = 32
SCCH = 4000
PCH = 192
LISTCAP = 16128
YB = 8
TB = 4
HIGH = lax.Precision.HIGHEST


def _features(vox, coords, nump):
    if nump.ndim == 2:
        nump = nump[:, 0]
    numf = nump.astype(jnp.float32)
    xyz = vox[:, :, :3]
    pmean = jnp.sum(xyz, axis=1, keepdims=True) / numf[:, None, None]
    f_cluster = xyz - pmean
    cf = coords.astype(jnp.float32)
    cen = jnp.stack([cf[:, 3] * VX + XOFF,
                     cf[:, 2] * VY + YOFF,
                     cf[:, 1] * VZ + ZOFF], axis=-1)
    f_center = xyz - cen[:, None, :]
    f = jnp.concatenate([vox, f_cluster, f_center], axis=-1)
    msk = nump[:, None] > lax.broadcasted_iota(jnp.int32, (1, MP), 1)
    return f * msk.astype(jnp.float32)[:, :, None]


def _stats_kernel(vox_ref, coords_ref, nump_ref, g_ref):
    f = _features(vox_ref[...], coords_ref[...], nump_ref[...])
    ones = jnp.ones(f.shape[:2] + (1,), jnp.float32)
    f1 = jnp.concatenate([f, ones], axis=-1).reshape(BLK * MP, 11)
    g = lax.dot_general(f1, f1, (((0,), (0,)), ((), ())),
                        precision=HIGH, preferred_element_type=jnp.float32)

    @pl.when(pl.program_id(0) == 0)
    def _():
        g_ref[...] = jnp.zeros_like(g_ref)

    g_ref[...] += g


def _apply_kernel(vox_ref, coords_ref, nump_ref, g_ref, w_ref, gam_ref,
                  bet_ref, pf_ref, key_ref):
    G = g_ref[...]
    W = w_ref[...]
    cnt = G[10, 10]
    svec = G[10, :10]
    mu = jnp.sum(W * svec[None, :], axis=1) / cnt
    WG = lax.dot_general(W, G[:10, :10], (((1,), (0,)), ((), ())),
                         precision=HIGH, preferred_element_type=jnp.float32)
    e2 = jnp.sum(WG * W, axis=1) / cnt
    var = e2 - mu * mu
    scale = gam_ref[...] * lax.rsqrt(var + EPS)
    shift = bet_ref[...] - mu * scale

    f = _features(vox_ref[...], coords_ref[...], nump_ref[...])
    h = lax.dot_general(f.reshape(BLK * MP, 10), W, (((1,), (1,)), ((), ())),
                        precision=HIGH, preferred_element_type=jnp.float32)
    h = h.reshape(BLK, MP, CO)
    h = jnp.maximum(h * scale[None, None, :] + shift[None, None, :], 0.0)
    pf_ref[...] = jnp.concatenate(
        [jnp.max(h, axis=1), jnp.zeros((BLK, 128 - CO), jnp.float32)], axis=1)
    c = coords_ref[...]
    key_ref[...] = (c[:, 0] * S + c[:, 1] + c[:, 2] * NX + c[:, 3])[:, None]


def _pfn(voxels, coords, voxel_num_points, W, gamma, beta):
    G = pl.pallas_call(
        _stats_kernel,
        grid=(NBLK,),
        in_specs=[pl.BlockSpec((BLK, MP, CP), lambda i: (i, 0, 0)),
                  pl.BlockSpec((BLK, 4), lambda i: (i, 0)),
                  pl.BlockSpec((BLK, 1), lambda i: (i, 0))],
        out_specs=pl.BlockSpec((11, 11), lambda i: (0, 0)),
        out_shape=jax.ShapeDtypeStruct((11, 11), jnp.float32),
    )(voxels, coords, voxel_num_points.reshape(NV, 1))

    pf, key = pl.pallas_call(
        _apply_kernel,
        grid=(NBLK,),
        in_specs=[pl.BlockSpec((BLK, MP, CP), lambda i: (i, 0, 0)),
                  pl.BlockSpec((BLK, 4), lambda i: (i, 0)),
                  pl.BlockSpec((BLK, 1), lambda i: (i, 0)),
                  pl.BlockSpec((11, 11), lambda i: (0, 0)),
                  pl.BlockSpec((CO, 10), lambda i: (0, 0)),
                  pl.BlockSpec((CO,), lambda i: (0,)),
                  pl.BlockSpec((CO,), lambda i: (0,))],
        out_specs=[pl.BlockSpec((BLK, 128), lambda i: (i, 0)),
                   pl.BlockSpec((BLK, 1), lambda i: (i, 0))],
        out_shape=[jax.ShapeDtypeStruct((NV, 128), jnp.float32),
                   jax.ShapeDtypeStruct((NV, 1), jnp.int32)],
    )(voxels, coords, voxel_num_points.reshape(NV, 1), G, W, gamma, beta)
    return pf, key.reshape(NV)


def _sc_scatter_kernel(pf_hbm, key_hbm, out_hbm, key_v, list_v, bpos_v,
                       idx_v, stage_v, buf_v, sem):
    wid = lax.axis_index("s") * 2 + lax.axis_index("c")
    iota = lax.iota(jnp.int32, 16)
    z16 = jnp.zeros((16,), jnp.float32)
    tbase = wid * TB * SS

    for c in range(16):
        for y in range(YB):
            def zrow(j, _, c=c, y=y):
                buf_v[c, y, pl.ds(j * 16, 16)] = z16
                return 0
            lax.fori_loop(0, NX // 16, zrow, 0)

    def scan_chunk(kc, cnt):
        pltpu.sync_copy(key_hbm.at[pl.ds(kc * SCCH, SCCH)], key_v)

        def scan_vec(i, cnt):
            kv = key_v[pl.ds(i * 16, 16)]
            rel = kv - tbase
            m = (rel >= 0) & (rel < TB * SS)
            idvec = kc * SCCH + i * 16 + iota
            mi = m.astype(jnp.int32)
            pos = cnt - 1 + plsc.cumsum(mi)
            plsc.store_scatter(list_v, [pos], idvec * 16384 + rel, mask=m)
            return cnt + jnp.sum(mi)

        return lax.fori_loop(0, SCCH // 16, scan_vec, cnt)

    nt = lax.fori_loop(0, NV // SCCH, scan_chunk, 0)

    def bin_body(t, _):
        bin_id = wid * TB + t
        b = bin_id // BANDS
        band = bin_id % BANDS
        lo = t * SS

        def filt(i, cnt):
            pk = list_v[pl.ds(i * 16, 16)]
            rel = pk & 16383
            m = ((rel >= lo) & (rel < lo + SS)) & (i * 16 + iota < nt)
            mi = m.astype(jnp.int32)
            pos = cnt - 1 + plsc.cumsum(mi)
            plsc.store_scatter(bpos_v, [pos], i * 16 + iota, mask=m)
            return cnt + jnp.sum(mi)

        n = lax.fori_loop(0, pl.cdiv(nt, 16), filt, 0)
        nch = (n + PCH - 1) // PCH

        def cg_body(cg, _):
            def chunk_body(ch, _):
                c0 = ch * PCH
                m = jnp.minimum(PCH, n - c0)

                @pl.when((cg == 0) | (nch > 1))
                def _():
                    def bidx(j, _):
                        posv = bpos_v[pl.ds(c0 + j * 16, 16)]
                        posv = jnp.minimum(jnp.maximum(posv, 0), LISTCAP - 1)
                        pkv = plsc.load_gather(list_v, [posv]) >> 14
                        pkv = jnp.minimum(jnp.maximum(pkv, 0), NV - 1)
                        idx_v[pl.ds(j * 16, 16)] = pkv
                        return 0

                    lax.fori_loop(0, PCH // 16, bidx, 0)
                    pltpu.async_copy(pf_hbm.at[idx_v], stage_v, sem).wait()

                def pillar(p, _):
                    psp = plsc.load_gather(
                        bpos_v, [jnp.full((16,), c0 + p, jnp.int32)])
                    osp = (plsc.load_gather(list_v, [psp]) & 16383) - lo
                    vy = osp // NX
                    vx = osp - vy * NX
                    row = plsc.load_gather(
                        stage_v, [jnp.full((16,), p, jnp.int32), cg * 16 + iota])
                    plsc.store_scatter(buf_v, [iota, vy, vx], row)
                    return 0

                lax.fori_loop(0, m, pillar, 0)
                return 0

            lax.fori_loop(0, nch, chunk_body, 0)

            pltpu.sync_copy(
                buf_v,
                out_hbm.at[b, pl.ds(cg * 16, 16), pl.ds(band * YB, YB), :])
            return 0

        lax.fori_loop(0, 4, cg_body, 0)

        def rpillar(p, _):
            psp = plsc.load_gather(bpos_v, [jnp.full((16,), p, jnp.int32)])
            osp = (plsc.load_gather(list_v, [psp]) & 16383) - lo
            vy = osp // NX
            vx = osp - vy * NX
            plsc.store_scatter(buf_v, [iota, vy, vx], z16)
            return 0

        lax.fori_loop(0, n, rpillar, 0)
        return 0

    lax.fori_loop(0, TB, bin_body, 0)


def _sc_scatter(pf16, key):
    mesh = plsc.VectorSubcoreMesh(core_axis_name="c", subcore_axis_name="s")
    run = functools.partial(
        pl.kernel, mesh=mesh,
        compiler_params=pltpu.CompilerParams(needs_layout_passes=False),
        out_type=jax.ShapeDtypeStruct((2, CO, NY, NX), jnp.float32),
        scratch_types=[pltpu.VMEM((SCCH,), jnp.int32),
                       pltpu.VMEM((LISTCAP,), jnp.int32),
                       pltpu.VMEM((LISTCAP,), jnp.int32),
                       pltpu.VMEM((PCH,), jnp.int32),
                       pltpu.VMEM((PCH, 128), jnp.float32),
                       pltpu.VMEM((16, YB, NX), jnp.float32),
                       pltpu.SemaphoreType.DMA],
    )(_sc_scatter_kernel)
    return run(pf16, key)


def kernel(voxels, coords, voxel_num_points, W, gamma, beta):
    pf, key = _pfn(voxels, coords, voxel_num_points, W, gamma, beta)
    return _sc_scatter(pf, key)

# --- scband reference (transcript-rebuilt; emitter-appended) ---
"""Pipeline reference for scband-pillar-vfe-24292335026905 (READ-ONLY COPY).

The authoritative reference and input builder live on the scoring server;
editing this copy changes nothing except your own understanding.
"""

import jax, jax.numpy as jnp
import numpy as np

NX, NY, NZ = 432, 496, 1
VOXEL_SIZE = (0.16, 0.16, 4.0)
PC_RANGE = (0.0, -39.68, -3.0, 69.12, 39.68, 1.0)
BATCH = 2
N_VOX, MAX_PTS, C_PT = 16000, 32, 4
C_OUT = 64
EPS = 1e-3


def setup_inputs(seed: int = 0):
    key = jax.random.key(seed)
    k1, k2, k3, k4, k5, k6 = jax.random.split(key, 6)
    voxels = jax.random.normal(k1, (N_VOX, MAX_PTS, C_PT), dtype=jnp.float32)
    b = jax.random.randint(k2, (N_VOX,), 0, BATCH)
    z = jnp.zeros((N_VOX,), jnp.int32)
    y = jax.random.randint(k3, (N_VOX,), 0, NY)
    x = jax.random.randint(k4, (N_VOX,), 0, NX)
    coords = jnp.stack([b, z, y, x], axis=1).astype(jnp.int32)
    voxel_num_points = jax.random.randint(k5, (N_VOX,), 1, MAX_PTS + 1).astype(jnp.int32)
    # PFN layer params: linear (no bias) 10 -> 64, BatchNorm1d(64)
    W = jax.random.normal(k6, (C_OUT, C_PT + 6), dtype=jnp.float32) * 0.1
    gamma = jnp.ones((C_OUT,), jnp.float32)
    beta = jnp.zeros((C_OUT,), jnp.float32)
    return {"voxels": voxels, "coords": coords, "voxel_num_points": voxel_num_points,
            "W": W, "gamma": gamma, "beta": beta}


def reference(voxels, coords, voxel_num_points, W, gamma, beta):
    N, P, _ = voxels.shape
    # --- pillar feature augmentation ---
    nump = voxel_num_points.astype(jnp.float32).reshape(-1, 1, 1)
    points_mean = jnp.sum(voxels[:, :, :3], axis=1, keepdims=True) / nump
    f_cluster = voxels[:, :, :3] - points_mean
    vx, vy, vz = VOXEL_SIZE
    x_off = vx / 2 + PC_RANGE[0]
    y_off = vy / 2 + PC_RANGE[1]
    z_off = vz / 2 + PC_RANGE[2]
    cx = coords[:, 3].astype(jnp.float32)[:, None]
    cy = coords[:, 2].astype(jnp.float32)[:, None]
    cz = coords[:, 1].astype(jnp.float32)[:, None]
    f_center = jnp.stack([
        voxels[:, :, 0] - (cx * vx + x_off),
        voxels[:, :, 1] - (cy * vy + y_off),
        voxels[:, :, 2] - (cz * vz + z_off)], axis=-1)
    features = jnp.concatenate([voxels, f_cluster, f_center], axis=-1)
    # padding mask
    mask = (voxel_num_points[:, None] > jnp.arange(P, dtype=voxel_num_points.dtype)[None, :])
    features = features * mask.astype(features.dtype)[:, :, None]
    # --- PFN layer (linear -> batchnorm over (N,P) per channel -> relu -> max over points) ---
    h = features @ W.T                       # (N, P, 64)
    mu = jnp.mean(h, axis=(0, 1))
    var = jnp.var(h, axis=(0, 1))
    h = (h - mu) / jnp.sqrt(var + EPS) * gamma + beta
    h = jax.nn.relu(h)
    pillar_features = jnp.max(h, axis=1)     # (N, 64)
    # --- scatter into dense BEV canvas ---
    idx = coords[:, 1] + coords[:, 2] * NX + coords[:, 3]
    spatial = jnp.zeros((BATCH, NZ * NX * NY, C_OUT), jnp.float32)
    spatial = spatial.at[coords[:, 0], idx].set(pillar_features)
    spatial = jnp.transpose(spatial, (0, 2, 1)).reshape(BATCH, C_OUT * NZ, NY, NX)
    return spatial


if False:  # reference __main__ guard neutralized (emitter)
    out = reference(**setup_inputs())
    print(out.shape)

if __name__ == "__main__":
    import jax
    _d = setup_inputs()
    print(jax.jit(kernel)(*tuple(_d.values())))

</pallas_src>

<mosaic_0001>
#map = affine_map<(d0, d1) -> (0, 0)>
#map1 = affine_map<(d0, d1) -> (0)>
#map2 = affine_map<(d0, d1) -> (0, 0, 0, 0)>
module attributes {stable_mosaic.version = 14 : i64} {
  func.func @_sc_scatter_kernel(%arg0: i32, %arg1: i32, %arg2: memref<16000x128xf32, #tpu.memory_space<hbm>>, %arg3: memref<16000xi32, #tpu.memory_space<hbm>>, %arg4: memref<2x64x496x432xf32, #tpu.memory_space<hbm>>, %arg5: memref<4000xi32, #tpu.memory_space<vmem>>, %arg6: memref<16128xi32, #tpu.memory_space<vmem>>, %arg7: memref<16128xi32, #tpu.memory_space<vmem>>, %arg8: memref<192xi32, #tpu.memory_space<vmem>>, %arg9: memref<192x128xf32, #tpu.memory_space<vmem>>, %arg10: memref<16x8x432xf32, #tpu.memory_space<vmem>>, %arg11: memref<!tpu.dma_semaphore, #tpu.memory_space<semaphore_mem>>) attributes {dimension_semantics = [#tpu.dimension_semantics<core_parallel>, #tpu.dimension_semantics<subcore_parallel>], iteration_bounds = array<i64: 2, 16>, scalar_prefetch = 0 : i64, scratch_operands = 7 : i64, tpu.core_type = #tpu.core_type<sc_vector_subcore>, window_params = [{transform_indices = #map}, {transform_indices = #map1}, {transform_indices = #map2}]} {
    %mul3A = arith.constant 2 : i32
    %mul3A_0 = arith.muli %arg1, %mul3A : i32
    %add3A = arith.addi %mul3A_0, %arg0 : i32
    %iota3A = tpu.iota {dimensions = array<i32: 0>} : vector<16xi32>
    %broadcast_in_dim3A = arith.constant 0.000000e+00 : f32
    %broadcast_in_dim3A_1 = vector.broadcast %broadcast_in_dim3A : f32 to vector<16xf32>
    %mul3A_2 = arith.constant 4 : i32
    %mul3A_3 = arith.muli %add3A, %mul3A_2 : i32
    %mul3A_4 = arith.constant 3456 : i32
    %mul3A_5 = arith.muli %mul3A_3, %mul3A_4 : i32
    %scan3A = arith.constant 0 : i32
    %scan3A_6 = arith.constant 0 : i32
    %scan3A_7 = arith.constant 27 : i32
    %scan3A_8 = arith.addi %scan3A_6, %scan3A_7 : i32
    %scan3A_9 = arith.constant 1 : i32
    %scan3A_10 = scf.for %scan3A_915 = %scan3A_6 to %scan3A_8 step %scan3A_9 iter_args(%scan3A_916 = %scan3A) -> (i32)  : i32 {
      %mul3A_917 = arith.constant 16 : i32
      %mul3A_918 = arith.muli %scan3A_915, %mul3A_917 : i32
      %swap3A = arith.constant 0 : i32
      %swap3A_919 = arith.constant 0 : i32
      %swap3A_920 = arith.index_cast %swap3A : i32 to index
      %swap3A_921 = arith.index_cast %swap3A_919 : i32 to index
      %swap3A_922 = arith.index_cast %mul3A_918 : i32 to index
      %swap3A_923 = tpu.vector_load %arg10[%swap3A_920, %swap3A_921, %swap3A_922] {strides = array<i32>} : memref<16x8x432xf32, #tpu.memory_space<vmem>>, vector<16xf32>,
      tpu.vector_store %arg10[%swap3A_920, %swap3A_921, %swap3A_922], %broadcast_in_dim3A_1 {strides = array<i32>} : memref<16x8x432xf32, #tpu.memory_space<vmem>>, vector<16xf32>,
      %scan3A_924 = arith.constant 0 : i32
      scf.yield %scan3A_924 : i32
    }
    %scan3A_11 = arith.constant 27 : i32
    %scan3A_12 = arith.constant 0 : i32
    %scan3A_13 = arith.constant 0 : i32
    %scan3A_14 = arith.constant 27 : i32
    %scan3A_15 = arith.addi %scan3A_13, %scan3A_14 : i32
    %scan3A_16 = arith.constant 1 : i32
    %scan3A_17 = scf.for %scan3A_915 = %scan3A_13 to %scan3A_15 step %scan3A_16 iter_args(%scan3A_916 = %scan3A_12) -> (i32)  : i32 {
      %mul3A_917 = arith.constant 16 : i32
      %mul3A_918 = arith.muli %scan3A_915, %mul3A_917 : i32
      %swap3A = arith.constant 0 : i32
      %swap3A_919 = arith.constant 1 : i32
      %swap3A_920 = arith.index_cast %swap3A : i32 to index
      %swap3A_921 = arith.index_cast %swap3A_919 : i32 to index
      %swap3A_922 = arith.index_cast %mul3A_918 : i32 to index
      %swap3A_923 = tpu.vector_load %arg10[%swap3A_920, %swap3A_921, %swap3A_922] {strides = array<i32>} : memref<16x8x432xf32, #tpu.memory_space<vmem>>, vector<16xf32>,
      tpu.vector_store %arg10[%swap3A_920, %swap3A_921, %swap3A_922], %broadcast_in_dim3A_1 {strides = array<i32>} : memref<16x8x432xf32, #tpu.memory_space<vmem>>, vector<16xf32>,
      %scan3A_924 = arith.constant 0 : i32
      scf.yield %scan3A_924 : i32
    }
    %scan3A_18 = arith.constant 27 : i32
    %scan3A_19 = arith.constant 0 : i32
    %scan3A_20 = arith.constant 0 : i32
    %scan3A_21 = arith.constant 27 : i32
    %scan3A_22 = arith.addi %scan3A_20, %scan3A_21 : i32
    %scan3A_23 = arith.constant 1 : i32
    %scan3A_24 = scf.for %scan3A_915 = %scan3A_20 to %scan3A_22 step %scan3A_23 iter_args(%scan3A_916 = %scan3A_19) -> (i32)  : i32 {
      %mul3A_917 = arith.constant 16 : i32
      %mul3A_918 = arith.muli %scan3A_915, %mul3A_917 : i32
      %swap3A = arith.constant 0 : i32
      %swap3A_919 = arith.constant 2 : i32
      %swap3A_920 = arith.index_cast %swap3A : i32 to index
      %swap3A_921 = arith.index_cast %swap3A_919 : i32 to index
      %swap3A_922 = arith.index_cast %mul3A_918 : i32 to index
      %swap3A_923 = tpu.vector_load %arg10[%swap3A_920, %swap3A_921, %swap3A_922] {strides = array<i32>} : memref<16x8x432xf32, #tpu.memory_space<vmem>>, vector<16xf32>,
      tpu.vector_store %arg10[%swap3A_920, %swap3A_921, %swap3A_922], %broadcast_in_dim3A_1 {strides = array<i32>} : memref<16x8x432xf32, #tpu.memory_space<vmem>>, vector<16xf32>,
      %scan3A_924 = arith.constant 0 : i32
      scf.yield %scan3A_924 : i32
    }
    %scan3A_25 = arith.constant 27 : i32
    %scan3A_26 = arith.constant 0 : i32
    %scan3A_27 = arith.constant 0 : i32
    %scan3A_28 = arith.constant 27 : i32
    %scan3A_29 = arith.addi %scan3A_27, %scan3A_28 : i32
    %scan3A_30 = arith.constant 1 : i32
    %scan3A_31 = scf.for %scan3A_915 = %scan3A_27 to %scan3A_29 step %scan3A_30 iter_args(%scan3A_916 = %scan3A_26) -> (i32)  : i32 {
      %mul3A_917 = arith.constant 16 : i32
      %mul3A_918 = arith.muli %scan3A_915, %mul3A_917 : i32
      %swap3A = arith.constant 0 : i32
      %swap3A_919 = arith.constant 3 : i32
      %swap3A_920 = arith.index_cast %swap3A : i32 to index
      %swap3A_921 = arith.index_cast %swap3A_919 : i32 to index
      %swap3A_922 = arith.index_cast %mul3A_918 : i32 to index
      %swap3A_923 = tpu.vector_load %arg10[%swap3A_920, %swap3A_921, %swap3A_922] {strides = array<i32>} : memref<16x8x432xf32, #tpu.memory_space<vmem>>, vector<16xf32>,
      tpu.vector_store %arg10[%swap3A_920, %swap3A_921, %swap3A_922], %broadcast_in_dim3A_1 {strides = array<i32>} : memref<16x8x432xf32, #tpu.memory_space<vmem>>, vector<16xf32>,
      %scan3A_924 = arith.constant 0 : i32
      scf.yield %scan3A_924 : i32
    }
    %scan3A_32 = arith.constant 27 : i32
    %scan3A_33 = arith.constant 0 : i32
    %scan3A_34 = arith.constant 0 : i32
    %scan3A_35 = arith.constant 27 : i32
    %scan3A_36 = arith.addi %scan3A_34, %scan3A_35 : i32
    %scan3A_37 = arith.constant 1 : i32
    %scan3A_38 = scf.for %scan3A_915 = %scan3A_34 to %scan3A_36 step %scan3A_37 iter_args(%scan3A_916 = %scan3A_33) -> (i32)  : i32 {
      %mul3A_917 = arith.constant 16 : i32
      %mul3A_918 = arith.muli %scan3A_915, %mul3A_917 : i32
      %swap3A = arith.constant 0 : i32
      %swap3A_919 = arith.constant 4 : i32
      %swap3A_920 = arith.index_cast %swap3A : i32 to index
      %swap3A_921 = arith.index_cast %swap3A_919 : i32 to index
      %swap3A_922 = arith.index_cast %mul3A_918 : i32 to index
      %swap3A_923 = tpu.vector_load %arg10[%swap3A_920, %swap3A_921, %swap3A_922] {strides = array<i32>} : memref<16x8x432xf32, #tpu.memory_space<vmem>>, vector<16xf32>,
      tpu.vector_store %arg10[%swap3A_920, %swap3A_921, %swap3A_922], %broadcast_in_dim3A_1 {strides = array<i32>} : memref<16x8x432xf32, #tpu.memory_space<vmem>>, vector<16xf32>,
      %scan3A_924 = arith.constant 0 : i32
      scf.yield %scan3A_924 : i32
    }
    %scan3A_39 = arith.constant 27 : i32
    %scan3A_40 = arith.constant 0 : i32
    %scan3A_41 = arith.constant 0 : i32
    %scan3A_42 = arith.constant 27 : i32
    %scan3A_43 = arith.addi %scan3A_41, %scan3A_42 : i32
    %scan3A_44 = arith.constant 1 : i32
    %scan3A_45 = scf.for %scan3A_915 = %scan3A_41 to %scan3A_43 step %scan3A_44 iter_args(%scan3A_916 = %scan3A_40) -> (i32)  : i32 {
      %mul3A_917 = arith.constant 16 : i32
      %mul3A_918 = arith.muli %scan3A_915, %mul3A_917 : i32
      %swap3A = arith.constant 0 : i32
      %swap3A_919 = arith.constant 5 : i32
      %swap3A_920 = arith.index_cast %swap3A : i32 to index
      %swap3A_921 = arith.index_cast %swap3A_919 : i32 to index
      %swap3A_922 = arith.index_cast %mul3A_918 : i32 to index
      %swap3A_923 = tpu.vector_load %arg10[%swap3A_920, %swap3A_921, %swap3A_922] {strides = array<i32>} : memref<16x8x432xf32, #tpu.memory_space<vmem>>, vector<16xf32>,
      tpu.vector_store %arg10[%swap3A_920, %swap3A_921, %swap3A_922], %broadcast_in_dim3A_1 {strides = array<i32>} : memref<16x8x432xf32, #tpu.memory_space<vmem>>, vector<16xf32>,
      %scan3A_924 = arith.constant 0 : i32
      scf.yield %scan3A_924 : i32
    }
    %scan3A_46 = arith.constant 27 : i32
    %scan3A_47 = arith.constant 0 : i32
    %scan3A_48 = arith.constant 0 : i32
    %scan3A_49 = arith.constant 27 : i32
    %scan3A_50 = arith.addi %scan3A_48, %scan3A_49 : i32
    %scan3A_51 = arith.constant 1 : i32
    %scan3A_52 = scf.for %scan3A_915 = %scan3A_48 to %scan3A_50 step %scan3A_51 iter_args(%scan3A_916 = %scan3A_47) -> (i32)  : i32 {
      %mul3A_917 = arith.constant 16 : i32
      %mul3A_918 = arith.muli %scan3A_915, %mul3A_917 : i32
      %swap3A = arith.constant 0 : i32
      %swap3A_919 = arith.constant 6 : i32
      %swap3A_920 = arith.index_cast %swap3A : i32 to index
      %swap3A_921 = arith.index_cast %swap3A_919 : i32 to index
      %swap3A_922 = arith.index_cast %mul3A_918 : i32 to index
      %swap3A_923 = tpu.vector_load %arg10[%swap3A_920, %swap3A_921, %swap3A_922] {strides = array<i32>} : memref<16x8x432xf32, #tpu.memory_space<vmem>>, vector<16xf32>,
      tpu.vector_store %arg10[%swap3A_920, %swap3A_921, %swap3A_922], %broadcast_in_dim3A_1 {strides = array<i32>} : memref<16x8x432xf32, #tpu.memory_space<vmem>>, vector<16xf32>,
      %scan3A_924 = arith.constant 0 : i32
      scf.yield %scan3A_924 : i32
    }
    %scan3A_53 = arith.constant 27 : i32
    %scan3A_54 = arith.constant 0 : i32
    %scan3A_55 = arith.constant 0 : i32
    %scan3A_56 = arith.constant 27 : i32
    %scan3A_57 = arith.addi %scan3A_55, %scan3A_56 : i32
    %scan3A_58 = arith.constant 1 : i32
    %scan3A_59 = scf.for %scan3A_915 = %scan3A_55 to %scan3A_57 step %scan3A_58 iter_args(%scan3A_916 = %scan3A_54) -> (i32)  : i32 {
      %mul3A_917 = arith.constant 16 : i32
      %mul3A_918 = arith.muli %scan3A_915, %mul3A_917 : i32
      %swap3A = arith.constant 0 : i32
      %swap3A_919 = arith.constant 7 : i32
      %swap3A_920 = arith.index_cast %swap3A : i32 to index
      %swap3A_921 = arith.index_cast %swap3A_919 : i32 to index
      %swap3A_922 = arith.index_cast %mul3A_918 : i32 to index
      %swap3A_923 = tpu.vector_load %arg10[%swap3A_920, %swap3A_921, %swap3A_922] {strides = array<i32>} : memref<16x8x432xf32, #tpu.memory_space<vmem>>, vector<16xf32>,
      tpu.vector_store %arg10[%swap3A_920, %swap3A_921, %swap3A_922], %broadcast_in_dim3A_1 {strides = array<i32>} : memref<16x8x432xf32, #tpu.memory_space<vmem>>, vector<16xf32>,
      %scan3A_924 = arith.constant 0 : i32
      scf.yield %scan3A_924 : i32
    }
    %scan3A_60 = arith.constant 27 : i32
    %scan3A_61 = arith.constant 0 : i32
    %scan3A_62 = arith.constant 0 : i32
    %scan3A_63 = arith.constant 27 : i32
    %scan3A_64 = arith.addi %scan3A_62, %scan3A_63 : i32
    %scan3A_65 = arith.constant 1 : i32
    %scan3A_66 = scf.for %scan3A_915 = %scan3A_62 to %scan3A_64 step %scan3A_65 iter_args(%scan3A_916 = %scan3A_61) -> (i32)  : i32 {
      %mul3A_917 = arith.constant 16 : i32
      %mul3A_918 = arith.muli %scan3A_915, %mul3A_917 : i32
      %swap3A = arith.constant 1 : i32
      %swap3A_919 = arith.constant 0 : i32
      %swap3A_920 = arith.index_cast %swap3A : i32 to index
      %swap3A_921 = arith.index_cast %swap3A_919 : i32 to index
      %swap3A_922 = arith.index_cast %mul3A_918 : i32 to index
      %swap3A_923 = tpu.vector_load %arg10[%swap3A_920, %swap3A_921, %swap3A_922] {strides = array<i32>} : memref<16x8x432xf32, #tpu.memory_space<vmem>>, vector<16xf32>,
      tpu.vector_store %arg10[%swap3A_920, %swap3A_921, %swap3A_922], %broadcast_in_dim3A_1 {strides = array<i32>} : memref<16x8x432xf32, #tpu.memory_space<vmem>>, vector<16xf32>,
      %scan3A_924 = arith.constant 0 : i32
      scf.yield %scan3A_924 : i32
    }
    %scan3A_67 = arith.constant 27 : i32
    %scan3A_68 = arith.constant 0 : i32
    %scan3A_69 = arith.constant 0 : i32
    %scan3A_70 = arith.constant 27 : i32
    %scan3A_71 = arith.addi %scan3A_69, %scan3A_70 : i32
    %scan3A_72 = arith.constant 1 : i32
    %scan3A_73 = scf.for %scan3A_915 = %scan3A_69 to %scan3A_71 step %scan3A_72 iter_args(%scan3A_916 = %scan3A_68) -> (i32)  : i32 {
      %mul3A_917 = arith.constant 16 : i32
      %mul3A_918 = arith.muli %scan3A_915, %mul3A_917 : i32
      %swap3A = arith.constant 1 : i32
      %swap3A_919 = arith.constant 1 : i32
      %swap3A_920 = arith.index_cast %swap3A : i32 to index
      %swap3A_921 = arith.index_cast %swap3A_919 : i32 to index
      %swap3A_922 = arith.index_cast %mul3A_918 : i32 to index
      %swap3A_923 = tpu.vector_load %arg10[%swap3A_920, %swap3A_921, %swap3A_922] {strides = array<i32>} : memref<16x8x432xf32, #tpu.memory_space<vmem>>, vector<16xf32>,
      tpu.vector_store %arg10[%swap3A_920, %swap3A_921, %swap3A_922], %broadcast_in_dim3A_1 {strides = array<i32>} : memref<16x8x432xf32, #tpu.memory_space<vmem>>, vector<16xf32>,
      %scan3A_924 = arith.constant 0 : i32
      scf.yield %scan3A_924 : i32
    }
    %scan3A_74 = arith.constant 27 : i32
    %scan3A_75 = arith.constant 0 : i32
    %scan3A_76 = arith.constant 0 : i32
    %scan3A_77 = arith.constant 27 : i32
    %scan3A_78 = arith.addi %scan3A_76, %scan3A_77 : i32
    %scan3A_79 = arith.constant 1 : i32
    %scan3A_80 = scf.for %scan3A_915 = %scan3A_76 to %scan3A_78 step %scan3A_79 iter_args(%scan3A_916 = %scan3A_75) -> (i32)  : i32 {
      %mul3A_917 = arith.constant 16 : i32
      %mul3A_918 = arith.muli %scan3A_915, %mul3A_917 : i32
      %swap3A = arith.constant 1 : i32
      %swap3A_919 = arith.constant 2 : i32
      %swap3A_920 = arith.index_cast %swap3A : i32 to index
      %swap3A_921 = arith.index_cast %swap3A_919 : i32 to index
      %swap3A_922 = arith.index_cast %mul3A_918 : i32 to index
      %swap3A_923 = tpu.vector_load %arg10[%swap3A_920, %swap3A_921, %swap3A_922] {strides = array<i32>} : memref<16x8x432xf32, #tpu.memory_space<vmem>>, vector<16xf32>,
      tpu.vector_store %arg10[%swap3A_920, %swap3A_921, %swap3A_922], %broadcast_in_dim3A_1 {strides = array<i32>} : memref<16x8x432xf32, #tpu.memory_space<vmem>>, vector<16xf32>,
      %scan3A_924 = arith.constant 0 : i32
      scf.yield %scan3A_924 : i32
    }
    %scan3A_81 = arith.constant 27 : i32
    %scan3A_82 = arith.constant 0 : i32
    %scan3A_83 = arith.constant 0 : i32
    %scan3A_84 = arith.constant 27 : i32
    %scan3A_85 = arith.addi %scan3A_83, %scan3A_84 : i32
    %scan3A_86 = arith.constant 1 : i32
    %scan3A_87 = scf.for %scan3A_915 = %scan3A_83 to %scan3A_85 step %scan3A_86 iter_args(%scan3A_916 = %scan3A_82) -> (i32)  : i32 {
      %mul3A_917 = arith.constant 16 : i32
      %mul3A_918 = arith.muli %scan3A_915, %mul3A_917 : i32
      %swap3A = arith.constant 1 : i32
      %swap3A_919 = arith.constant 3 : i32
      %swap3A_920 = arith.index_cast %swap3A : i32 to index
      %swap3A_921 = arith.index_cast %swap3A_919 : i32 to index
      %swap3A_922 = arith.index_cast %mul3A_918 : i32 to index
      %swap3A_923 = tpu.vector_load %arg10[%swap3A_920, %swap3A_921, %swap3A_922] {strides = array<i32>} : memref<16x8x432xf32, #tpu.memory_space<vmem>>, vector<16xf32>,
      tpu.vector_store %arg10[%swap3A_920, %swap3A_921, %swap3A_922], %broadcast_in_dim3A_1 {strides = array<i32>} : memref<16x8x432xf32, #tpu.memory_space<vmem>>, vector<16xf32>,
      %scan3A_924 = arith.constant 0 : i32
      scf.yield %scan3A_924 : i32
    }
    %scan3A_88 = arith.constant 27 : i32
    %scan3A_89 = arith.constant 0 : i32
    %scan3A_90 = arith.constant 0 : i32
    %scan3A_91 = arith.constant 27 : i32
    %scan3A_92 = arith.addi %scan3A_90, %scan3A_91 : i32
    %scan3A_93 = arith.constant 1 : i32
    %scan3A_94 = scf.for %scan3A_915 = %scan3A_90 to %scan3A_92 step %scan3A_93 iter_args(%scan3A_916 = %scan3A_89) -> (i32)  : i32 {
      %mul3A_917 = arith.constant 16 : i32
      %mul3A_918 = arith.muli %scan3A_915, %mul3A_917 : i32
      %swap3A = arith.constant 1 : i32
      %swap3A_919 = arith.constant 4 : i32
      %swap3A_920 = arith.index_cast %swap3A : i32 to index
      %swap3A_921 = arith.index_cast %swap3A_919 : i32 to index
      %swap3A_922 = arith.index_cast %mul3A_918 : i32 to index
      %swap3A_923 = tpu.vector_load %arg10[%swap3A_920, %swap3A_921, %swap3A_922] {strides = array<i32>} : memref<16x8x432xf32, #tpu.memory_space<vmem>>, vector<16xf32>,
      tpu.vector_store %arg10[%swap3A_920, %swap3A_921, %swap3A_922], %broadcast_in_dim3A_1 {strides = array<i32>} : memref<16x8x432xf32, #tpu.memory_space<vmem>>, vector<16xf32>,
      %scan3A_924 = arith.constant 0 : i32
      scf.yield %scan3A_924 : i32
    }
    %scan3A_95 = arith.constant 27 : i32
    %scan3A_96 = arith.constant 0 : i32
    %scan3A_97 = arith.constant 0 : i32
    %scan3A_98 = arith.constant 27 : i32
    %scan3A_99 = arith.addi %scan3A_97, %scan3A_98 : i32
    %scan3A_100 = arith.constant 1 : i32
    %scan3A_101 = scf.for %scan3A_915 = %scan3A_97 to %scan3A_99 step %scan3A_100 iter_args(%scan3A_916 = %scan3A_96) -> (i32)  : i32 {
      %mul3A_917 = arith.constant 16 : i32
      %mul3A_918 = arith.muli %scan3A_915, %mul3A_917 : i32
      %swap3A = arith.constant 1 : i32
      %swap3A_919 = arith.constant 5 : i32
      %swap3A_920 = arith.index_cast %swap3A : i32 to index
      %swap3A_921 = arith.index_cast %swap3A_919 : i32 to index
      %swap3A_922 = arith.index_cast %mul3A_918 : i32 to index
      %swap3A_923 = tpu.vector_load %arg10[%swap3A_920, %swap3A_921, %swap3A_922] {strides = array<i32>} : memref<16x8x432xf32, #tpu.memory_space<vmem>>, vector<16xf32>,
      tpu.vector_store %arg10[%swap3A_920, %swap3A_921, %swap3A_922], %broadcast_in_dim3A_1 {strides = array<i32>} : memref<16x8x432xf32, #tpu.memory_space<vmem>>, vector<16xf32>,
      %scan3A_924 = arith.constant 0 : i32
      scf.yield %scan3A_924 : i32
    }
    %scan3A_102 = arith.constant 27 : i32
    %scan3A_103 = arith.constant 0 : i32
    %scan3A_104 = arith.constant 0 : i32
    %scan3A_105 = arith.constant 27 : i32
    %scan3A_106 = arith.addi %scan3A_104, %scan3A_105 : i32
    %scan3A_107 = arith.constant 1 : i32
    %scan3A_108 = scf.for %scan3A_915 = %scan3A_104 to %scan3A_106 step %scan3A_107 iter_args(%scan3A_916 = %scan3A_103) -> (i32)  : i32 {
      %mul3A_917 = arith.constant 16 : i32
      %mul3A_918 = arith.muli %scan3A_915, %mul3A_917 : i32
      %swap3A = arith.constant 1 : i32
      %swap3A_919 = arith.constant 6 : i32
      %swap3A_920 = arith.index_cast %swap3A : i32 to index
      %swap3A_921 = arith.index_cast %swap3A_919 : i32 to index
      %swap3A_922 = arith.index_cast %mul3A_918 : i32 to index
      %swap3A_923 = tpu.vector_load %arg10[%swap3A_920, %swap3A_921, %swap3A_922] {strides = array<i32>} : memref<16x8x432xf32, #tpu.memory_space<vmem>>, vector<16xf32>,
      tpu.vector_store %arg10[%swap3A_920, %swap3A_921, %swap3A_922], %broadcast_in_dim3A_1 {strides = array<i32>} : memref<16x8x432xf32, #tpu.memory_space<vmem>>, vector<16xf32>,
      %scan3A_924 = arith.constant 0 : i32
      scf.yield %scan3A_924 : i32
    }
    %scan3A_109 = arith.constant 27 : i32
    %scan3A_110 = arith.constant 0 : i32
    %scan3A_111 = arith.constant 0 : i32
    %scan3A_112 = arith.constant 27 : i32
    %scan3A_113 = arith.addi %scan3A_111, %scan3A_112 : i32
    %scan3A_114 = arith.constant 1 : i32
    %scan3A_115 = scf.for %scan3A_915 = %scan3A_111 to %scan3A_113 step %scan3A_114 iter_args(%scan3A_916 = %scan3A_110) -> (i32)  : i32 {
      %mul3A_917 = arith.constant 16 : i32
      %mul3A_918 = arith.muli %scan3A_915, %mul3A_917 : i32
      %swap3A = arith.constant 1 : i32
      %swap3A_919 = arith.constant 7 : i32
      %swap3A_920 = arith.index_cast %swap3A : i32 to index
      %swap3A_921 = arith.index_cast %swap3A_919 : i32 to index
      %swap3A_922 = arith.index_cast %mul3A_918 : i32 to index
      %swap3A_923 = tpu.vector_load %arg10[%swap3A_920, %swap3A_921, %swap3A_922] {strides = array<i32>} : memref<16x8x432xf32, #tpu.memory_space<vmem>>, vector<16xf32>,
      tpu.vector_store %arg10[%swap3A_920, %swap3A_921, %swap3A_922], %broadcast_in_dim3A_1 {strides = array<i32>} : memref<16x8x432xf32, #tpu.memory_space<vmem>>, vector<16xf32>,
      %scan3A_924 = arith.constant 0 : i32
      scf.yield %scan3A_924 : i32
    }
    %scan3A_116 = arith.constant 27 : i32
    %scan3A_117 = arith.constant 0 : i32
    %scan3A_118 = arith.constant 0 : i32
    %scan3A_119 = arith.constant 27 : i32
    %scan3A_120 = arith.addi %scan3A_118, %scan3A_119 : i32
    %scan3A_121 = arith.constant 1 : i32
    %scan3A_122 = scf.for %scan3A_915 = %scan3A_118 to %scan3A_120 step %scan3A_121 iter_args(%scan3A_916 = %scan3A_117) -> (i32)  : i32 {
      %mul3A_917 = arith.constant 16 : i32
      %mul3A_918 = arith.muli %scan3A_915, %mul3A_917 : i32
      %swap3A = arith.constant 2 : i32
      %swap3A_919 = arith.constant 0 : i32
      %swap3A_920 = arith.index_cast %swap3A : i32 to index
      %swap3A_921 = arith.index_cast %swap3A_919 : i32 to index
      %swap3A_922 = arith.index_cast %mul3A_918 : i32 to index
      %swap3A_923 = tpu.vector_load %arg10[%swap3A_920, %swap3A_921, %swap3A_922] {strides = array<i32>} : memref<16x8x432xf32, #tpu.memory_space<vmem>>, vector<16xf32>,
      tpu.vector_store %arg10[%swap3A_920, %swap3A_921, %swap3A_922], %broadcast_in_dim3A_1 {strides = array<i32>} : memref<16x8x432xf32, #tpu.memory_space<vmem>>, vector<16xf32>,
      %scan3A_924 = arith.constant 0 : i32
      scf.yield %scan3A_924 : i32
    }
    %scan3A_123 = arith.constant 27 : i32
    %scan3A_124 = arith.constant 0 : i32
    %scan3A_125 = arith.constant 0 : i32
    %scan3A_126 = arith.constant 27 : i32
    %scan3A_127 = arith.addi %scan3A_125, %scan3A_126 : i32
    %scan3A_128 = arith.constant 1 : i32
    %scan3A_129 = scf.for %scan3A_915 = %scan3A_125 to %scan3A_127 step %scan3A_128 iter_args(%scan3A_916 = %scan3A_124) -> (i32)  : i32 {
      %mul3A_917 = arith.constant 16 : i32
      %mul3A_918 = arith.muli %scan3A_915, %mul3A_917 : i32
      %swap3A = arith.constant 2 : i32
      %swap3A_919 = arith.constant 1 : i32
      %swap3A_920 = arith.index_cast %swap3A : i32 to index
      %swap3A_921 = arith.index_cast %swap3A_919 : i32 to index
      %swap3A_922 = arith.index_cast %mul3A_918 : i32 to index
      %swap3A_923 = tpu.vector_load %arg10[%swap3A_920, %swap3A_921, %swap3A_922] {strides = array<i32>} : memref<16x8x432xf32, #tpu.memory_space<vmem>>, vector<16xf32>,
      tpu.vector_store %arg10[%swap3A_920, %swap3A_921, %swap3A_922], %broadcast_in_dim3A_1 {strides = array<i32>} : memref<16x8x432xf32, #tpu.memory_space<vmem>>, vector<16xf32>,
      %scan3A_924 = arith.constant 0 : i32
      scf.yield %scan3A_924 : i32
    }
    %scan3A_130 = arith.constant 27 : i32
    %scan3A_131 = arith.constant 0 : i32
    %scan3A_132 = arith.constant 0 : i32
    %scan3A_133 = arith.constant 27 : i32
    %scan3A_134 = arith.addi %scan3A_132, %scan3A_133 : i32
    %scan3A_135 = arith.constant 1 : i32
    %scan3A_136 = scf.for %scan3A_915 = %scan3A_132 to %scan3A_134 step %scan3A_135 iter_args(%scan3A_916 = %scan3A_131) -> (i32)  : i32 {
      %mul3A_917 = arith.constant 16 : i32
      %mul3A_918 = arith.muli %scan3A_915, %mul3A_917 : i32
      %swap3A = arith.constant 2 : i32
      %swap3A_919 = arith.constant 2 : i32
      %swap3A_920 = arith.index_cast %swap3A : i32 to index
      %swap3A_921 = arith.index_cast %swap3A_919 : i32 to index
      %swap3A_922 = arith.index_cast %mul3A_918 : i32 to index
      %swap3A_923 = tpu.vector_load %arg10[%swap3A_920, %swap3A_921, %swap3A_922] {strides = array<i32>} : memref<16x8x432xf32, #tpu.memory_space<vmem>>, vector<16xf32>,
      tpu.vector_store %arg10[%swap3A_920, %swap3A_921, %swap3A_922], %broadcast_in_dim3A_1 {strides = array<i32>} : memref<16x8x432xf32, #tpu.memory_space<vmem>>, vector<16xf32>,
      %scan3A_924 = arith.constant 0 : i32
      scf.yield %scan3A_924 : i32
    }
    %scan3A_137 = arith.constant 27 : i32
    %scan3A_138 = arith.constant 0 : i32
    %scan3A_139 = arith.constant 0 : i32
    %scan3A_140 = arith.constant 27 : i32
    %scan3A_141 = arith.addi %scan3A_139, %scan3A_140 : i32
    %scan3A_142 = arith.constant 1 : i32
    %scan3A_143 = scf.for %scan3A_915 = %scan3A_139 to %scan3A_141 step %scan3A_142 iter_args(%scan3A_916 = %scan3A_138) -> (i32)  : i32 {
      %mul3A_917 = arith.constant 16 : i32
      %mul3A_918 = arith.muli %scan3A_915, %mul3A_917 : i32
      %swap3A = arith.constant 2 : i32
      %swap3A_919 = arith.constant 3 : i32
      %swap3A_920 = arith.index_cast %swap3A : i32 to index
      %swap3A_921 = arith.index_cast %swap3A_919 : i32 to index
      %swap3A_922 = arith.index_cast %mul3A_918 : i32 to index
      %swap3A_923 = tpu.vector_load %arg10[%swap3A_920, %swap3A_921, %swap3A_922] {strides = array<i32>} : memref<16x8x432xf32, #tpu.memory_space<vmem>>, vector<16xf32>,
      tpu.vector_store %arg10[%swap3A_920, %swap3A_921, %swap3A_922], %broadcast_in_dim3A_1 {strides = array<i32>} : memref<16x8x432xf32, #tpu.memory_space<vmem>>, vector<16xf32>,
      %scan3A_924 = arith.constant 0 : i32
      scf.yield %scan3A_924 : i32
    }
    %scan3A_144 = arith.constant 27 : i32
    %scan3A_145 = arith.constant 0 : i32
    %scan3A_146 = arith.constant 0 : i32
    %scan3A_147 = arith.constant 27 : i32
    %scan3A_148 = arith.addi %scan3A_146, %scan3A_147 : i32
    %scan3A_149 = arith.constant 1 : i32
    %scan3A_150 = scf.for %scan3A_915 = %scan3A_146 to %scan3A_148 step %scan3A_149 iter_args(%scan3A_916 = %scan3A_145) -> (i32)  : i32 {
      %mul3A_917 = arith.constant 16 : i32
      %mul3A_918 = arith.muli %scan3A_915, %mul3A_917 : i32
      %swap3A = arith.constant 2 : i32
      %swap3A_919 = arith.constant 4 : i32
      %swap3A_920 = arith.index_cast %swap3A : i32 to index
      %swap3A_921 = arith.index_cast %swap3A_919 : i32 to index
      %swap3A_922 = arith.index_cast %mul3A_918 : i32 to index
      %swap3A_923 = tpu.vector_load %arg10[%swap3A_920, %swap3A_921, %swap3A_922] {strides = array<i32>} : memref<16x8x432xf32, #tpu.memory_space<vmem>>, vector<16xf32>,
      tpu.vector_store %arg10[%swap3A_920, %swap3A_921, %swap3A_922], %broadcast_in_dim3A_1 {strides = array<i32>} : memref<16x8x432xf32, #tpu.memory_space<vmem>>, vector<16xf32>,
      %scan3A_924 = arith.constant 0 : i32
      scf.yield %scan3A_924 : i32
    }
    %scan3A_151 = arith.constant 27 : i32
    %scan3A_152 = arith.constant 0 : i32
    %scan3A_153 = arith.constant 0 : i32
    %scan3A_154 = arith.constant 27 : i32
    %scan3A_155 = arith.addi %scan3A_153, %scan3A_154 : i32
    %scan3A_156 = arith.constant 1 : i32
    %scan3A_157 = scf.for %scan3A_915 = %scan3A_153 to %scan3A_155 step %scan3A_156 iter_args(%scan3A_916 = %scan3A_152) -> (i32)  : i32 {
      %mul3A_917 = arith.constant 16 : i32
      %mul3A_918 = arith.muli %scan3A_915, %mul3A_917 : i32
      %swap3A = arith.constant 2 : i32
      %swap3A_919 = arith.constant 5 : i32
      %swap3A_920 = arith.index_cast %swap3A : i32 to index
      %swap3A_921 = arith.index_cast %swap3A_919 : i32 to index
      %swap3A_922 = arith.index_cast %mul3A_918 : i32 to index
      %swap3A_923 = tpu.vector_load %arg10[%swap3A_920, %swap3A_921, %swap3A_922] {strides = array<i32>} : memref<16x8x432xf32, #tpu.memory_space<vmem>>, vector<16xf32>,
      tpu.vector_store %arg10[%swap3A_920, %swap3A_921, %swap3A_922], %broadcast_in_dim3A_1 {strides = array<i32>} : memref<16x8x432xf32, #tpu.memory_space<vmem>>, vector<16xf32>,
      %scan3A_924 = arith.constant 0 : i32
      scf.yield %scan3A_924 : i32
    }
    %scan3A_158 = arith.constant 27 : i32
    %scan3A_159 = arith.constant 0 : i32
    %scan3A_160 = arith.constant 0 : i32
    %scan3A_161 = arith.constant 27 : i32
    %scan3A_162 = arith.addi %scan3A_160, %scan3A_161 : i32
    %scan3A_163 = arith.constant 1 : i32
    %scan3A_164 = scf.for %scan3A_915 = %scan3A_160 to %scan3A_162 step %scan3A_163 iter_args(%scan3A_916 = %scan3A_159) -> (i32)  : i32 {
      %mul3A_917 = arith.constant 16 : i32
      %mul3A_918 = arith.muli %scan3A_915, %mul3A_917 : i32
      %swap3A = arith.constant 2 : i32
      %swap3A_919 = arith.constant 6 : i32
      %swap3A_920 = arith.index_cast %swap3A : i32 to index
      %swap3A_921 = arith.index_cast %swap3A_919 : i32 to index
      %swap3A_922 = arith.index_cast %mul3A_918 : i32 to index
      %swap3A_923 = tpu.vector_load %arg10[%swap3A_920, %swap3A_921, %swap3A_922] {strides = array<i32>} : memref<16x8x432xf32, #tpu.memory_space<vmem>>, vector<16xf32>,
      tpu.vector_store %arg10[%swap3A_920, %swap3A_921, %swap3A_922], %broadcast_in_dim3A_1 {strides = array<i32>} : memref<16x8x432xf32, #tpu.memory_space<vmem>>, vector<16xf32>,
      %scan3A_924 = arith.constant 0 : i32
      scf.yield %scan3A_924 : i32
    }
    %scan3A_165 = arith.constant 27 : i32
    %scan3A_166 = arith.constant 0 : i32
    %scan3A_167 = arith.constant 0 : i32
    %scan3A_168 = arith.constant 27 : i32
    %scan3A_169 = arith.addi %scan3A_167, %scan3A_168 : i32
    %scan3A_170 = arith.constant 1 : i32
    %scan3A_171 = scf.for %scan3A_915 = %scan3A_167 to %scan3A_169 step %scan3A_170 iter_args(%scan3A_916 = %scan3A_166) -> (i32)  : i32 {
      %mul3A_917 = arith.constant 16 : i32
      %mul3A_918 = arith.muli %scan3A_915, %mul3A_917 : i32
      %swap3A = arith.constant 2 : i32
      %swap3A_919 = arith.constant 7 : i32
      %swap3A_920 = arith.index_cast %swap3A : i32 to index
      %swap3A_921 = arith.index_cast %swap3A_919 : i32 to index
      %swap3A_922 = arith.index_cast %mul3A_918 : i32 to index
      %swap3A_923 = tpu.vector_load %arg10[%swap3A_920, %swap3A_921, %swap3A_922] {strides = array<i32>} : memref<16x8x432xf32, #tpu.memory_space<vmem>>, vector<16xf32>,
      tpu.vector_store %arg10[%swap3A_920, %swap3A_921, %swap3A_922], %broadcast_in_dim3A_1 {strides = array<i32>} : memref<16x8x432xf32, #tpu.memory_space<vmem>>, vector<16xf32>,
      %scan3A_924 = arith.constant 0 : i32
      scf.yield %scan3A_924 : i32
    }
    %scan3A_172 = arith.constant 27 : i32
    %scan3A_173 = arith.constant 0 : i32
    %scan3A_174 = arith.constant 0 : i32
    %scan3A_175 = arith.constant 27 : i32
    %scan3A_176 = arith.addi %scan3A_174, %scan3A_175 : i32
    %scan3A_177 = arith.constant 1 : i32
    %scan3A_178 = scf.for %scan3A_915 = %scan3A_174 to %scan3A_176 step %scan3A_177 iter_args(%scan3A_916 = %scan3A_173) -> (i32)  : i32 {
      %mul3A_917 = arith.constant 16 : i32
      %mul3A_918 = arith.muli %scan3A_915, %mul3A_917 : i32
      %swap3A = arith.constant 3 : i32
      %swap3A_919 = arith.constant 0 : i32
      %swap3A_920 = arith.index_cast %swap3A : i32 to index
      %swap3A_921 = arith.index_cast %swap3A_919 : i32 to index
      %swap3A_922 = arith.index_cast %mul3A_918 : i32 to index
      %swap3A_923 = tpu.vector_load %arg10[%swap3A_920, %swap3A_921, %swap3A_922] {strides = array<i32>} : memref<16x8x432xf32, #tpu.memory_space<vmem>>, vector<16xf32>,
      tpu.vector_store %arg10[%swap3A_920, %swap3A_921, %swap3A_922], %broadcast_in_dim3A_1 {strides = array<i32>} : memref<16x8x432xf32, #tpu.memory_space<vmem>>, vector<16xf32>,
      %scan3A_924 = arith.constant 0 : i32
      scf.yield %scan3A_924 : i32
    }
    %scan3A_179 = arith.constant 27 : i32
    %scan3A_180 = arith.constant 0 : i32
    %scan3A_181 = arith.constant 0 : i32
    %scan3A_182 = arith.constant 27 : i32
    %scan3A_183 = arith.addi %scan3A_181, %scan3A_182 : i32
    %scan3A_184 = arith.constant 1 : i32
    %scan3A_185 = scf.for %scan3A_915 = %scan3A_181 to %scan3A_183 step %scan3A_184 iter_args(%scan3A_916 = %scan3A_180) -> (i32)  : i32 {
      %mul3A_917 = arith.constant 16 : i32
      %mul3A_918 = arith.muli %scan3A_915, %mul3A_917 : i32
      %swap3A = arith.constant 3 : i32
      %swap3A_919 = arith.constant 1 : i32
      %swap3A_920 = arith.index_cast %swap3A : i32 to index
      %swap3A_921 = arith.index_cast %swap3A_919 : i32 to index
      %swap3A_922 = arith.index_cast %mul3A_918 : i32 to index
      %swap3A_923 = tpu.vector_load %arg10[%swap3A_920, %swap3A_921, %swap3A_922] {strides = array<i32>} : memref<16x8x432xf32, #tpu.memory_space<vmem>>, vector<16xf32>,
      tpu.vector_store %arg10[%swap3A_920, %swap3A_921, %swap3A_922], %broadcast_in_dim3A_1 {strides = array<i32>} : memref<16x8x432xf32, #tpu.memory_space<vmem>>, vector<16xf32>,
      %scan3A_924 = arith.constant 0 : i32
      scf.yield %scan3A_924 : i32
    }
    %scan3A_186 = arith.constant 27 : i32
    %scan3A_187 = arith.constant 0 : i32
    %scan3A_188 = arith.constant 0 : i32
    %scan3A_189 = arith.constant 27 : i32
    %scan3A_190 = arith.addi %scan3A_188, %scan3A_189 : i32
    %scan3A_191 = arith.constant 1 : i32
    %scan3A_192 = scf.for %scan3A_915 = %scan3A_188 to %scan3A_190 step %scan3A_191 iter_args(%scan3A_916 = %scan3A_187) -> (i32)  : i32 {
      %mul3A_917 = arith.constant 16 : i32
      %mul3A_918 = arith.muli %scan3A_915, %mul3A_917 : i32
      %swap3A = arith.constant 3 : i32
      %swap3A_919 = arith.constant 2 : i32
      %swap3A_920 = arith.index_cast %swap3A : i32 to index
      %swap3A_921 = arith.index_cast %swap3A_919 : i32 to index
      %swap3A_922 = arith.index_cast %mul3A_918 : i32 to index
      %swap3A_923 = tpu.vector_load %arg10[%swap3A_920, %swap3A_921, %swap3A_922] {strides = array<i32>} : memref<16x8x432xf32, #tpu.memory_space<vmem>>, vector<16xf32>,
      tpu.vector_store %arg10[%swap3A_920, %swap3A_921, %swap3A_922], %broadcast_in_dim3A_1 {strides = array<i32>} : memref<16x8x432xf32, #tpu.memory_space<vmem>>, vector<16xf32>,
      %scan3A_924 = arith.constant 0 : i32
      scf.yield %scan3A_924 : i32
    }
    %scan3A_193 = arith.constant 27 : i32
    %scan3A_194 = arith.constant 0 : i32
    %scan3A_195 = arith.constant 0 : i32
    %scan3A_196 = arith.constant 27 : i32
    %scan3A_197 = arith.addi %scan3A_195, %scan3A_196 : i32
    %scan3A_198 = arith.constant 1 : i32
    %scan3A_199 = scf.for %scan3A_915 = %scan3A_195 to %scan3A_197 step %scan3A_198 iter_args(%scan3A_916 = %scan3A_194) -> (i32)  : i32 {
      %mul3A_917 = arith.constant 16 : i32
      %mul3A_918 = arith.muli %scan3A_915, %mul3A_917 : i32
      %swap3A = arith.constant 3 : i32
      %swap3A_919 = arith.constant 3 : i32
      %swap3A_920 = arith.index_cast %swap3A : i32 to index
      %swap3A_921 = arith.index_cast %swap3A_919 : i32 to index
      %swap3A_922 = arith.index_cast %mul3A_918 : i32 to index
      %swap3A_923 = tpu.vector_load %arg10[%swap3A_920, %swap3A_921, %swap3A_922] {strides = array<i32>} : memref<16x8x432xf32, #tpu.memory_space<vmem>>, vector<16xf32>,
      tpu.vector_store %arg10[%swap3A_920, %swap3A_921, %swap3A_922], %broadcast_in_dim3A_1 {strides = array<i32>} : memref<16x8x432xf32, #tpu.memory_space<vmem>>, vector<16xf32>,
      %scan3A_924 = arith.constant 0 : i32
      scf.yield %scan3A_924 : i32
    }
    %scan3A_200 = arith.constant 27 : i32
    %scan3A_201 = arith.constant 0 : i32
    %scan3A_202 = arith.constant 0 : i32
    %scan3A_203 = arith.constant 27 : i32
    %scan3A_204 = arith.addi %scan3A_202, %scan3A_203 : i32
    %scan3A_205 = arith.constant 1 : i32
    %scan3A_206 = scf.for %scan3A_915 = %scan3A_202 to %scan3A_204 step %scan3A_205 iter_args(%scan3A_916 = %scan3A_201) -> (i32)  : i32 {
      %mul3A_917 = arith.constant 16 : i32
      %mul3A_918 = arith.muli %scan3A_915, %mul3A_917 : i32
      %swap3A = arith.constant 3 : i32
      %swap3A_919 = arith.constant 4 : i32
      %swap3A_920 = arith.index_cast %swap3A : i32 to index
      %swap3A_921 = arith.index_cast %swap3A_919 : i32 to index
      %swap3A_922 = arith.index_cast %mul3A_918 : i32 to index
      %swap3A_923 = tpu.vector_load %arg10[%swap3A_920, %swap3A_921, %swap3A_922] {strides = array<i32>} : memref<16x8x432xf32, #tpu.memory_space<vmem>>, vector<16xf32>,
      tpu.vector_store %arg10[%swap3A_920, %swap3A_921, %swap3A_922], %broadcast_in_dim3A_1 {strides = array<i32>} : memref<16x8x432xf32, #tpu.memory_space<vmem>>, vector<16xf32>,
      %scan3A_924 = arith.constant 0 : i32
      scf.yield %scan3A_924 : i32
    }
    %scan3A_207 = arith.constant 27 : i32
    %scan3A_208 = arith.constant 0 : i32
    %scan3A_209 = arith.constant 0 : i32
    %scan3A_210 = arith.constant 27 : i32
    %scan3A_211 = arith.addi %scan3A_209, %scan3A_210 : i32
    %scan3A_212 = arith.constant 1 : i32
    %scan3A_213 = scf.for %scan3A_915 = %scan3A_209 to %scan3A_211 step %scan3A_212 iter_args(%scan3A_916 = %scan3A_208) -> (i32)  : i32 {
      %mul3A_917 = arith.constant 16 : i32
      %mul3A_918 = arith.muli %scan3A_915, %mul3A_917 : i32
      %swap3A = arith.constant 3 : i32
      %swap3A_919 = arith.constant 5 : i32
      %swap3A_920 = arith.index_cast %swap3A : i32 to index
      %swap3A_921 = arith.index_cast %swap3A_919 : i32 to index
      %swap3A_922 = arith.index_cast %mul3A_918 : i32 to index
      %swap3A_923 = tpu.vector_load %arg10[%swap3A_920, %swap3A_921, %swap3A_922] {strides = array<i32>} : memref<16x8x432xf32, #tpu.memory_space<vmem>>, vector<16xf32>,
      tpu.vector_store %arg10[%swap3A_920, %swap3A_921, %swap3A_922], %broadcast_in_dim3A_1 {strides = array<i32>} : memref<16x8x432xf32, #tpu.memory_space<vmem>>, vector<16xf32>,
      %scan3A_924 = arith.constant 0 : i32
      scf.yield %scan3A_924 : i32
    }
    %scan3A_214 = arith.constant 27 : i32
    %scan3A_215 = arith.constant 0 : i32
    %scan3A_216 = arith.constant 0 : i32
    %scan3A_217 = arith.constant 27 : i32
    %scan3A_218 = arith.addi %scan3A_216, %scan3A_217 : i32
    %scan3A_219 = arith.constant 1 : i32
    %scan3A_220 = scf.for %scan3A_915 = %scan3A_216 to %scan3A_218 step %scan3A_219 iter_args(%scan3A_916 = %scan3A_215) -> (i32)  : i32 {
      %mul3A_917 = arith.constant 16 : i32
      %mul3A_918 = arith.muli %scan3A_915, %mul3A_917 : i32
      %swap3A = arith.constant 3 : i32
      %swap3A_919 = arith.constant 6 : i32
      %swap3A_920 = arith.index_cast %swap3A : i32 to index
      %swap3A_921 = arith.index_cast %swap3A_919 : i32 to index
      %swap3A_922 = arith.index_cast %mul3A_918 : i32 to index
      %swap3A_923 = tpu.vector_load %arg10[%swap3A_920, %swap3A_921, %swap3A_922] {strides = array<i32>} : memref<16x8x432xf32, #tpu.memory_space<vmem>>, vector<16xf32>,
      tpu.vector_store %arg10[%swap3A_920, %swap3A_921, %swap3A_922], %broadcast_in_dim3A_1 {strides = array<i32>} : memref<16x8x432xf32, #tpu.memory_space<vmem>>, vector<16xf32>,
      %scan3A_924 = arith.constant 0 : i32
      scf.yield %scan3A_924 : i32
    }
    %scan3A_221 = arith.constant 27 : i32
    %scan3A_222 = arith.constant 0 : i32
    %scan3A_223 = arith.constant 0 : i32
    %scan3A_224 = arith.constant 27 : i32
    %scan3A_225 = arith.addi %scan3A_223, %scan3A_224 : i32
    %scan3A_226 = arith.constant 1 : i32
    %scan3A_227 = scf.for %scan3A_915 = %scan3A_223 to %scan3A_225 step %scan3A_226 iter_args(%scan3A_916 = %scan3A_222) -> (i32)  : i32 {
      %mul3A_917 = arith.constant 16 : i32
      %mul3A_918 = arith.muli %scan3A_915, %mul3A_917 : i32
      %swap3A = arith.constant 3 : i32
      %swap3A_919 = arith.constant 7 : i32
      %swap3A_920 = arith.index_cast %swap3A : i32 to index
      %swap3A_921 = arith.index_cast %swap3A_919 : i32 to index
      %swap3A_922 = arith.index_cast %mul3A_918 : i32 to index
      %swap3A_923 = tpu.vector_load %arg10[%swap3A_920, %swap3A_921, %swap3A_922] {strides = array<i32>} : memref<16x8x432xf32, #tpu.memory_space<vmem>>, vector<16xf32>,
      tpu.vector_store %arg10[%swap3A_920, %swap3A_921, %swap3A_922], %broadcast_in_dim3A_1 {strides = array<i32>} : memref<16x8x432xf32, #tpu.memory_space<vmem>>, vector<16xf32>,
      %scan3A_924 = arith.constant 0 : i32
      scf.yield %scan3A_924 : i32
    }
    %scan3A_228 = arith.constant 27 : i32
    %scan3A_229 = arith.constant 0 : i32
    %scan3A_230 = arith.constant 0 : i32
    %scan3A_231 = arith.constant 27 : i32
    %scan3A_232 = arith.addi %scan3A_230, %scan3A_231 : i32
    %scan3A_233 = arith.constant 1 : i32
    %scan3A_234 = scf.for %scan3A_915 = %scan3A_230 to %scan3A_232 step %scan3A_233 iter_args(%scan3A_916 = %scan3A_229) -> (i32)  : i32 {
      %mul3A_917 = arith.constant 16 : i32
      %mul3A_918 = arith.muli %scan3A_915, %mul3A_917 : i32
      %swap3A = arith.constant 4 : i32
      %swap3A_919 = arith.constant 0 : i32
      %swap3A_920 = arith.index_cast %swap3A : i32 to index
      %swap3A_921 = arith.index_cast %swap3A_919 : i32 to index
      %swap3A_922 = arith.index_cast %mul3A_918 : i32 to index
      %swap3A_923 = tpu.vector_load %arg10[%swap3A_920, %swap3A_921, %swap3A_922] {strides = array<i32>} : memref<16x8x432xf32, #tpu.memory_space<vmem>>, vector<16xf32>,
      tpu.vector_store %arg10[%swap3A_920, %swap3A_921, %swap3A_922], %broadcast_in_dim3A_1 {strides = array<i32>} : memref<16x8x432xf32, #tpu.memory_space<vmem>>, vector<16xf32>,
      %scan3A_924 = arith.constant 0 : i32
      scf.yield %scan3A_924 : i32
    }
    %scan3A_235 = arith.constant 27 : i32
    %scan3A_236 = arith.constant 0 : i32
    %scan3A_237 = arith.constant 0 : i32
    %scan3A_238 = arith.constant 27 : i32
    %scan3A_239 = arith.addi %scan3A_237, %scan3A_238 : i32
    %scan3A_240 = arith.constant 1 : i32
    %scan3A_241 = scf.for %scan3A_915 = %scan3A_237 to %scan3A_239 step %scan3A_240 iter_args(%scan3A_916 = %scan3A_236) -> (i32)  : i32 {
      %mul3A_917 = arith.constant 16 : i32
      %mul3A_918 = arith.muli %scan3A_915, %mul3A_917 : i32
      %swap3A = arith.constant 4 : i32
      %swap3A_919 = arith.constant 1 : i32
      %swap3A_920 = arith.index_cast %swap3A : i32 to index
      %swap3A_921 = arith.index_cast %swap3A_919 : i32 to index
      %swap3A_922 = arith.index_cast %mul3A_918 : i32 to index
      %swap3A_923 = tpu.vector_load %arg10[%swap3A_920, %swap3A_921, %swap3A_922] {strides = array<i32>} : memref<16x8x432xf32, #tpu.memory_space<vmem>>, vector<16xf32>,
      tpu.vector_store %arg10[%swap3A_920, %swap3A_921, %swap3A_922], %broadcast_in_dim3A_1 {strides = array<i32>} : memref<16x8x432xf32, #tpu.memory_space<vmem>>, vector<16xf32>,
      %scan3A_924 = arith.constant 0 : i32
      scf.yield %scan3A_924 : i32
    }
    %scan3A_242 = arith.constant 27 : i32
    %scan3A_243 = arith.constant 0 : i32
    %scan3A_244 = arith.constant 0 : i32
    %scan3A_245 = arith.constant 27 : i32
    %scan3A_246 = arith.addi %scan3A_244, %scan3A_245 : i32
    %scan3A_247 = arith.constant 1 : i32
    %scan3A_248 = scf.for %scan3A_915 = %scan3A_244 to %scan3A_246 step %scan3A_247 iter_args(%scan3A_916 = %scan3A_243) -> (i32)  : i32 {
      %mul3A_917 = arith.constant 16 : i32
      %mul3A_918 = arith.muli %scan3A_915, %mul3A_917 : i32
      %swap3A = arith.constant 4 : i32
      %swap3A_919 = arith.constant 2 : i32
      %swap3A_920 = arith.index_cast %swap3A : i32 to index
      %swap3A_921 = arith.index_cast %swap3A_919 : i32 to index
      %swap3A_922 = arith.index_cast %mul3A_918 : i32 to index
      %swap3A_923 = tpu.vector_load %arg10[%swap3A_920, %swap3A_921, %swap3A_922] {strides = array<i32>} : memref<16x8x432xf32, #tpu.memory_space<vmem>>, vector<16xf32>,
      tpu.vector_store %arg10[%swap3A_920, %swap3A_921, %swap3A_922], %broadcast_in_dim3A_1 {strides = array<i32>} : memref<16x8x432xf32, #tpu.memory_space<vmem>>, vector<16xf32>,
      %scan3A_924 = arith.constant 0 : i32
      scf.yield %scan3A_924 : i32
    }
    %scan3A_249 = arith.constant 27 : i32
    %scan3A_250 = arith.constant 0 : i32
    %scan3A_251 = arith.constant 0 : i32
    %scan3A_252 = arith.constant 27 : i32
    %scan3A_253 = arith.addi %scan3A_251, %scan3A_252 : i32
    %scan3A_254 = arith.constant 1 : i32
    %scan3A_255 = scf.for %scan3A_915 = %scan3A_251 to %scan3A_253 step %scan3A_254 iter_args(%scan3A_916 = %scan3A_250) -> (i32)  : i32 {
      %mul3A_917 = arith.constant 16 : i32
      %mul3A_918 = arith.muli %scan3A_915, %mul3A_917 : i32
      %swap3A = arith.constant 4 : i32
      %swap3A_919 = arith.constant 3 : i32
      %swap3A_920 = arith.index_cast %swap3A : i32 to index
      %swap3A_921 = arith.index_cast %swap3A_919 : i32 to index
      %swap3A_922 = arith.index_cast %mul3A_918 : i32 to index
      %swap3A_923 = tpu.vector_load %arg10[%swap3A_920, %swap3A_921, %swap3A_922] {strides = array<i32>} : memref<16x8x432xf32, #tpu.memory_space<vmem>>, vector<16xf32>,
      tpu.vector_store %arg10[%swap3A_920, %swap3A_921, %swap3A_922], %broadcast_in_dim3A_1 {strides = array<i32>} : memref<16x8x432xf32, #tpu.memory_space<vmem>>, vector<16xf32>,
      %scan3A_924 = arith.constant 0 : i32
      scf.yield %scan3A_924 : i32
    }
    %scan3A_256 = arith.constant 27 : i32
    %scan3A_257 = arith.constant 0 : i32
    %scan3A_258 = arith.constant 0 : i32
    %scan3A_259 = arith.constant 27 : i32
    %scan3A_260 = arith.addi %scan3A_258, %scan3A_259 : i32
    %scan3A_261 = arith.constant 1 : i32
    %scan3A_262 = scf.for %scan3A_915 = %scan3A_258 to %scan3A_260 step %scan3A_261 iter_args(%scan3A_916 = %scan3A_257) -> (i32)  : i32 {
      %mul3A_917 = arith.constant 16 : i32
      %mul3A_918 = arith.muli %scan3A_915, %mul3A_917 : i32
      %swap3A = arith.constant 4 : i32
      %swap3A_919 = arith.constant 4 : i32
      %swap3A_920 = arith.index_cast %swap3A : i32 to index
      %swap3A_921 = arith.index_cast %swap3A_919 : i32 to index
      %swap3A_922 = arith.index_cast %mul3A_918 : i32 to index
      %swap3A_923 = tpu.vector_load %arg10[%swap3A_920, %swap3A_921, %swap3A_922] {strides = array<i32>} : memref<16x8x432xf32, #tpu.memory_space<vmem>>, vector<16xf32>,
      tpu.vector_store %arg10[%swap3A_920, %swap3A_921, %swap3A_922], %broadcast_in_dim3A_1 {strides = array<i32>} : memref<16x8x432xf32, #tpu.memory_space<vmem>>, vector<16xf32>,
      %scan3A_924 = arith.constant 0 : i32
      scf.yield %scan3A_924 : i32
    }
    %scan3A_263 = arith.constant 27 : i32
    %scan3A_264 = arith.constant 0 : i32
    %scan3A_265 = arith.constant 0 : i32
    %scan3A_266 = arith.constant 27 : i32
    %scan3A_267 = arith.addi %scan3A_265, %scan3A_266 : i32
    %scan3A_268 = arith.constant 1 : i32
    %scan3A_269 = scf.for %scan3A_915 = %scan3A_265 to %scan3A_267 step %scan3A_268 iter_args(%scan3A_916 = %scan3A_264) -> (i32)  : i32 {
      %mul3A_917 = arith.constant 16 : i32
      %mul3A_918 = arith.muli %scan3A_915, %mul3A_917 : i32
      %swap3A = arith.constant 4 : i32
      %swap3A_919 = arith.constant 5 : i32
      %swap3A_920 = arith.index_cast %swap3A : i32 to index
      %swap3A_921 = arith.index_cast %swap3A_919 : i32 to index
      %swap3A_922 = arith.index_cast %mul3A_918 : i32 to index
      %swap3A_923 = tpu.vector_load %arg10[%swap3A_920, %swap3A_921, %swap3A_922] {strides = array<i32>} : memref<16x8x432xf32, #tpu.memory_space<vmem>>, vector<16xf32>,
      tpu.vector_store %arg10[%swap3A_920, %swap3A_921, %swap3A_922], %broadcast_in_dim3A_1 {strides = array<i32>} : memref<16x8x432xf32, #tpu.memory_space<vmem>>, vector<16xf32>,
      %scan3A_924 = arith.constant 0 : i32
      scf.yield %scan3A_924 : i32
    }
    %scan3A_270 = arith.constant 27 : i32
    %scan3A_271 = arith.constant 0 : i32
    %scan3A_272 = arith.constant 0 : i32
    %scan3A_273 = arith.constant 27 : i32
    %scan3A_274 = arith.addi %scan3A_272, %scan3A_273 : i32
    %scan3A_275 = arith.constant 1 : i32
    %scan3A_276 = scf.for %scan3A_915 = %scan3A_272 to %scan3A_274 step %scan3A_275 iter_args(%scan3A_916 = %scan3A_271) -> (i32)  : i32 {
      %mul3A_917 = arith.constant 16 : i32
      %mul3A_918 = arith.muli %scan3A_915, %mul3A_917 : i32
      %swap3A = arith.constant 4 : i32
      %swap3A_919 = arith.constant 6 : i32
      %swap3A_920 = arith.index_cast %swap3A : i32 to index
      %swap3A_921 = arith.index_cast %swap3A_919 : i32 to index
      %swap3A_922 = arith.index_cast %mul3A_918 : i32 to index
      %swap3A_923 = tpu.vector_load %arg10[%swap3A_920, %swap3A_921, %swap3A_922] {strides = array<i32>} : memref<16x8x432xf32, #tpu.memory_space<vmem>>, vector<16xf32>,
      tpu.vector_store %arg10[%swap3A_920, %swap3A_921, %swap3A_922], %broadcast_in_dim3A_1 {strides = array<i32>} : memref<16x8x432xf32, #tpu.memory_space<vmem>>, vector<16xf32>,
      %scan3A_924 = arith.constant 0 : i32
      scf.yield %scan3A_924 : i32
    }
    %scan3A_277 = arith.constant 27 : i32
    %scan3A_278 = arith.constant 0 : i32
    %scan3A_279 = arith.constant 0 : i32
    %scan3A_280 = arith.constant 27 : i32
    %scan3A_281 = arith.addi %scan3A_279, %scan3A_280 : i32
    %scan3A_282 = arith.constant 1 : i32
    %scan3A_283 = scf.for %scan3A_915 = %scan3A_279 to %scan3A_281 step %scan3A_282 iter_args(%scan3A_916 = %scan3A_278) -> (i32)  : i32 {
      %mul3A_917 = arith.constant 16 : i32
      %mul3A_918 = arith.muli %scan3A_915, %mul3A_917 : i32
      %swap3A = arith.constant 4 : i32
      %swap3A_919 = arith.constant 7 : i32
      %swap3A_920 = arith.index_cast %swap3A : i32 to index
      %swap3A_921 = arith.index_cast %swap3A_919 : i32 to index
      %swap3A_922 = arith.index_cast %mul3A_918 : i32 to index
      %swap3A_923 = tpu.vector_load %arg10[%swap3A_920, %swap3A_921, %swap3A_922] {strides = array<i32>} : memref<16x8x432xf32, #tpu.memory_space<vmem>>, vector<16xf32>,
      tpu.vector_store %arg10[%swap3A_920, %swap3A_921, %swap3A_922], %broadcast_in_dim3A_1 {strides = array<i32>} : memref<16x8x432xf32, #tpu.memory_space<vmem>>, vector<16xf32>,
      %scan3A_924 = arith.constant 0 : i32
      scf.yield %scan3A_924 : i32
    }
    %scan3A_284 = arith.constant 27 : i32
    %scan3A_285 = arith.constant 0 : i32
    %scan3A_286 = arith.constant 0 : i32
    %scan3A_287 = arith.constant 27 : i32
    %scan3A_288 = arith.addi %scan3A_286, %scan3A_287 : i32
    %scan3A_289 = arith.constant 1 : i32
    %scan3A_290 = scf.for %scan3A_915 = %scan3A_286 to %scan3A_288 step %scan3A_289 iter_args(%scan3A_916 = %scan3A_285) -> (i32)  : i32 {
      %mul3A_917 = arith.constant 16 : i32
      %mul3A_918 = arith.muli %scan3A_915, %mul3A_917 : i32
      %swap3A = arith.constant 5 : i32
      %swap3A_919 = arith.constant 0 : i32
      %swap3A_920 = arith.index_cast %swap3A : i32 to index
      %swap3A_921 = arith.index_cast %swap3A_919 : i32 to index
      %swap3A_922 = arith.index_cast %mul3A_918 : i32 to index
      %swap3A_923 = tpu.vector_load %arg10[%swap3A_920, %swap3A_921, %swap3A_922] {strides = array<i32>} : memref<16x8x432xf32, #tpu.memory_space<vmem>>, vector<16xf32>,
      tpu.vector_store %arg10[%swap3A_920, %swap3A_921, %swap3A_922], %broadcast_in_dim3A_1 {strides = array<i32>} : memref<16x8x432xf32, #tpu.memory_space<vmem>>, vector<16xf32>,
      %scan3A_924 = arith.constant 0 : i32
      scf.yield %scan3A_924 : i32
    }
    %scan3A_291 = arith.constant 27 : i32
    %scan3A_292 = arith.constant 0 : i32
    %scan3A_293 = arith.constant 0 : i32
    %scan3A_294 = arith.constant 27 : i32
    %scan3A_295 = arith.addi %scan3A_293, %scan3A_294 : i32
    %scan3A_296 = arith.constant 1 : i32
    %scan3A_297 = scf.for %scan3A_915 = %scan3A_293 to %scan3A_295 step %scan3A_296 iter_args(%scan3A_916 = %scan3A_292) -> (i32)  : i32 {
      %mul3A_917 = arith.constant 16 : i32
      %mul3A_918 = arith.muli %scan3A_915, %mul3A_917 : i32
      %swap3A = arith.constant 5 : i32
      %swap3A_919 = arith.constant 1 : i32
      %swap3A_920 = arith.index_cast %swap3A : i32 to index
      %swap3A_921 = arith.index_cast %swap3A_919 : i32 to index
      %swap3A_922 = arith.index_cast %mul3A_918 : i32 to index
      %swap3A_923 = tpu.vector_load %arg10[%swap3A_920, %swap3A_921, %swap3A_922] {strides = array<i32>} : memref<16x8x432xf32, #tpu.memory_space<vmem>>, vector<16xf32>,
      tpu.vector_store %arg10[%swap3A_920, %swap3A_921, %swap3A_922], %broadcast_in_dim3A_1 {strides = array<i32>} : memref<16x8x432xf32, #tpu.memory_space<vmem>>, vector<16xf32>,
      %scan3A_924 = arith.constant 0 : i32
      scf.yield %scan3A_924 : i32
    }
    %scan3A_298 = arith.constant 27 : i32
    %scan3A_299 = arith.constant 0 : i32
    %scan3A_300 = arith.constant 0 : i32
    %scan3A_301 = arith.constant 27 : i32
    %scan3A_302 = arith.addi %scan3A_300, %scan3A_301 : i32
    %scan3A_303 = arith.constant 1 : i32
    %scan3A_304 = scf.for %scan3A_915 = %scan3A_300 to %scan3A_302 step %scan3A_303 iter_args(%scan3A_916 = %scan3A_299) -> (i32)  : i32 {
      %mul3A_917 = arith.constant 16 : i32
      %mul3A_918 = arith.muli %scan3A_915, %mul3A_917 : i32
      %swap3A = arith.constant 5 : i32
      %swap3A_919 = arith.constant 2 : i32
      %swap3A_920 = arith.index_cast %swap3A : i32 to index
      %swap3A_921 = arith.index_cast %swap3A_919 : i32 to index
      %swap3A_922 = arith.index_cast %mul3A_918 : i32 to index
      %swap3A_923 = tpu.vector_load %arg10[%swap3A_920, %swap3A_921, %swap3A_922] {strides = array<i32>} : memref<16x8x432xf32, #tpu.memory_space<vmem>>, vector<16xf32>,
      tpu.vector_store %arg10[%swap3A_920, %swap3A_921, %swap3A_922], %broadcast_in_dim3A_1 {strides = array<i32>} : memref<16x8x432xf32, #tpu.memory_space<vmem>>, vector<16xf32>,
      %scan3A_924 = arith.constant 0 : i32
      scf.yield %scan3A_924 : i32
    }
    %scan3A_305 = arith.constant 27 : i32
    %scan3A_306 = arith.constant 0 : i32
    %scan3A_307 = arith.constant 0 : i32
    %scan3A_308 = arith.constant 27 : i32
    %scan3A_309 = arith.addi %scan3A_307, %scan3A_308 : i32
    %scan3A_310 = arith.constant 1 : i32
    %scan3A_311 = scf.for %scan3A_915 = %scan3A_307 to %scan3A_309 step %scan3A_310 iter_args(%scan3A_916 = %scan3A_306) -> (i32)  : i32 {
      %mul3A_917 = arith.constant 16 : i32
      %mul3A_918 = arith.muli %scan3A_915, %mul3A_917 : i32
      %swap3A = arith.constant 5 : i32
      %swap3A_919 = arith.constant 3 : i32
      %swap3A_920 = arith.index_cast %swap3A : i32 to index
      %swap3A_921 = arith.index_cast %swap3A_919 : i32 to index
      %swap3A_922 = arith.index_cast %mul3A_918 : i32 to index
      %swap3A_923 = tpu.vector_load %arg10[%swap3A_920, %swap3A_921, %swap3A_922] {strides = array<i32>} : memref<16x8x432xf32, #tpu.memory_space<vmem>>, vector<16xf32>,
      tpu.vector_store %arg10[%swap3A_920, %swap3A_921, %swap3A_922], %broadcast_in_dim3A_1 {strides = array<i32>} : memref<16x8x432xf32, #tpu.memory_space<vmem>>, vector<16xf32>,
      %scan3A_924 = arith.constant 0 : i32
      scf.yield %scan3A_924 : i32
    }
    %scan3A_312 = arith.constant 27 : i32
    %scan3A_313 = arith.constant 0 : i32
    %scan3A_314 = arith.constant 0 : i32
    %scan3A_315 = arith.constant 27 : i32
    %scan3A_316 = arith.addi %scan3A_314, %scan3A_315 : i32
    %scan3A_317 = arith.constant 1 : i32
    %scan3A_318 = scf.for %scan3A_915 = %scan3A_314 to %scan3A_316 step %scan3A_317 iter_args(%scan3A_916 = %scan3A_313) -> (i32)  : i32 {
      %mul3A_917 = arith.constant 16 : i32
      %mul3A_918 = arith.muli %scan3A_915, %mul3A_917 : i32
      %swap3A = arith.constant 5 : i32
      %swap3A_919 = arith.constant 4 : i32
      %swap3A_920 = arith.index_cast %swap3A : i32 to index
      %swap3A_921 = arith.index_cast %swap3A_919 : i32 to index
      %swap3A_922 = arith.index_cast %mul3A_918 : i32 to index
      %swap3A_923 = tpu.vector_load %arg10[%swap3A_920, %swap3A_921, %swap3A_922] {strides = array<i32>} : memref<16x8x432xf32, #tpu.memory_space<vmem>>, vector<16xf32>,
      tpu.vector_store %arg10[%swap3A_920, %swap3A_921, %swap3A_922], %broadcast_in_dim3A_1 {strides = array<i32>} : memref<16x8x432xf32, #tpu.memory_space<vmem>>, vector<16xf32>,
      %scan3A_924 = arith.constant 0 : i32
      scf.yield %scan3A_924 : i32
    }
    %scan3A_319 = arith.constant 27 : i32
    %scan3A_320 = arith.constant 0 : i32
    %scan3A_321 = arith.constant 0 : i32
    %scan3A_322 = arith.constant 27 : i32
    %scan3A_323 = arith.addi %scan3A_321, %scan3A_322 : i32
    %scan3A_324 = arith.constant 1 : i32
    %scan3A_325 = scf.for %scan3A_915 = %scan3A_321 to %scan3A_323 step %scan3A_324 iter_args(%scan3A_916 = %scan3A_320) -> (i32)  : i32 {
      %mul3A_917 = arith.constant 16 : i32
      %mul3A_918 = arith.muli %scan3A_915, %mul3A_917 : i32
      %swap3A = arith.constant 5 : i32
      %swap3A_919 = arith.constant 5 : i32
      %swap3A_920 = arith.index_cast %swap3A : i32 to index
      %swap3A_921 = arith.index_cast %swap3A_919 : i32 to index
      %swap3A_922 = arith.index_cast %mul3A_918 : i32 to index
      %swap3A_923 = tpu.vector_load %arg10[%swap3A_920, %swap3A_921, %swap3A_922] {strides = array<i32>} : memref<16x8x432xf32, #tpu.memory_space<vmem>>, vector<16xf32>,
      tpu.vector_store %arg10[%swap3A_920, %swap3A_921, %swap3A_922], %broadcast_in_dim3A_1 {strides = array<i32>} : memref<16x8x432xf32, #tpu.memory_space<vmem>>, vector<16xf32>,
      %scan3A_924 = arith.constant 0 : i32
      scf.yield %scan3A_924 : i32
    }
    %scan3A_326 = arith.constant 27 : i32
    %scan3A_327 = arith.constant 0 : i32
    %scan3A_328 = arith.constant 0 : i32
    %scan3A_329 = arith.constant 27 : i32
    %scan3A_330 = arith.addi %scan3A_328, %scan3A_329 : i32
    %scan3A_331 = arith.constant 1 : i32
    %scan3A_332 = scf.for %scan3A_915 = %scan3A_328 to %scan3A_330 step %scan3A_331 iter_args(%scan3A_916 = %scan3A_327) -> (i32)  : i32 {
      %mul3A_917 = arith.constant 16 : i32
      %mul3A_918 = arith.muli %scan3A_915, %mul3A_917 : i32
      %swap3A = arith.constant 5 : i32
      %swap3A_919 = arith.constant 6 : i32
      %swap3A_920 = arith.index_cast %swap3A : i32 to index
      %swap3A_921 = arith.index_cast %swap3A_919 : i32 to index
      %swap3A_922 = arith.index_cast %mul3A_918 : i32 to index
      %swap3A_923 = tpu.vector_load %arg10[%swap3A_920, %swap3A_921, %swap3A_922] {strides = array<i32>} : memref<16x8x432xf32, #tpu.memory_space<vmem>>, vector<16xf32>,
      tpu.vector_store %arg10[%swap3A_920, %swap3A_921, %swap3A_922], %broadcast_in_dim3A_1 {strides = array<i32>} : memref<16x8x432xf32, #tpu.memory_space<vmem>>, vector<16xf32>,
      %scan3A_924 = arith.constant 0 : i32
      scf.yield %scan3A_924 : i32
    }
    %scan3A_333 = arith.constant 27 : i32
    %scan3A_334 = arith.constant 0 : i32
    %scan3A_335 = arith.constant 0 : i32
    %scan3A_336 = arith.constant 27 : i32
    %scan3A_337 = arith.addi %scan3A_335, %scan3A_336 : i32
    %scan3A_338 = arith.constant 1 : i32
    %scan3A_339 = scf.for %scan3A_915 = %scan3A_335 to %scan3A_337 step %scan3A_338 iter_args(%scan3A_916 = %scan3A_334) -> (i32)  : i32 {
      %mul3A_917 = arith.constant 16 : i32
      %mul3A_918 = arith.muli %scan3A_915, %mul3A_917 : i32
      %swap3A = arith.constant 5 : i32
      %swap3A_919 = arith.constant 7 : i32
      %swap3A_920 = arith.index_cast %swap3A : i32 to index
      %swap3A_921 = arith.index_cast %swap3A_919 : i32 to index
      %swap3A_922 = arith.index_cast %mul3A_918 : i32 to index
      %swap3A_923 = tpu.vector_load %arg10[%swap3A_920, %swap3A_921, %swap3A_922] {strides = array<i32>} : memref<16x8x432xf32, #tpu.memory_space<vmem>>, vector<16xf32>,
      tpu.vector_store %arg10[%swap3A_920, %swap3A_921, %swap3A_922], %broadcast_in_dim3A_1 {strides = array<i32>} : memref<16x8x432xf32, #tpu.memory_space<vmem>>, vector<16xf32>,
      %scan3A_924 = arith.constant 0 : i32
      scf.yield %scan3A_924 : i32
    }
    %scan3A_340 = arith.constant 27 : i32
    %scan3A_341 = arith.constant 0 : i32
    %scan3A_342 = arith.constant 0 : i32
    %scan3A_343 = arith.constant 27 : i32
    %scan3A_344 = arith.addi %scan3A_342, %scan3A_343 : i32
    %scan3A_345 = arith.constant 1 : i32
    %scan3A_346 = scf.for %scan3A_915 = %scan3A_342 to %scan3A_344 step %scan3A_345 iter_args(%scan3A_916 = %scan3A_341) -> (i32)  : i32 {
      %mul3A_917 = arith.constant 16 : i32
      %mul3A_918 = arith.muli %scan3A_915, %mul3A_917 : i32
      %swap3A = arith.constant 6 : i32
      %swap3A_919 = arith.constant 0 : i32
      %swap3A_920 = arith.index_cast %swap3A : i32 to index
      %swap3A_921 = arith.index_cast %swap3A_919 : i32 to index
      %swap3A_922 = arith.index_cast %mul3A_918 : i32 to index
      %swap3A_923 = tpu.vector_load %arg10[%swap3A_920, %swap3A_921, %swap3A_922] {strides = array<i32>} : memref<16x8x432xf32, #tpu.memory_space<vmem>>, vector<16xf32>,
      tpu.vector_store %arg10[%swap3A_920, %swap3A_921, %swap3A_922], %broadcast_in_dim3A_1 {strides = array<i32>} : memref<16x8x432xf32, #tpu.memory_space<vmem>>, vector<16xf32>,
      %scan3A_924 = arith.constant 0 : i32
      scf.yield %scan3A_924 : i32
    }
    %scan3A_347 = arith.constant 27 : i32
    %scan3A_348 = arith.constant 0 : i32
    %scan3A_349 = arith.constant 0 : i32
    %scan3A_350 = arith.constant 27 : i32
    %scan3A_351 = arith.addi %scan3A_349, %scan3A_350 : i32
    %scan3A_352 = arith.constant 1 : i32
    %scan3A_353 = scf.for %scan3A_915 = %scan3A_349 to %scan3A_351 step %scan3A_352 iter_args(%scan3A_916 = %scan3A_348) -> (i32)  : i32 {
      %mul3A_917 = arith.constant 16 : i32
      %mul3A_918 = arith.muli %scan3A_915, %mul3A_917 : i32
      %swap3A = arith.constant 6 : i32
      %swap3A_919 = arith.constant 1 : i32
      %swap3A_920 = arith.index_cast %swap3A : i32 to index
      %swap3A_921 = arith.index_cast %swap3A_919 : i32 to index
      %swap3A_922 = arith.index_cast %mul3A_918 : i32 to index
      %swap3A_923 = tpu.vector_load %arg10[%swap3A_920, %swap3A_921, %swap3A_922] {strides = array<i32>} : memref<16x8x432xf32, #tpu.memory_space<vmem>>, vector<16xf32>,
      tpu.vector_store %arg10[%swap3A_920, %swap3A_921, %swap3A_922], %broadcast_in_dim3A_1 {strides = array<i32>} : memref<16x8x432xf32, #tpu.memory_space<vmem>>, vector<16xf32>,
      %scan3A_924 = arith.constant 0 : i32
      scf.yield %scan3A_924 : i32
    }
    %scan3A_354 = arith.constant 27 : i32
    %scan3A_355 = arith.constant 0 : i32
    %scan3A_356 = arith.constant 0 : i32
    %scan3A_357 = arith.constant 27 : i32
    %scan3A_358 = arith.addi %scan3A_356, %scan3A_357 : i32
    %scan3A_359 = arith.constant 1 : i32
    %scan3A_360 = scf.for %scan3A_915 = %scan3A_356 to %scan3A_358 step %scan3A_359 iter_args(%scan3A_916 = %scan3A_355) -> (i32)  : i32 {
      %mul3A_917 = arith.constant 16 : i32
      %mul3A_918 = arith.muli %scan3A_915, %mul3A_917 : i32
      %swap3A = arith.constant 6 : i32
      %swap3A_919 = arith.constant 2 : i32
      %swap3A_920 = arith.index_cast %swap3A : i32 to index
      %swap3A_921 = arith.index_cast %swap3A_919 : i32 to index
      %swap3A_922 = arith.index_cast %mul3A_918 : i32 to index
      %swap3A_923 = tpu.vector_load %arg10[%swap3A_920, %swap3A_921, %swap3A_922] {strides = array<i32>} : memref<16x8x432xf32, #tpu.memory_space<vmem>>, vector<16xf32>,
      tpu.vector_store %arg10[%swap3A_920, %swap3A_921, %swap3A_922], %broadcast_in_dim3A_1 {strides = array<i32>} : memref<16x8x432xf32, #tpu.memory_space<vmem>>, vector<16xf32>,
      %scan3A_924 = arith.constant 0 : i32
      scf.yield %scan3A_924 : i32
    }
    %scan3A_361 = arith.constant 27 : i32
    %scan3A_362 = arith.constant 0 : i32
    %scan3A_363 = arith.constant 0 : i32
    %scan3A_364 = arith.constant 27 : i32
    %scan3A_365 = arith.addi %scan3A_363, %scan3A_364 : i32
    %scan3A_366 = arith.constant 1 : i32
    %scan3A_367 = scf.for %scan3A_915 = %scan3A_363 to %scan3A_365 step %scan3A_366 iter_args(%scan3A_916 = %scan3A_362) -> (i32)  : i32 {
      %mul3A_917 = arith.constant 16 : i32
      %mul3A_918 = arith.muli %scan3A_915, %mul3A_917 : i32
      %swap3A = arith.constant 6 : i32
      %swap3A_919 = arith.constant 3 : i32
      %swap3A_920 = arith.index_cast %swap3A : i32 to index
      %swap3A_921 = arith.index_cast %swap3A_919 : i32 to index
      %swap3A_922 = arith.index_cast %mul3A_918 : i32 to index
      %swap3A_923 = tpu.vector_load %arg10[%swap3A_920, %swap3A_921, %swap3A_922] {strides = array<i32>} : memref<16x8x432xf32, #tpu.memory_space<vmem>>, vector<16xf32>,
      tpu.vector_store %arg10[%swap3A_920, %swap3A_921, %swap3A_922], %broadcast_in_dim3A_1 {strides = array<i32>} : memref<16x8x432xf32, #tpu.memory_space<vmem>>, vector<16xf32>,
      %scan3A_924 = arith.constant 0 : i32
      scf.yield %scan3A_924 : i32
    }
    %scan3A_368 = arith.constant 27 : i32
    %scan3A_369 = arith.constant 0 : i32
    %scan3A_370 = arith.constant 0 : i32
    %scan3A_371 = arith.constant 27 : i32
    %scan3A_372 = arith.addi %scan3A_370, %scan3A_371 : i32
    %scan3A_373 = arith.constant 1 : i32
    %scan3A_374 = scf.for %scan3A_915 = %scan3A_370 to %scan3A_372 step %scan3A_373 iter_args(%scan3A_916 = %scan3A_369) -> (i32)  : i32 {
      %mul3A_917 = arith.constant 16 : i32
      %mul3A_918 = arith.muli %scan3A_915, %mul3A_917 : i32
      %swap3A = arith.constant 6 : i32
      %swap3A_919 = arith.constant 4 : i32
      %swap3A_920 = arith.index_cast %swap3A : i32 to index
      %swap3A_921 = arith.index_cast %swap3A_919 : i32 to index
      %swap3A_922 = arith.index_cast %mul3A_918 : i32 to index
      %swap3A_923 = tpu.vector_load %arg10[%swap3A_920, %swap3A_921, %swap3A_922] {strides = array<i32>} : memref<16x8x432xf32, #tpu.memory_space<vmem>>, vector<16xf32>,
      tpu.vector_store %arg10[%swap3A_920, %swap3A_921, %swap3A_922], %broadcast_in_dim3A_1 {strides = array<i32>} : memref<16x8x432xf32, #tpu.memory_space<vmem>>, vector<16xf32>,
      %scan3A_924 = arith.constant 0 : i32
      scf.yield %scan3A_924 : i32
    }
    %scan3A_375 = arith.constant 27 : i32
    %scan3A_376 = arith.constant 0 : i32
    %scan3A_377 = arith.constant 0 : i32
    %scan3A_378 = arith.constant 27 : i32
    %scan3A_379 = arith.addi %scan3A_377, %scan3A_378 : i32
    %scan3A_380 = arith.constant 1 : i32
    %scan3A_381 = scf.for %scan3A_915 = %scan3A_377 to %scan3A_379 step %scan3A_380 iter_args(%scan3A_916 = %scan3A_376) -> (i32)  : i32 {
      %mul3A_917 = arith.constant 16 : i32
      %mul3A_918 = arith.muli %scan3A_915, %mul3A_917 : i32
      %swap3A = arith.constant 6 : i32
      %swap3A_919 = arith.constant 5 : i32
      %swap3A_920 = arith.index_cast %swap3A : i32 to index
      %swap3A_921 = arith.index_cast %swap3A_919 : i32 to index
      %swap3A_922 = arith.index_cast %mul3A_918 : i32 to index
      %swap3A_923 = tpu.vector_load %arg10[%swap3A_920, %swap3A_921, %swap3A_922] {strides = array<i32>} : memref<16x8x432xf32, #tpu.memory_space<vmem>>, vector<16xf32>,
      tpu.vector_store %arg10[%swap3A_920, %swap3A_921, %swap3A_922], %broadcast_in_dim3A_1 {strides = array<i32>} : memref<16x8x432xf32, #tpu.memory_space<vmem>>, vector<16xf32>,
      %scan3A_924 = arith.constant 0 : i32
      scf.yield %scan3A_924 : i32
    }
    %scan3A_382 = arith.constant 27 : i32
    %scan3A_383 = arith.constant 0 : i32
    %scan3A_384 = arith.constant 0 : i32
    %scan3A_385 = arith.constant 27 : i32
    %scan3A_386 = arith.addi %scan3A_384, %scan3A_385 : i32
    %scan3A_387 = arith.constant 1 : i32
    %scan3A_388 = scf.for %scan3A_915 = %scan3A_384 to %scan3A_386 step %scan3A_387 iter_args(%scan3A_916 = %scan3A_383) -> (i32)  : i32 {
      %mul3A_917 = arith.constant 16 : i32
      %mul3A_918 = arith.muli %scan3A_915, %mul3A_917 : i32
      %swap3A = arith.constant 6 : i32
      %swap3A_919 = arith.constant 6 : i32
      %swap3A_920 = arith.index_cast %swap3A : i32 to index
      %swap3A_921 = arith.index_cast %swap3A_919 : i32 to index
      %swap3A_922 = arith.index_cast %mul3A_918 : i32 to index
      %swap3A_923 = tpu.vector_load %arg10[%swap3A_920, %swap3A_921, %swap3A_922] {strides = array<i32>} : memref<16x8x432xf32, #tpu.memory_space<vmem>>, vector<16xf32>,
      tpu.vector_store %arg10[%swap3A_920, %swap3A_921, %swap3A_922], %broadcast_in_dim3A_1 {strides = array<i32>} : memref<16x8x432xf32, #tpu.memory_space<vmem>>, vector<16xf32>,
      %scan3A_924 = arith.constant 0 : i32
      scf.yield %scan3A_924 : i32
    }
    %scan3A_389 = arith.constant 27 : i32
    %scan3A_390 = arith.constant 0 : i32
    %scan3A_391 = arith.constant 0 : i32
    %scan3A_392 = arith.constant 27 : i32
    %scan3A_393 = arith.addi %scan3A_391, %scan3A_392 : i32
    %scan3A_394 = arith.constant 1 : i32
    %scan3A_395 = scf.for %scan3A_915 = %scan3A_391 to %scan3A_393 step %scan3A_394 iter_args(%scan3A_916 = %scan3A_390) -> (i32)  : i32 {
      %mul3A_917 = arith.constant 16 : i32
      %mul3A_918 = arith.muli %scan3A_915, %mul3A_917 : i32
      %swap3A = arith.constant 6 : i32
      %swap3A_919 = arith.constant 7 : i32
      %swap3A_920 = arith.index_cast %swap3A : i32 to index
      %swap3A_921 = arith.index_cast %swap3A_919 : i32 to index
      %swap3A_922 = arith.index_cast %mul3A_918 : i32 to index
      %swap3A_923 = tpu.vector_load %arg10[%swap3A_920, %swap3A_921, %swap3A_922] {strides = array<i32>} : memref<16x8x432xf32, #tpu.memory_space<vmem>>, vector<16xf32>,
      tpu.vector_store %arg10[%swap3A_920, %swap3A_921, %swap3A_922], %broadcast_in_dim3A_1 {strides = array<i32>} : memref<16x8x432xf32, #tpu.memory_space<vmem>>, vector<16xf32>,
      %scan3A_924 = arith.constant 0 : i32
      scf.yield %scan3A_924 : i32
    }
    %scan3A_396 = arith.constant 27 : i32
    %scan3A_397 = arith.constant 0 : i32
    %scan3A_398 = arith.constant 0 : i32
    %scan3A_399 = arith.constant 27 : i32
    %scan3A_400 = arith.addi %scan3A_398, %scan3A_399 : i32
    %scan3A_401 = arith.constant 1 : i32
    %scan3A_402 = scf.for %scan3A_915 = %scan3A_398 to %scan3A_400 step %scan3A_401 iter_args(%scan3A_916 = %scan3A_397) -> (i32)  : i32 {
      %mul3A_917 = arith.constant 16 : i32
      %mul3A_918 = arith.muli %scan3A_915, %mul3A_917 : i32
      %swap3A = arith.constant 7 : i32
      %swap3A_919 = arith.constant 0 : i32
      %swap3A_920 = arith.index_cast %swap3A : i32 to index
      %swap3A_921 = arith.index_cast %swap3A_919 : i32 to index
      %swap3A_922 = arith.index_cast %mul3A_918 : i32 to index
      %swap3A_923 = tpu.vector_load %arg10[%swap3A_920, %swap3A_921, %swap3A_922] {strides = array<i32>} : memref<16x8x432xf32, #tpu.memory_space<vmem>>, vector<16xf32>,
      tpu.vector_store %arg10[%swap3A_920, %swap3A_921, %swap3A_922], %broadcast_in_dim3A_1 {strides = array<i32>} : memref<16x8x432xf32, #tpu.memory_space<vmem>>, vector<16xf32>,
      %scan3A_924 = arith.constant 0 : i32
      scf.yield %scan3A_924 : i32
    }
    %scan3A_403 = arith.constant 27 : i32
    %scan3A_404 = arith.constant 0 : i32
    %scan3A_405 = arith.constant 0 : i32
    %scan3A_406 = arith.constant 27 : i32
    %scan3A_407 = arith.addi %scan3A_405, %scan3A_406 : i32
    %scan3A_408 = arith.constant 1 : i32
    %scan3A_409 = scf.for %scan3A_915 = %scan3A_405 to %scan3A_407 step %scan3A_408 iter_args(%scan3A_916 = %scan3A_404) -> (i32)  : i32 {
      %mul3A_917 = arith.constant 16 : i32
      %mul3A_918 = arith.muli %scan3A_915, %mul3A_917 : i32
      %swap3A = arith.constant 7 : i32
      %swap3A_919 = arith.constant 1 : i32
      %swap3A_920 = arith.index_cast %swap3A : i32 to index
      %swap3A_921 = arith.index_cast %swap3A_919 : i32 to index
      %swap3A_922 = arith.index_cast %mul3A_918 : i32 to index
      %swap3A_923 = tpu.vector_load %arg10[%swap3A_920, %swap3A_921, %swap3A_922] {strides = array<i32>} : memref<16x8x432xf32, #tpu.memory_space<vmem>>, vector<16xf32>,
      tpu.vector_store %arg10[%swap3A_920, %swap3A_921, %swap3A_922], %broadcast_in_dim3A_1 {strides = array<i32>} : memref<16x8x432xf32, #tpu.memory_space<vmem>>, vector<16xf32>,
      %scan3A_924 = arith.constant 0 : i32
      scf.yield %scan3A_924 : i32
    }
    %scan3A_410 = arith.constant 27 : i32
    %scan3A_411 = arith.constant 0 : i32
    %scan3A_412 = arith.constant 0 : i32
    %scan3A_413 = arith.constant 27 : i32
    %scan3A_414 = arith.addi %scan3A_412, %scan3A_413 : i32
    %scan3A_415 = arith.constant 1 : i32
    %scan3A_416 = scf.for %scan3A_915 = %scan3A_412 to %scan3A_414 step %scan3A_415 iter_args(%scan3A_916 = %scan3A_411) -> (i32)  : i32 {
      %mul3A_917 = arith.constant 16 : i32
      %mul3A_918 = arith.muli %scan3A_915, %mul3A_917 : i32
      %swap3A = arith.constant 7 : i32
      %swap3A_919 = arith.constant 2 : i32
      %swap3A_920 = arith.index_cast %swap3A : i32 to index
      %swap3A_921 = arith.index_cast %swap3A_919 : i32 to index
      %swap3A_922 = arith.index_cast %mul3A_918 : i32 to index
      %swap3A_923 = tpu.vector_load %arg10[%swap3A_920, %swap3A_921, %swap3A_922] {strides = array<i32>} : memref<16x8x432xf32, #tpu.memory_space<vmem>>, vector<16xf32>,
      tpu.vector_store %arg10[%swap3A_920, %swap3A_921, %swap3A_922], %broadcast_in_dim3A_1 {strides = array<i32>} : memref<16x8x432xf32, #tpu.memory_space<vmem>>, vector<16xf32>,
      %scan3A_924 = arith.constant 0 : i32
      scf.yield %scan3A_924 : i32
    }
    %scan3A_417 = arith.constant 27 : i32
    %scan3A_418 = arith.constant 0 : i32
    %scan3A_419 = arith.constant 0 : i32
    %scan3A_420 = arith.constant 27 : i32
    %scan3A_421 = arith.addi %scan3A_419, %scan3A_420 : i32
    %scan3A_422 = arith.constant 1 : i32
    %scan3A_423 = scf.for %scan3A_915 = %scan3A_419 to %scan3A_421 step %scan3A_422 iter_args(%scan3A_916 = %scan3A_418) -> (i32)  : i32 {
      %mul3A_917 = arith.constant 16 : i32
      %mul3A_918 = arith.muli %scan3A_915, %mul3A_917 : i32
      %swap3A = arith.constant 7 : i32
      %swap3A_919 = arith.constant 3 : i32
      %swap3A_920 = arith.index_cast %swap3A : i32 to index
      %swap3A_921 = arith.index_cast %swap3A_919 : i32 to index
      %swap3A_922 = arith.index_cast %mul3A_918 : i32 to index
      %swap3A_923 = tpu.vector_load %arg10[%swap3A_920, %swap3A_921, %swap3A_922] {strides = array<i32>} : memref<16x8x432xf32, #tpu.memory_space<vmem>>, vector<16xf32>,
      tpu.vector_store %arg10[%swap3A_920, %swap3A_921, %swap3A_922], %broadcast_in_dim3A_1 {strides = array<i32>} : memref<16x8x432xf32, #tpu.memory_space<vmem>>, vector<16xf32>,
      %scan3A_924 = arith.constant 0 : i32
      scf.yield %scan3A_924 : i32
    }
    %scan3A_424 = arith.constant 27 : i32
    %scan3A_425 = arith.constant 0 : i32
    %scan3A_426 = arith.constant 0 : i32
    %scan3A_427 = arith.constant 27 : i32
    %scan3A_428 = arith.addi %scan3A_426, %scan3A_427 : i32
    %scan3A_429 = arith.constant 1 : i32
    %scan3A_430 = scf.for %scan3A_915 = %scan3A_426 to %scan3A_428 step %scan3A_429 iter_args(%scan3A_916 = %scan3A_425) -> (i32)  : i32 {
      %mul3A_917 = arith.constant 16 : i32
      %mul3A_918 = arith.muli %scan3A_915, %mul3A_917 : i32
      %swap3A = arith.constant 7 : i32
      %swap3A_919 = arith.constant 4 : i32
      %swap3A_920 = arith.index_cast %swap3A : i32 to index
      %swap3A_921 = arith.index_cast %swap3A_919 : i32 to index
      %swap3A_922 = arith.index_cast %mul3A_918 : i32 to index
      %swap3A_923 = tpu.vector_load %arg10[%swap3A_920, %swap3A_921, %swap3A_922] {strides = array<i32>} : memref<16x8x432xf32, #tpu.memory_space<vmem>>, vector<16xf32>,
      tpu.vector_store %arg10[%swap3A_920, %swap3A_921, %swap3A_922], %broadcast_in_dim3A_1 {strides = array<i32>} : memref<16x8x432xf32, #tpu.memory_space<vmem>>, vector<16xf32>,
      %scan3A_924 = arith.constant 0 : i32
      scf.yield %scan3A_924 : i32
    }
    %scan3A_431 = arith.constant 27 : i32
    %scan3A_432 = arith.constant 0 : i32
    %scan3A_433 = arith.constant 0 : i32
    %scan3A_434 = arith.constant 27 : i32
    %scan3A_435 = arith.addi %scan3A_433, %scan3A_434 : i32
    %scan3A_436 = arith.constant 1 : i32
    %scan3A_437 = scf.for %scan3A_915 = %scan3A_433 to %scan3A_435 step %scan3A_436 iter_args(%scan3A_916 = %scan3A_432) -> (i32)  : i32 {
      %mul3A_917 = arith.constant 16 : i32
      %mul3A_918 = arith.muli %scan3A_915, %mul3A_917 : i32
      %swap3A = arith.constant 7 : i32
      %swap3A_919 = arith.constant 5 : i32
      %swap3A_920 = arith.index_cast %swap3A : i32 to index
      %swap3A_921 = arith.index_cast %swap3A_919 : i32 to index
      %swap3A_922 = arith.index_cast %mul3A_918 : i32 to index
      %swap3A_923 = tpu.vector_load %arg10[%swap3A_920, %swap3A_921, %swap3A_922] {strides = array<i32>} : memref<16x8x432xf32, #tpu.memory_space<vmem>>, vector<16xf32>,
      tpu.vector_store %arg10[%swap3A_920, %swap3A_921, %swap3A_922], %broadcast_in_dim3A_1 {strides = array<i32>} : memref<16x8x432xf32, #tpu.memory_space<vmem>>, vector<16xf32>,
      %scan3A_924 = arith.constant 0 : i32
      scf.yield %scan3A_924 : i32
    }
    %scan3A_438 = arith.constant 27 : i32
    %scan3A_439 = arith.constant 0 : i32
    %scan3A_440 = arith.constant 0 : i32
    %scan3A_441 = arith.constant 27 : i32
    %scan3A_442 = arith.addi %scan3A_440, %scan3A_441 : i32
    %scan3A_443 = arith.constant 1 : i32
    %scan3A_444 = scf.for %scan3A_915 = %scan3A_440 to %scan3A_442 step %scan3A_443 iter_args(%scan3A_916 = %scan3A_439) -> (i32)  : i32 {
      %mul3A_917 = arith.constant 16 : i32
      %mul3A_918 = arith.muli %scan3A_915, %mul3A_917 : i32
      %swap3A = arith.constant 7 : i32
      %swap3A_919 = arith.constant 6 : i32
      %swap3A_920 = arith.index_cast %swap3A : i32 to index
      %swap3A_921 = arith.index_cast %swap3A_919 : i32 to index
      %swap3A_922 = arith.index_cast %mul3A_918 : i32 to index
      %swap3A_923 = tpu.vector_load %arg10[%swap3A_920, %swap3A_921, %swap3A_922] {strides = array<i32>} : memref<16x8x432xf32, #tpu.memory_space<vmem>>, vector<16xf32>,
      tpu.vector_store %arg10[%swap3A_920, %swap3A_921, %swap3A_922], %broadcast_in_dim3A_1 {strides = array<i32>} : memref<16x8x432xf32, #tpu.memory_space<vmem>>, vector<16xf32>,
      %scan3A_924 = arith.constant 0 : i32
      scf.yield %scan3A_924 : i32
    }
    %scan3A_445 = arith.constant 27 : i32
    %scan3A_446 = arith.constant 0 : i32
    %scan3A_447 = arith.constant 0 : i32
    %scan3A_448 = arith.constant 27 : i32
    %scan3A_449 = arith.addi %scan3A_447, %scan3A_448 : i32
    %scan3A_450 = arith.constant 1 : i32
    %scan3A_451 = scf.for %scan3A_915 = %scan3A_447 to %scan3A_449 step %scan3A_450 iter_args(%scan3A_916 = %scan3A_446) -> (i32)  : i32 {
      %mul3A_917 = arith.constant 16 : i32
      %mul3A_918 = arith.muli %scan3A_915, %mul3A_917 : i32
      %swap3A = arith.constant 7 : i32
      %swap3A_919 = arith.constant 7 : i32
      %swap3A_920 = arith.index_cast %swap3A : i32 to index
      %swap3A_921 = arith.index_cast %swap3A_919 : i32 to index
      %swap3A_922 = arith.index_cast %mul3A_918 : i32 to index
      %swap3A_923 = tpu.vector_load %arg10[%swap3A_920, %swap3A_921, %swap3A_922] {strides = array<i32>} : memref<16x8x432xf32, #tpu.memory_space<vmem>>, vector<16xf32>,
      tpu.vector_store %arg10[%swap3A_920, %swap3A_921, %swap3A_922], %broadcast_in_dim3A_1 {strides = array<i32>} : memref<16x8x432xf32, #tpu.memory_space<vmem>>, vector<16xf32>,
      %scan3A_924 = arith.constant 0 : i32
      scf.yield %scan3A_924 : i32
    }
    %scan3A_452 = arith.constant 27 : i32
    %scan3A_453 = arith.constant 0 : i32
    %scan3A_454 = arith.constant 0 : i32
    %scan3A_455 = arith.constant 27 : i32
    %scan3A_456 = arith.addi %scan3A_454, %scan3A_455 : i32
    %scan3A_457 = arith.constant 1 : i32
    %scan3A_458 = scf.for %scan3A_915 = %scan3A_454 to %scan3A_456 step %scan3A_457 iter_args(%scan3A_916 = %scan3A_453) -> (i32)  : i32 {
      %mul3A_917 = arith.constant 16 : i32
      %mul3A_918 = arith.muli %scan3A_915, %mul3A_917 : i32
      %swap3A = arith.constant 8 : i32
      %swap3A_919 = arith.constant 0 : i32
      %swap3A_920 = arith.index_cast %swap3A : i32 to index
      %swap3A_921 = arith.index_cast %swap3A_919 : i32 to index
      %swap3A_922 = arith.index_cast %mul3A_918 : i32 to index
      %swap3A_923 = tpu.vector_load %arg10[%swap3A_920, %swap3A_921, %swap3A_922] {strides = array<i32>} : memref<16x8x432xf32, #tpu.memory_space<vmem>>, vector<16xf32>,
      tpu.vector_store %arg10[%swap3A_920, %swap3A_921, %swap3A_922], %broadcast_in_dim3A_1 {strides = array<i32>} : memref<16x8x432xf32, #tpu.memory_space<vmem>>, vector<16xf32>,
      %scan3A_924 = arith.constant 0 : i32
      scf.yield %scan3A_924 : i32
    }
    %scan3A_459 = arith.constant 27 : i32
    %scan3A_460 = arith.constant 0 : i32
    %scan3A_461 = arith.constant 0 : i32
    %scan3A_462 = arith.constant 27 : i32
    %scan3A_463 = arith.addi %scan3A_461, %scan3A_462 : i32
    %scan3A_464 = arith.constant 1 : i32
    %scan3A_465 = scf.for %scan3A_915 = %scan3A_461 to %scan3A_463 step %scan3A_464 iter_args(%scan3A_916 = %scan3A_460) -> (i32)  : i32 {
      %mul3A_917 = arith.constant 16 : i32
      %mul3A_918 = arith.muli %scan3A_915, %mul3A_917 : i32
      %swap3A = arith.constant 8 : i32
      %swap3A_919 = arith.constant 1 : i32
      %swap3A_920 = arith.index_cast %swap3A : i32 to index
      %swap3A_921 = arith.index_cast %swap3A_919 : i32 to index
      %swap3A_922 = arith.index_cast %mul3A_918 : i32 to index
      %swap3A_923 = tpu.vector_load %arg10[%swap3A_920, %swap3A_921, %swap3A_922] {strides = array<i32>} : memref<16x8x432xf32, #tpu.memory_space<vmem>>, vector<16xf32>,
      tpu.vector_store %arg10[%swap3A_920, %swap3A_921, %swap3A_922], %broadcast_in_dim3A_1 {strides = array<i32>} : memref<16x8x432xf32, #tpu.memory_space<vmem>>, vector<16xf32>,
      %scan3A_924 = arith.constant 0 : i32
      scf.yield %scan3A_924 : i32
    }
    %scan3A_466 = arith.constant 27 : i32
    %scan3A_467 = arith.constant 0 : i32
    %scan3A_468 = arith.constant 0 : i32
    %scan3A_469 = arith.constant 27 : i32
    %scan3A_470 = arith.addi %scan3A_468, %scan3A_469 : i32
    %scan3A_471 = arith.constant 1 : i32
    %scan3A_472 = scf.for %scan3A_915 = %scan3A_468 to %scan3A_470 step %scan3A_471 iter_args(%scan3A_916 = %scan3A_467) -> (i32)  : i32 {
      %mul3A_917 = arith.constant 16 : i32
      %mul3A_918 = arith.muli %scan3A_915, %mul3A_917 : i32
      %swap3A = arith.constant 8 : i32
      %swap3A_919 = arith.constant 2 : i32
      %swap3A_920 = arith.index_cast %swap3A : i32 to index
      %swap3A_921 = arith.index_cast %swap3A_919 : i32 to index
      %swap3A_922 = arith.index_cast %mul3A_918 : i32 to index
      %swap3A_923 = tpu.vector_load %arg10[%swap3A_920, %swap3A_921, %swap3A_922] {strides = array<i32>} : memref<16x8x432xf32, #tpu.memory_space<vmem>>, vector<16xf32>,
      tpu.vector_store %arg10[%swap3A_920, %swap3A_921, %swap3A_922], %broadcast_in_dim3A_1 {strides = array<i32>} : memref<16x8x432xf32, #tpu.memory_space<vmem>>, vector<16xf32>,
      %scan3A_924 = arith.constant 0 : i32
      scf.yield %scan3A_924 : i32
    }
    %scan3A_473 = arith.constant 27 : i32
    %scan3A_474 = arith.constant 0 : i32
    %scan3A_475 = arith.constant 0 : i32
    %scan3A_476 = arith.constant 27 : i32
    %scan3A_477 = arith.addi %scan3A_475, %scan3A_476 : i32
    %scan3A_478 = arith.constant 1 : i32
    %scan3A_479 = scf.for %scan3A_915 = %scan3A_475 to %scan3A_477 step %scan3A_478 iter_args(%scan3A_916 = %scan3A_474) -> (i32)  : i32 {
      %mul3A_917 = arith.constant 16 : i32
      %mul3A_918 = arith.muli %scan3A_915, %mul3A_917 : i32
      %swap3A = arith.constant 8 : i32
      %swap3A_919 = arith.constant 3 : i32
      %swap3A_920 = arith.index_cast %swap3A : i32 to index
      %swap3A_921 = arith.index_cast %swap3A_919 : i32 to index
      %swap3A_922 = arith.index_cast %mul3A_918 : i32 to index
      %swap3A_923 = tpu.vector_load %arg10[%swap3A_920, %swap3A_921, %swap3A_922] {strides = array<i32>} : memref<16x8x432xf32, #tpu.memory_space<vmem>>, vector<16xf32>,
      tpu.vector_store %arg10[%swap3A_920, %swap3A_921, %swap3A_922], %broadcast_in_dim3A_1 {strides = array<i32>} : memref<16x8x432xf32, #tpu.memory_space<vmem>>, vector<16xf32>,
      %scan3A_924 = arith.constant 0 : i32
      scf.yield %scan3A_924 : i32
    }
    %scan3A_480 = arith.constant 27 : i32
    %scan3A_481 = arith.constant 0 : i32
    %scan3A_482 = arith.constant 0 : i32
    %scan3A_483 = arith.constant 27 : i32
    %scan3A_484 = arith.addi %scan3A_482, %scan3A_483 : i32
    %scan3A_485 = arith.constant 1 : i32
    %scan3A_486 = scf.for %scan3A_915 = %scan3A_482 to %scan3A_484 step %scan3A_485 iter_args(%scan3A_916 = %scan3A_481) -> (i32)  : i32 {
      %mul3A_917 = arith.constant 16 : i32
      %mul3A_918 = arith.muli %scan3A_915, %mul3A_917 : i32
      %swap3A = arith.constant 8 : i32
      %swap3A_919 = arith.constant 4 : i32
      %swap3A_920 = arith.index_cast %swap3A : i32 to index
      %swap3A_921 = arith.index_cast %swap3A_919 : i32 to index
      %swap3A_922 = arith.index_cast %mul3A_918 : i32 to index
      %swap3A_923 = tpu.vector_load %arg10[%swap3A_920, %swap3A_921, %swap3A_922] {strides = array<i32>} : memref<16x8x432xf32, #tpu.memory_space<vmem>>, vector<16xf32>,
      tpu.vector_store %arg10[%swap3A_920, %swap3A_921, %swap3A_922], %broadcast_in_dim3A_1 {strides = array<i32>} : memref<16x8x432xf32, #tpu.memory_space<vmem>>, vector<16xf32>,
      %scan3A_924 = arith.constant 0 : i32
      scf.yield %scan3A_924 : i32
    }
    %scan3A_487 = arith.constant 27 : i32
    %scan3A_488 = arith.constant 0 : i32
    %scan3A_489 = arith.constant 0 : i32
    %scan3A_490 = arith.constant 27 : i32
    %scan3A_491 = arith.addi %scan3A_489, %scan3A_490 : i32
    %scan3A_492 = arith.constant 1 : i32
    %scan3A_493 = scf.for %scan3A_915 = %scan3A_489 to %scan3A_491 step %scan3A_492 iter_args(%scan3A_916 = %scan3A_488) -> (i32)  : i32 {
      %mul3A_917 = arith.constant 16 : i32
      %mul3A_918 = arith.muli %scan3A_915, %mul3A_917 : i32
      %swap3A = arith.constant 8 : i32
      %swap3A_919 = arith.constant 5 : i32
      %swap3A_920 = arith.index_cast %swap3A : i32 to index
      %swap3A_921 = arith.index_cast %swap3A_919 : i32 to index
      %swap3A_922 = arith.index_cast %mul3A_918 : i32 to index
      %swap3A_923 = tpu.vector_load %arg10[%swap3A_920, %swap3A_921, %swap3A_922] {strides = array<i32>} : memref<16x8x432xf32, #tpu.memory_space<vmem>>, vector<16xf32>,
      tpu.vector_store %arg10[%swap3A_920, %swap3A_921, %swap3A_922], %broadcast_in_dim3A_1 {strides = array<i32>} : memref<16x8x432xf32, #tpu.memory_space<vmem>>, vector<16xf32>,
      %scan3A_924 = arith.constant 0 : i32
      scf.yield %scan3A_924 : i32
    }
    %scan3A_494 = arith.constant 27 : i32
    %scan3A_495 = arith.constant 0 : i32
    %scan3A_496 = arith.constant 0 : i32
    %scan3A_497 = arith.constant 27 : i32
    %scan3A_498 = arith.addi %scan3A_496, %scan3A_497 : i32
    %scan3A_499 = arith.constant 1 : i32
    %scan3A_500 = scf.for %scan3A_915 = %scan3A_496 to %scan3A_498 step %scan3A_499 iter_args(%scan3A_916 = %scan3A_495) -> (i32)  : i32 {
      %mul3A_917 = arith.constant 16 : i32
      %mul3A_918 = arith.muli %scan3A_915, %mul3A_917 : i32
      %swap3A = arith.constant 8 : i32
      %swap3A_919 = arith.constant 6 : i32
      %swap3A_920 = arith.index_cast %swap3A : i32 to index
      %swap3A_921 = arith.index_cast %swap3A_919 : i32 to index
      %swap3A_922 = arith.index_cast %mul3A_918 : i32 to index
      %swap3A_923 = tpu.vector_load %arg10[%swap3A_920, %swap3A_921, %swap3A_922] {strides = array<i32>} : memref<16x8x432xf32, #tpu.memory_space<vmem>>, vector<16xf32>,
      tpu.vector_store %arg10[%swap3A_920, %swap3A_921, %swap3A_922], %broadcast_in_dim3A_1 {strides = array<i32>} : memref<16x8x432xf32, #tpu.memory_space<vmem>>, vector<16xf32>,
      %scan3A_924 = arith.constant 0 : i32
      scf.yield %scan3A_924 : i32
    }
    %scan3A_501 = arith.constant 27 : i32
    %scan3A_502 = arith.constant 0 : i32
    %scan3A_503 = arith.constant 0 : i32
    %scan3A_504 = arith.constant 27 : i32
    %scan3A_505 = arith.addi %scan3A_503, %scan3A_504 : i32
    %scan3A_506 = arith.constant 1 : i32
    %scan3A_507 = scf.for %scan3A_915 = %scan3A_503 to %scan3A_505 step %scan3A_506 iter_args(%scan3A_916 = %scan3A_502) -> (i32)  : i32 {
      %mul3A_917 = arith.constant 16 : i32
      %mul3A_918 = arith.muli %scan3A_915, %mul3A_917 : i32
      %swap3A = arith.constant 8 : i32
      %swap3A_919 = arith.constant 7 : i32
      %swap3A_920 = arith.index_cast %swap3A : i32 to index
      %swap3A_921 = arith.index_cast %swap3A_919 : i32 to index
      %swap3A_922 = arith.index_cast %mul3A_918 : i32 to index
      %swap3A_923 = tpu.vector_load %arg10[%swap3A_920, %swap3A_921, %swap3A_922] {strides = array<i32>} : memref<16x8x432xf32, #tpu.memory_space<vmem>>, vector<16xf32>,
      tpu.vector_store %arg10[%swap3A_920, %swap3A_921, %swap3A_922], %broadcast_in_dim3A_1 {strides = array<i32>} : memref<16x8x432xf32, #tpu.memory_space<vmem>>, vector<16xf32>,
      %scan3A_924 = arith.constant 0 : i32
      scf.yield %scan3A_924 : i32
    }
    %scan3A_508 = arith.constant 27 : i32
    %scan3A_509 = arith.constant 0 : i32
    %scan3A_510 = arith.constant 0 : i32
    %scan3A_511 = arith.constant 27 : i32
    %scan3A_512 = arith.addi %scan3A_510, %scan3A_511 : i32
    %scan3A_513 = arith.constant 1 : i32
    %scan3A_514 = scf.for %scan3A_915 = %scan3A_510 to %scan3A_512 step %scan3A_513 iter_args(%scan3A_916 = %scan3A_509) -> (i32)  : i32 {
      %mul3A_917 = arith.constant 16 : i32
      %mul3A_918 = arith.muli %scan3A_915, %mul3A_917 : i32
      %swap3A = arith.constant 9 : i32
      %swap3A_919 = arith.constant 0 : i32
      %swap3A_920 = arith.index_cast %swap3A : i32 to index
      %swap3A_921 = arith.index_cast %swap3A_919 : i32 to index
      %swap3A_922 = arith.index_cast %mul3A_918 : i32 to index
      %swap3A_923 = tpu.vector_load %arg10[%swap3A_920, %swap3A_921, %swap3A_922] {strides = array<i32>} : memref<16x8x432xf32, #tpu.memory_space<vmem>>, vector<16xf32>,
      tpu.vector_store %arg10[%swap3A_920, %swap3A_921, %swap3A_922], %broadcast_in_dim3A_1 {strides = array<i32>} : memref<16x8x432xf32, #tpu.memory_space<vmem>>, vector<16xf32>,
      %scan3A_924 = arith.constant 0 : i32
      scf.yield %scan3A_924 : i32
    }
    %scan3A_515 = arith.constant 27 : i32
    %scan3A_516 = arith.constant 0 : i32
    %scan3A_517 = arith.constant 0 : i32
    %scan3A_518 = arith.constant 27 : i32
    %scan3A_519 = arith.addi %scan3A_517, %scan3A_518 : i32
    %scan3A_520 = arith.constant 1 : i32
    %scan3A_521 = scf.for %scan3A_915 = %scan3A_517 to %scan3A_519 step %scan3A_520 iter_args(%scan3A_916 = %scan3A_516) -> (i32)  : i32 {
      %mul3A_917 = arith.constant 16 : i32
      %mul3A_918 = arith.muli %scan3A_915, %mul3A_917 : i32
      %swap3A = arith.constant 9 : i32
      %swap3A_919 = arith.constant 1 : i32
      %swap3A_920 = arith.index_cast %swap3A : i32 to index
      %swap3A_921 = arith.index_cast %swap3A_919 : i32 to index
      %swap3A_922 = arith.index_cast %mul3A_918 : i32 to index
      %swap3A_923 = tpu.vector_load %arg10[%swap3A_920, %swap3A_921, %swap3A_922] {strides = array<i32>} : memref<16x8x432xf32, #tpu.memory_space<vmem>>, vector<16xf32>,
      tpu.vector_store %arg10[%swap3A_920, %swap3A_921, %swap3A_922], %broadcast_in_dim3A_1 {strides = array<i32>} : memref<16x8x432xf32, #tpu.memory_space<vmem>>, vector<16xf32>,
      %scan3A_924 = arith.constant 0 : i32
      scf.yield %scan3A_924 : i32
    }
    %scan3A_522 = arith.constant 27 : i32
    %scan3A_523 = arith.constant 0 : i32
    %scan3A_524 = arith.constant 0 : i32
    %scan3A_525 = arith.constant 27 : i32
    %scan3A_526 = arith.addi %scan3A_524, %scan3A_525 : i32
    %scan3A_527 = arith.constant 1 : i32
    %scan3A_528 = scf.for %scan3A_915 = %scan3A_524 to %scan3A_526 step %scan3A_527 iter_args(%scan3A_916 = %scan3A_523) -> (i32)  : i32 {
      %mul3A_917 = arith.constant 16 : i32
      %mul3A_918 = arith.muli %scan3A_915, %mul3A_917 : i32
      %swap3A = arith.constant 9 : i32
      %swap3A_919 = arith.constant 2 : i32
      %swap3A_920 = arith.index_cast %swap3A : i32 to index
      %swap3A_921 = arith.index_cast %swap3A_919 : i32 to index
      %swap3A_922 = arith.index_cast %mul3A_918 : i32 to index
      %swap3A_923 = tpu.vector_load %arg10[%swap3A_920, %swap3A_921, %swap3A_922] {strides = array<i32>} : memref<16x8x432xf32, #tpu.memory_space<vmem>>, vector<16xf32>,
      tpu.vector_store %arg10[%swap3A_920, %swap3A_921, %swap3A_922], %broadcast_in_dim3A_1 {strides = array<i32>} : memref<16x8x432xf32, #tpu.memory_space<vmem>>, vector<16xf32>,
      %scan3A_924 = arith.constant 0 : i32
      scf.yield %scan3A_924 : i32
    }
    %scan3A_529 = arith.constant 27 : i32
    %scan3A_530 = arith.constant 0 : i32
    %scan3A_531 = arith.constant 0 : i32
    %scan3A_532 = arith.constant 27 : i32
    %scan3A_533 = arith.addi %scan3A_531, %scan3A_532 : i32
    %scan3A_534 = arith.constant 1 : i32
    %scan3A_535 = scf.for %scan3A_915 = %scan3A_531 to %scan3A_533 step %scan3A_534 iter_args(%scan3A_916 = %scan3A_530) -> (i32)  : i32 {
      %mul3A_917 = arith.constant 16 : i32
      %mul3A_918 = arith.muli %scan3A_915, %mul3A_917 : i32
      %swap3A = arith.constant 9 : i32
      %swap3A_919 = arith.constant 3 : i32
      %swap3A_920 = arith.index_cast %swap3A : i32 to index
      %swap3A_921 = arith.index_cast %swap3A_919 : i32 to index
      %swap3A_922 = arith.index_cast %mul3A_918 : i32 to index
      %swap3A_923 = tpu.vector_load %arg10[%swap3A_920, %swap3A_921, %swap3A_922] {strides = array<i32>} : memref<16x8x432xf32, #tpu.memory_space<vmem>>, vector<16xf32>,
      tpu.vector_store %arg10[%swap3A_920, %swap3A_921, %swap3A_922], %broadcast_in_dim3A_1 {strides = array<i32>} : memref<16x8x432xf32, #tpu.memory_space<vmem>>, vector<16xf32>,
      %scan3A_924 = arith.constant 0 : i32
      scf.yield %scan3A_924 : i32
    }
    %scan3A_536 = arith.constant 27 : i32
    %scan3A_537 = arith.constant 0 : i32
    %scan3A_538 = arith.constant 0 : i32
    %scan3A_539 = arith.constant 27 : i32
    %scan3A_540 = arith.addi %scan3A_538, %scan3A_539 : i32
    %scan3A_541 = arith.constant 1 : i32
    %scan3A_542 = scf.for %scan3A_915 = %scan3A_538 to %scan3A_540 step %scan3A_541 iter_args(%scan3A_916 = %scan3A_537) -> (i32)  : i32 {
      %mul3A_917 = arith.constant 16 : i32
      %mul3A_918 = arith.muli %scan3A_915, %mul3A_917 : i32
      %swap3A = arith.constant 9 : i32
      %swap3A_919 = arith.constant 4 : i32
      %swap3A_920 = arith.index_cast %swap3A : i32 to index
      %swap3A_921 = arith.index_cast %swap3A_919 : i32 to index
      %swap3A_922 = arith.index_cast %mul3A_918 : i32 to index
      %swap3A_923 = tpu.vector_load %arg10[%swap3A_920, %swap3A_921, %swap3A_922] {strides = array<i32>} : memref<16x8x432xf32, #tpu.memory_space<vmem>>, vector<16xf32>,
      tpu.vector_store %arg10[%swap3A_920, %swap3A_921, %swap3A_922], %broadcast_in_dim3A_1 {strides = array<i32>} : memref<16x8x432xf32, #tpu.memory_space<vmem>>, vector<16xf32>,
      %scan3A_924 = arith.constant 0 : i32
      scf.yield %scan3A_924 : i32
    }
    %scan3A_543 = arith.constant 27 : i32
    %scan3A_544 = arith.constant 0 : i32
    %scan3A_545 = arith.constant 0 : i32
    %scan3A_546 = arith.constant 27 : i32
    %scan3A_547 = arith.addi %scan3A_545, %scan3A_546 : i32
    %scan3A_548 = arith.constant 1 : i32
    %scan3A_549 = scf.for %scan3A_915 = %scan3A_545 to %scan3A_547 step %scan3A_548 iter_args(%scan3A_916 = %scan3A_544) -> (i32)  : i32 {
      %mul3A_917 = arith.constant 16 : i32
      %mul3A_918 = arith.muli %scan3A_915, %mul3A_917 : i32
      %swap3A = arith.constant 9 : i32
      %swap3A_919 = arith.constant 5 : i32
      %swap3A_920 = arith.index_cast %swap3A : i32 to index
      %swap3A_921 = arith.index_cast %swap3A_919 : i32 to index
      %swap3A_922 = arith.index_cast %mul3A_918 : i32 to index
      %swap3A_923 = tpu.vector_load %arg10[%swap3A_920, %swap3A_921, %swap3A_922] {strides = array<i32>} : memref<16x8x432xf32, #tpu.memory_space<vmem>>, vector<16xf32>,
      tpu.vector_store %arg10[%swap3A_920, %swap3A_921, %swap3A_922], %broadcast_in_dim3A_1 {strides = array<i32>} : memref<16x8x432xf32, #tpu.memory_space<vmem>>, vector<16xf32>,
      %scan3A_924 = arith.constant 0 : i32
      scf.yield %scan3A_924 : i32
    }
    %scan3A_550 = arith.constant 27 : i32
    %scan3A_551 = arith.constant 0 : i32
    %scan3A_552 = arith.constant 0 : i32
    %scan3A_553 = arith.constant 27 : i32
    %scan3A_554 = arith.addi %scan3A_552, %scan3A_553 : i32
    %scan3A_555 = arith.constant 1 : i32
    %scan3A_556 = scf.for %scan3A_915 = %scan3A_552 to %scan3A_554 step %scan3A_555 iter_args(%scan3A_916 = %scan3A_551) -> (i32)  : i32 {
      %mul3A_917 = arith.constant 16 : i32
      %mul3A_918 = arith.muli %scan3A_915, %mul3A_917 : i32
      %swap3A = arith.constant 9 : i32
      %swap3A_919 = arith.constant 6 : i32
      %swap3A_920 = arith.index_cast %swap3A : i32 to index
      %swap3A_921 = arith.index_cast %swap3A_919 : i32 to index
      %swap3A_922 = arith.index_cast %mul3A_918 : i32 to index
      %swap3A_923 = tpu.vector_load %arg10[%swap3A_920, %swap3A_921, %swap3A_922] {strides = array<i32>} : memref<16x8x432xf32, #tpu.memory_space<vmem>>, vector<16xf32>,
      tpu.vector_store %arg10[%swap3A_920, %swap3A_921, %swap3A_922], %broadcast_in_dim3A_1 {strides = array<i32>} : memref<16x8x432xf32, #tpu.memory_space<vmem>>, vector<16xf32>,
      %scan3A_924 = arith.constant 0 : i32
      scf.yield %scan3A_924 : i32
    }
    %scan3A_557 = arith.constant 27 : i32
    %scan3A_558 = arith.constant 0 : i32
    %scan3A_559 = arith.constant 0 : i32
    %scan3A_560 = arith.constant 27 : i32
    %scan3A_561 = arith.addi %scan3A_559, %scan3A_560 : i32
    %scan3A_562 = arith.constant 1 : i32
    %scan3A_563 = scf.for %scan3A_915 = %scan3A_559 to %scan3A_561 step %scan3A_562 iter_args(%scan3A_916 = %scan3A_558) -> (i32)  : i32 {
      %mul3A_917 = arith.constant 16 : i32
      %mul3A_918 = arith.muli %scan3A_915, %mul3A_917 : i32
      %swap3A = arith.constant 9 : i32
      %swap3A_919 = arith.constant 7 : i32
      %swap3A_920 = arith.index_cast %swap3A : i32 to index
      %swap3A_921 = arith.index_cast %swap3A_919 : i32 to index
      %swap3A_922 = arith.index_cast %mul3A_918 : i32 to index
      %swap3A_923 = tpu.vector_load %arg10[%swap3A_920, %swap3A_921, %swap3A_922] {strides = array<i32>} : memref<16x8x432xf32, #tpu.memory_space<vmem>>, vector<16xf32>,
      tpu.vector_store %arg10[%swap3A_920, %swap3A_921, %swap3A_922], %broadcast_in_dim3A_1 {strides = array<i32>} : memref<16x8x432xf32, #tpu.memory_space<vmem>>, vector<16xf32>,
      %scan3A_924 = arith.constant 0 : i32
      scf.yield %scan3A_924 : i32
    }
    %scan3A_564 = arith.constant 27 : i32
    %scan3A_565 = arith.constant 0 : i32
    %scan3A_566 = arith.constant 0 : i32
    %scan3A_567 = arith.constant 27 : i32
    %scan3A_568 = arith.addi %scan3A_566, %scan3A_567 : i32
    %scan3A_569 = arith.constant 1 : i32
    %scan3A_570 = scf.for %scan3A_915 = %scan3A_566 to %scan3A_568 step %scan3A_569 iter_args(%scan3A_916 = %scan3A_565) -> (i32)  : i32 {
      %mul3A_917 = arith.constant 16 : i32
      %mul3A_918 = arith.muli %scan3A_915, %mul3A_917 : i32
      %swap3A = arith.constant 10 : i32
      %swap3A_919 = arith.constant 0 : i32
      %swap3A_920 = arith.index_cast %swap3A : i32 to index
      %swap3A_921 = arith.index_cast %swap3A_919 : i32 to index
      %swap3A_922 = arith.index_cast %mul3A_918 : i32 to index
      %swap3A_923 = tpu.vector_load %arg10[%swap3A_920, %swap3A_921, %swap3A_922] {strides = array<i32>} : memref<16x8x432xf32, #tpu.memory_space<vmem>>, vector<16xf32>,
      tpu.vector_store %arg10[%swap3A_920, %swap3A_921, %swap3A_922], %broadcast_in_dim3A_1 {strides = array<i32>} : memref<16x8x432xf32, #tpu.memory_space<vmem>>, vector<16xf32>,
      %scan3A_924 = arith.constant 0 : i32
      scf.yield %scan3A_924 : i32
    }
    %scan3A_571 = arith.constant 27 : i32
    %scan3A_572 = arith.constant 0 : i32
    %scan3A_573 = arith.constant 0 : i32
    %scan3A_574 = arith.constant 27 : i32
    %scan3A_575 = arith.addi %scan3A_573, %scan3A_574 : i32
    %scan3A_576 = arith.constant 1 : i32
    %scan3A_577 = scf.for %scan3A_915 = %scan3A_573 to %scan3A_575 step %scan3A_576 iter_args(%scan3A_916 = %scan3A_572) -> (i32)  : i32 {
      %mul3A_917 = arith.constant 16 : i32
      %mul3A_918 = arith.muli %scan3A_915, %mul3A_917 : i32
      %swap3A = arith.constant 10 : i32
      %swap3A_919 = arith.constant 1 : i32
      %swap3A_920 = arith.index_cast %swap3A : i32 to index
      %swap3A_921 = arith.index_cast %swap3A_919 : i32 to index
      %swap3A_922 = arith.index_cast %mul3A_918 : i32 to index
      %swap3A_923 = tpu.vector_load %arg10[%swap3A_920, %swap3A_921, %swap3A_922] {strides = array<i32>} : memref<16x8x432xf32, #tpu.memory_space<vmem>>, vector<16xf32>,
      tpu.vector_store %arg10[%swap3A_920, %swap3A_921, %swap3A_922], %broadcast_in_dim3A_1 {strides = array<i32>} : memref<16x8x432xf32, #tpu.memory_space<vmem>>, vector<16xf32>,
      %scan3A_924 = arith.constant 0 : i32
      scf.yield %scan3A_924 : i32
    }
    %scan3A_578 = arith.constant 27 : i32
    %scan3A_579 = arith.constant 0 : i32
    %scan3A_580 = arith.constant 0 : i32
    %scan3A_581 = arith.constant 27 : i32
    %scan3A_582 = arith.addi %scan3A_580, %scan3A_581 : i32
    %scan3A_583 = arith.constant 1 : i32
    %scan3A_584 = scf.for %scan3A_915 = %scan3A_580 to %scan3A_582 step %scan3A_583 iter_args(%scan3A_916 = %scan3A_579) -> (i32)  : i32 {
      %mul3A_917 = arith.constant 16 : i32
      %mul3A_918 = arith.muli %scan3A_915, %mul3A_917 : i32
      %swap3A = arith.constant 10 : i32
      %swap3A_919 = arith.constant 2 : i32
      %swap3A_920 = arith.index_cast %swap3A : i32 to index
      %swap3A_921 = arith.index_cast %swap3A_919 : i32 to index
      %swap3A_922 = arith.index_cast %mul3A_918 : i32 to index
      %swap3A_923 = tpu.vector_load %arg10[%swap3A_920, %swap3A_921, %swap3A_922] {strides = array<i32>} : memref<16x8x432xf32, #tpu.memory_space<vmem>>, vector<16xf32>,
      tpu.vector_store %arg10[%swap3A_920, %swap3A_921, %swap3A_922], %broadcast_in_dim3A_1 {strides = array<i32>} : memref<16x8x432xf32, #tpu.memory_space<vmem>>, vector<16xf32>,
      %scan3A_924 = arith.constant 0 : i32
      scf.yield %scan3A_924 : i32
    }
    %scan3A_585 = arith.constant 27 : i32
    %scan3A_586 = arith.constant 0 : i32
    %scan3A_587 = arith.constant 0 : i32
    %scan3A_588 = arith.constant 27 : i32
    %scan3A_589 = arith.addi %scan3A_587, %scan3A_588 : i32
    %scan3A_590 = arith.constant 1 : i32
    %scan3A_591 = scf.for %scan3A_915 = %scan3A_587 to %scan3A_589 step %scan3A_590 iter_args(%scan3A_916 = %scan3A_586) -> (i32)  : i32 {
      %mul3A_917 = arith.constant 16 : i32
      %mul3A_918 = arith.muli %scan3A_915, %mul3A_917 : i32
      %swap3A = arith.constant 10 : i32
      %swap3A_919 = arith.constant 3 : i32
      %swap3A_920 = arith.index_cast %swap3A : i32 to index
      %swap3A_921 = arith.index_cast %swap3A_919 : i32 to index
      %swap3A_922 = arith.index_cast %mul3A_918 : i32 to index
      %swap3A_923 = tpu.vector_load %arg10[%swap3A_920, %swap3A_921, %swap3A_922] {strides = array<i32>} : memref<16x8x432xf32, #tpu.memory_space<vmem>>, vector<16xf32>,
      tpu.vector_store %arg10[%swap3A_920, %swap3A_921, %swap3A_922], %broadcast_in_dim3A_1 {strides = array<i32>} : memref<16x8x432xf32, #tpu.memory_space<vmem>>, vector<16xf32>,
      %scan3A_924 = arith.constant 0 : i32
      scf.yield %scan3A_924 : i32
    }
    %scan3A_592 = arith.constant 27 : i32
    %scan3A_593 = arith.constant 0 : i32
    %scan3A_594 = arith.constant 0 : i32
    %scan3A_595 = arith.constant 27 : i32
    %scan3A_596 = arith.addi %scan3A_594, %scan3A_595 : i32
    %scan3A_597 = arith.constant 1 : i32
    %scan3A_598 = scf.for %scan3A_915 = %scan3A_594 to %scan3A_596 step %scan3A_597 iter_args(%scan3A_916 = %scan3A_593) -> (i32)  : i32 {
      %mul3A_917 = arith.constant 16 : i32
      %mul3A_918 = arith.muli %scan3A_915, %mul3A_917 : i32
      %swap3A = arith.constant 10 : i32
      %swap3A_919 = arith.constant 4 : i32
      %swap3A_920 = arith.index_cast %swap3A : i32 to index
      %swap3A_921 = arith.index_cast %swap3A_919 : i32 to index
      %swap3A_922 = arith.index_cast %mul3A_918 : i32 to index
      %swap3A_923 = tpu.vector_load %arg10[%swap3A_920, %swap3A_921, %swap3A_922] {strides = array<i32>} : memref<16x8x432xf32, #tpu.memory_space<vmem>>, vector<16xf32>,
      tpu.vector_store %arg10[%swap3A_920, %swap3A_921, %swap3A_922], %broadcast_in_dim3A_1 {strides = array<i32>} : memref<16x8x432xf32, #tpu.memory_space<vmem>>, vector<16xf32>,
      %scan3A_924 = arith.constant 0 : i32
      scf.yield %scan3A_924 : i32
    }
    %scan3A_599 = arith.constant 27 : i32
    %scan3A_600 = arith.constant 0 : i32
    %scan3A_601 = arith.constant 0 : i32
    %scan3A_602 = arith.constant 27 : i32
    %scan3A_603 = arith.addi %scan3A_601, %scan3A_602 : i32
    %scan3A_604 = arith.constant 1 : i32
    %scan3A_605 = scf.for %scan3A_915 = %scan3A_601 to %scan3A_603 step %scan3A_604 iter_args(%scan3A_916 = %scan3A_600) -> (i32)  : i32 {
      %mul3A_917 = arith.constant 16 : i32
      %mul3A_918 = arith.muli %scan3A_915, %mul3A_917 : i32
      %swap3A = arith.constant 10 : i32
      %swap3A_919 = arith.constant 5 : i32
      %swap3A_920 = arith.index_cast %swap3A : i32 to index
      %swap3A_921 = arith.index_cast %swap3A_919 : i32 to index
      %swap3A_922 = arith.index_cast %mul3A_918 : i32 to index
      %swap3A_923 = tpu.vector_load %arg10[%swap3A_920, %swap3A_921, %swap3A_922] {strides = array<i32>} : memref<16x8x432xf32, #tpu.memory_space<vmem>>, vector<16xf32>,
      tpu.vector_store %arg10[%swap3A_920, %swap3A_921, %swap3A_922], %broadcast_in_dim3A_1 {strides = array<i32>} : memref<16x8x432xf32, #tpu.memory_space<vmem>>, vector<16xf32>,
      %scan3A_924 = arith.constant 0 : i32
      scf.yield %scan3A_924 : i32
    }
    %scan3A_606 = arith.constant 27 : i32
    %scan3A_607 = arith.constant 0 : i32
    %scan3A_608 = arith.constant 0 : i32
    %scan3A_609 = arith.constant 27 : i32
    %scan3A_610 = arith.addi %scan3A_608, %scan3A_609 : i32
    %scan3A_611 = arith.constant 1 : i32
    %scan3A_612 = scf.for %scan3A_915 = %scan3A_608 to %scan3A_610 step %scan3A_611 iter_args(%scan3A_916 = %scan3A_607) -> (i32)  : i32 {
      %mul3A_917 = arith.constant 16 : i32
      %mul3A_918 = arith.muli %scan3A_915, %mul3A_917 : i32
      %swap3A = arith.constant 10 : i32
      %swap3A_919 = arith.constant 6 : i32
      %swap3A_920 = arith.index_cast %swap3A : i32 to index
      %swap3A_921 = arith.index_cast %swap3A_919 : i32 to index
      %swap3A_922 = arith.index_cast %mul3A_918 : i32 to index
      %swap3A_923 = tpu.vector_load %arg10[%swap3A_920, %swap3A_921, %swap3A_922] {strides = array<i32>} : memref<16x8x432xf32, #tpu.memory_space<vmem>>, vector<16xf32>,
      tpu.vector_store %arg10[%swap3A_920, %swap3A_921, %swap3A_922], %broadcast_in_dim3A_1 {strides = array<i32>} : memref<16x8x432xf32, #tpu.memory_space<vmem>>, vector<16xf32>,
      %scan3A_924 = arith.constant 0 : i32
      scf.yield %scan3A_924 : i32
    }
    %scan3A_613 = arith.constant 27 : i32
    %scan3A_614 = arith.constant 0 : i32
    %scan3A_615 = arith.constant 0 : i32
    %scan3A_616 = arith.constant 27 : i32
    %scan3A_617 = arith.addi %scan3A_615, %scan3A_616 : i32
    %scan3A_618 = arith.constant 1 : i32
    %scan3A_619 = scf.for %scan3A_915 = %scan3A_615 to %scan3A_617 step %scan3A_618 iter_args(%scan3A_916 = %scan3A_614) -> (i32)  : i32 {
      %mul3A_917 = arith.constant 16 : i32
      %mul3A_918 = arith.muli %scan3A_915, %mul3A_917 : i32
      %swap3A = arith.constant 10 : i32
      %swap3A_919 = arith.constant 7 : i32
      %swap3A_920 = arith.index_cast %swap3A : i32 to index
      %swap3A_921 = arith.index_cast %swap3A_919 : i32 to index
      %swap3A_922 = arith.index_cast %mul3A_918 : i32 to index
      %swap3A_923 = tpu.vector_load %arg10[%swap3A_920, %swap3A_921, %swap3A_922] {strides = array<i32>} : memref<16x8x432xf32, #tpu.memory_space<vmem>>, vector<16xf32>,
      tpu.vector_store %arg10[%swap3A_920, %swap3A_921, %swap3A_922], %broadcast_in_dim3A_1 {strides = array<i32>} : memref<16x8x432xf32, #tpu.memory_space<vmem>>, vector<16xf32>,
      %scan3A_924 = arith.constant 0 : i32
      scf.yield %scan3A_924 : i32
    }
    %scan3A_620 = arith.constant 27 : i32
    %scan3A_621 = arith.constant 0 : i32
    %scan3A_622 = arith.constant 0 : i32
    %scan3A_623 = arith.constant 27 : i32
    %scan3A_624 = arith.addi %scan3A_622, %scan3A_623 : i32
    %scan3A_625 = arith.constant 1 : i32
    %scan3A_626 = scf.for %scan3A_915 = %scan3A_622 to %scan3A_624 step %scan3A_625 iter_args(%scan3A_916 = %scan3A_621) -> (i32)  : i32 {
      %mul3A_917 = arith.constant 16 : i32
      %mul3A_918 = arith.muli %scan3A_915, %mul3A_917 : i32
      %swap3A = arith.constant 11 : i32
      %swap3A_919 = arith.constant 0 : i32
      %swap3A_920 = arith.index_cast %swap3A : i32 to index
      %swap3A_921 = arith.index_cast %swap3A_919 : i32 to index
      %swap3A_922 = arith.index_cast %mul3A_918 : i32 to index
      %swap3A_923 = tpu.vector_load %arg10[%swap3A_920, %swap3A_921, %swap3A_922] {strides = array<i32>} : memref<16x8x432xf32, #tpu.memory_space<vmem>>, vector<16xf32>,
      tpu.vector_store %arg10[%swap3A_920, %swap3A_921, %swap3A_922], %broadcast_in_dim3A_1 {strides = array<i32>} : memref<16x8x432xf32, #tpu.memory_space<vmem>>, vector<16xf32>,
      %scan3A_924 = arith.constant 0 : i32
      scf.yield %scan3A_924 : i32
    }
    %scan3A_627 = arith.constant 27 : i32
    %scan3A_628 = arith.constant 0 : i32
    %scan3A_629 = arith.constant 0 : i32
    %scan3A_630 = arith.constant 27 : i32
    %scan3A_631 = arith.addi %scan3A_629, %scan3A_630 : i32
    %scan3A_632 = arith.constant 1 : i32
    %scan3A_633 = scf.for %scan3A_915 = %scan3A_629 to %scan3A_631 step %scan3A_632 iter_args(%scan3A_916 = %scan3A_628) -> (i32)  : i32 {
      %mul3A_917 = arith.constant 16 : i32
      %mul3A_918 = arith.muli %scan3A_915, %mul3A_917 : i32
      %swap3A = arith.constant 11 : i32
      %swap3A_919 = arith.constant 1 : i32
      %swap3A_920 = arith.index_cast %swap3A : i32 to index
      %swap3A_921 = arith.index_cast %swap3A_919 : i32 to index
      %swap3A_922 = arith.index_cast %mul3A_918 : i32 to index
      %swap3A_923 = tpu.vector_load %arg10[%swap3A_920, %swap3A_921, %swap3A_922] {strides = array<i32>} : memref<16x8x432xf32, #tpu.memory_space<vmem>>, vector<16xf32>,
      tpu.vector_store %arg10[%swap3A_920, %swap3A_921, %swap3A_922], %broadcast_in_dim3A_1 {strides = array<i32>} : memref<16x8x432xf32, #tpu.memory_space<vmem>>, vector<16xf32>,
      %scan3A_924 = arith.constant 0 : i32
      scf.yield %scan3A_924 : i32
    }
    %scan3A_634 = arith.constant 27 : i32
    %scan3A_635 = arith.constant 0 : i32
    %scan3A_636 = arith.constant 0 : i32
    %scan3A_637 = arith.constant 27 : i32
    %scan3A_638 = arith.addi %scan3A_636, %scan3A_637 : i32
    %scan3A_639 = arith.constant 1 : i32
    %scan3A_640 = scf.for %scan3A_915 = %scan3A_636 to %scan3A_638 step %scan3A_639 iter_args(%scan3A_916 = %scan3A_635) -> (i32)  : i32 {
      %mul3A_917 = arith.constant 16 : i32
      %mul3A_918 = arith.muli %scan3A_915, %mul3A_917 : i32
      %swap3A = arith.constant 11 : i32
      %swap3A_919 = arith.constant 2 : i32
      %swap3A_920 = arith.index_cast %swap3A : i32 to index
      %swap3A_921 = arith.index_cast %swap3A_919 : i32 to index
      %swap3A_922 = arith.index_cast %mul3A_918 : i32 to index
      %swap3A_923 = tpu.vector_load %arg10[%swap3A_920, %swap3A_921, %swap3A_922] {strides = array<i32>} : memref<16x8x432xf32, #tpu.memory_space<vmem>>, vector<16xf32>,
      tpu.vector_store %arg10[%swap3A_920, %swap3A_921, %swap3A_922], %broadcast_in_dim3A_1 {strides = array<i32>} : memref<16x8x432xf32, #tpu.memory_space<vmem>>, vector<16xf32>,
      %scan3A_924 = arith.constant 0 : i32
      scf.yield %scan3A_924 : i32
    }
    %scan3A_641 = arith.constant 27 : i32
    %scan3A_642 = arith.constant 0 : i32
    %scan3A_643 = arith.constant 0 : i32
    %scan3A_644 = arith.constant 27 : i32
    %scan3A_645 = arith.addi %scan3A_643, %scan3A_644 : i32
    %scan3A_646 = arith.constant 1 : i32
    %scan3A_647 = scf.for %scan3A_915 = %scan3A_643 to %scan3A_645 step %scan3A_646 iter_args(%scan3A_916 = %scan3A_642) -> (i32)  : i32 {
      %mul3A_917 = arith.constant 16 : i32
      %mul3A_918 = arith.muli %scan3A_915, %mul3A_917 : i32
      %swap3A = arith.constant 11 : i32
      %swap3A_919 = arith.constant 3 : i32
      %swap3A_920 = arith.index_cast %swap3A : i32 to index
      %swap3A_921 = arith.index_cast %swap3A_919 : i32 to index
      %swap3A_922 = arith.index_cast %mul3A_918 : i32 to index
      %swap3A_923 = tpu.vector_load %arg10[%swap3A_920, %swap3A_921, %swap3A_922] {strides = array<i32>} : memref<16x8x432xf32, #tpu.memory_space<vmem>>, vector<16xf32>,
      tpu.vector_store %arg10[%swap3A_920, %swap3A_921, %swap3A_922], %broadcast_in_dim3A_1 {strides = array<i32>} : memref<16x8x432xf32, #tpu.memory_space<vmem>>, vector<16xf32>,
      %scan3A_924 = arith.constant 0 : i32
      scf.yield %scan3A_924 : i32
    }
    %scan3A_648 = arith.constant 27 : i32
    %scan3A_649 = arith.constant 0 : i32
    %scan3A_650 = arith.constant 0 : i32
    %scan3A_651 = arith.constant 27 : i32
    %scan3A_652 = arith.addi %scan3A_650, %scan3A_651 : i32
    %scan3A_653 = arith.constant 1 : i32
    %scan3A_654 = scf.for %scan3A_915 = %scan3A_650 to %scan3A_652 step %scan3A_653 iter_args(%scan3A_916 = %scan3A_649) -> (i32)  : i32 {
      %mul3A_917 = arith.constant 16 : i32
      %mul3A_918 = arith.muli %scan3A_915, %mul3A_917 : i32
      %swap3A = arith.constant 11 : i32
      %swap3A_919 = arith.constant 4 : i32
      %swap3A_920 = arith.index_cast %swap3A : i32 to index
      %swap3A_921 = arith.index_cast %swap3A_919 : i32 to index
      %swap3A_922 = arith.index_cast %mul3A_918 : i32 to index
      %swap3A_923 = tpu.vector_load %arg10[%swap3A_920, %swap3A_921, %swap3A_922] {strides = array<i32>} : memref<16x8x432xf32, #tpu.memory_space<vmem>>, vector<16xf32>,
      tpu.vector_store %arg10[%swap3A_920, %swap3A_921, %swap3A_922], %broadcast_in_dim3A_1 {strides = array<i32>} : memref<16x8x432xf32, #tpu.memory_space<vmem>>, vector<16xf32>,
      %scan3A_924 = arith.constant 0 : i32
      scf.yield %scan3A_924 : i32
    }
    %scan3A_655 = arith.constant 27 : i32
    %scan3A_656 = arith.constant 0 : i32
    %scan3A_657 = arith.constant 0 : i32
    %scan3A_658 = arith.constant 27 : i32
    %scan3A_659 = arith.addi %scan3A_657, %scan3A_658 : i32
    %scan3A_660 = arith.constant 1 : i32
    %scan3A_661 = scf.for %scan3A_915 = %scan3A_657 to %scan3A_659 step %scan3A_660 iter_args(%scan3A_916 = %scan3A_656) -> (i32)  : i32 {
      %mul3A_917 = arith.constant 16 : i32
      %mul3A_918 = arith.muli %scan3A_915, %mul3A_917 : i32
      %swap3A = arith.constant 11 : i32
      %swap3A_919 = arith.constant 5 : i32
      %swap3A_920 = arith.index_cast %swap3A : i32 to index
      %swap3A_921 = arith.index_cast %swap3A_919 : i32 to index
      %swap3A_922 = arith.index_cast %mul3A_918 : i32 to index
      %swap3A_923 = tpu.vector_load %arg10[%swap3A_920, %swap3A_921, %swap3A_922] {strides = array<i32>} : memref<16x8x432xf32, #tpu.memory_space<vmem>>, vector<16xf32>,
      tpu.vector_store %arg10[%swap3A_920, %swap3A_921, %swap3A_922], %broadcast_in_dim3A_1 {strides = array<i32>} : memref<16x8x432xf32, #tpu.memory_space<vmem>>, vector<16xf32>,
      %scan3A_924 = arith.constant 0 : i32
      scf.yield %scan3A_924 : i32
    }
    %scan3A_662 = arith.constant 27 : i32
    %scan3A_663 = arith.constant 0 : i32
    %scan3A_664 = arith.constant 0 : i32
    %scan3A_665 = arith.constant 27 : i32
    %scan3A_666 = arith.addi %scan3A_664, %scan3A_665 : i32
    %scan3A_667 = arith.constant 1 : i32
    %scan3A_668 = scf.for %scan3A_915 = %scan3A_664 to %scan3A_666 step %scan3A_667 iter_args(%scan3A_916 = %scan3A_663) -> (i32)  : i32 {
      %mul3A_917 = arith.constant 16 : i32
      %mul3A_918 = arith.muli %scan3A_915, %mul3A_917 : i32
      %swap3A = arith.constant 11 : i32
      %swap3A_919 = arith.constant 6 : i32
      %swap3A_920 = arith.index_cast %swap3A : i32 to index
      %swap3A_921 = arith.index_cast %swap3A_919 : i32 to index
      %swap3A_922 = arith.index_cast %mul3A_918 : i32 to index
      %swap3A_923 = tpu.vector_load %arg10[%swap3A_920, %swap3A_921, %swap3A_922] {strides = array<i32>} : memref<16x8x432xf32, #tpu.memory_space<vmem>>, vector<16xf32>,
      tpu.vector_store %arg10[%swap3A_920, %swap3A_921, %swap3A_922], %broadcast_in_dim3A_1 {strides = array<i32>} : memref<16x8x432xf32, #tpu.memory_space<vmem>>, vector<16xf32>,
      %scan3A_924 = arith.constant 0 : i32
      scf.yield %scan3A_924 : i32
    }
    %scan3A_669 = arith.constant 27 : i32
    %scan3A_670 = arith.constant 0 : i32
    %scan3A_671 = arith.constant 0 : i32
    %scan3A_672 = arith.constant 27 : i32
    %scan3A_673 = arith.addi %scan3A_671, %scan3A_672 : i32
    %scan3A_674 = arith.constant 1 : i32
    %scan3A_675 = scf.for %scan3A_915 = %scan3A_671 to %scan3A_673 step %scan3A_674 iter_args(%scan3A_916 = %scan3A_670) -> (i32)  : i32 {
      %mul3A_917 = arith.constant 16 : i32
      %mul3A_918 = arith.muli %scan3A_915, %mul3A_917 : i32
      %swap3A = arith.constant 11 : i32
      %swap3A_919 = arith.constant 7 : i32
      %swap3A_920 = arith.index_cast %swap3A : i32 to index
      %swap3A_921 = arith.index_cast %swap3A_919 : i32 to index
      %swap3A_922 = arith.index_cast %mul3A_918 : i32 to index
      %swap3A_923 = tpu.vector_load %arg10[%swap3A_920, %swap3A_921, %swap3A_922] {strides = array<i32>} : memref<16x8x432xf32, #tpu.memory_space<vmem>>, vector<16xf32>,
      tpu.vector_store %arg10[%swap3A_920, %swap3A_921, %swap3A_922], %broadcast_in_dim3A_1 {strides = array<i32>} : memref<16x8x432xf32, #tpu.memory_space<vmem>>, vector<16xf32>,
      %scan3A_924 = arith.constant 0 : i32
      scf.yield %scan3A_924 : i32
    }
    %scan3A_676 = arith.constant 27 : i32
    %scan3A_677 = arith.constant 0 : i32
    %scan3A_678 = arith.constant 0 : i32
    %scan3A_679 = arith.constant 27 : i32
    %scan3A_680 = arith.addi %scan3A_678, %scan3A_679 : i32
    %scan3A_681 = arith.constant 1 : i32
    %scan3A_682 = scf.for %scan3A_915 = %scan3A_678 to %scan3A_680 step %scan3A_681 iter_args(%scan3A_916 = %scan3A_677) -> (i32)  : i32 {
      %mul3A_917 = arith.constant 16 : i32
      %mul3A_918 = arith.muli %scan3A_915, %mul3A_917 : i32
      %swap3A = arith.constant 12 : i32
      %swap3A_919 = arith.constant 0 : i32
      %swap3A_920 = arith.index_cast %swap3A : i32 to index
      %swap3A_921 = arith.index_cast %swap3A_919 : i32 to index
      %swap3A_922 = arith.index_cast %mul3A_918 : i32 to index
      %swap3A_923 = tpu.vector_load %arg10[%swap3A_920, %swap3A_921, %swap3A_922] {strides = array<i32>} : memref<16x8x432xf32, #tpu.memory_space<vmem>>, vector<16xf32>,
      tpu.vector_store %arg10[%swap3A_920, %swap3A_921, %swap3A_922], %broadcast_in_dim3A_1 {strides = array<i32>} : memref<16x8x432xf32, #tpu.memory_space<vmem>>, vector<16xf32>,
      %scan3A_924 = arith.constant 0 : i32
      scf.yield %scan3A_924 : i32
    }
    %scan3A_683 = arith.constant 27 : i32
    %scan3A_684 = arith.constant 0 : i32
    %scan3A_685 = arith.constant 0 : i32
    %scan3A_686 = arith.constant 27 : i32
    %scan3A_687 = arith.addi %scan3A_685, %scan3A_686 : i32
    %scan3A_688 = arith.constant 1 : i32
    %scan3A_689 = scf.for %scan3A_915 = %scan3A_685 to %scan3A_687 step %scan3A_688 iter_args(%scan3A_916 = %scan3A_684) -> (i32)  : i32 {
      %mul3A_917 = arith.constant 16 : i32
      %mul3A_918 = arith.muli %scan3A_915, %mul3A_917 : i32
      %swap3A = arith.constant 12 : i32
      %swap3A_919 = arith.constant 1 : i32
      %swap3A_920 = arith.index_cast %swap3A : i32 to index
      %swap3A_921 = arith.index_cast %swap3A_919 : i32 to index
      %swap3A_922 = arith.index_cast %mul3A_918 : i32 to index
      %swap3A_923 = tpu.vector_load %arg10[%swap3A_920, %swap3A_921, %swap3A_922] {strides = array<i32>} : memref<16x8x432xf32, #tpu.memory_space<vmem>>, vector<16xf32>,
      tpu.vector_store %arg10[%swap3A_920, %swap3A_921, %swap3A_922], %broadcast_in_dim3A_1 {strides = array<i32>} : memref<16x8x432xf32, #tpu.memory_space<vmem>>, vector<16xf32>,
      %scan3A_924 = arith.constant 0 : i32
      scf.yield %scan3A_924 : i32
    }
    %scan3A_690 = arith.constant 27 : i32
    %scan3A_691 = arith.constant 0 : i32
    %scan3A_692 = arith.constant 0 : i32
    %scan3A_693 = arith.constant 27 : i32
    %scan3A_694 = arith.addi %scan3A_692, %scan3A_693 : i32
    %scan3A_695 = arith.constant 1 : i32
    %scan3A_696 = scf.for %scan3A_915 = %scan3A_692 to %scan3A_694 step %scan3A_695 iter_args(%scan3A_916 = %scan3A_691) -> (i32)  : i32 {
      %mul3A_917 = arith.constant 16 : i32
      %mul3A_918 = arith.muli %scan3A_915, %mul3A_917 : i32
      %swap3A = arith.constant 12 : i32
      %swap3A_919 = arith.constant 2 : i32
      %swap3A_920 = arith.index_cast %swap3A : i32 to index
      %swap3A_921 = arith.index_cast %swap3A_919 : i32 to index
      %swap3A_922 = arith.index_cast %mul3A_918 : i32 to index
      %swap3A_923 = tpu.vector_load %arg10[%swap3A_920, %swap3A_921, %swap3A_922] {strides = array<i32>} : memref<16x8x432xf32, #tpu.memory_space<vmem>>, vector<16xf32>,
      tpu.vector_store %arg10[%swap3A_920, %swap3A_921, %swap3A_922], %broadcast_in_dim3A_1 {strides = array<i32>} : memref<16x8x432xf32, #tpu.memory_space<vmem>>, vector<16xf32>,
      %scan3A_924 = arith.constant 0 : i32
      scf.yield %scan3A_924 : i32
    }
    %scan3A_697 = arith.constant 27 : i32
    %scan3A_698 = arith.constant 0 : i32
    %scan3A_699 = arith.constant 0 : i32
    %scan3A_700 = arith.constant 27 : i32
    %scan3A_701 = arith.addi %scan3A_699, %scan3A_700 : i32
    %scan3A_702 = arith.constant 1 : i32
    %scan3A_703 = scf.for %scan3A_915 = %scan3A_699 to %scan3A_701 step %scan3A_702 iter_args(%scan3A_916 = %scan3A_698) -> (i32)  : i32 {
      %mul3A_917 = arith.constant 16 : i32
      %mul3A_918 = arith.muli %scan3A_915, %mul3A_917 : i32
      %swap3A = arith.constant 12 : i32
      %swap3A_919 = arith.constant 3 : i32
      %swap3A_920 = arith.index_cast %swap3A : i32 to index
      %swap3A_921 = arith.index_cast %swap3A_919 : i32 to index
      %swap3A_922 = arith.index_cast %mul3A_918 : i32 to index
      %swap3A_923 = tpu.vector_load %arg10[%swap3A_920, %swap3A_921, %swap3A_922] {strides = array<i32>} : memref<16x8x432xf32, #tpu.memory_space<vmem>>, vector<16xf32>,
      tpu.vector_store %arg10[%swap3A_920, %swap3A_921, %swap3A_922], %broadcast_in_dim3A_1 {strides = array<i32>} : memref<16x8x432xf32, #tpu.memory_space<vmem>>, vector<16xf32>,
      %scan3A_924 = arith.constant 0 : i32
      scf.yield %scan3A_924 : i32
    }
    %scan3A_704 = arith.constant 27 : i32
    %scan3A_705 = arith.constant 0 : i32
    %scan3A_706 = arith.constant 0 : i32
    %scan3A_707 = arith.constant 27 : i32
    %scan3A_708 = arith.addi %scan3A_706, %scan3A_707 : i32
    %scan3A_709 = arith.constant 1 : i32
    %scan3A_710 = scf.for %scan3A_915 = %scan3A_706 to %scan3A_708 step %scan3A_709 iter_args(%scan3A_916 = %scan3A_705) -> (i32)  : i32 {
      %mul3A_917 = arith.constant 16 : i32
      %mul3A_918 = arith.muli %scan3A_915, %mul3A_917 : i32
      %swap3A = arith.constant 12 : i32
      %swap3A_919 = arith.constant 4 : i32
      %swap3A_920 = arith.index_cast %swap3A : i32 to index
      %swap3A_921 = arith.index_cast %swap3A_919 : i32 to index
      %swap3A_922 = arith.index_cast %mul3A_918 : i32 to index
      %swap3A_923 = tpu.vector_load %arg10[%swap3A_920, %swap3A_921, %swap3A_922] {strides = array<i32>} : memref<16x8x432xf32, #tpu.memory_space<vmem>>, vector<16xf32>,
      tpu.vector_store %arg10[%swap3A_920, %swap3A_921, %swap3A_922], %broadcast_in_dim3A_1 {strides = array<i32>} : memref<16x8x432xf32, #tpu.memory_space<vmem>>, vector<16xf32>,
      %scan3A_924 = arith.constant 0 : i32
      scf.yield %scan3A_924 : i32
    }
    %scan3A_711 = arith.constant 27 : i32
    %scan3A_712 = arith.constant 0 : i32
    %scan3A_713 = arith.constant 0 : i32
    %scan3A_714 = arith.constant 27 : i32
    %scan3A_715 = arith.addi %scan3A_713, %scan3A_714 : i32
    %scan3A_716 = arith.constant 1 : i32
    %scan3A_717 = scf.for %scan3A_915 = %scan3A_713 to %scan3A_715 step %scan3A_716 iter_args(%scan3A_916 = %scan3A_712) -> (i32)  : i32 {
      %mul3A_917 = arith.constant 16 : i32
      %mul3A_918 = arith.muli %scan3A_915, %mul3A_917 : i32
      %swap3A = arith.constant 12 : i32
      %swap3A_919 = arith.constant 5 : i32
      %swap3A_920 = arith.index_cast %swap3A : i32 to index
      %swap3A_921 = arith.index_cast %swap3A_919 : i32 to index
      %swap3A_922 = arith.index_cast %mul3A_918 : i32 to index
      %swap3A_923 = tpu.vector_load %arg10[%swap3A_920, %swap3A_921, %swap3A_922] {strides = array<i32>} : memref<16x8x432xf32, #tpu.memory_space<vmem>>, vector<16xf32>,
      tpu.vector_store %arg10[%swap3A_920, %swap3A_921, %swap3A_922], %broadcast_in_dim3A_1 {strides = array<i32>} : memref<16x8x432xf32, #tpu.memory_space<vmem>>, vector<16xf32>,
      %scan3A_924 = arith.constant 0 : i32
      scf.yield %scan3A_924 : i32
    }
    %scan3A_718 = arith.constant 27 : i32
    %scan3A_719 = arith.constant 0 : i32
    %scan3A_720 = arith.constant 0 : i32
    %scan3A_721 = arith.constant 27 : i32
    %scan3A_722 = arith.addi %scan3A_720, %scan3A_721 : i32
    %scan3A_723 = arith.constant 1 : i32
    %scan3A_724 = scf.for %scan3A_915 = %scan3A_720 to %scan3A_722 step %scan3A_723 iter_args(%scan3A_916 = %scan3A_719) -> (i32)  : i32 {
      %mul3A_917 = arith.constant 16 : i32
      %mul3A_918 = arith.muli %scan3A_915, %mul3A_917 : i32
      %swap3A = arith.constant 12 : i32
      %swap3A_919 = arith.constant 6 : i32
      %swap3A_920 = arith.index_cast %swap3A : i32 to index
      %swap3A_921 = arith.index_cast %swap3A_919 : i32 to index
      %swap3A_922 = arith.index_cast %mul3A_918 : i32 to index
      %swap3A_923 = tpu.vector_load %arg10[%swap3A_920, %swap3A_921, %swap3A_922] {strides = array<i32>} : memref<16x8x432xf32, #tpu.memory_space<vmem>>, vector<16xf32>,
      tpu.vector_store %arg10[%swap3A_920, %swap3A_921, %swap3A_922], %broadcast_in_dim3A_1 {strides = array<i32>} : memref<16x8x432xf32, #tpu.memory_space<vmem>>, vector<16xf32>,
      %scan3A_924 = arith.constant 0 : i32
      scf.yield %scan3A_924 : i32
    }
    %scan3A_725 = arith.constant 27 : i32
    %scan3A_726 = arith.constant 0 : i32
    %scan3A_727 = arith.constant 0 : i32
    %scan3A_728 = arith.constant 27 : i32
    %scan3A_729 = arith.addi %scan3A_727, %scan3A_728 : i32
    %scan3A_730 = arith.constant 1 : i32
    %scan3A_731 = scf.for %scan3A_915 = %scan3A_727 to %scan3A_729 step %scan3A_730 iter_args(%scan3A_916 = %scan3A_726) -> (i32)  : i32 {
      %mul3A_917 = arith.constant 16 : i32
      %mul3A_918 = arith.muli %scan3A_915, %mul3A_917 : i32
      %swap3A = arith.constant 12 : i32
      %swap3A_919 = arith.constant 7 : i32
      %swap3A_920 = arith.index_cast %swap3A : i32 to index
      %swap3A_921 = arith.index_cast %swap3A_919 : i32 to index
      %swap3A_922 = arith.index_cast %mul3A_918 : i32 to index
      %swap3A_923 = tpu.vector_load %arg10[%swap3A_920, %swap3A_921, %swap3A_922] {strides = array<i32>} : memref<16x8x432xf32, #tpu.memory_space<vmem>>, vector<16xf32>,
      tpu.vector_store %arg10[%swap3A_920, %swap3A_921, %swap3A_922], %broadcast_in_dim3A_1 {strides = array<i32>} : memref<16x8x432xf32, #tpu.memory_space<vmem>>, vector<16xf32>,
      %scan3A_924 = arith.constant 0 : i32
      scf.yield %scan3A_924 : i32
    }
    %scan3A_732 = arith.constant 27 : i32
    %scan3A_733 = arith.constant 0 : i32
    %scan3A_734 = arith.constant 0 : i32
    %scan3A_735 = arith.constant 27 : i32
    %scan3A_736 = arith.addi %scan3A_734, %scan3A_735 : i32
    %scan3A_737 = arith.constant 1 : i32
    %scan3A_738 = scf.for %scan3A_915 = %scan3A_734 to %scan3A_736 step %scan3A_737 iter_args(%scan3A_916 = %scan3A_733) -> (i32)  : i32 {
      %mul3A_917 = arith.constant 16 : i32
      %mul3A_918 = arith.muli %scan3A_915, %mul3A_917 : i32
      %swap3A = arith.constant 13 : i32
      %swap3A_919 = arith.constant 0 : i32
      %swap3A_920 = arith.index_cast %swap3A : i32 to index
      %swap3A_921 = arith.index_cast %swap3A_919 : i32 to index
      %swap3A_922 = arith.index_cast %mul3A_918 : i32 to index
      %swap3A_923 = tpu.vector_load %arg10[%swap3A_920, %swap3A_921, %swap3A_922] {strides = array<i32>} : memref<16x8x432xf32, #tpu.memory_space<vmem>>, vector<16xf32>,
      tpu.vector_store %arg10[%swap3A_920, %swap3A_921, %swap3A_922], %broadcast_in_dim3A_1 {strides = array<i32>} : memref<16x8x432xf32, #tpu.memory_space<vmem>>, vector<16xf32>,
      %scan3A_924 = arith.constant 0 : i32
      scf.yield %scan3A_924 : i32
    }
    %scan3A_739 = arith.constant 27 : i32
    %scan3A_740 = arith.constant 0 : i32
    %scan3A_741 = arith.constant 0 : i32
    %scan3A_742 = arith.constant 27 : i32
    %scan3A_743 = arith.addi %scan3A_741, %scan3A_742 : i32
    %scan3A_744 = arith.constant 1 : i32
    %scan3A_745 = scf.for %scan3A_915 = %scan3A_741 to %scan3A_743 step %scan3A_744 iter_args(%scan3A_916 = %scan3A_740) -> (i32)  : i32 {
      %mul3A_917 = arith.constant 16 : i32
      %mul3A_918 = arith.muli %scan3A_915, %mul3A_917 : i32
      %swap3A = arith.constant 13 : i32
      %swap3A_919 = arith.constant 1 : i32
      %swap3A_920 = arith.index_cast %swap3A : i32 to index
      %swap3A_921 = arith.index_cast %swap3A_919 : i32 to index
      %swap3A_922 = arith.index_cast %mul3A_918 : i32 to index
      %swap3A_923 = tpu.vector_load %arg10[%swap3A_920, %swap3A_921, %swap3A_922] {strides = array<i32>} : memref<16x8x432xf32, #tpu.memory_space<vmem>>, vector<16xf32>,
      tpu.vector_store %arg10[%swap3A_920, %swap3A_921, %swap3A_922], %broadcast_in_dim3A_1 {strides = array<i32>} : memref<16x8x432xf32, #tpu.memory_space<vmem>>, vector<16xf32>,
      %scan3A_924 = arith.constant 0 : i32
      scf.yield %scan3A_924 : i32
    }
    %scan3A_746 = arith.constant 27 : i32
    %scan3A_747 = arith.constant 0 : i32
    %scan3A_748 = arith.constant 0 : i32
    %scan3A_749 = arith.constant 27 : i32
    %scan3A_750 = arith.addi %scan3A_748, %scan3A_749 : i32
    %scan3A_751 = arith.constant 1 : i32
    %scan3A_752 = scf.for %scan3A_915 = %scan3A_748 to %scan3A_750 step %scan3A_751 iter_args(%scan3A_916 = %scan3A_747) -> (i32)  : i32 {
      %mul3A_917 = arith.constant 16 : i32
      %mul3A_918 = arith.muli %scan3A_915, %mul3A_917 : i32
      %swap3A = arith.constant 13 : i32
      %swap3A_919 = arith.constant 2 : i32
      %swap3A_920 = arith.index_cast %swap3A : i32 to index
      %swap3A_921 = arith.index_cast %swap3A_919 : i32 to index
      %swap3A_922 = arith.index_cast %mul3A_918 : i32 to index
      %swap3A_923 = tpu.vector_load %arg10[%swap3A_920, %swap3A_921, %swap3A_922] {strides = array<i32>} : memref<16x8x432xf32, #tpu.memory_space<vmem>>, vector<16xf32>,
      tpu.vector_store %arg10[%swap3A_920, %swap3A_921, %swap3A_922], %broadcast_in_dim3A_1 {strides = array<i32>} : memref<16x8x432xf32, #tpu.memory_space<vmem>>, vector<16xf32>,
      %scan3A_924 = arith.constant 0 : i32
      scf.yield %scan3A_924 : i32
    }
    %scan3A_753 = arith.constant 27 : i32
    %scan3A_754 = arith.constant 0 : i32
    %scan3A_755 = arith.constant 0 : i32
    %scan3A_756 = arith.constant 27 : i32
    %scan3A_757 = arith.addi %scan3A_755, %scan3A_756 : i32
    %scan3A_758 = arith.constant 1 : i32
    %scan3A_759 = scf.for %scan3A_915 = %scan3A_755 to %scan3A_757 step %scan3A_758 iter_args(%scan3A_916 = %scan3A_754) -> (i32)  : i32 {
      %mul3A_917 = arith.constant 16 : i32
      %mul3A_918 = arith.muli %scan3A_915, %mul3A_917 : i32
      %swap3A = arith.constant 13 : i32
      %swap3A_919 = arith.constant 3 : i32
      %swap3A_920 = arith.index_cast %swap3A : i32 to index
      %swap3A_921 = arith.index_cast %swap3A_919 : i32 to index
      %swap3A_922 = arith.index_cast %mul3A_918 : i32 to index
      %swap3A_923 = tpu.vector_load %arg10[%swap3A_920, %swap3A_921, %swap3A_922] {strides = array<i32>} : memref<16x8x432xf32, #tpu.memory_space<vmem>>, vector<16xf32>,
      tpu.vector_store %arg10[%swap3A_920, %swap3A_921, %swap3A_922], %broadcast_in_dim3A_1 {strides = array<i32>} : memref<16x8x432xf32, #tpu.memory_space<vmem>>, vector<16xf32>,
      %scan3A_924 = arith.constant 0 : i32
      scf.yield %scan3A_924 : i32
    }
    %scan3A_760 = arith.constant 27 : i32
    %scan3A_761 = arith.constant 0 : i32
    %scan3A_762 = arith.constant 0 : i32
    %scan3A_763 = arith.constant 27 : i32
    %scan3A_764 = arith.addi %scan3A_762, %scan3A_763 : i32
    %scan3A_765 = arith.constant 1 : i32
    %scan3A_766 = scf.for %scan3A_915 = %scan3A_762 to %scan3A_764 step %scan3A_765 iter_args(%scan3A_916 = %scan3A_761) -> (i32)  : i32 {
      %mul3A_917 = arith.constant 16 : i32
      %mul3A_918 = arith.muli %scan3A_915, %mul3A_917 : i32
      %swap3A = arith.constant 13 : i32
      %swap3A_919 = arith.constant 4 : i32
      %swap3A_920 = arith.index_cast %swap3A : i32 to index
      %swap3A_921 = arith.index_cast %swap3A_919 : i32 to index
      %swap3A_922 = arith.index_cast %mul3A_918 : i32 to index
      %swap3A_923 = tpu.vector_load %arg10[%swap3A_920, %swap3A_921, %swap3A_922] {strides = array<i32>} : memref<16x8x432xf32, #tpu.memory_space<vmem>>, vector<16xf32>,
      tpu.vector_store %arg10[%swap3A_920, %swap3A_921, %swap3A_922], %broadcast_in_dim3A_1 {strides = array<i32>} : memref<16x8x432xf32, #tpu.memory_space<vmem>>, vector<16xf32>,
      %scan3A_924 = arith.constant 0 : i32
      scf.yield %scan3A_924 : i32
    }
    %scan3A_767 = arith.constant 27 : i32
    %scan3A_768 = arith.constant 0 : i32
    %scan3A_769 = arith.constant 0 : i32
    %scan3A_770 = arith.constant 27 : i32
    %scan3A_771 = arith.addi %scan3A_769, %scan3A_770 : i32
    %scan3A_772 = arith.constant 1 : i32
    %scan3A_773 = scf.for %scan3A_915 = %scan3A_769 to %scan3A_771 step %scan3A_772 iter_args(%scan3A_916 = %scan3A_768) -> (i32)  : i32 {
      %mul3A_917 = arith.constant 16 : i32
      %mul3A_918 = arith.muli %scan3A_915, %mul3A_917 : i32
      %swap3A = arith.constant 13 : i32
      %swap3A_919 = arith.constant 5 : i32
      %swap3A_920 = arith.index_cast %swap3A : i32 to index
      %swap3A_921 = arith.index_cast %swap3A_919 : i32 to index
      %swap3A_922 = arith.index_cast %mul3A_918 : i32 to index
      %swap3A_923 = tpu.vector_load %arg10[%swap3A_920, %swap3A_921, %swap3A_922] {strides = array<i32>} : memref<16x8x432xf32, #tpu.memory_space<vmem>>, vector<16xf32>,
      tpu.vector_store %arg10[%swap3A_920, %swap3A_921, %swap3A_922], %broadcast_in_dim3A_1 {strides = array<i32>} : memref<16x8x432xf32, #tpu.memory_space<vmem>>, vector<16xf32>,
      %scan3A_924 = arith.constant 0 : i32
      scf.yield %scan3A_924 : i32
    }
    %scan3A_774 = arith.constant 27 : i32
    %scan3A_775 = arith.constant 0 : i32
    %scan3A_776 = arith.constant 0 : i32
    %scan3A_777 = arith.constant 27 : i32
    %scan3A_778 = arith.addi %scan3A_776, %scan3A_777 : i32
    %scan3A_779 = arith.constant 1 : i32
    %scan3A_780 = scf.for %scan3A_915 = %scan3A_776 to %scan3A_778 step %scan3A_779 iter_args(%scan3A_916 = %scan3A_775) -> (i32)  : i32 {
      %mul3A_917 = arith.constant 16 : i32
      %mul3A_918 = arith.muli %scan3A_915, %mul3A_917 : i32
      %swap3A = arith.constant 13 : i32
      %swap3A_919 = arith.constant 6 : i32
      %swap3A_920 = arith.index_cast %swap3A : i32 to index
      %swap3A_921 = arith.index_cast %swap3A_919 : i32 to index
      %swap3A_922 = arith.index_cast %mul3A_918 : i32 to index
      %swap3A_923 = tpu.vector_load %arg10[%swap3A_920, %swap3A_921, %swap3A_922] {strides = array<i32>} : memref<16x8x432xf32, #tpu.memory_space<vmem>>, vector<16xf32>,
      tpu.vector_store %arg10[%swap3A_920, %swap3A_921, %swap3A_922], %broadcast_in_dim3A_1 {strides = array<i32>} : memref<16x8x432xf32, #tpu.memory_space<vmem>>, vector<16xf32>,
      %scan3A_924 = arith.constant 0 : i32
      scf.yield %scan3A_924 : i32
    }
    %scan3A_781 = arith.constant 27 : i32
    %scan3A_782 = arith.constant 0 : i32
    %scan3A_783 = arith.constant 0 : i32
    %scan3A_784 = arith.constant 27 : i32
    %scan3A_785 = arith.addi %scan3A_783, %scan3A_784 : i32
    %scan3A_786 = arith.constant 1 : i32
    %scan3A_787 = scf.for %scan3A_915 = %scan3A_783 to %scan3A_785 step %scan3A_786 iter_args(%scan3A_916 = %scan3A_782) -> (i32)  : i32 {
      %mul3A_917 = arith.constant 16 : i32
      %mul3A_918 = arith.muli %scan3A_915, %mul3A_917 : i32
      %swap3A = arith.constant 13 : i32
      %swap3A_919 = arith.constant 7 : i32
      %swap3A_920 = arith.index_cast %swap3A : i32 to index
      %swap3A_921 = arith.index_cast %swap3A_919 : i32 to index
      %swap3A_922 = arith.index_cast %mul3A_918 : i32 to index
      %swap3A_923 = tpu.vector_load %arg10[%swap3A_920, %swap3A_921, %swap3A_922] {strides = array<i32>} : memref<16x8x432xf32, #tpu.memory_space<vmem>>, vector<16xf32>,
      tpu.vector_store %arg10[%swap3A_920, %swap3A_921, %swap3A_922], %broadcast_in_dim3A_1 {strides = array<i32>} : memref<16x8x432xf32, #tpu.memory_space<vmem>>, vector<16xf32>,
      %scan3A_924 = arith.constant 0 : i32
      scf.yield %scan3A_924 : i32
    }
    %scan3A_788 = arith.constant 27 : i32
    %scan3A_789 = arith.constant 0 : i32
    %scan3A_790 = arith.constant 0 : i32
    %scan3A_791 = arith.constant 27 : i32
    %scan3A_792 = arith.addi %scan3A_790, %scan3A_791 : i32
    %scan3A_793 = arith.constant 1 : i32
    %scan3A_794 = scf.for %scan3A_915 = %scan3A_790 to %scan3A_792 step %scan3A_793 iter_args(%scan3A_916 = %scan3A_789) -> (i32)  : i32 {
      %mul3A_917 = arith.constant 16 : i32
      %mul3A_918 = arith.muli %scan3A_915, %mul3A_917 : i32
      %swap3A = arith.constant 14 : i32
      %swap3A_919 = arith.constant 0 : i32
      %swap3A_920 = arith.index_cast %swap3A : i32 to index
      %swap3A_921 = arith.index_cast %swap3A_919 : i32 to index
      %swap3A_922 = arith.index_cast %mul3A_918 : i32 to index
      %swap3A_923 = tpu.vector_load %arg10[%swap3A_920, %swap3A_921, %swap3A_922] {strides = array<i32>} : memref<16x8x432xf32, #tpu.memory_space<vmem>>, vector<16xf32>,
      tpu.vector_store %arg10[%swap3A_920, %swap3A_921, %swap3A_922], %broadcast_in_dim3A_1 {strides = array<i32>} : memref<16x8x432xf32, #tpu.memory_space<vmem>>, vector<16xf32>,
      %scan3A_924 = arith.constant 0 : i32
      scf.yield %scan3A_924 : i32
    }
    %scan3A_795 = arith.constant 27 : i32
    %scan3A_796 = arith.constant 0 : i32
    %scan3A_797 = arith.constant 0 : i32
    %scan3A_798 = arith.constant 27 : i32
    %scan3A_799 = arith.addi %scan3A_797, %scan3A_798 : i32
    %scan3A_800 = arith.constant 1 : i32
    %scan3A_801 = scf.for %scan3A_915 = %scan3A_797 to %scan3A_799 step %scan3A_800 iter_args(%scan3A_916 = %scan3A_796) -> (i32)  : i32 {
      %mul3A_917 = arith.constant 16 : i32
      %mul3A_918 = arith.muli %scan3A_915, %mul3A_917 : i32
      %swap3A = arith.constant 14 : i32
      %swap3A_919 = arith.constant 1 : i32
      %swap3A_920 = arith.index_cast %swap3A : i32 to index
      %swap3A_921 = arith.index_cast %swap3A_919 : i32 to index
      %swap3A_922 = arith.index_cast %mul3A_918 : i32 to index
      %swap3A_923 = tpu.vector_load %arg10[%swap3A_920, %swap3A_921, %swap3A_922] {strides = array<i32>} : memref<16x8x432xf32, #tpu.memory_space<vmem>>, vector<16xf32>,
      tpu.vector_store %arg10[%swap3A_920, %swap3A_921, %swap3A_922], %broadcast_in_dim3A_1 {strides = array<i32>} : memref<16x8x432xf32, #tpu.memory_space<vmem>>, vector<16xf32>,
      %scan3A_924 = arith.constant 0 : i32
      scf.yield %scan3A_924 : i32
    }
    %scan3A_802 = arith.constant 27 : i32
    %scan3A_803 = arith.constant 0 : i32
    %scan3A_804 = arith.constant 0 : i32
    %scan3A_805 = arith.constant 27 : i32
    %scan3A_806 = arith.addi %scan3A_804, %scan3A_805 : i32
    %scan3A_807 = arith.constant 1 : i32
    %scan3A_808 = scf.for %scan3A_915 = %scan3A_804 to %scan3A_806 step %scan3A_807 iter_args(%scan3A_916 = %scan3A_803) -> (i32)  : i32 {
      %mul3A_917 = arith.constant 16 : i32
      %mul3A_918 = arith.muli %scan3A_915, %mul3A_917 : i32
      %swap3A = arith.constant 14 : i32
      %swap3A_919 = arith.constant 2 : i32
      %swap3A_920 = arith.index_cast %swap3A : i32 to index
      %swap3A_921 = arith.index_cast %swap3A_919 : i32 to index
      %swap3A_922 = arith.index_cast %mul3A_918 : i32 to index
      %swap3A_923 = tpu.vector_load %arg10[%swap3A_920, %swap3A_921, %swap3A_922] {strides = array<i32>} : memref<16x8x432xf32, #tpu.memory_space<vmem>>, vector<16xf32>,
      tpu.vector_store %arg10[%swap3A_920, %swap3A_921, %swap3A_922], %broadcast_in_dim3A_1 {strides = array<i32>} : memref<16x8x432xf32, #tpu.memory_space<vmem>>, vector<16xf32>,
      %scan3A_924 = arith.constant 0 : i32
      scf.yield %scan3A_924 : i32
    }
    %scan3A_809 = arith.constant 27 : i32
    %scan3A_810 = arith.constant 0 : i32
    %scan3A_811 = arith.constant 0 : i32
    %scan3A_812 = arith.constant 27 : i32
    %scan3A_813 = arith.addi %scan3A_811, %scan3A_812 : i32
    %scan3A_814 = arith.constant 1 : i32
    %scan3A_815 = scf.for %scan3A_915 = %scan3A_811 to %scan3A_813 step %scan3A_814 iter_args(%scan3A_916 = %scan3A_810) -> (i32)  : i32 {
      %mul3A_917 = arith.constant 16 : i32
      %mul3A_918 = arith.muli %scan3A_915, %mul3A_917 : i32
      %swap3A = arith.constant 14 : i32
      %swap3A_919 = arith.constant 3 : i32
      %swap3A_920 = arith.index_cast %swap3A : i32 to index
      %swap3A_921 = arith.index_cast %swap3A_919 : i32 to index
      %swap3A_922 = arith.index_cast %mul3A_918 : i32 to index
      %swap3A_923 = tpu.vector_load %arg10[%swap3A_920, %swap3A_921, %swap3A_922] {strides = array<i32>} : memref<16x8x432xf32, #tpu.memory_space<vmem>>, vector<16xf32>,
      tpu.vector_store %arg10[%swap3A_920, %swap3A_921, %swap3A_922], %broadcast_in_dim3A_1 {strides = array<i32>} : memref<16x8x432xf32, #tpu.memory_space<vmem>>, vector<16xf32>,
      %scan3A_924 = arith.constant 0 : i32
      scf.yield %scan3A_924 : i32
    }
    %scan3A_816 = arith.constant 27 : i32
    %scan3A_817 = arith.constant 0 : i32
    %scan3A_818 = arith.constant 0 : i32
    %scan3A_819 = arith.constant 27 : i32
    %scan3A_820 = arith.addi %scan3A_818, %scan3A_819 : i32
    %scan3A_821 = arith.constant 1 : i32
    %scan3A_822 = scf.for %scan3A_915 = %scan3A_818 to %scan3A_820 step %scan3A_821 iter_args(%scan3A_916 = %scan3A_817) -> (i32)  : i32 {
      %mul3A_917 = arith.constant 16 : i32
      %mul3A_918 = arith.muli %scan3A_915, %mul3A_917 : i32
      %swap3A = arith.constant 14 : i32
      %swap3A_919 = arith.constant 4 : i32
      %swap3A_920 = arith.index_cast %swap3A : i32 to index
      %swap3A_921 = arith.index_cast %swap3A_919 : i32 to index
      %swap3A_922 = arith.index_cast %mul3A_918 : i32 to index
      %swap3A_923 = tpu.vector_load %arg10[%swap3A_920, %swap3A_921, %swap3A_922] {strides = array<i32>} : memref<16x8x432xf32, #tpu.memory_space<vmem>>, vector<16xf32>,
      tpu.vector_store %arg10[%swap3A_920, %swap3A_921, %swap3A_922], %broadcast_in_dim3A_1 {strides = array<i32>} : memref<16x8x432xf32, #tpu.memory_space<vmem>>, vector<16xf32>,
      %scan3A_924 = arith.constant 0 : i32
      scf.yield %scan3A_924 : i32
    }
    %scan3A_823 = arith.constant 27 : i32
    %scan3A_824 = arith.constant 0 : i32
    %scan3A_825 = arith.constant 0 : i32
    %scan3A_826 = arith.constant 27 : i32
    %scan3A_827 = arith.addi %scan3A_825, %scan3A_826 : i32
    %scan3A_828 = arith.constant 1 : i32
    %scan3A_829 = scf.for %scan3A_915 = %scan3A_825 to %scan3A_827 step %scan3A_828 iter_args(%scan3A_916 = %scan3A_824) -> (i32)  : i32 {
      %mul3A_917 = arith.constant 16 : i32
      %mul3A_918 = arith.muli %scan3A_915, %mul3A_917 : i32
      %swap3A = arith.constant 14 : i32
      %swap3A_919 = arith.constant 5 : i32
      %swap3A_920 = arith.index_cast %swap3A : i32 to index
      %swap3A_921 = arith.index_cast %swap3A_919 : i32 to index
      %swap3A_922 = arith.index_cast %mul3A_918 : i32 to index
      %swap3A_923 = tpu.vector_load %arg10[%swap3A_920, %swap3A_921, %swap3A_922] {strides = array<i32>} : memref<16x8x432xf32, #tpu.memory_space<vmem>>, vector<16xf32>,
      tpu.vector_store %arg10[%swap3A_920, %swap3A_921, %swap3A_922], %broadcast_in_dim3A_1 {strides = array<i32>} : memref<16x8x432xf32, #tpu.memory_space<vmem>>, vector<16xf32>,
      %scan3A_924 = arith.constant 0 : i32
      scf.yield %scan3A_924 : i32
    }
    %scan3A_830 = arith.constant 27 : i32
    %scan3A_831 = arith.constant 0 : i32
    %scan3A_832 = arith.constant 0 : i32
    %scan3A_833 = arith.constant 27 : i32
    %scan3A_834 = arith.addi %scan3A_832, %scan3A_833 : i32
    %scan3A_835 = arith.constant 1 : i32
    %scan3A_836 = scf.for %scan3A_915 = %scan3A_832 to %scan3A_834 step %scan3A_835 iter_args(%scan3A_916 = %scan3A_831) -> (i32)  : i32 {
      %mul3A_917 = arith.constant 16 : i32
      %mul3A_918 = arith.muli %scan3A_915, %mul3A_917 : i32
      %swap3A = arith.constant 14 : i32
      %swap3A_919 = arith.constant 6 : i32
      %swap3A_920 = arith.index_cast %swap3A : i32 to index
      %swap3A_921 = arith.index_cast %swap3A_919 : i32 to index
      %swap3A_922 = arith.index_cast %mul3A_918 : i32 to index
      %swap3A_923 = tpu.vector_load %arg10[%swap3A_920, %swap3A_921, %swap3A_922] {strides = array<i32>} : memref<16x8x432xf32, #tpu.memory_space<vmem>>, vector<16xf32>,
      tpu.vector_store %arg10[%swap3A_920, %swap3A_921, %swap3A_922], %broadcast_in_dim3A_1 {strides = array<i32>} : memref<16x8x432xf32, #tpu.memory_space<vmem>>, vector<16xf32>,
      %scan3A_924 = arith.constant 0 : i32
      scf.yield %scan3A_924 : i32
    }
    %scan3A_837 = arith.constant 27 : i32
    %scan3A_838 = arith.constant 0 : i32
    %scan3A_839 = arith.constant 0 : i32
    %scan3A_840 = arith.constant 27 : i32
    %scan3A_841 = arith.addi %scan3A_839, %scan3A_840 : i32
    %scan3A_842 = arith.constant 1 : i32
    %scan3A_843 = scf.for %scan3A_915 = %scan3A_839 to %scan3A_841 step %scan3A_842 iter_args(%scan3A_916 = %scan3A_838) -> (i32)  : i32 {
      %mul3A_917 = arith.constant 16 : i32
      %mul3A_918 = arith.muli %scan3A_915, %mul3A_917 : i32
      %swap3A = arith.constant 14 : i32
      %swap3A_919 = arith.constant 7 : i32
      %swap3A_920 = arith.index_cast %swap3A : i32 to index
      %swap3A_921 = arith.index_cast %swap3A_919 : i32 to index
      %swap3A_922 = arith.index_cast %mul3A_918 : i32 to index
      %swap3A_923 = tpu.vector_load %arg10[%swap3A_920, %swap3A_921, %swap3A_922] {strides = array<i32>} : memref<16x8x432xf32, #tpu.memory_space<vmem>>, vector<16xf32>,
      tpu.vector_store %arg10[%swap3A_920, %swap3A_921, %swap3A_922], %broadcast_in_dim3A_1 {strides = array<i32>} : memref<16x8x432xf32, #tpu.memory_space<vmem>>, vector<16xf32>,
      %scan3A_924 = arith.constant 0 : i32
      scf.yield %scan3A_924 : i32
    }
    %scan3A_844 = arith.constant 27 : i32
    %scan3A_845 = arith.constant 0 : i32
    %scan3A_846 = arith.constant 0 : i32
    %scan3A_847 = arith.constant 27 : i32
    %scan3A_848 = arith.addi %scan3A_846, %scan3A_847 : i32
    %scan3A_849 = arith.constant 1 : i32
    %scan3A_850 = scf.for %scan3A_915 = %scan3A_846 to %scan3A_848 step %scan3A_849 iter_args(%scan3A_916 = %scan3A_845) -> (i32)  : i32 {
      %mul3A_917 = arith.constant 16 : i32
      %mul3A_918 = arith.muli %scan3A_915, %mul3A_917 : i32
      %swap3A = arith.constant 15 : i32
      %swap3A_919 = arith.constant 0 : i32
      %swap3A_920 = arith.index_cast %swap3A : i32 to index
      %swap3A_921 = arith.index_cast %swap3A_919 : i32 to index
      %swap3A_922 = arith.index_cast %mul3A_918 : i32 to index
      %swap3A_923 = tpu.vector_load %arg10[%swap3A_920, %swap3A_921, %swap3A_922] {strides = array<i32>} : memref<16x8x432xf32, #tpu.memory_space<vmem>>, vector<16xf32>,
      tpu.vector_store %arg10[%swap3A_920, %swap3A_921, %swap3A_922], %broadcast_in_dim3A_1 {strides = array<i32>} : memref<16x8x432xf32, #tpu.memory_space<vmem>>, vector<16xf32>,
      %scan3A_924 = arith.constant 0 : i32
      scf.yield %scan3A_924 : i32
    }
    %scan3A_851 = arith.constant 27 : i32
    %scan3A_852 = arith.constant 0 : i32
    %scan3A_853 = arith.constant 0 : i32
    %scan3A_854 = arith.constant 27 : i32
    %scan3A_855 = arith.addi %scan3A_853, %scan3A_854 : i32
    %scan3A_856 = arith.constant 1 : i32
    %scan3A_857 = scf.for %scan3A_915 = %scan3A_853 to %scan3A_855 step %scan3A_856 iter_args(%scan3A_916 = %scan3A_852) -> (i32)  : i32 {
      %mul3A_917 = arith.constant 16 : i32
      %mul3A_918 = arith.muli %scan3A_915, %mul3A_917 : i32
      %swap3A = arith.constant 15 : i32
      %swap3A_919 = arith.constant 1 : i32
      %swap3A_920 = arith.index_cast %swap3A : i32 to index
      %swap3A_921 = arith.index_cast %swap3A_919 : i32 to index
      %swap3A_922 = arith.index_cast %mul3A_918 : i32 to index
      %swap3A_923 = tpu.vector_load %arg10[%swap3A_920, %swap3A_921, %swap3A_922] {strides = array<i32>} : memref<16x8x432xf32, #tpu.memory_space<vmem>>, vector<16xf32>,
      tpu.vector_store %arg10[%swap3A_920, %swap3A_921, %swap3A_922], %broadcast_in_dim3A_1 {strides = array<i32>} : memref<16x8x432xf32, #tpu.memory_space<vmem>>, vector<16xf32>,
      %scan3A_924 = arith.constant 0 : i32
      scf.yield %scan3A_924 : i32
    }
    %scan3A_858 = arith.constant 27 : i32
    %scan3A_859 = arith.constant 0 : i32
    %scan3A_860 = arith.constant 0 : i32
    %scan3A_861 = arith.constant 27 : i32
    %scan3A_862 = arith.addi %scan3A_860, %scan3A_861 : i32
    %scan3A_863 = arith.constant 1 : i32
    %scan3A_864 = scf.for %scan3A_915 = %scan3A_860 to %scan3A_862 step %scan3A_863 iter_args(%scan3A_916 = %scan3A_859) -> (i32)  : i32 {
      %mul3A_917 = arith.constant 16 : i32
      %mul3A_918 = arith.muli %scan3A_915, %mul3A_917 : i32
      %swap3A = arith.constant 15 : i32
      %swap3A_919 = arith.constant 2 : i32
      %swap3A_920 = arith.index_cast %swap3A : i32 to index
      %swap3A_921 = arith.index_cast %swap3A_919 : i32 to index
      %swap3A_922 = arith.index_cast %mul3A_918 : i32 to index
      %swap3A_923 = tpu.vector_load %arg10[%swap3A_920, %swap3A_921, %swap3A_922] {strides = array<i32>} : memref<16x8x432xf32, #tpu.memory_space<vmem>>, vector<16xf32>,
      tpu.vector_store %arg10[%swap3A_920, %swap3A_921, %swap3A_922], %broadcast_in_dim3A_1 {strides = array<i32>} : memref<16x8x432xf32, #tpu.memory_space<vmem>>, vector<16xf32>,
      %scan3A_924 = arith.constant 0 : i32
      scf.yield %scan3A_924 : i32
    }
    %scan3A_865 = arith.constant 27 : i32
    %scan3A_866 = arith.constant 0 : i32
    %scan3A_867 = arith.constant 0 : i32
    %scan3A_868 = arith.constant 27 : i32
    %scan3A_869 = arith.addi %scan3A_867, %scan3A_868 : i32
    %scan3A_870 = arith.constant 1 : i32
    %scan3A_871 = scf.for %scan3A_915 = %scan3A_867 to %scan3A_869 step %scan3A_870 iter_args(%scan3A_916 = %scan3A_866) -> (i32)  : i32 {
      %mul3A_917 = arith.constant 16 : i32
      %mul3A_918 = arith.muli %scan3A_915, %mul3A_917 : i32
      %swap3A = arith.constant 15 : i32
      %swap3A_919 = arith.constant 3 : i32
      %swap3A_920 = arith.index_cast %swap3A : i32 to index
      %swap3A_921 = arith.index_cast %swap3A_919 : i32 to index
      %swap3A_922 = arith.index_cast %mul3A_918 : i32 to index
      %swap3A_923 = tpu.vector_load %arg10[%swap3A_920, %swap3A_921, %swap3A_922] {strides = array<i32>} : memref<16x8x432xf32, #tpu.memory_space<vmem>>, vector<16xf32>,
      tpu.vector_store %arg10[%swap3A_920, %swap3A_921, %swap3A_922], %broadcast_in_dim3A_1 {strides = array<i32>} : memref<16x8x432xf32, #tpu.memory_space<vmem>>, vector<16xf32>,
      %scan3A_924 = arith.constant 0 : i32
      scf.yield %scan3A_924 : i32
    }
    %scan3A_872 = arith.constant 27 : i32
    %scan3A_873 = arith.constant 0 : i32
    %scan3A_874 = arith.constant 0 : i32
    %scan3A_875 = arith.constant 27 : i32
    %scan3A_876 = arith.addi %scan3A_874, %scan3A_875 : i32
    %scan3A_877 = arith.constant 1 : i32
    %scan3A_878 = scf.for %scan3A_915 = %scan3A_874 to %scan3A_876 step %scan3A_877 iter_args(%scan3A_916 = %scan3A_873) -> (i32)  : i32 {
      %mul3A_917 = arith.constant 16 : i32
      %mul3A_918 = arith.muli %scan3A_915, %mul3A_917 : i32
      %swap3A = arith.constant 15 : i32
      %swap3A_919 = arith.constant 4 : i32
      %swap3A_920 = arith.index_cast %swap3A : i32 to index
      %swap3A_921 = arith.index_cast %swap3A_919 : i32 to index
      %swap3A_922 = arith.index_cast %mul3A_918 : i32 to index
      %swap3A_923 = tpu.vector_load %arg10[%swap3A_920, %swap3A_921, %swap3A_922] {strides = array<i32>} : memref<16x8x432xf32, #tpu.memory_space<vmem>>, vector<16xf32>,
      tpu.vector_store %arg10[%swap3A_920, %swap3A_921, %swap3A_922], %broadcast_in_dim3A_1 {strides = array<i32>} : memref<16x8x432xf32, #tpu.memory_space<vmem>>, vector<16xf32>,
      %scan3A_924 = arith.constant 0 : i32
      scf.yield %scan3A_924 : i32
    }
    %scan3A_879 = arith.constant 27 : i32
    %scan3A_880 = arith.constant 0 : i32
    %scan3A_881 = arith.constant 0 : i32
    %scan3A_882 = arith.constant 27 : i32
    %scan3A_883 = arith.addi %scan3A_881, %scan3A_882 : i32
    %scan3A_884 = arith.constant 1 : i32
    %scan3A_885 = scf.for %scan3A_915 = %scan3A_881 to %scan3A_883 step %scan3A_884 iter_args(%scan3A_916 = %scan3A_880) -> (i32)  : i32 {
      %mul3A_917 = arith.constant 16 : i32
      %mul3A_918 = arith.muli %scan3A_915, %mul3A_917 : i32
      %swap3A = arith.constant 15 : i32
      %swap3A_919 = arith.constant 5 : i32
      %swap3A_920 = arith.index_cast %swap3A : i32 to index
      %swap3A_921 = arith.index_cast %swap3A_919 : i32 to index
      %swap3A_922 = arith.index_cast %mul3A_918 : i32 to index
      %swap3A_923 = tpu.vector_load %arg10[%swap3A_920, %swap3A_921, %swap3A_922] {strides = array<i32>} : memref<16x8x432xf32, #tpu.memory_space<vmem>>, vector<16xf32>,
      tpu.vector_store %arg10[%swap3A_920, %swap3A_921, %swap3A_922], %broadcast_in_dim3A_1 {strides = array<i32>} : memref<16x8x432xf32, #tpu.memory_space<vmem>>, vector<16xf32>,
      %scan3A_924 = arith.constant 0 : i32
      scf.yield %scan3A_924 : i32
    }
    %scan3A_886 = arith.constant 27 : i32
    %scan3A_887 = arith.constant 0 : i32
    %scan3A_888 = arith.constant 0 : i32
    %scan3A_889 = arith.constant 27 : i32
    %scan3A_890 = arith.addi %scan3A_888, %scan3A_889 : i32
    %scan3A_891 = arith.constant 1 : i32
    %scan3A_892 = scf.for %scan3A_915 = %scan3A_888 to %scan3A_890 step %scan3A_891 iter_args(%scan3A_916 = %scan3A_887) -> (i32)  : i32 {
      %mul3A_917 = arith.constant 16 : i32
      %mul3A_918 = arith.muli %scan3A_915, %mul3A_917 : i32
      %swap3A = arith.constant 15 : i32
      %swap3A_919 = arith.constant 6 : i32
      %swap3A_920 = arith.index_cast %swap3A : i32 to index
      %swap3A_921 = arith.index_cast %swap3A_919 : i32 to index
      %swap3A_922 = arith.index_cast %mul3A_918 : i32 to index
      %swap3A_923 = tpu.vector_load %arg10[%swap3A_920, %swap3A_921, %swap3A_922] {strides = array<i32>} : memref<16x8x432xf32, #tpu.memory_space<vmem>>, vector<16xf32>,
      tpu.vector_store %arg10[%swap3A_920, %swap3A_921, %swap3A_922], %broadcast_in_dim3A_1 {strides = array<i32>} : memref<16x8x432xf32, #tpu.memory_space<vmem>>, vector<16xf32>,
      %scan3A_924 = arith.constant 0 : i32
      scf.yield %scan3A_924 : i32
    }
    %scan3A_893 = arith.constant 27 : i32
    %scan3A_894 = arith.constant 0 : i32
    %scan3A_895 = arith.constant 0 : i32
    %scan3A_896 = arith.constant 27 : i32
    %scan3A_897 = arith.addi %scan3A_895, %scan3A_896 : i32
    %scan3A_898 = arith.constant 1 : i32
    %scan3A_899 = scf.for %scan3A_915 = %scan3A_895 to %scan3A_897 step %scan3A_898 iter_args(%scan3A_916 = %scan3A_894) -> (i32)  : i32 {
      %mul3A_917 = arith.constant 16 : i32
      %mul3A_918 = arith.muli %scan3A_915, %mul3A_917 : i32
      %swap3A = arith.constant 15 : i32
      %swap3A_919 = arith.constant 7 : i32
      %swap3A_920 = arith.index_cast %swap3A : i32 to index
      %swap3A_921 = arith.index_cast %swap3A_919 : i32 to index
      %swap3A_922 = arith.index_cast %mul3A_918 : i32 to index
      %swap3A_923 = tpu.vector_load %arg10[%swap3A_920, %swap3A_921, %swap3A_922] {strides = array<i32>} : memref<16x8x432xf32, #tpu.memory_space<vmem>>, vector<16xf32>,
      tpu.vector_store %arg10[%swap3A_920, %swap3A_921, %swap3A_922], %broadcast_in_dim3A_1 {strides = array<i32>} : memref<16x8x432xf32, #tpu.memory_space<vmem>>, vector<16xf32>,
      %scan3A_924 = arith.constant 0 : i32
      scf.yield %scan3A_924 : i32
    }
    %scan3A_900 = arith.constant 27 : i32
    %scan3A_901 = arith.constant 0 : i32
    %scan3A_902 = arith.constant 0 : i32
    %scan3A_903 = arith.constant 4 : i32
    %scan3A_904 = arith.addi %scan3A_902, %scan3A_903 : i32
    %scan3A_905 = arith.constant 1 : i32
    %scan3A_906 = scf.for %scan3A_915 = %scan3A_902 to %scan3A_904 step %scan3A_905 iter_args(%scan3A_916 = %scan3A_901) -> (i32)  : i32 {
      %mul3A_917 = arith.constant 4000 : i32
      %mul3A_918 = arith.muli %scan3A_915, %mul3A_917 : i32
      "tpu.region"() ({
        %run_scoped3A = tpu.sem_alloc : memref<!tpu.dma_semaphore, #tpu.memory_space<semaphore_mem>>
        %dma_start3A = tpu.memref_slice %arg3[%mul3A_918] : memref<16000xi32, #tpu.memory_space<hbm>> -> memref<4000xi32, #tpu.memory_space<hbm>>
        %dma_start3A_925 = tpu.memref_slice %arg3[%mul3A_918] : memref<16000xi32, #tpu.memory_space<hbm>> -> memref<4000xi32, #tpu.memory_space<hbm>>
        tpu.enqueue_dma source(%dma_start3A_925 : memref<4000xi32, #tpu.memory_space<hbm>>) target(%arg5 : memref<4000xi32, #tpu.memory_space<vmem>>) target_semaphore(%run_scoped3A : memref<!tpu.dma_semaphore, #tpu.memory_space<semaphore_mem>>)
        %dma_wait3A = tpu.memref_slice %arg3[%mul3A_918] : memref<16000xi32, #tpu.memory_space<hbm>> -> memref<4000xi32, #tpu.memory_space<hbm>>
        %dma_wait3A_926 = tpu.memref_slice %arg3[%mul3A_918] : memref<16000xi32, #tpu.memory_space<hbm>> -> memref<4000xi32, #tpu.memory_space<hbm>>
        tpu.wait_dma2 semaphore(%run_scoped3A : memref<!tpu.dma_semaphore, #tpu.memory_space<semaphore_mem>>) src(%dma_wait3A_926 : memref<4000xi32, #tpu.memory_space<hbm>>) dst(%arg5 : memref<4000xi32, #tpu.memory_space<vmem>>)
        tpu.yield
      }) : () -> ()
      %scan3A_919 = arith.constant 0 : i32
      %scan3A_920 = arith.constant 250 : i32
      %scan3A_921 = arith.addi %scan3A_919, %scan3A_920 : i32
      %scan3A_922 = arith.constant 1 : i32
      %scan3A_923 = scf.for %scan3A_925 = %scan3A_919 to %scan3A_921 step %scan3A_922 iter_args(%scan3A_926 = %scan3A_916) -> (i32)  : i32 {
        %mul3A_927 = arith.constant 16 : i32
        %mul3A_928 = arith.muli %scan3A_925, %mul3A_927 : i32
        %get3A = arith.index_cast %mul3A_928 : i32 to index
        %get3A_929 = tpu.vector_load %arg5[%get3A] {strides = array<i32>} : memref<4000xi32, #tpu.memory_space<vmem>>, vector<16xi32>,
        %sub3A = vector.broadcast %mul3A_5 : i32 to vector<16xi32>
        %sub3A_930 = arith.subi %get3A_929, %sub3A : vector<16xi32>
        %ge3A = arith.constant 0 : i32
        %ge3A_931 = vector.broadcast %ge3A : i32 to vector<16xi32>
        %ge3A_932 = arith.cmpi sge, %sub3A_930, %ge3A_931 : vector<16xi32>
        %lt3A = arith.constant 13824 : i32
        %lt3A_933 = vector.broadcast %lt3A : i32 to vector<16xi32>
        %lt3A_934 = arith.cmpi slt, %sub3A_930, %lt3A_933 : vector<16xi32>
        %and3A = arith.andi %ge3A_932, %lt3A_934 : vector<16xi1>
        %mul3A_935 = arith.constant 4000 : i32
        %mul3A_936 = arith.muli %scan3A_915, %mul3A_935 : i32
        %mul3A_937 = arith.constant 16 : i32
        %mul3A_938 = arith.muli %scan3A_925, %mul3A_937 : i32
        %add3A_939 = arith.addi %mul3A_936, %mul3A_938 : i32
        %add3A_940 = vector.broadcast %add3A_939 : i32 to vector<16xi32>
        %add3A_941 = arith.addi %add3A_940, %iota3A : vector<16xi32>
        %convert_element_type3A = arith.extui %and3A : vector<16xi1> to vector<16xi32>
        %sub3A_942 = arith.constant 1 : i32
        %sub3A_943 = arith.subi %scan3A_926, %sub3A_942 : i32
        %broadcast_in_dim3A_944 = arith.constant true
        %broadcast_in_dim3A_945 = vector.broadcast %broadcast_in_dim3A_944 : i1 to vector<16xi1>
        %masked_cumsum3A = tpu.scan <sum>, %convert_element_type3A masked %broadcast_in_dim3A_945 : vector<16xi32>, vector<16xi1> -> vector<16xi32>
        %add3A_946 = vector.broadcast %sub3A_943 : i32 to vector<16xi32>
        %add3A_947 = arith.addi %add3A_946, %masked_cumsum3A : vector<16xi32>
        %mul3A_948 = arith.constant 16384 : i32
        %mul3A_949 = vector.broadcast %mul3A_948 : i32 to vector<16xi32>
        %mul3A_950 = arith.muli %add3A_941, %mul3A_949 : vector<16xi32>
        %add3A_951 = arith.addi %mul3A_950, %sub3A_930 : vector<16xi32>
        tpu.vector_store_idx %arg6[%add3A_947], %add3A_951 masked %and3A : memref<16128xi32, #tpu.memory_space<vmem>>[vector<16xi32>], vector<16xi32>, vector<16xi1>
        %reduce_sum3A = arith.constant true
        %reduce_sum3A_952 = vector.broadcast %reduce_sum3A : i1 to vector<16xi1>
        %reduce_sum3A_953 = tpu.scan <sum>, %convert_element_type3A masked %reduce_sum3A_952 : vector<16xi32>, vector<16xi1> -> vector<16xi32>
        %reduce_sum3A_954 = vector.extract %reduce_sum3A_953[15] : i32 from vector<16xi32>
        %add3A_955 = arith.addi %scan3A_926, %reduce_sum3A_954 : i32
        scf.yield %add3A_955 : i32
      }
      %scan3A_924 = arith.constant 250 : i32
      scf.yield %scan3A_923 : i32
    }
    %scan3A_907 = arith.constant 4 : i32
    %scan3A_908 = arith.constant 0 : i32
    %scan3A_909 = arith.constant 0 : i32
    %scan3A_910 = arith.constant 4 : i32
    %scan3A_911 = arith.addi %scan3A_909, %scan3A_910 : i32
    %scan3A_912 = arith.constant 1 : i32
    %scan3A_913 = scf.for %scan3A_915 = %scan3A_909 to %scan3A_911 step %scan3A_912 iter_args(%scan3A_916 = %scan3A_908) -> (i32)  : i32 {
      %mul3A_917 = arith.constant 4 : i32
      %mul3A_918 = arith.muli %add3A, %mul3A_917 : i32
      %add3A_919 = arith.addi %mul3A_918, %scan3A_915 : i32
      %jit3A = arith.constant 62 : i32
      %div3A = arith.divsi %add3A_919, %jit3A : i32
      %sign3A = arith.constant 0 : i32
      %sign3A_920 = arith.cmpi sgt, %add3A_919, %sign3A : i32
      %sign3A_921 = arith.extui %sign3A_920 : i1 to i32
      %sign3A_922 = arith.constant 0 : i32
      %sign3A_923 = arith.cmpi slt, %add3A_919, %sign3A_922 : i32
      %sign3A_924 = arith.extui %sign3A_923 : i1 to i32
      %sign3A_925 = arith.subi %sign3A_921, %sign3A_924 : i32
      %sign3A_926 = arith.constant 0 : i32
      %sign3A_927 = arith.cmpi sgt, %jit3A, %sign3A_926 : i32
      %sign3A_928 = arith.extui %sign3A_927 : i1 to i32
      %sign3A_929 = arith.constant 0 : i32
      %sign3A_930 = arith.cmpi slt, %jit3A, %sign3A_929 : i32
      %sign3A_931 = arith.extui %sign3A_930 : i1 to i32
      %sign3A_932 = arith.subi %sign3A_928, %sign3A_931 : i32
      %ne3A = arith.cmpi ne, %sign3A_925, %sign3A_932 : i32
      %rem3A = arith.remsi %add3A_919, %jit3A : i32
      %ne3A_933 = arith.constant 0 : i32
      %ne3A_934 = arith.cmpi ne, %rem3A, %ne3A_933 : i32
      %and3A = arith.andi %ne3A, %ne3A_934 : i1
      %sub3A = arith.constant 1 : i32
      %sub3A_935 = arith.subi %div3A, %sub3A : i32
      %select_n3A = arith.select %and3A, %sub3A_935, %div3A : i32
      %jit3A_936 = arith.constant 62 : i32
      %eq3A = arith.constant 0 : i32
      %eq3A_937 = arith.cmpi eq, %jit3A_936, %eq3A : i32
      %jit3A_938 = arith.constant 1 : i32
      %select_n3A_939 = arith.select %eq3A_937, %jit3A_938, %jit3A_936 : i32
      %rem3A_940 = arith.remsi %add3A_919, %select_n3A_939 : i32
      %ne3A_941 = arith.constant 0 : i32
      %ne3A_942 = arith.cmpi ne, %rem3A_940, %ne3A_941 : i32
      %lt3A = arith.constant 0 : i32
      %lt3A_943 = arith.cmpi slt, %rem3A_940, %lt3A : i32
      %lt3A_944 = arith.constant 0 : i32
      %lt3A_945 = arith.cmpi slt, %select_n3A_939, %lt3A_944 : i32
      %ne3A_946 = arith.xori %lt3A_943, %lt3A_945 : i1
      %and3A_947 = arith.andi %ne3A_946, %ne3A_942 : i1
      %add3A_948 = arith.addi %rem3A_940, %select_n3A_939 : i32
      %select_n3A_949 = arith.select %and3A_947, %add3A_948, %rem3A_940 : i32
      %mul3A_950 = arith.constant 3456 : i32
      %mul3A_951 = arith.muli %scan3A_915, %mul3A_950 : i32
      %add3A_952 = arith.constant 15 : i32
      %add3A_953 = arith.addi %scan3A_906, %add3A_952 : i32
      %div3A_954 = arith.constant 16 : i32
      %div3A_955 = arith.divsi %add3A_953, %div3A_954 : i32
      %while3A = arith.constant 0 : i32
      %while3A_956 = arith.constant 0 : i32
      %while3A_957 = arith.subi %div3A_955, %while3A : i32
      %while3A_958 = arith.addi %while3A, %while3A_957 : i32
      %while3A_959 = arith.constant 1 : i32
      %while3A_960 = arith.divsi %while3A_957, %while3A_959 : i32
      %while3A_961 = arith.muli %while3A_960, %while3A_959 : i32
      %while3A_962 = arith.addi %while3A, %while3A_961 : i32
      %while3A_963 = arith.constant 1 : i32
      %while3A_964 = scf.for %while3A_1015 = %while3A to %while3A_962 step %while3A_963 iter_args(%while3A_1016 = %while3A_956) -> (i32)  : i32 {
        %mul3A_1017 = arith.constant 16 : i32
        %mul3A_1018 = arith.muli %while3A_1015, %mul3A_1017 : i32
        %get3A = arith.index_cast %mul3A_1018 : i32 to index
        %get3A_1019 = tpu.vector_load %arg6[%get3A] {strides = array<i32>} : memref<16128xi32, #tpu.memory_space<vmem>>, vector<16xi32>,
        %and3A_1020 = arith.constant 16383 : i32
        %and3A_1021 = vector.broadcast %and3A_1020 : i32 to vector<16xi32>
        %and3A_1022 = arith.andi %get3A_1019, %and3A_1021 : vector<16xi32>
        %ge3A = vector.broadcast %mul3A_951 : i32 to vector<16xi32>
        %ge3A_1023 = arith.cmpi sge, %and3A_1022, %ge3A : vector<16xi32>
        %add3A_1024 = arith.constant 3456 : i32
        %add3A_1025 = arith.addi %mul3A_951, %add3A_1024 : i32
        %lt3A_1026 = vector.broadcast %add3A_1025 : i32 to vector<16xi32>
        %lt3A_1027 = arith.cmpi slt, %and3A_1022, %lt3A_1026 : vector<16xi32>
        %and3A_1028 = arith.andi %ge3A_1023, %lt3A_1027 : vector<16xi1>
        %mul3A_1029 = arith.constant 16 : i32
        %mul3A_1030 = arith.muli %while3A_1015, %mul3A_1029 : i32
        %add3A_1031 = vector.broadcast %mul3A_1030 : i32 to vector<16xi32>
        %add3A_1032 = arith.addi %add3A_1031, %iota3A : vector<16xi32>
        %lt3A_1033 = vector.broadcast %scan3A_906 : i32 to vector<16xi32>
        %lt3A_1034 = arith.cmpi slt, %add3A_1032, %lt3A_1033 : vector<16xi32>
        %and3A_1035 = arith.andi %and3A_1028, %lt3A_1034 : vector<16xi1>
        %convert_element_type3A = arith.extui %and3A_1035 : vector<16xi1> to vector<16xi32>
        %sub3A_1036 = arith.constant 1 : i32
        %sub3A_1037 = arith.subi %while3A_1016, %sub3A_1036 : i32
        %broadcast_in_dim3A_1038 = arith.constant true
        %broadcast_in_dim3A_1039 = vector.broadcast %broadcast_in_dim3A_1038 : i1 to vector<16xi1>
        %masked_cumsum3A = tpu.scan <sum>, %convert_element_type3A masked %broadcast_in_dim3A_1039 : vector<16xi32>, vector<16xi1> -> vector<16xi32>
        %add3A_1040 = vector.broadcast %sub3A_1037 : i32 to vector<16xi32>
        %add3A_1041 = arith.addi %add3A_1040, %masked_cumsum3A : vector<16xi32>
        %mul3A_1042 = arith.constant 16 : i32
        %mul3A_1043 = arith.muli %while3A_1015, %mul3A_1042 : i32
        %add3A_1044 = vector.broadcast %mul3A_1043 : i32 to vector<16xi32>
        %add3A_1045 = arith.addi %add3A_1044, %iota3A : vector<16xi32>
        tpu.vector_store_idx %arg7[%add3A_1041], %add3A_1045 masked %and3A_1035 : memref<16128xi32, #tpu.memory_space<vmem>>[vector<16xi32>], vector<16xi32>, vector<16xi1>
        %reduce_sum3A = arith.constant true
        %reduce_sum3A_1046 = vector.broadcast %reduce_sum3A : i1 to vector<16xi1>
        %reduce_sum3A_1047 = tpu.scan <sum>, %convert_element_type3A masked %reduce_sum3A_1046 : vector<16xi32>, vector<16xi1> -> vector<16xi32>
        %reduce_sum3A_1048 = vector.extract %reduce_sum3A_1047[15] : i32 from vector<16xi32>
        %add3A_1049 = arith.addi %while3A_1016, %reduce_sum3A_1048 : i32
        scf.yield %add3A_1049 : i32
      }
      %while3A_965 = arith.constant 1 : i32
      %while3A_966 = scf.for %while3A_1015 = %while3A_962 to %while3A_958 step %while3A_965 iter_args(%while3A_1016 = %while3A_964) -> (i32)  : i32 {
        %mul3A_1017 = arith.constant 16 : i32
        %mul3A_1018 = arith.muli %while3A_1015, %mul3A_1017 : i32
        %get3A = arith.index_cast %mul3A_1018 : i32 to index
        %get3A_1019 = tpu.vector_load %arg6[%get3A] {strides = array<i32>} : memref<16128xi32, #tpu.memory_space<vmem>>, vector<16xi32>,
        %and3A_1020 = arith.constant 16383 : i32
        %and3A_1021 = vector.broadcast %and3A_1020 : i32 to vector<16xi32>
        %and3A_1022 = arith.andi %get3A_1019, %and3A_1021 : vector<16xi32>
        %ge3A = vector.broadcast %mul3A_951 : i32 to vector<16xi32>
        %ge3A_1023 = arith.cmpi sge, %and3A_1022, %ge3A : vector<16xi32>
        %add3A_1024 = arith.constant 3456 : i32
        %add3A_1025 = arith.addi %mul3A_951, %add3A_1024 : i32
        %lt3A_1026 = vector.broadcast %add3A_1025 : i32 to vector<16xi32>
        %lt3A_1027 = arith.cmpi slt, %and3A_1022, %lt3A_1026 : vector<16xi32>
        %and3A_1028 = arith.andi %ge3A_1023, %lt3A_1027 : vector<16xi1>
        %mul3A_1029 = arith.constant 16 : i32
        %mul3A_1030 = arith.muli %while3A_1015, %mul3A_1029 : i32
        %add3A_1031 = vector.broadcast %mul3A_1030 : i32 to vector<16xi32>
        %add3A_1032 = arith.addi %add3A_1031, %iota3A : vector<16xi32>
        %lt3A_1033 = vector.broadcast %scan3A_906 : i32 to vector<16xi32>
        %lt3A_1034 = arith.cmpi slt, %add3A_1032, %lt3A_1033 : vector<16xi32>
        %and3A_1035 = arith.andi %and3A_1028, %lt3A_1034 : vector<16xi1>
        %convert_element_type3A = arith.extui %and3A_1035 : vector<16xi1> to vector<16xi32>
        %sub3A_1036 = arith.constant 1 : i32
        %sub3A_1037 = arith.subi %while3A_1016, %sub3A_1036 : i32
        %broadcast_in_dim3A_1038 = arith.constant true
        %broadcast_in_dim3A_1039 = vector.broadcast %broadcast_in_dim3A_1038 : i1 to vector<16xi1>
        %masked_cumsum3A = tpu.scan <sum>, %convert_element_type3A masked %broadcast_in_dim3A_1039 : vector<16xi32>, vector<16xi1> -> vector<16xi32>
        %add3A_1040 = vector.broadcast %sub3A_1037 : i32 to vector<16xi32>
        %add3A_1041 = arith.addi %add3A_1040, %masked_cumsum3A : vector<16xi32>
        %mul3A_1042 = arith.constant 16 : i32
        %mul3A_1043 = arith.muli %while3A_1015, %mul3A_1042 : i32
        %add3A_1044 = vector.broadcast %mul3A_1043 : i32 to vector<16xi32>
        %add3A_1045 = arith.addi %add3A_1044, %iota3A : vector<16xi32>
        tpu.vector_store_idx %arg7[%add3A_1041], %add3A_1045 masked %and3A_1035 : memref<16128xi32, #tpu.memory_space<vmem>>[vector<16xi32>], vector<16xi32>, vector<16xi1>
        %reduce_sum3A = arith.constant true
        %reduce_sum3A_1046 = vector.broadcast %reduce_sum3A : i1 to vector<16xi1>
        %reduce_sum3A_1047 = tpu.scan <sum>, %convert_element_type3A masked %reduce_sum3A_1046 : vector<16xi32>, vector<16xi1> -> vector<16xi32>
        %reduce_sum3A_1048 = vector.extract %reduce_sum3A_1047[15] : i32 from vector<16xi32>
        %add3A_1049 = arith.addi %while3A_1016, %reduce_sum3A_1048 : i32
        scf.yield %add3A_1049 : i32
      }
      %add3A_967 = arith.constant 192 : i32
      %add3A_968 = arith.addi %while3A_966, %add3A_967 : i32
      %sub3A_969 = arith.constant 1 : i32
      %sub3A_970 = arith.subi %add3A_968, %sub3A_969 : i32
      %jit3A_971 = arith.constant 192 : i32
      %div3A_972 = arith.divsi %sub3A_970, %jit3A_971 : i32
      %sign3A_973 = arith.constant 0 : i32
      %sign3A_974 = arith.cmpi sgt, %sub3A_970, %sign3A_973 : i32
      %sign3A_975 = arith.extui %sign3A_974 : i1 to i32
      %sign3A_976 = arith.constant 0 : i32
      %sign3A_977 = arith.cmpi slt, %sub3A_970, %sign3A_976 : i32
      %sign3A_978 = arith.extui %sign3A_977 : i1 to i32
      %sign3A_979 = arith.subi %sign3A_975, %sign3A_978 : i32
      %sign3A_980 = arith.constant 0 : i32
      %sign3A_981 = arith.cmpi sgt, %jit3A_971, %sign3A_980 : i32
      %sign3A_982 = arith.extui %sign3A_981 : i1 to i32
      %sign3A_983 = arith.constant 0 : i32
      %sign3A_984 = arith.cmpi slt, %jit3A_971, %sign3A_983 : i32
      %sign3A_985 = arith.extui %sign3A_984 : i1 to i32
      %sign3A_986 = arith.subi %sign3A_982, %sign3A_985 : i32
      %ne3A_987 = arith.cmpi ne, %sign3A_979, %sign3A_986 : i32
      %rem3A_988 = arith.remsi %sub3A_970, %jit3A_971 : i32
      %ne3A_989 = arith.constant 0 : i32
      %ne3A_990 = arith.cmpi ne, %rem3A_988, %ne3A_989 : i32
      %and3A_991 = arith.andi %ne3A_987, %ne3A_990 : i1
      %sub3A_992 = arith.constant 1 : i32
      %sub3A_993 = arith.subi %div3A_972, %sub3A_992 : i32
      %select_n3A_994 = arith.select %and3A_991, %sub3A_993, %div3A_972 : i32
      %scan3A_995 = arith.constant 0 : i32
      %scan3A_996 = arith.constant 0 : i32
      %scan3A_997 = arith.constant 4 : i32
      %scan3A_998 = arith.addi %scan3A_996, %scan3A_997 : i32
      %scan3A_999 = arith.constant 1 : i32
      %scan3A_1000 = scf.for %scan3A_1015 = %scan3A_996 to %scan3A_998 step %scan3A_999 iter_args(%scan3A_1016 = %scan3A_995) -> (i32)  : i32 {
        %while3A_1017 = arith.constant 0 : i32
        %while3A_1018 = arith.constant 0 : i32
        %while3A_1019 = arith.subi %select_n3A_994, %while3A_1017 : i32
        %while3A_1020 = arith.addi %while3A_1017, %while3A_1019 : i32
        %while3A_1021 = arith.constant 1 : i32
        %while3A_1022 = arith.divsi %while3A_1019, %while3A_1021 : i32
        %while3A_1023 = arith.muli %while3A_1022, %while3A_1021 : i32
        %while3A_1024 = arith.addi %while3A_1017, %while3A_1023 : i32
        %while3A_1025 = arith.constant 1 : i32
        %while3A_1026 = scf.for %while3A_1034 = %while3A_1017 to %while3A_1024 step %while3A_1025 iter_args(%while3A_1035 = %while3A_1018) -> (i32)  : i32 {
          %mul3A_1036 = arith.constant 192 : i32
          %mul3A_1037 = arith.muli %while3A_1034, %mul3A_1036 : i32
          %sub3A_1038 = arith.subi %while3A_966, %mul3A_1037 : i32
          %min3A = arith.constant 192 : i32
          %min3A_1039 = arith.minsi %min3A, %sub3A_1038 : i32
          %eq3A_1040 = arith.constant 0 : i32
          %eq3A_1041 = arith.cmpi eq, %scan3A_1015, %eq3A_1040 : i32
          %gt3A = arith.constant 1 : i32
          %gt3A_1042 = arith.cmpi sgt, %select_n3A_994, %gt3A : i32
          %or3A = arith.ori %eq3A_1041, %gt3A_1042 : i1
          %convert_element_type3A = arith.extui %or3A : i1 to i32
          %cond3A = arith.constant 0 : i32
          %cond3A_1043 = arith.cmpi ne, %convert_element_type3A, %cond3A : i32
          scf.if %cond3A_1043 {
            %scan3A_1057 = arith.constant 0 : i32
            %scan3A_1058 = arith.constant 0 : i32
            %scan3A_1059 = arith.constant 12 : i32
            %scan3A_1060 = arith.addi %scan3A_1058, %scan3A_1059 : i32
            %scan3A_1061 = arith.constant 1 : i32
            %scan3A_1062 = scf.for %scan3A_1068 = %scan3A_1058 to %scan3A_1060 step %scan3A_1061 iter_args(%scan3A_1069 = %scan3A_1057) -> (i32)  : i32 {
              %mul3A_1070 = arith.constant 16 : i32
              %mul3A_1071 = arith.muli %scan3A_1068, %mul3A_1070 : i32
              %add3A_1072 = arith.addi %mul3A_1037, %mul3A_1071 : i32
              %get3A = arith.index_cast %add3A_1072 : i32 to index
              %get3A_1073 = tpu.vector_load %arg7[%get3A] {strides = array<i32>} : memref<16128xi32, #tpu.memory_space<vmem>>, vector<16xi32>,
              %max3A = arith.constant 0 : i32
              %max3A_1074 = vector.broadcast %max3A : i32 to vector<16xi32>
              %max3A_1075 = arith.maxsi %get3A_1073, %max3A_1074 : vector<16xi32>
              %min3A_1076 = arith.constant 16127 : i32
              %min3A_1077 = vector.broadcast %min3A_1076 : i32 to vector<16xi32>
              %min3A_1078 = arith.minsi %max3A_1075, %min3A_1077 : vector<16xi32>
              %gather3A = tpu.vector_load_idx %arg6[%min3A_1078] : memref<16128xi32, #tpu.memory_space<vmem>>[vector<16xi32>], vector<16xi32>,
              %shift_right_arithmetic3A = arith.constant 14 : i32
              %shift_right_arithmetic3A_1079 = vector.broadcast %shift_right_arithmetic3A : i32 to vector<16xi32>
              %shift_right_arithmetic3A_1080 = arith.shrsi %gather3A, %shift_right_arithmetic3A_1079 : vector<16xi32>
              %max3A_1081 = arith.constant 0 : i32
              %max3A_1082 = vector.broadcast %max3A_1081 : i32 to vector<16xi32>
              %max3A_1083 = arith.maxsi %shift_right_arithmetic3A_1080, %max3A_1082 : vector<16xi32>
              %min3A_1084 = arith.constant 15999 : i32
              %min3A_1085 = vector.broadcast %min3A_1084 : i32 to vector<16xi32>
              %min3A_1086 = arith.minsi %max3A_1083, %min3A_1085 : vector<16xi32>
              %mul3A_1087 = arith.constant 16 : i32
              %mul3A_1088 = arith.muli %scan3A_1068, %mul3A_1087 : i32
              %swap3A = arith.index_cast %mul3A_1088 : i32 to index
              %swap3A_1089 = tpu.vector_load %arg8[%swap3A] {strides = array<i32>} : memref<192xi32, #tpu.memory_space<vmem>>, vector<16xi32>,
              tpu.vector_store %arg8[%swap3A], %min3A_1086 {strides = array<i32>} : memref<192xi32, #tpu.memory_space<vmem>>, vector<16xi32>,
              %scan3A_1090 = arith.constant 0 : i32
              scf.yield %scan3A_1090 : i32
            }
            %scan3A_1063 = arith.constant 12 : i32
            %dma_start3A = arith.constant 0 : i32
            %dma_start3A_1064 = arith.constant 0 : i32
            %dma_start3A_1065 = tpu.memref_slice %arg2[%dma_start3A, %dma_start3A_1064] : memref<16000x128xf32, #tpu.memory_space<hbm>> -> memref<16000x128xf32, #tpu.memory_space<hbm>>
            tpu.enqueue_indirect_dma source(%dma_start3A_1065 : memref<16000x128xf32, #tpu.memory_space<hbm>>) target(%arg9 : memref<192x128xf32, #tpu.memory_space<vmem>>) offsets(%arg8 : memref<192xi32, #tpu.memory_space<vmem>>) semaphore(%arg11 : memref<!tpu.dma_semaphore, #tpu.memory_space<semaphore_mem>>)
            %dma_wait3A = arith.constant 0 : i32
            %dma_wait3A_1066 = arith.constant 0 : i32
            %dma_wait3A_1067 = tpu.memref_slice %arg2[%dma_wait3A, %dma_wait3A_1066] : memref<16000x128xf32, #tpu.memory_space<hbm>> -> memref<16000x128xf32, #tpu.memory_space<hbm>>
            tpu.wait_indirect_dma semaphore(%arg11 : memref<!tpu.dma_semaphore, #tpu.memory_space<semaphore_mem>>) src(%dma_wait3A_1067 : memref<16000x128xf32, #tpu.memory_space<hbm>>) dst(%arg9 : memref<192x128xf32, #tpu.memory_space<vmem>>)
          } else {
          }
          %while3A_1044 = arith.constant 0 : i32
          %while3A_1045 = arith.constant 0 : i32
          %while3A_1046 = arith.subi %min3A_1039, %while3A_1044 : i32
          %while3A_1047 = arith.addi %while3A_1044, %while3A_1046 : i32
          %while3A_1048 = arith.constant 1 : i32
          %while3A_1049 = arith.divsi %while3A_1046, %while3A_1048 : i32
          %while3A_1050 = arith.muli %while3A_1049, %while3A_1048 : i32
          %while3A_1051 = arith.addi %while3A_1044, %while3A_1050 : i32
          %while3A_1052 = arith.constant 1 : i32
          %while3A_1053 = scf.for %while3A_1057 = %while3A_1044 to %while3A_1051 step %while3A_1052 iter_args(%while3A_1058 = %while3A_1045) -> (i32)  : i32 {
            %add3A_1059 = arith.addi %mul3A_1037, %while3A_1057 : i32
            %broadcast_in_dim3A_1060 = vector.broadcast %add3A_1059 : i32 to vector<16xi32>
            %gather3A = tpu.vector_load_idx %arg7[%broadcast_in_dim3A_1060] : memref<16128xi32, #tpu.memory_space<vmem>>[vector<16xi32>], vector<16xi32>,
            %gather3A_1061 = tpu.vector_load_idx %arg6[%gather3A] : memref<16128xi32, #tpu.memory_space<vmem>>[vector<16xi32>], vector<16xi32>,
            %and3A_1062 = arith.constant 16383 : i32
            %and3A_1063 = vector.broadcast %and3A_1062 : i32 to vector<16xi32>
            %and3A_1064 = arith.andi %gather3A_1061, %and3A_1063 : vector<16xi32>
            %sub3A_1065 = vector.broadcast %mul3A_951 : i32 to vector<16xi32>
            %sub3A_1066 = arith.subi %and3A_1064, %sub3A_1065 : vector<16xi32>
            %jit3A_1067 = arith.constant 432 : i32
            %div3A_1068 = vector.broadcast %jit3A_1067 : i32 to vector<16xi32>
            %div3A_1069 = arith.divsi %sub3A_1066, %div3A_1068 : vector<16xi32>
            %sign3A_1070 = arith.constant 0 : i32
            %sign3A_1071 = vector.broadcast %sign3A_1070 : i32 to vector<16xi32>
            %sign3A_1072 = arith.cmpi sgt, %sub3A_1066, %sign3A_1071 : vector<16xi32>
            %sign3A_1073 = arith.extui %sign3A_1072 : vector<16xi1> to vector<16xi32>
            %sign3A_1074 = arith.constant 0 : i32
            %sign3A_1075 = vector.broadcast %sign3A_1074 : i32 to vector<16xi32>
            %sign3A_1076 = arith.cmpi slt, %sub3A_1066, %sign3A_1075 : vector<16xi32>
            %sign3A_1077 = arith.extui %sign3A_1076 : vector<16xi1> to vector<16xi32>
            %sign3A_1078 = arith.subi %sign3A_1073, %sign3A_1077 : vector<16xi32>
            %sign3A_1079 = arith.constant 0 : i32
            %sign3A_1080 = arith.cmpi sgt, %jit3A_1067, %sign3A_1079 : i32
            %sign3A_1081 = arith.extui %sign3A_1080 : i1 to i32
            %sign3A_1082 = arith.constant 0 : i32
            %sign3A_1083 = arith.cmpi slt, %jit3A_1067, %sign3A_1082 : i32
            %sign3A_1084 = arith.extui %sign3A_1083 : i1 to i32
            %sign3A_1085 = arith.subi %sign3A_1081, %sign3A_1084 : i32
            %ne3A_1086 = vector.broadcast %sign3A_1085 : i32 to vector<16xi32>
            %ne3A_1087 = arith.cmpi ne, %sign3A_1078, %ne3A_1086 : vector<16xi32>
            %rem3A_1088 = vector.broadcast %jit3A_1067 : i32 to vector<16xi32>
            %rem3A_1089 = arith.remsi %sub3A_1066, %rem3A_1088 : vector<16xi32>
            %ne3A_1090 = arith.constant 0 : i32
            %ne3A_1091 = vector.broadcast %ne3A_1090 : i32 to vector<16xi32>
            %ne3A_1092 = arith.cmpi ne, %rem3A_1089, %ne3A_1091 : vector<16xi32>
            %and3A_1093 = arith.andi %ne3A_1087, %ne3A_1092 : vector<16xi1>
            %sub3A_1094 = arith.constant 1 : i32
            %sub3A_1095 = vector.broadcast %sub3A_1094 : i32 to vector<16xi32>
            %sub3A_1096 = arith.subi %div3A_1069, %sub3A_1095 : vector<16xi32>
            %select_n3A_1097 = arith.select %and3A_1093, %sub3A_1096, %div3A_1069 : vector<16xi1>, vector<16xi32>
            %mul3A_1098 = arith.constant 432 : i32
            %mul3A_1099 = vector.broadcast %mul3A_1098 : i32 to vector<16xi32>
            %mul3A_1100 = arith.muli %select_n3A_1097, %mul3A_1099 : vector<16xi32>
            %sub3A_1101 = arith.subi %sub3A_1066, %mul3A_1100 : vector<16xi32>
            %broadcast_in_dim3A_1102 = vector.broadcast %while3A_1057 : i32 to vector<16xi32>
            %mul3A_1103 = arith.constant 16 : i32
            %mul3A_1104 = arith.muli %scan3A_1015, %mul3A_1103 : i32
            %add3A_1105 = vector.broadcast %mul3A_1104 : i32 to vector<16xi32>
            %add3A_1106 = arith.addi %add3A_1105, %iota3A : vector<16xi32>
            %gather3A_1107 = tpu.vector_load_idx %arg9[%broadcast_in_dim3A_1102, %add3A_1106] : memref<192x128xf32, #tpu.memory_space<vmem>>[vector<16xi32>, vector<16xi32>], vector<16xf32>,
            tpu.vector_store_idx %arg10[%iota3A, %select_n3A_1097, %sub3A_1101], %gather3A_1107 : memref<16x8x432xf32, #tpu.memory_space<vmem>>[vector<16xi32>, vector<16xi32>, vector<16xi32>], vector<16xf32>,
            %while3A_1108 = arith.constant 0 : i32
            scf.yield %while3A_1108 : i32
          }
          %while3A_1054 = arith.constant 1 : i32
          %while3A_1055 = scf.for %while3A_1057 = %while3A_1051 to %while3A_1047 step %while3A_1054 iter_args(%while3A_1058 = %while3A_1053) -> (i32)  : i32 {
            %add3A_1059 = arith.addi %mul3A_1037, %while3A_1057 : i32
            %broadcast_in_dim3A_1060 = vector.broadcast %add3A_1059 : i32 to vector<16xi32>
            %gather3A = tpu.vector_load_idx %arg7[%broadcast_in_dim3A_1060] : memref<16128xi32, #tpu.memory_space<vmem>>[vector<16xi32>], vector<16xi32>,
            %gather3A_1061 = tpu.vector_load_idx %arg6[%gather3A] : memref<16128xi32, #tpu.memory_space<vmem>>[vector<16xi32>], vector<16xi32>,
            %and3A_1062 = arith.constant 16383 : i32
            %and3A_1063 = vector.broadcast %and3A_1062 : i32 to vector<16xi32>
            %and3A_1064 = arith.andi %gather3A_1061, %and3A_1063 : vector<16xi32>
            %sub3A_1065 = vector.broadcast %mul3A_951 : i32 to vector<16xi32>
            %sub3A_1066 = arith.subi %and3A_1064, %sub3A_1065 : vector<16xi32>
            %jit3A_1067 = arith.constant 432 : i32
            %div3A_1068 = vector.broadcast %jit3A_1067 : i32 to vector<16xi32>
            %div3A_1069 = arith.divsi %sub3A_1066, %div3A_1068 : vector<16xi32>
            %sign3A_1070 = arith.constant 0 : i32
            %sign3A_1071 = vector.broadcast %sign3A_1070 : i32 to vector<16xi32>
            %sign3A_1072 = arith.cmpi sgt, %sub3A_1066, %sign3A_1071 : vector<16xi32>
            %sign3A_1073 = arith.extui %sign3A_1072 : vector<16xi1> to vector<16xi32>
            %sign3A_1074 = arith.constant 0 : i32
            %sign3A_1075 = vector.broadcast %sign3A_1074 : i32 to vector<16xi32>
            %sign3A_1076 = arith.cmpi slt, %sub3A_1066, %sign3A_1075 : vector<16xi32>
            %sign3A_1077 = arith.extui %sign3A_1076 : vector<16xi1> to vector<16xi32>
            %sign3A_1078 = arith.subi %sign3A_1073, %sign3A_1077 : vector<16xi32>
            %sign3A_1079 = arith.constant 0 : i32
            %sign3A_1080 = arith.cmpi sgt, %jit3A_1067, %sign3A_1079 : i32
            %sign3A_1081 = arith.extui %sign3A_1080 : i1 to i32
            %sign3A_1082 = arith.constant 0 : i32
            %sign3A_1083 = arith.cmpi slt, %jit3A_1067, %sign3A_1082 : i32
            %sign3A_1084 = arith.extui %sign3A_1083 : i1 to i32
            %sign3A_1085 = arith.subi %sign3A_1081, %sign3A_1084 : i32
            %ne3A_1086 = vector.broadcast %sign3A_1085 : i32 to vector<16xi32>
            %ne3A_1087 = arith.cmpi ne, %sign3A_1078, %ne3A_1086 : vector<16xi32>
            %rem3A_1088 = vector.broadcast %jit3A_1067 : i32 to vector<16xi32>
            %rem3A_1089 = arith.remsi %sub3A_1066, %rem3A_1088 : vector<16xi32>
            %ne3A_1090 = arith.constant 0 : i32
            %ne3A_1091 = vector.broadcast %ne3A_1090 : i32 to vector<16xi32>
            %ne3A_1092 = arith.cmpi ne, %rem3A_1089, %ne3A_1091 : vector<16xi32>
            %and3A_1093 = arith.andi %ne3A_1087, %ne3A_1092 : vector<16xi1>
            %sub3A_1094 = arith.constant 1 : i32
            %sub3A_1095 = vector.broadcast %sub3A_1094 : i32 to vector<16xi32>
            %sub3A_1096 = arith.subi %div3A_1069, %sub3A_1095 : vector<16xi32>
            %select_n3A_1097 = arith.select %and3A_1093, %sub3A_1096, %div3A_1069 : vector<16xi1>, vector<16xi32>
            %mul3A_1098 = arith.constant 432 : i32
            %mul3A_1099 = vector.broadcast %mul3A_1098 : i32 to vector<16xi32>
            %mul3A_1100 = arith.muli %select_n3A_1097, %mul3A_1099 : vector<16xi32>
            %sub3A_1101 = arith.subi %sub3A_1066, %mul3A_1100 : vector<16xi32>
            %broadcast_in_dim3A_1102 = vector.broadcast %while3A_1057 : i32 to vector<16xi32>
            %mul3A_1103 = arith.constant 16 : i32
            %mul3A_1104 = arith.muli %scan3A_1015, %mul3A_1103 : i32
            %add3A_1105 = vector.broadcast %mul3A_1104 : i32 to vector<16xi32>
            %add3A_1106 = arith.addi %add3A_1105, %iota3A : vector<16xi32>
            %gather3A_1107 = tpu.vector_load_idx %arg9[%broadcast_in_dim3A_1102, %add3A_1106] : memref<192x128xf32, #tpu.memory_space<vmem>>[vector<16xi32>, vector<16xi32>], vector<16xf32>,
            tpu.vector_store_idx %arg10[%iota3A, %select_n3A_1097, %sub3A_1101], %gather3A_1107 : memref<16x8x432xf32, #tpu.memory_space<vmem>>[vector<16xi32>, vector<16xi32>, vector<16xi32>], vector<16xf32>,
            %while3A_1108 = arith.constant 0 : i32
            scf.yield %while3A_1108 : i32
          }
          %while3A_1056 = arith.constant 0 : i32
          scf.yield %while3A_1056 : i32
        }
        %while3A_1027 = arith.constant 1 : i32
        %while3A_1028 = scf.for %while3A_1034 = %while3A_1024 to %while3A_1020 step %while3A_1027 iter_args(%while3A_1035 = %while3A_1026) -> (i32)  : i32 {
          %mul3A_1036 = arith.constant 192 : i32
          %mul3A_1037 = arith.muli %while3A_1034, %mul3A_1036 : i32
          %sub3A_1038 = arith.subi %while3A_966, %mul3A_1037 : i32
          %min3A = arith.constant 192 : i32
          %min3A_1039 = arith.minsi %min3A, %sub3A_1038 : i32
          %eq3A_1040 = arith.constant 0 : i32
          %eq3A_1041 = arith.cmpi eq, %scan3A_1015, %eq3A_1040 : i32
          %gt3A = arith.constant 1 : i32
          %gt3A_1042 = arith.cmpi sgt, %select_n3A_994, %gt3A : i32
          %or3A = arith.ori %eq3A_1041, %gt3A_1042 : i1
          %convert_element_type3A = arith.extui %or3A : i1 to i32
          %cond3A = arith.constant 0 : i32
          %cond3A_1043 = arith.cmpi ne, %convert_element_type3A, %cond3A : i32
          scf.if %cond3A_1043 {
            %scan3A_1057 = arith.constant 0 : i32
            %scan3A_1058 = arith.constant 0 : i32
            %scan3A_1059 = arith.constant 12 : i32
            %scan3A_1060 = arith.addi %scan3A_1058, %scan3A_1059 : i32
            %scan3A_1061 = arith.constant 1 : i32
            %scan3A_1062 = scf.for %scan3A_1068 = %scan3A_1058 to %scan3A_1060 step %scan3A_1061 iter_args(%scan3A_1069 = %scan3A_1057) -> (i32)  : i32 {
              %mul3A_1070 = arith.constant 16 : i32
              %mul3A_1071 = arith.muli %scan3A_1068, %mul3A_1070 : i32
              %add3A_1072 = arith.addi %mul3A_1037, %mul3A_1071 : i32
              %get3A = arith.index_cast %add3A_1072 : i32 to index
              %get3A_1073 = tpu.vector_load %arg7[%get3A] {strides = array<i32>} : memref<16128xi32, #tpu.memory_space<vmem>>, vector<16xi32>,
              %max3A = arith.constant 0 : i32
              %max3A_1074 = vector.broadcast %max3A : i32 to vector<16xi32>
              %max3A_1075 = arith.maxsi %get3A_1073, %max3A_1074 : vector<16xi32>
              %min3A_1076 = arith.constant 16127 : i32
              %min3A_1077 = vector.broadcast %min3A_1076 : i32 to vector<16xi32>
              %min3A_1078 = arith.minsi %max3A_1075, %min3A_1077 : vector<16xi32>
              %gather3A = tpu.vector_load_idx %arg6[%min3A_1078] : memref<16128xi32, #tpu.memory_space<vmem>>[vector<16xi32>], vector<16xi32>,
              %shift_right_arithmetic3A = arith.constant 14 : i32
              %shift_right_arithmetic3A_1079 = vector.broadcast %shift_right_arithmetic3A : i32 to vector<16xi32>
              %shift_right_arithmetic3A_1080 = arith.shrsi %gather3A, %shift_right_arithmetic3A_1079 : vector<16xi32>
              %max3A_1081 = arith.constant 0 : i32
              %max3A_1082 = vector.broadcast %max3A_1081 : i32 to vector<16xi32>
              %max3A_1083 = arith.maxsi %shift_right_arithmetic3A_1080, %max3A_1082 : vector<16xi32>
              %min3A_1084 = arith.constant 15999 : i32
              %min3A_1085 = vector.broadcast %min3A_1084 : i32 to vector<16xi32>
              %min3A_1086 = arith.minsi %max3A_1083, %min3A_1085 : vector<16xi32>
              %mul3A_1087 = arith.constant 16 : i32
              %mul3A_1088 = arith.muli %scan3A_1068, %mul3A_1087 : i32
              %swap3A = arith.index_cast %mul3A_1088 : i32 to index
              %swap3A_1089 = tpu.vector_load %arg8[%swap3A] {strides = array<i32>} : memref<192xi32, #tpu.memory_space<vmem>>, vector<16xi32>,
              tpu.vector_store %arg8[%swap3A], %min3A_1086 {strides = array<i32>} : memref<192xi32, #tpu.memory_space<vmem>>, vector<16xi32>,
              %scan3A_1090 = arith.constant 0 : i32
              scf.yield %scan3A_1090 : i32
            }
            %scan3A_1063 = arith.constant 12 : i32
            %dma_start3A = arith.constant 0 : i32
            %dma_start3A_1064 = arith.constant 0 : i32
            %dma_start3A_1065 = tpu.memref_slice %arg2[%dma_start3A, %dma_start3A_1064] : memref<16000x128xf32, #tpu.memory_space<hbm>> -> memref<16000x128xf32, #tpu.memory_space<hbm>>
            tpu.enqueue_indirect_dma source(%dma_start3A_1065 : memref<16000x128xf32, #tpu.memory_space<hbm>>) target(%arg9 : memref<192x128xf32, #tpu.memory_space<vmem>>) offsets(%arg8 : memref<192xi32, #tpu.memory_space<vmem>>) semaphore(%arg11 : memref<!tpu.dma_semaphore, #tpu.memory_space<semaphore_mem>>)
            %dma_wait3A = arith.constant 0 : i32
            %dma_wait3A_1066 = arith.constant 0 : i32
            %dma_wait3A_1067 = tpu.memref_slice %arg2[%dma_wait3A, %dma_wait3A_1066] : memref<16000x128xf32, #tpu.memory_space<hbm>> -> memref<16000x128xf32, #tpu.memory_space<hbm>>
            tpu.wait_indirect_dma semaphore(%arg11 : memref<!tpu.dma_semaphore, #tpu.memory_space<semaphore_mem>>) src(%dma_wait3A_1067 : memref<16000x128xf32, #tpu.memory_space<hbm>>) dst(%arg9 : memref<192x128xf32, #tpu.memory_space<vmem>>)
          } else {
          }
          %while3A_1044 = arith.constant 0 : i32
          %while3A_1045 = arith.constant 0 : i32
          %while3A_1046 = arith.subi %min3A_1039, %while3A_1044 : i32
          %while3A_1047 = arith.addi %while3A_1044, %while3A_1046 : i32
          %while3A_1048 = arith.constant 1 : i32
          %while3A_1049 = arith.divsi %while3A_1046, %while3A_1048 : i32
          %while3A_1050 = arith.muli %while3A_1049, %while3A_1048 : i32
          %while3A_1051 = arith.addi %while3A_1044, %while3A_1050 : i32
          %while3A_1052 = arith.constant 1 : i32
          %while3A_1053 = scf.for %while3A_1057 = %while3A_1044 to %while3A_1051 step %while3A_1052 iter_args(%while3A_1058 = %while3A_1045) -> (i32)  : i32 {
            %add3A_1059 = arith.addi %mul3A_1037, %while3A_1057 : i32
            %broadcast_in_dim3A_1060 = vector.broadcast %add3A_1059 : i32 to vector<16xi32>
            %gather3A = tpu.vector_load_idx %arg7[%broadcast_in_dim3A_1060] : memref<16128xi32, #tpu.memory_space<vmem>>[vector<16xi32>], vector<16xi32>,
            %gather3A_1061 = tpu.vector_load_idx %arg6[%gather3A] : memref<16128xi32, #tpu.memory_space<vmem>>[vector<16xi32>], vector<16xi32>,
            %and3A_1062 = arith.constant 16383 : i32
            %and3A_1063 = vector.broadcast %and3A_1062 : i32 to vector<16xi32>
            %and3A_1064 = arith.andi %gather3A_1061, %and3A_1063 : vector<16xi32>
            %sub3A_1065 = vector.broadcast %mul3A_951 : i32 to vector<16xi32>
            %sub3A_1066 = arith.subi %and3A_1064, %sub3A_1065 : vector<16xi32>
            %jit3A_1067 = arith.constant 432 : i32
            %div3A_1068 = vector.broadcast %jit3A_1067 : i32 to vector<16xi32>
            %div3A_1069 = arith.divsi %sub3A_1066, %div3A_1068 : vector<16xi32>
            %sign3A_1070 = arith.constant 0 : i32
            %sign3A_1071 = vector.broadcast %sign3A_1070 : i32 to vector<16xi32>
            %sign3A_1072 = arith.cmpi sgt, %sub3A_1066, %sign3A_1071 : vector<16xi32>
            %sign3A_1073 = arith.extui %sign3A_1072 : vector<16xi1> to vector<16xi32>
            %sign3A_1074 = arith.constant 0 : i32
            %sign3A_1075 = vector.broadcast %sign3A_1074 : i32 to vector<16xi32>
            %sign3A_1076 = arith.cmpi slt, %sub3A_1066, %sign3A_1075 : vector<16xi32>
            %sign3A_1077 = arith.extui %sign3A_1076 : vector<16xi1> to vector<16xi32>
            %sign3A_1078 = arith.subi %sign3A_1073, %sign3A_1077 : vector<16xi32>
            %sign3A_1079 = arith.constant 0 : i32
            %sign3A_1080 = arith.cmpi sgt, %jit3A_1067, %sign3A_1079 : i32
            %sign3A_1081 = arith.extui %sign3A_1080 : i1 to i32
            %sign3A_1082 = arith.constant 0 : i32
            %sign3A_1083 = arith.cmpi slt, %jit3A_1067, %sign3A_1082 : i32
            %sign3A_1084 = arith.extui %sign3A_1083 : i1 to i32
            %sign3A_1085 = arith.subi %sign3A_1081, %sign3A_1084 : i32
            %ne3A_1086 = vector.broadcast %sign3A_1085 : i32 to vector<16xi32>
            %ne3A_1087 = arith.cmpi ne, %sign3A_1078, %ne3A_1086 : vector<16xi32>
            %rem3A_1088 = vector.broadcast %jit3A_1067 : i32 to vector<16xi32>
            %rem3A_1089 = arith.remsi %sub3A_1066, %rem3A_1088 : vector<16xi32>
            %ne3A_1090 = arith.constant 0 : i32
            %ne3A_1091 = vector.broadcast %ne3A_1090 : i32 to vector<16xi32>
            %ne3A_1092 = arith.cmpi ne, %rem3A_1089, %ne3A_1091 : vector<16xi32>
            %and3A_1093 = arith.andi %ne3A_1087, %ne3A_1092 : vector<16xi1>
            %sub3A_1094 = arith.constant 1 : i32
            %sub3A_1095 = vector.broadcast %sub3A_1094 : i32 to vector<16xi32>
            %sub3A_1096 = arith.subi %div3A_1069, %sub3A_1095 : vector<16xi32>
            %select_n3A_1097 = arith.select %and3A_1093, %sub3A_1096, %div3A_1069 : vector<16xi1>, vector<16xi32>
            %mul3A_1098 = arith.constant 432 : i32
            %mul3A_1099 = vector.broadcast %mul3A_1098 : i32 to vector<16xi32>
            %mul3A_1100 = arith.muli %select_n3A_1097, %mul3A_1099 : vector<16xi32>
            %sub3A_1101 = arith.subi %sub3A_1066, %mul3A_1100 : vector<16xi32>
            %broadcast_in_dim3A_1102 = vector.broadcast %while3A_1057 : i32 to vector<16xi32>
            %mul3A_1103 = arith.constant 16 : i32
            %mul3A_1104 = arith.muli %scan3A_1015, %mul3A_1103 : i32
            %add3A_1105 = vector.broadcast %mul3A_1104 : i32 to vector<16xi32>
            %add3A_1106 = arith.addi %add3A_1105, %iota3A : vector<16xi32>
            %gather3A_1107 = tpu.vector_load_idx %arg9[%broadcast_in_dim3A_1102, %add3A_1106] : memref<192x128xf32, #tpu.memory_space<vmem>>[vector<16xi32>, vector<16xi32>], vector<16xf32>,
            tpu.vector_store_idx %arg10[%iota3A, %select_n3A_1097, %sub3A_1101], %gather3A_1107 : memref<16x8x432xf32, #tpu.memory_space<vmem>>[vector<16xi32>, vector<16xi32>, vector<16xi32>], vector<16xf32>,
            %while3A_1108 = arith.constant 0 : i32
            scf.yield %while3A_1108 : i32
          }
          %while3A_1054 = arith.constant 1 : i32
          %while3A_1055 = scf.for %while3A_1057 = %while3A_1051 to %while3A_1047 step %while3A_1054 iter_args(%while3A_1058 = %while3A_1053) -> (i32)  : i32 {
            %add3A_1059 = arith.addi %mul3A_1037, %while3A_1057 : i32
            %broadcast_in_dim3A_1060 = vector.broadcast %add3A_1059 : i32 to vector<16xi32>
            %gather3A = tpu.vector_load_idx %arg7[%broadcast_in_dim3A_1060] : memref<16128xi32, #tpu.memory_space<vmem>>[vector<16xi32>], vector<16xi32>,
            %gather3A_1061 = tpu.vector_load_idx %arg6[%gather3A] : memref<16128xi32, #tpu.memory_space<vmem>>[vector<16xi32>], vector<16xi32>,
            %and3A_1062 = arith.constant 16383 : i32
            %and3A_1063 = vector.broadcast %and3A_1062 : i32 to vector<16xi32>
            %and3A_1064 = arith.andi %gather3A_1061, %and3A_1063 : vector<16xi32>
            %sub3A_1065 = vector.broadcast %mul3A_951 : i32 to vector<16xi32>
            %sub3A_1066 = arith.subi %and3A_1064, %sub3A_1065 : vector<16xi32>
            %jit3A_1067 = arith.constant 432 : i32
            %div3A_1068 = vector.broadcast %jit3A_1067 : i32 to vector<16xi32>
            %div3A_1069 = arith.divsi %sub3A_1066, %div3A_1068 : vector<16xi32>
            %sign3A_1070 = arith.constant 0 : i32
            %sign3A_1071 = vector.broadcast %sign3A_1070 : i32 to vector<16xi32>
            %sign3A_1072 = arith.cmpi sgt, %sub3A_1066, %sign3A_1071 : vector<16xi32>
            %sign3A_1073 = arith.extui %sign3A_1072 : vector<16xi1> to vector<16xi32>
            %sign3A_1074 = arith.constant 0 : i32
            %sign3A_1075 = vector.broadcast %sign3A_1074 : i32 to vector<16xi32>
            %sign3A_1076 = arith.cmpi slt, %sub3A_1066, %sign3A_1075 : vector<16xi32>
            %sign3A_1077 = arith.extui %sign3A_1076 : vector<16xi1> to vector<16xi32>
            %sign3A_1078 = arith.subi %sign3A_1073, %sign3A_1077 : vector<16xi32>
            %sign3A_1079 = arith.constant 0 : i32
            %sign3A_1080 = arith.cmpi sgt, %jit3A_1067, %sign3A_1079 : i32
            %sign3A_1081 = arith.extui %sign3A_1080 : i1 to i32
            %sign3A_1082 = arith.constant 0 : i32
            %sign3A_1083 = arith.cmpi slt, %jit3A_1067, %sign3A_1082 : i32
            %sign3A_1084 = arith.extui %sign3A_1083 : i1 to i32
            %sign3A_1085 = arith.subi %sign3A_1081, %sign3A_1084 : i32
            %ne3A_1086 = vector.broadcast %sign3A_1085 : i32 to vector<16xi32>
            %ne3A_1087 = arith.cmpi ne, %sign3A_1078, %ne3A_1086 : vector<16xi32>
            %rem3A_1088 = vector.broadcast %jit3A_1067 : i32 to vector<16xi32>
            %rem3A_1089 = arith.remsi %sub3A_1066, %rem3A_1088 : vector<16xi32>
            %ne3A_1090 = arith.constant 0 : i32
            %ne3A_1091 = vector.broadcast %ne3A_1090 : i32 to vector<16xi32>
            %ne3A_1092 = arith.cmpi ne, %rem3A_1089, %ne3A_1091 : vector<16xi32>
            %and3A_1093 = arith.andi %ne3A_1087, %ne3A_1092 : vector<16xi1>
            %sub3A_1094 = arith.constant 1 : i32
            %sub3A_1095 = vector.broadcast %sub3A_1094 : i32 to vector<16xi32>
            %sub3A_1096 = arith.subi %div3A_1069, %sub3A_1095 : vector<16xi32>
            %select_n3A_1097 = arith.select %and3A_1093, %sub3A_1096, %div3A_1069 : vector<16xi1>, vector<16xi32>
            %mul3A_1098 = arith.constant 432 : i32
            %mul3A_1099 = vector.broadcast %mul3A_1098 : i32 to vector<16xi32>
            %mul3A_1100 = arith.muli %select_n3A_1097, %mul3A_1099 : vector<16xi32>
            %sub3A_1101 = arith.subi %sub3A_1066, %mul3A_1100 : vector<16xi32>
            %broadcast_in_dim3A_1102 = vector.broadcast %while3A_1057 : i32 to vector<16xi32>
            %mul3A_1103 = arith.constant 16 : i32
            %mul3A_1104 = arith.muli %scan3A_1015, %mul3A_1103 : i32
            %add3A_1105 = vector.broadcast %mul3A_1104 : i32 to vector<16xi32>
            %add3A_1106 = arith.addi %add3A_1105, %iota3A : vector<16xi32>
            %gather3A_1107 = tpu.vector_load_idx %arg9[%broadcast_in_dim3A_1102, %add3A_1106] : memref<192x128xf32, #tpu.memory_space<vmem>>[vector<16xi32>, vector<16xi32>], vector<16xf32>,
            tpu.vector_store_idx %arg10[%iota3A, %select_n3A_1097, %sub3A_1101], %gather3A_1107 : memref<16x8x432xf32, #tpu.memory_space<vmem>>[vector<16xi32>, vector<16xi32>, vector<16xi32>], vector<16xf32>,
            %while3A_1108 = arith.constant 0 : i32
            scf.yield %while3A_1108 : i32
          }
          %while3A_1056 = arith.constant 0 : i32
          scf.yield %while3A_1056 : i32
        }
        %mul3A_1029 = arith.constant 16 : i32
        %mul3A_1030 = arith.muli %scan3A_1015, %mul3A_1029 : i32
        %mul3A_1031 = arith.constant 8 : i32
        %mul3A_1032 = arith.muli %select_n3A_949, %mul3A_1031 : i32
        "tpu.region"() ({
          %run_scoped3A = tpu.sem_alloc : memref<!tpu.dma_semaphore, #tpu.memory_space<semaphore_mem>>
          %dma_start3A = arith.constant 0 : i32
          %dma_start3A_1034 = tpu.memref_slice %arg4[%select_n3A, %mul3A_1030, %mul3A_1032, %dma_start3A] : memref<2x64x496x432xf32, #tpu.memory_space<hbm>> -> memref<1x16x8x432xf32, #tpu.memory_space<hbm>>
          %dma_start3A_1035 = tpu.memref_squeeze %dma_start3A_1034 : memref<1x16x8x432xf32, #tpu.memory_space<hbm>> -> memref<16x8x432xf32, #tpu.memory_space<hbm>>
          %dma_start3A_1036 = arith.constant 0 : i32
          %dma_start3A_1037 = tpu.memref_slice %arg4[%select_n3A, %mul3A_1030, %mul3A_1032, %dma_start3A_1036] : memref<2x64x496x432xf32, #tpu.memory_space<hbm>> -> memref<1x16x8x432xf32, #tpu.memory_space<hbm>>
          %dma_start3A_1038 = tpu.memref_squeeze %dma_start3A_1037 : memref<1x16x8x432xf32, #tpu.memory_space<hbm>> -> memref<16x8x432xf32, #tpu.memory_space<hbm>>
          tpu.enqueue_dma source(%arg10 : memref<16x8x432xf32, #tpu.memory_space<vmem>>) target(%dma_start3A_1038 : memref<16x8x432xf32, #tpu.memory_space<hbm>>) target_semaphore(%run_scoped3A : memref<!tpu.dma_semaphore, #tpu.memory_space<semaphore_mem>>)
          %dma_wait3A = arith.constant 0 : i32
          %dma_wait3A_1039 = tpu.memref_slice %arg4[%select_n3A, %mul3A_1030, %mul3A_1032, %dma_wait3A] : memref<2x64x496x432xf32, #tpu.memory_space<hbm>> -> memref<1x16x8x432xf32, #tpu.memory_space<hbm>>
          %dma_wait3A_1040 = tpu.memref_squeeze %dma_wait3A_1039 : memref<1x16x8x432xf32, #tpu.memory_space<hbm>> -> memref<16x8x432xf32, #tpu.memory_space<hbm>>
          %dma_wait3A_1041 = arith.constant 0 : i32
          %dma_wait3A_1042 = tpu.memref_slice %arg4[%select_n3A, %mul3A_1030, %mul3A_1032, %dma_wait3A_1041] : memref<2x64x496x432xf32, #tpu.memory_space<hbm>> -> memref<1x16x8x432xf32, #tpu.memory_space<hbm>>
          %dma_wait3A_1043 = tpu.memref_squeeze %dma_wait3A_1042 : memref<1x16x8x432xf32, #tpu.memory_space<hbm>> -> memref<16x8x432xf32, #tpu.memory_space<hbm>>
          tpu.wait_dma2 semaphore(%run_scoped3A : memref<!tpu.dma_semaphore, #tpu.memory_space<semaphore_mem>>) src(%arg10 : memref<16x8x432xf32, #tpu.memory_space<vmem>>) dst(%dma_wait3A_1043 : memref<16x8x432xf32, #tpu.memory_space<hbm>>)
          tpu.yield
        }) : () -> ()
        %scan3A_1033 = arith.constant 0 : i32
        scf.yield %scan3A_1033 : i32
      }
      %scan3A_1001 = arith.constant 4 : i32
      %while3A_1002 = arith.constant 0 : i32
      %while3A_1003 = arith.constant 0 : i32
      %while3A_1004 = arith.subi %while3A_966, %while3A_1002 : i32
      %while3A_1005 = arith.addi %while3A_1002, %while3A_1004 : i32
      %while3A_1006 = arith.constant 1 : i32
      %while3A_1007 = arith.divsi %while3A_1004, %while3A_1006 : i32
      %while3A_1008 = arith.muli %while3A_1007, %while3A_1006 : i32
      %while3A_1009 = arith.addi %while3A_1002, %while3A_1008 : i32
      %while3A_1010 = arith.constant 1 : i32
      %while3A_1011 = scf.for %while3A_1015 = %while3A_1002 to %while3A_1009 step %while3A_1010 iter_args(%while3A_1016 = %while3A_1003) -> (i32)  : i32 {
        %broadcast_in_dim3A_1017 = vector.broadcast %while3A_1015 : i32 to vector<16xi32>
        %gather3A = tpu.vector_load_idx %arg7[%broadcast_in_dim3A_1017] : memref<16128xi32, #tpu.memory_space<vmem>>[vector<16xi32>], vector<16xi32>,
        %gather3A_1018 = tpu.vector_load_idx %arg6[%gather3A] : memref<16128xi32, #tpu.memory_space<vmem>>[vector<16xi32>], vector<16xi32>,
        %and3A_1019 = arith.constant 16383 : i32
        %and3A_1020 = vector.broadcast %and3A_1019 : i32 to vector<16xi32>
        %and3A_1021 = arith.andi %gather3A_1018, %and3A_1020 : vector<16xi32>
        %sub3A_1022 = vector.broadcast %mul3A_951 : i32 to vector<16xi32>
        %sub3A_1023 = arith.subi %and3A_1021, %sub3A_1022 : vector<16xi32>
        %jit3A_1024 = arith.constant 432 : i32
        %div3A_1025 = vector.broadcast %jit3A_1024 : i32 to vector<16xi32>
        %div3A_1026 = arith.divsi %sub3A_1023, %div3A_1025 : vector<16xi32>
        %sign3A_1027 = arith.constant 0 : i32
        %sign3A_1028 = vector.broadcast %sign3A_1027 : i32 to vector<16xi32>
        %sign3A_1029 = arith.cmpi sgt, %sub3A_1023, %sign3A_1028 : vector<16xi32>
        %sign3A_1030 = arith.extui %sign3A_1029 : vector<16xi1> to vector<16xi32>
        %sign3A_1031 = arith.constant 0 : i32
        %sign3A_1032 = vector.broadcast %sign3A_1031 : i32 to vector<16xi32>
        %sign3A_1033 = arith.cmpi slt, %sub3A_1023, %sign3A_1032 : vector<16xi32>
        %sign3A_1034 = arith.extui %sign3A_1033 : vector<16xi1> to vector<16xi32>
        %sign3A_1035 = arith.subi %sign3A_1030, %sign3A_1034 : vector<16xi32>
        %sign3A_1036 = arith.constant 0 : i32
        %sign3A_1037 = arith.cmpi sgt, %jit3A_1024, %sign3A_1036 : i32
        %sign3A_1038 = arith.extui %sign3A_1037 : i1 to i32
        %sign3A_1039 = arith.constant 0 : i32
        %sign3A_1040 = arith.cmpi slt, %jit3A_1024, %sign3A_1039 : i32
        %sign3A_1041 = arith.extui %sign3A_1040 : i1 to i32
        %sign3A_1042 = arith.subi %sign3A_1038, %sign3A_1041 : i32
        %ne3A_1043 = vector.broadcast %sign3A_1042 : i32 to vector<16xi32>
        %ne3A_1044 = arith.cmpi ne, %sign3A_1035, %ne3A_1043 : vector<16xi32>
        %rem3A_1045 = vector.broadcast %jit3A_1024 : i32 to vector<16xi32>
        %rem3A_1046 = arith.remsi %sub3A_1023, %rem3A_1045 : vector<16xi32>
        %ne3A_1047 = arith.constant 0 : i32
        %ne3A_1048 = vector.broadcast %ne3A_1047 : i32 to vector<16xi32>
        %ne3A_1049 = arith.cmpi ne, %rem3A_1046, %ne3A_1048 : vector<16xi32>
        %and3A_1050 = arith.andi %ne3A_1044, %ne3A_1049 : vector<16xi1>
        %sub3A_1051 = arith.constant 1 : i32
        %sub3A_1052 = vector.broadcast %sub3A_1051 : i32 to vector<16xi32>
        %sub3A_1053 = arith.subi %div3A_1026, %sub3A_1052 : vector<16xi32>
        %select_n3A_1054 = arith.select %and3A_1050, %sub3A_1053, %div3A_1026 : vector<16xi1>, vector<16xi32>
        %mul3A_1055 = arith.constant 432 : i32
        %mul3A_1056 = vector.broadcast %mul3A_1055 : i32 to vector<16xi32>
        %mul3A_1057 = arith.muli %select_n3A_1054, %mul3A_1056 : vector<16xi32>
        %sub3A_1058 = arith.subi %sub3A_1023, %mul3A_1057 : vector<16xi32>
        tpu.vector_store_idx %arg10[%iota3A, %select_n3A_1054, %sub3A_1058], %broadcast_in_dim3A_1 : memref<16x8x432xf32, #tpu.memory_space<vmem>>[vector<16xi32>, vector<16xi32>, vector<16xi32>], vector<16xf32>,
        %while3A_1059 = arith.constant 0 : i32
        scf.yield %while3A_1059 : i32
      }
      %while3A_1012 = arith.constant 1 : i32
      %while3A_1013 = scf.for %while3A_1015 = %while3A_1009 to %while3A_1005 step %while3A_1012 iter_args(%while3A_1016 = %while3A_1011) -> (i32)  : i32 {
        %broadcast_in_dim3A_1017 = vector.broadcast %while3A_1015 : i32 to vector<16xi32>
        %gather3A = tpu.vector_load_idx %arg7[%broadcast_in_dim3A_1017] : memref<16128xi32, #tpu.memory_space<vmem>>[vector<16xi32>], vector<16xi32>,
        %gather3A_1018 = tpu.vector_load_idx %arg6[%gather3A] : memref<16128xi32, #tpu.memory_space<vmem>>[vector<16xi32>], vector<16xi32>,
        %and3A_1019 = arith.constant 16383 : i32
        %and3A_1020 = vector.broadcast %and3A_1019 : i32 to vector<16xi32>
        %and3A_1021 = arith.andi %gather3A_1018, %and3A_1020 : vector<16xi32>
        %sub3A_1022 = vector.broadcast %mul3A_951 : i32 to vector<16xi32>
        %sub3A_1023 = arith.subi %and3A_1021, %sub3A_1022 : vector<16xi32>
        %jit3A_1024 = arith.constant 432 : i32
        %div3A_1025 = vector.broadcast %jit3A_1024 : i32 to vector<16xi32>
        %div3A_1026 = arith.divsi %sub3A_1023, %div3A_1025 : vector<16xi32>
        %sign3A_1027 = arith.constant 0 : i32
        %sign3A_1028 = vector.broadcast %sign3A_1027 : i32 to vector<16xi32>
        %sign3A_1029 = arith.cmpi sgt, %sub3A_1023, %sign3A_1028 : vector<16xi32>
        %sign3A_1030 = arith.extui %sign3A_1029 : vector<16xi1> to vector<16xi32>
        %sign3A_1031 = arith.constant 0 : i32
        %sign3A_1032 = vector.broadcast %sign3A_1031 : i32 to vector<16xi32>
        %sign3A_1033 = arith.cmpi slt, %sub3A_1023, %sign3A_1032 : vector<16xi32>
        %sign3A_1034 = arith.extui %sign3A_1033 : vector<16xi1> to vector<16xi32>
        %sign3A_1035 = arith.subi %sign3A_1030, %sign3A_1034 : vector<16xi32>
        %sign3A_1036 = arith.constant 0 : i32
        %sign3A_1037 = arith.cmpi sgt, %jit3A_1024, %sign3A_1036 : i32
        %sign3A_1038 = arith.extui %sign3A_1037 : i1 to i32
        %sign3A_1039 = arith.constant 0 : i32
        %sign3A_1040 = arith.cmpi slt, %jit3A_1024, %sign3A_1039 : i32
        %sign3A_1041 = arith.extui %sign3A_1040 : i1 to i32
        %sign3A_1042 = arith.subi %sign3A_1038, %sign3A_1041 : i32
        %ne3A_1043 = vector.broadcast %sign3A_1042 : i32 to vector<16xi32>
        %ne3A_1044 = arith.cmpi ne, %sign3A_1035, %ne3A_1043 : vector<16xi32>
        %rem3A_1045 = vector.broadcast %jit3A_1024 : i32 to vector<16xi32>
        %rem3A_1046 = arith.remsi %sub3A_1023, %rem3A_1045 : vector<16xi32>
        %ne3A_1047 = arith.constant 0 : i32
        %ne3A_1048 = vector.broadcast %ne3A_1047 : i32 to vector<16xi32>
        %ne3A_1049 = arith.cmpi ne, %rem3A_1046, %ne3A_1048 : vector<16xi32>
        %and3A_1050 = arith.andi %ne3A_1044, %ne3A_1049 : vector<16xi1>
        %sub3A_1051 = arith.constant 1 : i32
        %sub3A_1052 = vector.broadcast %sub3A_1051 : i32 to vector<16xi32>
        %sub3A_1053 = arith.subi %div3A_1026, %sub3A_1052 : vector<16xi32>
        %select_n3A_1054 = arith.select %and3A_1050, %sub3A_1053, %div3A_1026 : vector<16xi1>, vector<16xi32>
        %mul3A_1055 = arith.constant 432 : i32
        %mul3A_1056 = vector.broadcast %mul3A_1055 : i32 to vector<16xi32>
        %mul3A_1057 = arith.muli %select_n3A_1054, %mul3A_1056 : vector<16xi32>
        %sub3A_1058 = arith.subi %sub3A_1023, %mul3A_1057 : vector<16xi32>
        tpu.vector_store_idx %arg10[%iota3A, %select_n3A_1054, %sub3A_1058], %broadcast_in_dim3A_1 : memref<16x8x432xf32, #tpu.memory_space<vmem>>[vector<16xi32>, vector<16xi32>, vector<16xi32>], vector<16xf32>,
        %while3A_1059 = arith.constant 0 : i32
        scf.yield %while3A_1059 : i32
      }
      %scan3A_1014 = arith.constant 0 : i32
      scf.yield %scan3A_1014 : i32
    }
    %scan3A_914 = arith.constant 4 : i32
    return
  }
}

module attributes {stable_mosaic.version = 14 : i64} {
  func.func @_stats_kernel(%arg0: i32, %arg1: memref<200x32x4xf32, #tpu.memory_space<vmem>>, %arg2: memref<200x4xi32, #tpu.memory_space<vmem>>, %arg3: memref<200x1xi32, #tpu.memory_space<vmem>>, %arg4: memref<11x11xf32, #tpu.memory_space<vmem>>) attributes {dimension_semantics = [#tpu.dimension_semantics<arbitrary>], iteration_bounds = array<i64: 80>, scalar_prefetch = 0 : i64, scratch_operands = 0 : i64, tpu.core_type = #tpu.core_type<tc>, window_params = [{transform_indices = @transform_0, window_bounds = array<i64: 200, 32, 4>}, {transform_indices = @transform_1, window_bounds = array<i64: 200, 4>}, {transform_indices = @transform_2, window_bounds = array<i64: 200, 1>}, {pipeline_mode = #tpu.pipeline_mode<synchronous>, transform_indices = @transform_3, window_bounds = array<i64: 11, 11>}]} {
    %get3A = arith.constant 0 : index
    %get3A_0 = arith.constant 0 : index
    %get3A_1 = arith.constant 0 : index
    %get3A_2 = vector.load %arg1[%get3A, %get3A_0, %get3A_1] : memref<200x32x4xf32, #tpu.memory_space<vmem>>, vector<200x32x4xf32>
    %get3A_3 = arith.constant 0 : index
    %get3A_4 = arith.constant 0 : index
    %get3A_5 = vector.load %arg2[%get3A_3, %get3A_4] : memref<200x4xi32, #tpu.memory_space<vmem>>, vector<200x4xi32>
    %get3A_6 = arith.constant 0 : index
    %get3A_7 = arith.constant 0 : index
    %get3A_8 = vector.load %arg3[%get3A_6, %get3A_7] : memref<200x1xi32, #tpu.memory_space<vmem>>, vector<200x1xi32>
    %squeeze3A = vector.shape_cast %get3A_8 : vector<200x1xi32> to vector<200xi32>
    %convert_element_type3A = arith.sitofp %squeeze3A : vector<200xi32> to vector<200xf32>
    %slice3A = vector.extract_strided_slice %get3A_2 {offsets = [0, 0, 0], sizes = [200, 32, 3], strides = [1, 1, 1]} : vector<200x32x4xf32> to vector<200x32x3xf32>
    %reduce_sum3A = arith.constant dense<0.000000e+00> : vector<200x3xf32>
    %reduce_sum3A_9 = vector.multi_reduction <add>, %slice3A, %reduce_sum3A [1] : vector<200x32x3xf32> to vector<200x3xf32>
    %broadcast_in_dim3A = vector.shape_cast %reduce_sum3A_9 : vector<200x3xf32> to vector<200x1x3xf32>
    %broadcast_in_dim3A_10 = vector.shape_cast %convert_element_type3A : vector<200xf32> to vector<200x1x1xf32>
    %div3A = vector.broadcast %broadcast_in_dim3A_10 : vector<200x1x1xf32> to vector<200x1x3xf32>
    %div3A_11 = arith.divf %broadcast_in_dim3A, %div3A : vector<200x1x3xf32>
    %sub3A = vector.broadcast %div3A_11 : vector<200x1x3xf32> to vector<200x32x3xf32>
    %sub3A_12 = arith.subf %slice3A, %sub3A : vector<200x32x3xf32>
    %convert_element_type3A_13 = arith.sitofp %get3A_5 : vector<200x4xi32> to vector<200x4xf32>
    %slice3A_14 = vector.extract_strided_slice %convert_element_type3A_13 {offsets = [0, 3], sizes = [200, 1], strides = [1, 1]} : vector<200x4xf32> to vector<200x1xf32>
    %squeeze3A_15 = vector.shape_cast %slice3A_14 : vector<200x1xf32> to vector<200xf32>
    %mul3A = arith.constant 1.600000e-01 : f32
    %mul3A_16 = vector.broadcast %mul3A : f32 to vector<200xf32>
    %mul3A_17 = arith.mulf %squeeze3A_15, %mul3A_16 : vector<200xf32>
    %add3A = arith.constant 8.000000e-02 : f32
    %add3A_18 = vector.broadcast %add3A : f32 to vector<200xf32>
    %add3A_19 = arith.addf %mul3A_17, %add3A_18 : vector<200xf32>
    %slice3A_20 = vector.extract_strided_slice %convert_element_type3A_13 {offsets = [0, 2], sizes = [200, 1], strides = [1, 1]} : vector<200x4xf32> to vector<200x1xf32>
    %squeeze3A_21 = vector.shape_cast %slice3A_20 : vector<200x1xf32> to vector<200xf32>
    %mul3A_22 = arith.constant 1.600000e-01 : f32
    %mul3A_23 = vector.broadcast %mul3A_22 : f32 to vector<200xf32>
    %mul3A_24 = arith.mulf %squeeze3A_21, %mul3A_23 : vector<200xf32>
    %add3A_25 = arith.constant -3.960000e+01 : f32
    %add3A_26 = vector.broadcast %add3A_25 : f32 to vector<200xf32>
    %add3A_27 = arith.addf %mul3A_24, %add3A_26 : vector<200xf32>
    %slice3A_28 = vector.extract_strided_slice %convert_element_type3A_13 {offsets = [0, 1], sizes = [200, 1], strides = [1, 1]} : vector<200x4xf32> to vector<200x1xf32>
    %squeeze3A_29 = vector.shape_cast %slice3A_28 : vector<200x1xf32> to vector<200xf32>
    %mul3A_30 = arith.constant 4.000000e+00 : f32
    %mul3A_31 = vector.broadcast %mul3A_30 : f32 to vector<200xf32>
    %mul3A_32 = arith.mulf %squeeze3A_29, %mul3A_31 : vector<200xf32>
    %add3A_33 = arith.constant -1.000000e+00 : f32
    %add3A_34 = vector.broadcast %add3A_33 : f32 to vector<200xf32>
    %add3A_35 = arith.addf %mul3A_32, %add3A_34 : vector<200xf32>
    %stack3A = vector.shape_cast %add3A_19 : vector<200xf32> to vector<200x1xf32>
    %stack3A_36 = vector.shape_cast %add3A_27 : vector<200xf32> to vector<200x1xf32>
    %stack3A_37 = vector.shape_cast %add3A_35 : vector<200xf32> to vector<200x1xf32>
    %stack3A_38 = tpu.concatenate %stack3A, %stack3A_36, %stack3A_37 in 1 : vector<200x1xf32>, vector<200x1xf32>, vector<200x1xf32> -> vector<200x3xf32>
    %broadcast_in_dim3A_39 = vector.shape_cast %stack3A_38 : vector<200x3xf32> to vector<200x1x3xf32>
    %sub3A_40 = vector.broadcast %broadcast_in_dim3A_39 : vector<200x1x3xf32> to vector<200x32x3xf32>
    %sub3A_41 = arith.subf %slice3A, %sub3A_40 : vector<200x32x3xf32>
    %concatenate3A = tpu.concatenate %get3A_2, %sub3A_12, %sub3A_41 in 2 : vector<200x32x4xf32>, vector<200x32x3xf32>, vector<200x32x3xf32> -> vector<200x32x10xf32>
    %broadcast_in_dim3A_42 = vector.shape_cast %squeeze3A : vector<200xi32> to vector<200x1xi32>
    %iota3A = tpu.iota {dimensions = array<i32: 1>} : vector<1x32xi32>
    %gt3A = vector.broadcast %broadcast_in_dim3A_42 : vector<200x1xi32> to vector<200x32xi32>
    %gt3A_43 = vector.broadcast %iota3A : vector<1x32xi32> to vector<200x32xi32>
    %gt3A_44 = arith.cmpi sgt, %gt3A, %gt3A_43 : vector<200x32xi32>
    %convert_element_type3A_45 = arith.extui %gt3A_44 : vector<200x32xi1> to vector<200x32xi32>
    %convert_element_type3A_46 = arith.sitofp %convert_element_type3A_45 : vector<200x32xi32> to vector<200x32xf32>
    %broadcast_in_dim3A_47 = vector.shape_cast %convert_element_type3A_46 : vector<200x32xf32> to vector<200x32x1xf32>
    %mul3A_48 = vector.broadcast %broadcast_in_dim3A_47 : vector<200x32x1xf32> to vector<200x32x10xf32>
    %mul3A_49 = arith.mulf %concatenate3A, %mul3A_48 : vector<200x32x10xf32>
    %broadcast_in_dim3A_50 = arith.constant 1.000000e+00 : f32
    %broadcast_in_dim3A_51 = vector.broadcast %broadcast_in_dim3A_50 : f32 to vector<200x32x1xf32>
    %concatenate3A_52 = tpu.concatenate %mul3A_49, %broadcast_in_dim3A_51 in 2 : vector<200x32x10xf32>, vector<200x32x1xf32> -> vector<200x32x11xf32>
    %reshape3A = vector.shape_cast %concatenate3A_52 : vector<200x32x11xf32> to vector<6400x11xf32>
    %dot_general3A = arith.constant dense<0.000000e+00> : vector<11x11xf32>
    %dot_general3A_53 = tpu.matmul %reshape3A, %reshape3A, %dot_general3A {dimension_numbers = #tpu.dot_dimension_numbers<[0], [0], [1], [1], [0, 1, 1, 1], [], []>, precision = #tpu.contract_precision<fp32>, transpose_lhs_hint = false} : vector<6400x11xf32>, vector<6400x11xf32>, vector<11x11xf32> -> vector<11x11xf32>
    %eq3A = arith.constant 0 : i32
    %eq3A_54 = arith.cmpi eq, %arg0, %eq3A : i32
    %convert_element_type3A_55 = arith.extui %eq3A_54 : i1 to i32
    %cond3A = arith.constant 0 : i32
    %cond3A_56 = arith.cmpi ne, %convert_element_type3A_55, %cond3A : i32
    scf.if %cond3A_56 {
      %broadcast_in_dim3A_63 = arith.constant 0.000000e+00 : f32
      %broadcast_in_dim3A_64 = vector.broadcast %broadcast_in_dim3A_63 : f32 to vector<11x11xf32>
      %swap3A_65 = arith.constant 0 : index
      %swap3A_66 = arith.constant 0 : index
      %swap3A_67 = vector.load %arg4[%swap3A_65, %swap3A_66] : memref<11x11xf32, #tpu.memory_space<vmem>>, vector<11x11xf32>
      tpu.vector_store %arg4[%swap3A_65, %swap3A_66], %broadcast_in_dim3A_64 {strides = array<i32>} : memref<11x11xf32, #tpu.memory_space<vmem>>, vector<11x11xf32>,
    } else {
    }
    %get3A_57 = arith.constant 0 : index
    %get3A_58 = arith.constant 0 : index
    %get3A_59 = vector.load %arg4[%get3A_57, %get3A_58] : memref<11x11xf32, #tpu.memory_space<vmem>>, vector<11x11xf32>
    %add3A_60 = arith.addf %get3A_59, %dot_general3A_53 : vector<11x11xf32>
    %swap3A = arith.constant 0 : index
    %swap3A_61 = arith.constant 0 : index
    %swap3A_62 = vector.load %arg4[%swap3A, %swap3A_61] : memref<11x11xf32, #tpu.memory_space<vmem>>, vector<11x11xf32>
    tpu.vector_store %arg4[%swap3A, %swap3A_61], %add3A_60 {strides = array<i32>} : memref<11x11xf32, #tpu.memory_space<vmem>>, vector<11x11xf32>,
    return
  }
  func.func @transform_0(%arg0: i32) -> (i32, i32, i32) {
    %c0_i32 = arith.constant 0 : i32
    %c0_i32_0 = arith.constant 0 : i32
    %c0_i32_1 = arith.constant 0 : i32
    return %arg0, %c0_i32, %c0_i32_0 : i32, i32, i32
  }
  func.func @transform_1(%arg0: i32) -> (i32, i32) {
    %c0_i32 = arith.constant 0 : i32
    %c0_i32_0 = arith.constant 0 : i32
    return %arg0, %c0_i32 : i32, i32
  }
  func.func @transform_2(%arg0: i32) -> (i32, i32) {
    %c0_i32 = arith.constant 0 : i32
    %c0_i32_0 = arith.constant 0 : i32
    return %arg0, %c0_i32 : i32, i32
  }
  func.func @transform_3(%arg0: i32) -> (i32, i32) {
    %c0_i32 = arith.constant 0 : i32
    %c0_i32_0 = arith.constant 0 : i32
    %c0_i32_1 = arith.constant 0 : i32
    return %c0_i32, %c0_i32_0 : i32, i32
  }
}

module attributes {stable_mosaic.version = 14 : i64} {
  func.func @_apply_kernel(%arg0: i32, %arg1: memref<200x32x4xf32, #tpu.memory_space<vmem>>, %arg2: memref<200x4xi32, #tpu.memory_space<vmem>>, %arg3: memref<200x1xi32, #tpu.memory_space<vmem>>, %arg4: memref<11x11xf32, #tpu.memory_space<vmem>>, %arg5: memref<64x10xf32, #tpu.memory_space<vmem>>, %arg6: memref<64xf32, #tpu.memory_space<vmem>>, %arg7: memref<64xf32, #tpu.memory_space<vmem>>, %arg8: memref<200x128xf32, #tpu.memory_space<vmem>>, %arg9: memref<200x1xi32, #tpu.memory_space<vmem>>) attributes {dimension_semantics = [#tpu.dimension_semantics<arbitrary>], iteration_bounds = array<i64: 80>, scalar_prefetch = 0 : i64, scratch_operands = 0 : i64, tpu.core_type = #tpu.core_type<tc>, window_params = [{transform_indices = @transform_0, window_bounds = array<i64: 200, 32, 4>}, {transform_indices = @transform_1, window_bounds = array<i64: 200, 4>}, {transform_indices = @transform_2, window_bounds = array<i64: 200, 1>}, {pipeline_mode = #tpu.pipeline_mode<synchronous>, transform_indices = @transform_3, window_bounds = array<i64: 11, 11>}, {pipeline_mode = #tpu.pipeline_mode<synchronous>, transform_indices = @transform_4, window_bounds = array<i64: 64, 10>}, {pipeline_mode = #tpu.pipeline_mode<synchronous>, transform_indices = @transform_5, window_bounds = array<i64: 64>}, {pipeline_mode = #tpu.pipeline_mode<synchronous>, transform_indices = @transform_6, window_bounds = array<i64: 64>}, {transform_indices = @transform_7, window_bounds = array<i64: 200, 128>}, {transform_indices = @transform_8, window_bounds = array<i64: 200, 1>}]} {
    %get3A = arith.constant 0 : index
    %get3A_0 = arith.constant 0 : index
    %get3A_1 = vector.load %arg4[%get3A, %get3A_0] : memref<11x11xf32, #tpu.memory_space<vmem>>, vector<11x11xf32>
    %get3A_2 = arith.constant 0 : index
    %get3A_3 = arith.constant 0 : index
    %get3A_4 = vector.load %arg5[%get3A_2, %get3A_3] : memref<64x10xf32, #tpu.memory_space<vmem>>, vector<64x10xf32>
    %slice3A = vector.extract_strided_slice %get3A_1 {offsets = [10, 10], sizes = [1, 1], strides = [1, 1]} : vector<11x11xf32> to vector<1x1xf32>
    %squeeze3A = vector.extract %slice3A[0, 0] : f32 from vector<1x1xf32>
    %slice3A_5 = vector.extract_strided_slice %get3A_1 {offsets = [10, 0], sizes = [1, 10], strides = [1, 1]} : vector<11x11xf32> to vector<1x10xf32>
    %squeeze3A_6 = vector.shape_cast %slice3A_5 : vector<1x10xf32> to vector<10xf32>
    %broadcast_in_dim3A = vector.shape_cast %squeeze3A_6 : vector<10xf32> to vector<1x10xf32>
    %mul3A = vector.broadcast %broadcast_in_dim3A : vector<1x10xf32> to vector<64x10xf32>
    %mul3A_7 = arith.mulf %get3A_4, %mul3A : vector<64x10xf32>
    %reduce_sum3A = arith.constant dense<0.000000e+00> : vector<64xf32>
    %reduce_sum3A_8 = vector.multi_reduction <add>, %mul3A_7, %reduce_sum3A [1] : vector<64x10xf32> to vector<64xf32>
    %div3A = vector.broadcast %squeeze3A : f32 to vector<64xf32>
    %div3A_9 = arith.divf %reduce_sum3A_8, %div3A : vector<64xf32>
    %slice3A_10 = vector.extract_strided_slice %get3A_1 {offsets = [0, 0], sizes = [10, 10], strides = [1, 1]} : vector<11x11xf32> to vector<10x10xf32>
    %dot_general3A = arith.constant dense<0.000000e+00> : vector<64x10xf32>
    %dot_general3A_11 = tpu.matmul %get3A_4, %slice3A_10, %dot_general3A {dimension_numbers = #tpu.dot_dimension_numbers<[1], [0], [0], [1], [0, 0, 1, 1], [], []>, precision = #tpu.contract_precision<fp32>, transpose_lhs_hint = false} : vector<64x10xf32>, vector<10x10xf32>, vector<64x10xf32> -> vector<64x10xf32>
    %mul3A_12 = arith.mulf %dot_general3A_11, %get3A_4 : vector<64x10xf32>
    %reduce_sum3A_13 = arith.constant dense<0.000000e+00> : vector<64xf32>
    %reduce_sum3A_14 = vector.multi_reduction <add>, %mul3A_12, %reduce_sum3A_13 [1] : vector<64x10xf32> to vector<64xf32>
    %div3A_15 = vector.broadcast %squeeze3A : f32 to vector<64xf32>
    %div3A_16 = arith.divf %reduce_sum3A_14, %div3A_15 : vector<64xf32>
    %mul3A_17 = arith.mulf %div3A_9, %div3A_9 : vector<64xf32>
    %sub3A = arith.subf %div3A_16, %mul3A_17 : vector<64xf32>
    %get3A_18 = arith.constant 0 : index
    %get3A_19 = vector.load %arg6[%get3A_18] : memref<64xf32, #tpu.memory_space<vmem>>, vector<64xf32>
    %add3A = arith.constant 1.000000e-03 : f32
    %add3A_20 = vector.broadcast %add3A : f32 to vector<64xf32>
    %add3A_21 = arith.addf %sub3A, %add3A_20 : vector<64xf32>
    %rsqrt3A = math.rsqrt %add3A_21 : vector<64xf32>
    %mul3A_22 = arith.mulf %get3A_19, %rsqrt3A : vector<64xf32>
    %get3A_23 = arith.constant 0 : index
    %get3A_24 = vector.load %arg7[%get3A_23] : memref<64xf32, #tpu.memory_space<vmem>>, vector<64xf32>
    %mul3A_25 = arith.mulf %div3A_9, %mul3A_22 : vector<64xf32>
    %sub3A_26 = arith.subf %get3A_24, %mul3A_25 : vector<64xf32>
    %get3A_27 = arith.constant 0 : index
    %get3A_28 = arith.constant 0 : index
    %get3A_29 = arith.constant 0 : index
    %get3A_30 = vector.load %arg1[%get3A_27, %get3A_28, %get3A_29] : memref<200x32x4xf32, #tpu.memory_space<vmem>>, vector<200x32x4xf32>
    %get3A_31 = arith.constant 0 : index
    %get3A_32 = arith.constant 0 : index
    %get3A_33 = vector.load %arg2[%get3A_31, %get3A_32] : memref<200x4xi32, #tpu.memory_space<vmem>>, vector<200x4xi32>
    %get3A_34 = arith.constant 0 : index
    %get3A_35 = arith.constant 0 : index
    %get3A_36 = vector.load %arg3[%get3A_34, %get3A_35] : memref<200x1xi32, #tpu.memory_space<vmem>>, vector<200x1xi32>
    %squeeze3A_37 = vector.shape_cast %get3A_36 : vector<200x1xi32> to vector<200xi32>
    %convert_element_type3A = arith.sitofp %squeeze3A_37 : vector<200xi32> to vector<200xf32>
    %slice3A_38 = vector.extract_strided_slice %get3A_30 {offsets = [0, 0, 0], sizes = [200, 32, 3], strides = [1, 1, 1]} : vector<200x32x4xf32> to vector<200x32x3xf32>
    %reduce_sum3A_39 = arith.constant dense<0.000000e+00> : vector<200x3xf32>
    %reduce_sum3A_40 = vector.multi_reduction <add>, %slice3A_38, %reduce_sum3A_39 [1] : vector<200x32x3xf32> to vector<200x3xf32>
    %broadcast_in_dim3A_41 = vector.shape_cast %reduce_sum3A_40 : vector<200x3xf32> to vector<200x1x3xf32>
    %broadcast_in_dim3A_42 = vector.shape_cast %convert_element_type3A : vector<200xf32> to vector<200x1x1xf32>
    %div3A_43 = vector.broadcast %broadcast_in_dim3A_42 : vector<200x1x1xf32> to vector<200x1x3xf32>
    %div3A_44 = arith.divf %broadcast_in_dim3A_41, %div3A_43 : vector<200x1x3xf32>
    %sub3A_45 = vector.broadcast %div3A_44 : vector<200x1x3xf32> to vector<200x32x3xf32>
    %sub3A_46 = arith.subf %slice3A_38, %sub3A_45 : vector<200x32x3xf32>
    %convert_element_type3A_47 = arith.sitofp %get3A_33 : vector<200x4xi32> to vector<200x4xf32>
    %slice3A_48 = vector.extract_strided_slice %convert_element_type3A_47 {offsets = [0, 3], sizes = [200, 1], strides = [1, 1]} : vector<200x4xf32> to vector<200x1xf32>
    %squeeze3A_49 = vector.shape_cast %slice3A_48 : vector<200x1xf32> to vector<200xf32>
    %mul3A_50 = arith.constant 1.600000e-01 : f32
    %mul3A_51 = vector.broadcast %mul3A_50 : f32 to vector<200xf32>
    %mul3A_52 = arith.mulf %squeeze3A_49, %mul3A_51 : vector<200xf32>
    %add3A_53 = arith.constant 8.000000e-02 : f32
    %add3A_54 = vector.broadcast %add3A_53 : f32 to vector<200xf32>
    %add3A_55 = arith.addf %mul3A_52, %add3A_54 : vector<200xf32>
    %slice3A_56 = vector.extract_strided_slice %convert_element_type3A_47 {offsets = [0, 2], sizes = [200, 1], strides = [1, 1]} : vector<200x4xf32> to vector<200x1xf32>
    %squeeze3A_57 = vector.shape_cast %slice3A_56 : vector<200x1xf32> to vector<200xf32>
    %mul3A_58 = arith.constant 1.600000e-01 : f32
    %mul3A_59 = vector.broadcast %mul3A_58 : f32 to vector<200xf32>
    %mul3A_60 = arith.mulf %squeeze3A_57, %mul3A_59 : vector<200xf32>
    %add3A_61 = arith.constant -3.960000e+01 : f32
    %add3A_62 = vector.broadcast %add3A_61 : f32 to vector<200xf32>
    %add3A_63 = arith.addf %mul3A_60, %add3A_62 : vector<200xf32>
    %slice3A_64 = vector.extract_strided_slice %convert_element_type3A_47 {offsets = [0, 1], sizes = [200, 1], strides = [1, 1]} : vector<200x4xf32> to vector<200x1xf32>
    %squeeze3A_65 = vector.shape_cast %slice3A_64 : vector<200x1xf32> to vector<200xf32>
    %mul3A_66 = arith.constant 4.000000e+00 : f32
    %mul3A_67 = vector.broadcast %mul3A_66 : f32 to vector<200xf32>
    %mul3A_68 = arith.mulf %squeeze3A_65, %mul3A_67 : vector<200xf32>
    %add3A_69 = arith.constant -1.000000e+00 : f32
    %add3A_70 = vector.broadcast %add3A_69 : f32 to vector<200xf32>
    %add3A_71 = arith.addf %mul3A_68, %add3A_70 : vector<200xf32>
    %stack3A = vector.shape_cast %add3A_55 : vector<200xf32> to vector<200x1xf32>
    %stack3A_72 = vector.shape_cast %add3A_63 : vector<200xf32> to vector<200x1xf32>
    %stack3A_73 = vector.shape_cast %add3A_71 : vector<200xf32> to vector<200x1xf32>
    %stack3A_74 = tpu.concatenate %stack3A, %stack3A_72, %stack3A_73 in 1 : vector<200x1xf32>, vector<200x1xf32>, vector<200x1xf32> -> vector<200x3xf32>
    %broadcast_in_dim3A_75 = vector.shape_cast %stack3A_74 : vector<200x3xf32> to vector<200x1x3xf32>
    %sub3A_76 = vector.broadcast %broadcast_in_dim3A_75 : vector<200x1x3xf32> to vector<200x32x3xf32>
    %sub3A_77 = arith.subf %slice3A_38, %sub3A_76 : vector<200x32x3xf32>
    %concatenate3A = tpu.concatenate %get3A_30, %sub3A_46, %sub3A_77 in 2 : vector<200x32x4xf32>, vector<200x32x3xf32>, vector<200x32x3xf32> -> vector<200x32x10xf32>
    %broadcast_in_dim3A_78 = vector.shape_cast %squeeze3A_37 : vector<200xi32> to vector<200x1xi32>
    %iota3A = tpu.iota {dimensions = array<i32: 1>} : vector<1x32xi32>
    %gt3A = vector.broadcast %broadcast_in_dim3A_78 : vector<200x1xi32> to vector<200x32xi32>
    %gt3A_79 = vector.broadcast %iota3A : vector<1x32xi32> to vector<200x32xi32>
    %gt3A_80 = arith.cmpi sgt, %gt3A, %gt3A_79 : vector<200x32xi32>
    %convert_element_type3A_81 = arith.extui %gt3A_80 : vector<200x32xi1> to vector<200x32xi32>
    %convert_element_type3A_82 = arith.sitofp %convert_element_type3A_81 : vector<200x32xi32> to vector<200x32xf32>
    %broadcast_in_dim3A_83 = vector.shape_cast %convert_element_type3A_82 : vector<200x32xf32> to vector<200x32x1xf32>
    %mul3A_84 = vector.broadcast %broadcast_in_dim3A_83 : vector<200x32x1xf32> to vector<200x32x10xf32>
    %mul3A_85 = arith.mulf %concatenate3A, %mul3A_84 : vector<200x32x10xf32>
    %reshape3A = vector.shape_cast %mul3A_85 : vector<200x32x10xf32> to vector<6400x10xf32>
    %dot_general3A_86 = arith.constant dense<0.000000e+00> : vector<6400x64xf32>
    %dot_general3A_87 = tpu.matmul %reshape3A, %get3A_4, %dot_general3A_86 {dimension_numbers = #tpu.dot_dimension_numbers<[1], [1], [0], [0], [0, 0, 1, 0], [], []>, precision = #tpu.contract_precision<fp32>, transpose_lhs_hint = false} : vector<6400x10xf32>, vector<64x10xf32>, vector<6400x64xf32> -> vector<6400x64xf32>
    %reshape3A_88 = vector.shape_cast %dot_general3A_87 : vector<6400x64xf32> to vector<200x32x64xf32>
    %broadcast_in_dim3A_89 = vector.shape_cast %mul3A_22 : vector<64xf32> to vector<1x1x64xf32>
    %mul3A_90 = vector.broadcast %broadcast_in_dim3A_89 : vector<1x1x64xf32> to vector<200x32x64xf32>
    %mul3A_91 = arith.mulf %reshape3A_88, %mul3A_90 : vector<200x32x64xf32>
    %broadcast_in_dim3A_92 = vector.shape_cast %sub3A_26 : vector<64xf32> to vector<1x1x64xf32>
    %add3A_93 = vector.broadcast %broadcast_in_dim3A_92 : vector<1x1x64xf32> to vector<200x32x64xf32>
    %add3A_94 = arith.addf %mul3A_91, %add3A_93 : vector<200x32x64xf32>
    %max3A = arith.constant 0.000000e+00 : f32
    %max3A_95 = vector.broadcast %max3A : f32 to vector<200x32x64xf32>
    %max3A_96 = arith.maximumf %add3A_94, %max3A_95 : vector<200x32x64xf32>
    %reduce_max3A = arith.constant dense<0xFF800000> : vector<200x64xf32>
    %reduce_max3A_97 = vector.multi_reduction <maximumf>, %max3A_96, %reduce_max3A [1] : vector<200x32x64xf32> to vector<200x64xf32>
    %broadcast_in_dim3A_98 = arith.constant 0.000000e+00 : f32
    %broadcast_in_dim3A_99 = vector.broadcast %broadcast_in_dim3A_98 : f32 to vector<200x64xf32>
    %concatenate3A_100 = tpu.concatenate %reduce_max3A_97, %broadcast_in_dim3A_99 in 1 : vector<200x64xf32>, vector<200x64xf32> -> vector<200x128xf32>
    %swap3A = arith.constant 0 : index
    %swap3A_101 = arith.constant 0 : index
    %swap3A_102 = vector.load %arg8[%swap3A, %swap3A_101] : memref<200x128xf32, #tpu.memory_space<vmem>>, vector<200x128xf32>
    tpu.vector_store %arg8[%swap3A, %swap3A_101], %concatenate3A_100 {strides = array<i32>} : memref<200x128xf32, #tpu.memory_space<vmem>>, vector<200x128xf32>,
    %get3A_103 = arith.constant 0 : index
    %get3A_104 = arith.constant 0 : index
    %get3A_105 = vector.load %arg2[%get3A_103, %get3A_104] : memref<200x4xi32, #tpu.memory_space<vmem>>, vector<200x4xi32>
    %slice3A_106 = vector.extract_strided_slice %get3A_105 {offsets = [0, 0], sizes = [200, 1], strides = [1, 1]} : vector<200x4xi32> to vector<200x1xi32>
    %squeeze3A_107 = vector.shape_cast %slice3A_106 : vector<200x1xi32> to vector<200xi32>
    %mul3A_108 = arith.constant 214272 : i32
    %mul3A_109 = vector.broadcast %mul3A_108 : i32 to vector<200xi32>
    %mul3A_110 = arith.muli %squeeze3A_107, %mul3A_109 : vector<200xi32>
    %slice3A_111 = vector.extract_strided_slice %get3A_105 {offsets = [0, 1], sizes = [200, 1], strides = [1, 1]} : vector<200x4xi32> to vector<200x1xi32>
    %squeeze3A_112 = vector.shape_cast %slice3A_111 : vector<200x1xi32> to vector<200xi32>
    %add3A_113 = arith.addi %mul3A_110, %squeeze3A_112 : vector<200xi32>
    %slice3A_114 = vector.extract_strided_slice %get3A_105 {offsets = [0, 2], sizes = [200, 1], strides = [1, 1]} : vector<200x4xi32> to vector<200x1xi32>
    %squeeze3A_115 = vector.shape_cast %slice3A_114 : vector<200x1xi32> to vector<200xi32>
    %mul3A_116 = arith.constant 432 : i32
    %mul3A_117 = vector.broadcast %mul3A_116 : i32 to vector<200xi32>
    %mul3A_118 = arith.muli %squeeze3A_115, %mul3A_117 : vector<200xi32>
    %add3A_119 = arith.addi %add3A_113, %mul3A_118 : vector<200xi32>
    %slice3A_120 = vector.extract_strided_slice %get3A_105 {offsets = [0, 3], sizes = [200, 1], strides = [1, 1]} : vector<200x4xi32> to vector<200x1xi32>
    %squeeze3A_121 = vector.shape_cast %slice3A_120 : vector<200x1xi32> to vector<200xi32>
    %add3A_122 = arith.addi %add3A_119, %squeeze3A_121 : vector<200xi32>
    %broadcast_in_dim3A_123 = vector.shape_cast %add3A_122 : vector<200xi32> to vector<200x1xi32>
    %swap3A_124 = arith.constant 0 : index
    %swap3A_125 = arith.constant 0 : index
    %swap3A_126 = vector.load %arg9[%swap3A_124, %swap3A_125] : memref<200x1xi32, #tpu.memory_space<vmem>>, vector<200x1xi32>
    tpu.vector_store %arg9[%swap3A_124, %swap3A_125], %broadcast_in_dim3A_123 {strides = array<i32>} : memref<200x1xi32, #tpu.memory_space<vmem>>, vector<200x1xi32>,
    return
  }
  func.func @transform_0(%arg0: i32) -> (i32, i32, i32) {
    %c0_i32 = arith.constant 0 : i32
    %c0_i32_0 = arith.constant 0 : i32
    %c0_i32_1 = arith.constant 0 : i32
    return %arg0, %c0_i32, %c0_i32_0 : i32, i32, i32
  }
  func.func @transform_1(%arg0: i32) -> (i32, i32) {
    %c0_i32 = arith.constant 0 : i32
    %c0_i32_0 = arith.constant 0 : i32
    return %arg0, %c0_i32 : i32, i32
  }
  func.func @transform_2(%arg0: i32) -> (i32, i32) {
    %c0_i32 = arith.constant 0 : i32
    %c0_i32_0 = arith.constant 0 : i32
    return %arg0, %c0_i32 : i32, i32
  }
  func.func @transform_3(%arg0: i32) -> (i32, i32) {
    %c0_i32 = arith.constant 0 : i32
    %c0_i32_0 = arith.constant 0 : i32
    %c0_i32_1 = arith.constant 0 : i32
    return %c0_i32, %c0_i32_0 : i32, i32
  }
  func.func @transform_4(%arg0: i32) -> (i32, i32) {
    %c0_i32 = arith.constant 0 : i32
    %c0_i32_0 = arith.constant 0 : i32
    %c0_i32_1 = arith.constant 0 : i32
    return %c0_i32, %c0_i32_0 : i32, i32
  }
  func.func @transform_5(%arg0: i32) -> i32 {
    %c0_i32 = arith.constant 0 : i32
    %c0_i32_0 = arith.constant 0 : i32
    return %c0_i32 : i32
  }
  func.func @transform_6(%arg0: i32) -> i32 {
    %c0_i32 = arith.constant 0 : i32
    %c0_i32_0 = arith.constant 0 : i32
    return %c0_i32 : i32
  }
  func.func @transform_7(%arg0: i32) -> (i32, i32) {
    %c0_i32 = arith.constant 0 : i32
    %c0_i32_0 = arith.constant 0 : i32
    return %arg0, %c0_i32 : i32, i32
  }
  func.func @transform_8(%arg0: i32) -> (i32, i32) {
    %c0_i32 = arith.constant 0 : i32
    %c0_i32_0 = arith.constant 0 : i32
    return %arg0, %c0_i32 : i32, i32
  }
}

</mosaic_0001>

<sc_bundles>
// kernel: kernel.5.cloned.1.call-start
scs
__scs_entry_jumppad:
0x0: {  	(pc) =	sbr.rel $0x88, $3  }
0x1: {  	(tag) =	ssettag $0x0;
	lr =	simm.s32 $0x1  }
0x2: {  	[smem:$0x3F9B] =	sst lr;
	_ =	strace $0xD0000000  }
0x3: {  	_ = 	snop  }
0x4: {  	_ = 	snop  }
0x5: {  	_ = 	snop  }
0x6: {  	_ = 	snop  }
0x7: {  	_ = 	snop  }
__scs_overlays_trampoline_lowered:
0x8: {  	[smem:$0x3FAA] =	sst s0  }
0x9: {  	[smem:$0x3FAB] =	sst s1  }
0xa: {  	[smem:$0x3FAC] =	sst s2  }
0xb: {  	[smem:$0x3FAD] =	sst s3  }
0xc: {  	[smem:$0x3FAE] =	sst s4  }
0xd: {  	[smem:$0x3FAF] =	sst s5  }
0xe: {  	[smem:$0x3FB0] =	sst s6  }
0xf: {  	[smem:$0x3FB1] =	sst s7  }
0x10: {  	[smem:$0x3FB2] =	sst s8  }
0x11: {  	[smem:$0x3FB3] =	sst s9;
	s0 =	simm.s32 @!p0 $0x0  }
0x12: {  	s1 =	sld [smem:$0x3F99];
	s0 =	simm.s32 @p0 $0x1  }
0x13: {  	[smem:$0x3FB4] =	sst s0;
	s0 =	simm.s32 @!p1 $0x0  }
0x14: {  	s2 =	sld [smem:$0x3F98];
	s0 =	simm.s32 @p1 $0x1  }
0x15: {  	[smem:$0x3FB5] =	sst s0;
	s0 =	simm.s32 @!p2 $0x0  }
0x16: {  	s3 =	sld [smem:$0x3FDB];
	s0 =	simm.s32 @p2 $0x1  }
0x17: {  	s4 =	simm.s32 $0x1BF5;
	[smem:$0x3FB7] =	sst s0  }
0x18: {  	s0 =	sld [smem:$0x3F9A];
	_ =	swait.ge [sflag:s4], $0x0  }
0x19: {  	s7 =	sld [smem:$0x3F9B]  }
0x1a: {  	s8 =	sadd.s32 $0xFFFFE003, lr  }
0x1b: {  	s9 =	sadd.s32 $0xFFFFFEF7, lr;
	s5 =	simm.s32 $0xFFFFFFFF;
	p2 =	slt.u32 s8, $0xFFFFF086  }
0x1c: {  	p1 =	slt.u32 s9, $0xF7A;
	s5 =	simm.s32 @!p2 $0x0  }
0x1d: {  	s5 =	simm.s32 @p1 $0x1;
	p0 =	seq.s32 s7, s2  }
0x1e: {  	s7 =	smul.u32 @!p0 $0xF7A, s2;
	p2 =	seq.s32 @!p0 s5, $0x0  }
0x1f: {  	s9 =	smul.u32 $0xF7A, s1;
	s8 =	simm.s32 @!p0 $0x1BF5;
	p2 =	por !p2, p0  }
0x20: {  	[sflag:s8] =	ssyncset.s32 @!p0 $0xFFFFF086;
	s6 =	sadd.s32 @!p0 s3, s7;
	s7 =	simm.s32 @!p0 $0x108  }
0x21: {  	s3 =	sadd.s32 s3, s9;
	s6 =	sadd.s32 @!p0 $0x88, s6;
	s7 =	simm.s32 @p2 $0x1082  }
0x22: {  	[simem:s7], [sflag:s8] =	dma.local @!p0 [hbm:s6], $0xF7A  }
0x23: {  	s9 =	sor.u32 $0xD0000000, s2;
	s6 =	simm.s32 $0x108;
	_ =	swait.ge @!p0 [sflag:s8], $0x0  }
0x24: {  	s3 =	sadd.s32 $0x88, s3;
	s6 =	simm.s32 @!p1 $0x1082;
	[sflag:s4] =	ssyncset.s32 $0xFFFFF086  }
0x25: {  	[simem:s6], [sflag:s4] =	dma.local [hbm:s3], $0xF7A  }
0x26: {  	[smem:$0x3F9B] =	sst s1;
	(tag) =	ssettag s2;
	_ =	strace s9  }
0x27: {  	s1 =	sld [smem:$0x3FAB]  }
0x28: {  	s2 =	sld [smem:$0x3FAC]  }
0x29: {  	s4 =	sld [smem:$0x3FAE]  }
0x2a: {  	p0 =	seq.s32 s5, $0x0;
	s5 =	sld [smem:$0x3FAF]  }
0x2b: {  	s6 =	sld [smem:$0x3FB0]  }
0x2c: {  	s7 =	sld [smem:$0x3FB1]  }
0x2d: {  	s3 =	simm.s32 $0x108;
	s8 =	sld [smem:$0x3FB2]  }
0x2e: {  	s3 =	simm.s32 @!p0 $0x1082;
	s9 =	sld [smem:$0x3FB3]  }
0x2f: {  	lr =	sadd.s32 s0, s3;
	s0 =	sld [smem:$0x3FAA]  }
0x30: {  	s3 =	sld [smem:$0x3FAD]  }
0x31: {  	[smem:$0x3FB6] =	sst s10  }
0x32: {  	s10 =	sld [smem:$0x3FB4];
	_ =	sdelay $0x3  }
0x33: {  	p0 =	seq.s32 s10, $0x1;
	s10 =	sld [smem:$0x3FB6];
	_ =	sdelay $0x3  }
0x34: {  	[smem:$0x3FB6] =	sst s10  }
0x35: {  	s10 =	sld [smem:$0x3FB5];
	_ =	sdelay $0x3  }
0x36: {  	p1 =	seq.s32 s10, $0x1;
	s10 =	sld [smem:$0x3FB6];
	_ =	sdelay $0x3  }
0x37: {  	[smem:$0x3FB6] =	sst s10  }
0x38: {  	s10 =	sld [smem:$0x3FB7]  }
0x39: {  	_ = 	snop;
	(pc) =	sbr.ind lr, $3  }
0x3a: {  	_ = 	snop  }
0x3b: {  	_ = 	snop  }
0x3c: {  	p2 =	seq.s32 s10, $0x1;
	s10 =	sld [smem:$0x3FB6]  }
0x3d: {  	_ =	shalt  }
0x3e: {  	_ =	shalt  }
0x3f: {  	_ =	shalt  }
0x40: {  	_ =	shalt  }
0x41: {  	_ =	shalt  }
0x42: {  	_ =	shalt  }
0x43: {  	_ =	shalt  }
0x44: {  	_ =	shalt  }
0x45: {  	_ =	shalt  }
0x46: {  	_ =	shalt  }
0x47: {  	_ =	shalt  }
0x48: {  	_ =	shalt  }
0x49: {  	_ =	shalt  }
0x4a: {  	_ =	shalt  }
0x4b: {  	_ =	shalt  }
0x4c: {  	_ =	shalt  }
0x4d: {  	_ =	shalt  }
0x4e: {  	_ =	shalt  }
0x4f: {  	_ =	shalt  }
0x50: {  	_ =	shalt  }
0x51: {  	_ =	shalt  }
0x52: {  	_ =	shalt  }
0x53: {  	_ =	shalt  }
0x54: {  	_ =	shalt  }
0x55: {  	_ =	shalt  }
0x56: {  	_ =	shalt  }
0x57: {  	_ =	shalt  }
0x58: {  	_ =	shalt  }
0x59: {  	_ =	shalt  }
0x5a: {  	_ =	shalt  }
0x5b: {  	_ =	shalt  }
0x5c: {  	_ =	shalt  }
0x5d: {  	_ =	shalt  }
0x5e: {  	_ =	shalt  }
0x5f: {  	_ =	shalt  }
0x60: {  	_ =	shalt  }
0x61: {  	_ =	shalt  }
0x62: {  	_ =	shalt  }
0x63: {  	_ =	shalt  }
0x64: {  	_ =	shalt  }
0x65: {  	_ =	shalt  }
0x66: {  	_ =	shalt  }
0x67: {  	_ =	shalt  }
0x68: {  	_ =	shalt  }
0x69: {  	_ =	shalt  }
0x6a: {  	_ =	shalt  }
0x6b: {  	_ =	shalt  }
0x6c: {  	_ =	shalt  }
0x6d: {  	_ =	shalt  }
0x6e: {  	_ =	shalt  }
0x6f: {  	_ =	shalt  }
0x70: {  	_ =	shalt  }
0x71: {  	_ =	shalt  }
0x72: {  	_ =	shalt  }
0x73: {  	_ =	shalt  }
0x74: {  	_ =	shalt  }
0x75: {  	_ =	shalt  }
0x76: {  	_ =	shalt  }
0x77: {  	_ =	shalt  }
0x78: {  	_ =	shalt  }
0x79: {  	_ =	shalt  }
0x7a: {  	_ =	shalt  }
0x7b: {  	_ =	shalt  }
0x7c: {  	_ =	shalt  }
0x7d: {  	_ =	shalt  }
0x7e: {  	_ =	shalt  }
0x7f: {  	_ =	shalt  }
0x80: {  	_ =	shalt  }
0x81: {  	_ =	shalt  }
0x82: {  	_ =	shalt  }
0x83: {  	_ =	shalt  }
0x84: {  	_ =	shalt  }
0x85: {  	_ =	shalt  }
0x86: {  	_ =	shalt  }
0x87: {  	_ =	shalt  }
.Lfunc_end0:
.L_simem_size_0:
called_computation_lowered:
.L_overlay_start_0:
0x88: {  	s2 =	sld [smem:$0x3FD9]  }
0x89: {  	s3 =	sld [smem:$0x3FFE];
	_ =	sdelay $0x1  }
0x8a: {  	s1 =	srdreg.scid  }
0x8b: {  	s0 =	sand.u32 $0x1, s1  }
0x8c: {  	s17 =	sshll.u32 s0, $0xA;
	s2 =	sadd.s32 s3, s2  }
0x8d: {  	s2 =	sadd.s32 s2, s17  }
0x8e: {  	[smem:$0x3FC2] =	sst s2  }
0x8f: {  	_ = 	snop  }
0x90: {  	s2 =	sld [smem:$0x3FD0];
	(tm) =	ssettm $0x1  }
0x91: {  	s18 =	sld [smem:$0x3FFB];
	_ =	sdelay $0x3  }
0x92: {  	_ =	strace s18  }
0x93: {  	s3 =	sld [smem:$0x3FFC];
	_ =	sdelay $0x3  }
0x94: {  	_ =	strace s3  }
0x95: {  	s3 =	sld [smem:$0x3FFD];
	_ =	sdelay $0x3  }
0x96: {  	_ =	strace s3  }
0x97: {  	_ =	strace $0x8FFFFFFF  }
0x98: {  	s19 =	sld [smem:$0x3FDB];
	_ =	sdelay $0x1  }
0x99: {  	s4 =	simm.s32 $_scs_section_size  }
0x9a: {  	s5 =	simm.s32 $_size__tile_overlayer_lowered;
	s6 =	simm.s32 $_tile_overlayer_lowered  }
0x9b: {  	s22 =	simm.s32 $0x1BFF;
	s21 =	sshll.u32 s6, $0x1;
	s3 =	sadd.s32 s4, s19  }
0x9c: {  	s7 =	simm.s32 $0x0;
	s20 =	sshll.u32 s5, $0x1;
	s5 =	sadd.s32 s21, s3  }
0x9d: {  	[timem:s7], [sflag:s22] =	dma.local [hbm:s5], s20  }
0x9e: {  	_ =	swait.ge [sflag:s22], s20  }
0x9f: {  	s4 =	ssub.s32 $0x0, s20;
	[sflag:s22] =	ssyncset.done $0x0  }
0xa0: {  	[sflag:s22] =	ssyncadd.s32 s4;
	_ =	sdelay $0x1  }
0xa1: {  	s23 =	simm.s32 $0x1B8B  }
0xa2: {  	_ =	swait.ge [sflag:s23], $0x1  }
0xa3: {  	[sflag:s23] =	ssyncset.done $0x0  }
0xa4: {  	s25 =	simm.s32 $0x1B8E;
	s24 =	sld [smem:$0x3FFE];
	[sflag:s23] =	ssyncadd.s32 $0xFFFFFFFF  }
0xa5: {  	s26 =	simm.s32 $execute0_lowered;
	[smem:$0x3FD2] =	sst s25  }
0xa6: {  	s5 =	sshll.u32 s26, $0x1;
	_ =	strace $0x80000046;
	[dreg:$0x1] =	wrdreg $0xFFFFFFFF  }
0xa7: {  	s28 =	simm.s32 $_size_execute0_lowered;
	s3 =	sadd.s32 s3, s5;
	[dreg:$0x0] =	wrdreg $0x0  }
0xa8: {  	s5 =	sshll.u32 s28, $0x1;
	[dreg:$0x2] =	wrdreg s3  }
0xa9: {  	[dreg:$0x3] =	wrdreg s5  }
0xaa: {  	[dreg:$0x4] =	wrdreg $0xC0  }
0xab: {  	_ =	task [dreg:s7], $0x5FFFF  }
0xac: {  	[dreg:$0x1] =	wrdreg $0xFFFFFFFF  }
0xad: {  	[dreg:$0x0] =	wrdreg $0x60  }
0xae: {  	[dreg:$0x2] =	wrdreg s2  }
0xaf: {  	[dreg:$0x3] =	wrdreg s24  }
0xb0: {  	[dreg:$0x4] =	wrdreg $0x9  }
0xb1: {  	_ =	task.clear_ibuf [dreg:s7], $0x5FFFF;
	_ =	strace $0x90000046  }
0xb2: {  	s29 =	simm.s32 $0x9;
	_ =	strace $0x80000048  }
0xb3: {  	_ =	swait.ge [sflag:s29], $0x1  }
0xb4: {  	[sflag:s29] =	ssyncadd.s32 $0xFFFFFFFF  }
0xb5: {  	_ =	strace $0x90000048  }
0xb6: {  	_ =	sfence  }
0xb7: {  	s30 =	sld [smem:$0x0];
	_ =	sdelay $0x2  }
0xb8: {  	s31 =	sshll.u32 s1, $0xD;
	s1 =	sshrl.u32 s1, $0x2  }
0xb9: {  	s3 =	sand.u32 $0x4000, s31;
	s1 =	sadd.s32 s1, s30  }
0xba: {  	s0 =	sor.u32 s3, s0;
	s1 =	sshll.u32 s1, $0x11  }
0xbb: {  	s0 =	sor.u32 s1, s0  }
0xbc: {  	s0 =	sadd.s32 $0x8F2B, s0  }
0xbd: {  	[sflag:s0] =	ssyncadd.remote.s32 $0x1  }
0xbe: {  	_ =	sfence.sel $0xFFFF  }
0xbf: {  	[dreg:$0x0] =	wrdreg $0xFFFFFFFF;
	(pc) =	sbr.abs _section_cstart, $3  }
0xc0: {  	[dreg:$0x1] =	wrdreg $0xFFFFFFFF  }
0xc1: {  	_ =	task.clear_ibuf [dreg:s7], $0x2FFFF;
	_ =	strace $0x9FFFFFFF  }
0xc2: {  	(tm) =	ssettm $0x7FFFFFFF  }
0xc3: {  	_ =	shalt  }
tec
execute0_lowered:
.L_overlay_start_1:
0x0: {  	(tag) =	ssettag $0x1  }
0x1: {  	s0 =	srdreg.scid  }
0x2: {  	s1 =	stileid.u32;
	s4 =	rddreg [dreg:$0x1]  }
0x3: {  	s2 =	simm.s32 $0x0;
	s9 =	simm.s32 $0x1000;
	s0 =	sand.u32 $0x1, s0  }
0x4: {  	s1 =	sshll.u32 s1, $0x1;
	[smem:$0x7FF] =	sst s2;
	s2 =	sadd.s32 $0x1800, s4  }
0x5: {  	s4 =	sadd.s32 $0x2000, s4;
	s1 =	sor.u32 s0, s1;
	s0 =	ssub.s32 $0x2, s0  }
.Ltmp0:
0x6: {  	v3 =	vimm.s32 $0xECA86420;
	v1 =	vimm.f32 $0.0e+00;
	_ =	strace $0x80000047;
	[dreg:$0x6] =	wrdreg s4;
	(pc) =	sbr.rel .LBB2_1-.Ltmp0, $4  }
0x7: {  	v2 =	vlaneseq.u32;
	s31 =	simm.s32 $0x4F00;
	vm3 =	vmmov $0xff;
	vm10 =	vcmask $0x704;
	[dreg:$0x5] =	wrdreg s2;
	s30 =	sshrl.u32 s0, $0x1  }
0x8: {  	v8 =	vimm.s32 $0x0;
	v5 =	vunpack.c.l.s4.s8 v3;
	v3 =	vimm.s32 $0x0;
	s3 =	smul.u32 $0xFFFFCA00, s1;
	s1 =	sshll.u32 s1, $0x2;
	s0 =	ssub.s32 s0, s30  }
0x9: {  	s5 =	simm.s32 $0x8F00;
	v4 =	vmul.u32 $0x4000, v2;
	v6 =	vmul.u32 $0x2, v2;
	v8 =	vsel vm3, $0xFFFFFFFF, v8;
	[dreg:$0x7] =	wrdreg s1;
	s0 =	smax.u32 s0, $0x1  }
0xa: {  	s8 =	simm.s32 $0xEF00;
	v7 =	vmul.u32 $0x1000, v2;
	[tilespmem:$0x1FFF0] =	vst v8;
	v5 =	vunpack.c.0.s8.s32 v5;
	s1 =	simm.s32 $0x0;
	v0 =	vmov s3;
	[dreg:$0x8] =	wrdreg s0  }
.LBB2_284:
0xb: {  	s1 =	rddreg [dreg:$0x9]  }
0xc: {  	s0 =	rddreg [dreg:$0x8];
	s1 =	sadd.s32 $0x1, s1  }
0xd: {  	p0 =	sne.s32 s1, s0  }
.Ltmp1:
0xe: {  	_ = 	snop;
	(pc) =	sbr.rel @!p0 .LBB2_285-.Ltmp1, $2  }
0xf: {  	_ =	sdelay $0x2  }
0x10: {  	s2 =	rddreg [dreg:$0x5]  }
.LBB2_1:
0x11: {  	s30 =	simm.s32 $0x0  }
0x12: {  	[dreg:$0x9] =	wrdreg s1;
	s0 =	sand.u32 $0x70, s30;
	s1 =	sand.u32 $0xC00, s30  }
0x13: {  	s0 =	sor.u32 s0, s1  }
0x14: {  	s3 =	simm.s32 $0x0;
	s1 =	simm.s32 $0x10;
	[tilespmem:s0+$0xEF00] =	vst v1  }
.LBB2_2:
0x15: {  	p0 =	sne.s32 s1, $0x1A0  }
.Ltmp2:
0x16: {  	_ = 	snop;
	(pc) =	sbr.rel @p0 .LBB2_2-.Ltmp2, $4  }
0x17: {  	s3 =	sadd.s32 $0x80, s3  }
0x18: {  	s0 =	sand.u32 $0x70, s1;
	s4 =	sand.u32 $0xC00, s3  }
0x19: {  	s0 =	sor.u32 s0, s4  }
0x1a: {  	s1 =	sadd.s32 $0x10, s1;
	[tilespmem:s0+$0xEF00] =	vst v1;
	s0 =	simm.s32 $0x0  }
0x1b: {  	s1 =	sand.u32 $0x70, s0;
	s3 =	sand.u32 $0xC00, s0  }
0x1c: {  	s1 =	sor.u32 s1, s3  }
0x1d: {  	s4 =	simm.s32 $0x0;
	s3 =	simm.s32 $0x10;
	[tilespmem:s1+$0xEF80] =	vst v1  }
.LBB2_4:
0x1e: {  	p0 =	sne.s32 s3, $0x1A0  }
.Ltmp3:
0x1f: {  	_ = 	snop;
	(pc) =	sbr.rel @p0 .LBB2_4-.Ltmp3, $4  }
0x20: {  	s4 =	sadd.s32 $0x80, s4  }
0x21: {  	s6 =	sand.u32 $0x70, s3;
	s7 =	sand.u32 $0xC00, s4  }
0x22: {  	s6 =	sor.u32 s6, s7  }
0x23: {  	s3 =	sadd.s32 $0x10, s3;
	[tilespmem:s6+$0xEF80] =	vst v1  }
0x24: {  	s3 =	simm.s32 $0x10;
	[tilespmem:s1+$0xF000] =	vst v1  }
.LBB2_6:
0x25: {  	p0 =	sne.s32 s3, $0x1A0  }
.Ltmp4:
0x26: {  	_ = 	snop;
	(pc) =	sbr.rel @p0 .LBB2_6-.Ltmp4, $4  }
0x27: {  	s0 =	sadd.s32 $0x80, s0  }
0x28: {  	s1 =	sand.u32 $0x70, s3;
	s4 =	sand.u32 $0xC00, s0  }
0x29: {  	s1 =	sor.u32 s1, s4  }
0x2a: {  	s3 =	sadd.s32 $0x10, s3;
	[tilespmem:s1+$0xF000] =	vst v1;
	s1 =	simm.s32 $0x0  }
0x2b: {  	s0 =	sand.u32 $0x70, s1;
	s3 =	sand.u32 $0xC00, s1  }
0x2c: {  	s0 =	sor.u32 s0, s3  }
0x2d: {  	s4 =	simm.s32 $0x0;
	s3 =	simm.s32 $0x10;
	[tilespmem:s0+$0xF080] =	vst v1  }
.LBB2_8:
0x2e: {  	p0 =	sne.s32 s3, $0x1A0  }
.Ltmp5:
0x2f: {  	_ = 	snop;
	(pc) =	sbr.rel @p0 .LBB2_8-.Ltmp5, $4  }
0x30: {  	s4 =	sadd.s32 $0x80, s4  }
0x31: {  	s6 =	sand.u32 $0x70, s3;
	s7 =	sand.u32 $0xC00, s4  }
0x32: {  	s6 =	sor.u32 s6, s7  }
0x33: {  	s3 =	sadd.s32 $0x10, s3;
	[tilespmem:s6+$0xF080] =	vst v1  }
0x34: {  	s4 =	simm.s32 $0x10;
	[tilespmem:s0+$0xF100] =	vst v1  }
.LBB2_10:
0x35: {  	p0 =	sne.s32 s4, $0x1A0  }
.Ltmp6:
0x36: {  	_ = 	snop;
	(pc) =	sbr.rel @p0 .LBB2_10-.Ltmp6, $4  }
0x37: {  	s1 =	sadd.s32 $0x80, s1  }
0x38: {  	s0 =	sand.u32 $0x70, s4;
	s3 =	sand.u32 $0xC00, s1  }
0x39: {  	s0 =	sor.u32 s0, s3  }
0x3a: {  	s4 =	sadd.s32 $0x10, s4;
	s3 =	simm.s32 $0x0;
	[tilespmem:s0+$0xF100] =	vst v1  }
0x3b: {  	s0 =	sand.u32 $0x70, s3;
	s1 =	sand.u32 $0xC00, s3  }
0x3c: {  	s0 =	sor.u32 s0, s1  }
0x3d: {  	s4 =	simm.s32 $0x0;
	s1 =	simm.s32 $0x10;
	[tilespmem:s0+$0xF180] =	vst v1  }
.LBB2_12:
0x3e: {  	p0 =	sne.s32 s1, $0x1A0  }
.Ltmp7:
0x3f: {  	_ = 	snop;
	(pc) =	sbr.rel @p0 .LBB2_12-.Ltmp7, $4  }
0x40: {  	s4 =	sadd.s32 $0x80, s4  }
0x41: {  	s6 =	sand.u32 $0x70, s1;
	s7 =	sand.u32 $0xC00, s4  }
0x42: {  	s6 =	sor.u32 s6, s7  }
0x43: {  	s1 =	sadd.s32 $0x10, s1;
	[tilespmem:s6+$0xF180] =	vst v1  }
0x44: {  	s1 =	simm.s32 $0x10;
	[tilespmem:s0+$0xF200] =	vst v1  }
.LBB2_14:
0x45: {  	p0 =	sne.s32 s1, $0x1A0  }
.Ltmp8:
0x46: {  	_ = 	snop;
	(pc) =	sbr.rel @p0 .LBB2_14-.Ltmp8, $4  }
0x47: {  	s3 =	sadd.s32 $0x80, s3  }
0x48: {  	s0 =	sand.u32 $0x70, s1;
	s4 =	sand.u32 $0xC00, s3  }
0x49: {  	s0 =	sor.u32 s0, s4  }
0x4a: {  	s1 =	sadd.s32 $0x10, s1;
	[tilespmem:s0+$0xF200] =	vst v1;
	s0 =	simm.s32 $0x0  }
0x4b: {  	s3 =	sor.u32 s0, s0  }
0x4c: {  	s1 =	simm.s32 $0x10;
	s4 =	sor.u32 $0x380, s3;
	s3 =	simm.s32 $0x0  }
.LBB2_16:
0x4d: {  	p0 =	sne.s32 s1, $0x1A0  }
0x4e: {  	[tilespmem:s4+$0xEF00] =	vst v1;
	s3 =	sadd.s32 $0x80, s3;
	s4 =	smov.u32 s1;
	s1 =	sadd.s32 $0x10, s1  }
.Ltmp9:
0x4f: {  	(pc) =	sbr.rel @p0 .LBB2_16-.Ltmp9, $3  }
0x50: {  	_ =	sdelay $0x1  }
0x51: {  	s4 =	sor.u32 s3, s4  }
0x52: {  	s4 =	sor.u32 $0x380, s4  }
0x53: {  	s1 =	sand.u32 $0x70, s0;
	s3 =	sand.u32 $0xC00, s0  }
0x54: {  	[tilespmem:s4+$0xEF00] =	vst v1;
	s1 =	sor.u32 s1, s3  }
0x55: {  	s3 =	simm.s32 $0x10;
	[tilespmem:s1+$0xFF00] =	vst v1  }
.LBB2_18:
0x56: {  	p0 =	sne.s32 s3, $0x1A0  }
.Ltmp10:
0x57: {  	_ = 	snop;
	(pc) =	sbr.rel @p0 .LBB2_18-.Ltmp10, $4  }
0x58: {  	s0 =	sadd.s32 $0x80, s0  }
0x59: {  	s1 =	sand.u32 $0x70, s3;
	s4 =	sand.u32 $0xC00, s0  }
0x5a: {  	s1 =	sor.u32 s1, s4  }
0x5b: {  	s3 =	sadd.s32 $0x10, s3;
	[tilespmem:s1+$0xFF00] =	vst v1;
	s1 =	simm.s32 $0x0  }
0x5c: {  	s0 =	sand.u32 $0x70, s1;
	s3 =	sand.u32 $0xC00, s1  }
0x5d: {  	s0 =	sor.u32 s0, s3  }
0x5e: {  	s4 =	simm.s32 $0x0;
	s3 =	simm.s32 $0x10;
	[tilespmem:s0+$0xFF80] =	vst v1  }
.LBB2_20:
0x5f: {  	p0 =	sne.s32 s3, $0x1A0  }
.Ltmp11:
0x60: {  	_ = 	snop;
	(pc) =	sbr.rel @p0 .LBB2_20-.Ltmp11, $4  }
0x61: {  	s4 =	sadd.s32 $0x80, s4  }
0x62: {  	s6 =	sand.u32 $0x70, s3;
	s7 =	sand.u32 $0xC00, s4  }
0x63: {  	s6 =	sor.u32 s6, s7  }
0x64: {  	s3 =	sadd.s32 $0x10, s3;
	[tilespmem:s6+$0xFF80] =	vst v1  }
0x65: {  	s3 =	simm.s32 $0x10;
	[tilespmem:s0+$0x10000] =	vst v1  }
.LBB2_22:
0x66: {  	p0 =	sne.s32 s3, $0x1A0  }
.Ltmp12:
0x67: {  	_ = 	snop;
	(pc) =	sbr.rel @p0 .LBB2_22-.Ltmp12, $4  }
0x68: {  	s1 =	sadd.s32 $0x80, s1  }
0x69: {  	s0 =	sand.u32 $0x70, s3;
	s4 =	sand.u32 $0xC00, s1  }
0x6a: {  	s0 =	sor.u32 s0, s4  }
0x6b: {  	s3 =	sadd.s32 $0x10, s3;
	[tilespmem:s0+$0x10000] =	vst v1;
	s0 =	simm.s32 $0x0  }
0x6c: {  	s1 =	sand.u32 $0x70, s0;
	s3 =	sand.u32 $0xC00, s0  }
0x6d: {  	s1 =	sor.u32 s1, s3  }
0x6e: {  	s4 =	simm.s32 $0x0;
	s3 =	simm.s32 $0x10;
	[tilespmem:s1+$0x10080] =	vst v1  }
.LBB2_24:
0x6f: {  	p0 =	sne.s32 s3, $0x1A0  }
.Ltmp13:
0x70: {  	_ = 	snop;
	(pc) =	sbr.rel @p0 .LBB2_24-.Ltmp13, $4  }
0x71: {  	s4 =	sadd.s32 $0x80, s4  }
0x72: {  	s6 =	sand.u32 $0x70, s3;
	s7 =	sand.u32 $0xC00, s4  }
0x73: {  	s6 =	sor.u32 s6, s7  }
0x74: {  	s3 =	sadd.s32 $0x10, s3;
	[tilespmem:s6+$0x10080] =	vst v1  }
0x75: {  	s3 =	simm.s32 $0x10;
	[tilespmem:s1+$0x10100] =	vst v1  }
.LBB2_26:
0x76: {  	p0 =	sne.s32 s3, $0x1A0  }
.Ltmp14:
0x77: {  	_ = 	snop;
	(pc) =	sbr.rel @p0 .LBB2_26-.Ltmp14, $4  }
0x78: {  	s0 =	sadd.s32 $0x80, s0  }
0x79: {  	s1 =	sand.u32 $0x70, s3;
	s4 =	sand.u32 $0xC00, s0  }
0x7a: {  	s1 =	sor.u32 s1, s4  }
0x7b: {  	s3 =	sadd.s32 $0x10, s3;
	[tilespmem:s1+$0x10100] =	vst v1;
	s1 =	simm.s32 $0x0  }
0x7c: {  	s0 =	sand.u32 $0x70, s1;
	s3 =	sand.u32 $0xC00, s1  }
0x7d: {  	s0 =	sor.u32 s0, s3  }
0x7e: {  	s4 =	simm.s32 $0x0;
	s3 =	simm.s32 $0x10;
	[tilespmem:s0+$0x10180] =	vst v1  }
.LBB2_28:
0x7f: {  	p0 =	sne.s32 s3, $0x1A0  }
.Ltmp15:
0x80: {  	_ = 	snop;
	(pc) =	sbr.rel @p0 .LBB2_28-.Ltmp15, $4  }
0x81: {  	s4 =	sadd.s32 $0x80, s4  }
0x82: {  	s6 =	sand.u32 $0x70, s3;
	s7 =	sand.u32 $0xC00, s4  }
0x83: {  	s6 =	sor.u32 s6, s7  }
0x84: {  	s3 =	sadd.s32 $0x10, s3;
	[tilespmem:s6+$0x10180] =	vst v1  }
0x85: {  	s3 =	simm.s32 $0x10;
	[tilespmem:s0+$0x10200] =	vst v1  }
.LBB2_30:
0x86: {  	p0 =	sne.s32 s3, $0x1A0  }
.Ltmp16:
0x87: {  	_ = 	snop;
	(pc) =	sbr.rel @p0 .LBB2_30-.Ltmp16, $4  }
0x88: {  	s1 =	sadd.s32 $0x80, s1  }
0x89: {  	s0 =	sand.u32 $0x70, s3;
	s4 =	sand.u32 $0xC00, s1  }
0x8a: {  	s0 =	sor.u32 s0, s4  }
0x8b: {  	s3 =	sadd.s32 $0x10, s3;
	[tilespmem:s0+$0x10200] =	vst v1;
	s0 =	simm.s32 $0x0  }
0x8c: {  	s1 =	sand.u32 $0x70, s0;
	s3 =	sand.u32 $0xC00, s0  }
0x8d: {  	s1 =	sor.u32 s1, s3  }
0x8e: {  	s4 =	simm.s32 $0x0;
	s3 =	simm.s32 $0x10;
	[tilespmem:s1+$0x10280] =	vst v1  }
.LBB2_32:
0x8f: {  	p0 =	sne.s32 s3, $0x1A0  }
.Ltmp17:
0x90: {  	_ = 	snop;
	(pc) =	sbr.rel @p0 .LBB2_32-.Ltmp17, $4  }
0x91: {  	s4 =	sadd.s32 $0x80, s4  }
0x92: {  	s6 =	sand.u32 $0x70, s3;
	s7 =	sand.u32 $0xC00, s4  }
0x93: {  	s6 =	sor.u32 s6, s7  }
0x94: {  	s3 =	sadd.s32 $0x10, s3;
	[tilespmem:s6+$0x10280] =	vst v1  }
0x95: {  	s3 =	simm.s32 $0x10;
	[tilespmem:s1+$0x10F00] =	vst v1  }
.LBB2_34:
0x96: {  	p0 =	sne.s32 s3, $0x1A0  }
.Ltmp18:
0x97: {  	_ = 	snop;
	(pc) =	sbr.rel @p0 .LBB2_34-.Ltmp18, $4  }
0x98: {  	s0 =	sadd.s32 $0x80, s0  }
0x99: {  	s1 =	sand.u32 $0x70, s3;
	s4 =	sand.u32 $0xC00, s0  }
0x9a: {  	s1 =	sor.u32 s1, s4  }
0x9b: {  	s3 =	sadd.s32 $0x10, s3;
	[tilespmem:s1+$0x10F00] =	vst v1;
	s1 =	simm.s32 $0x0  }
0x9c: {  	s0 =	sand.u32 $0x70, s1;
	s3 =	sand.u32 $0xC00, s1  }
0x9d: {  	s0 =	sor.u32 s0, s3  }
0x9e: {  	s4 =	simm.s32 $0x0;
	s3 =	simm.s32 $0x10;
	[tilespmem:s0+$0x10F80] =	vst v1  }
.LBB2_36:
0x9f: {  	p0 =	sne.s32 s3, $0x1A0  }
.Ltmp19:
0xa0: {  	_ = 	snop;
	(pc) =	sbr.rel @p0 .LBB2_36-.Ltmp19, $4  }
0xa1: {  	s4 =	sadd.s32 $0x80, s4  }
0xa2: {  	s6 =	sand.u32 $0x70, s3;
	s7 =	sand.u32 $0xC00, s4  }
0xa3: {  	s6 =	sor.u32 s6, s7  }
0xa4: {  	s3 =	sadd.s32 $0x10, s3;
	[tilespmem:s6+$0x10F80] =	vst v1  }
0xa5: {  	s3 =	simm.s32 $0x10;
	[tilespmem:s0+$0x11000] =	vst v1  }
.LBB2_38:
0xa6: {  	p0 =	sne.s32 s3, $0x1A0  }
.Ltmp20:
0xa7: {  	_ = 	snop;
	(pc) =	sbr.rel @p0 .LBB2_38-.Ltmp20, $4  }
0xa8: {  	s1 =	sadd.s32 $0x80, s1  }
0xa9: {  	s0 =	sand.u32 $0x70, s3;
	s4 =	sand.u32 $0xC00, s1  }
0xaa: {  	s0 =	sor.u32 s0, s4  }
0xab: {  	s3 =	sadd.s32 $0x10, s3;
	[tilespmem:s0+$0x11000] =	vst v1;
	s0 =	simm.s32 $0x0  }
0xac: {  	s1 =	sand.u32 $0x70, s0;
	s3 =	sand.u32 $0xC00, s0  }
0xad: {  	s1 =	sor.u32 s1, s3  }
0xae: {  	s4 =	simm.s32 $0x0;
	s3 =	simm.s32 $0x10;
	[tilespmem:s1+$0x11080] =	vst v1  }
.LBB2_40:
0xaf: {  	p0 =	sne.s32 s3, $0x1A0  }
.Ltmp21:
0xb0: {  	_ = 	snop;
	(pc) =	sbr.rel @p0 .LBB2_40-.Ltmp21, $4  }
0xb1: {  	s4 =	sadd.s32 $0x80, s4  }
0xb2: {  	s6 =	sand.u32 $0x70, s3;
	s7 =	sand.u32 $0xC00, s4  }
0xb3: {  	s6 =	sor.u32 s6, s7  }
0xb4: {  	s3 =	sadd.s32 $0x10, s3;
	[tilespmem:s6+$0x11080] =	vst v1  }
0xb5: {  	s3 =	simm.s32 $0x10;
	[tilespmem:s1+$0x11100] =	vst v1  }
.LBB2_42:
0xb6: {  	p0 =	sne.s32 s3, $0x1A0  }
.Ltmp22:
0xb7: {  	_ = 	snop;
	(pc) =	sbr.rel @p0 .LBB2_42-.Ltmp22, $4  }
0xb8: {  	s0 =	sadd.s32 $0x80, s0  }
0xb9: {  	s1 =	sand.u32 $0x70, s3;
	s4 =	sand.u32 $0xC00, s0  }
0xba: {  	s1 =	sor.u32 s1, s4  }
0xbb: {  	s3 =	sadd.s32 $0x10, s3;
	[tilespmem:s1+$0x11100] =	vst v1;
	s1 =	simm.s32 $0x0  }
0xbc: {  	s0 =	sand.u32 $0x70, s1;
	s3 =	sand.u32 $0xC00, s1  }
0xbd: {  	s0 =	sor.u32 s0, s3  }
0xbe: {  	s4 =	simm.s32 $0x0;
	s3 =	simm.s32 $0x10;
	[tilespmem:s0+$0x11180] =	vst v1  }
.LBB2_44:
0xbf: {  	p0 =	sne.s32 s3, $0x1A0  }
.Ltmp23:
0xc0: {  	_ = 	snop;
	(pc) =	sbr.rel @p0 .LBB2_44-.Ltmp23, $4  }
0xc1: {  	s4 =	sadd.s32 $0x80, s4  }
0xc2: {  	s6 =	sand.u32 $0x70, s3;
	s7 =	sand.u32 $0xC00, s4  }
0xc3: {  	s6 =	sor.u32 s6, s7  }
0xc4: {  	s3 =	sadd.s32 $0x10, s3;
	[tilespmem:s6+$0x11180] =	vst v1  }
0xc5: {  	s3 =	simm.s32 $0x10;
	[tilespmem:s0+$0x11200] =	vst v1  }
.LBB2_46:
0xc6: {  	p0 =	sne.s32 s3, $0x1A0  }
.Ltmp24:
0xc7: {  	_ = 	snop;
	(pc) =	sbr.rel @p0 .LBB2_46-.Ltmp24, $4  }
0xc8: {  	s1 =	sadd.s32 $0x80, s1  }
0xc9: {  	s0 =	sand.u32 $0x70, s3;
	s4 =	sand.u32 $0xC00, s1  }
0xca: {  	s0 =	sor.u32 s0, s4  }
0xcb: {  	s3 =	sadd.s32 $0x10, s3;
	[tilespmem:s0+$0x11200] =	vst v1;
	s0 =	simm.s32 $0x0  }
0xcc: {  	s1 =	sand.u32 $0x70, s0;
	s3 =	sand.u32 $0xC00, s0  }
0xcd: {  	s1 =	sor.u32 s1, s3  }
0xce: {  	s4 =	simm.s32 $0x0;
	s3 =	simm.s32 $0x10;
	[tilespmem:s1+$0x11280] =	vst v1  }
.LBB2_48:
0xcf: {  	p0 =	sne.s32 s3, $0x1A0  }
.Ltmp25:
0xd0: {  	_ = 	snop;
	(pc) =	sbr.rel @p0 .LBB2_48-.Ltmp25, $4  }
0xd1: {  	s4 =	sadd.s32 $0x80, s4  }
0xd2: {  	s6 =	sand.u32 $0x70, s3;
	s7 =	sand.u32 $0xC00, s4  }
0xd3: {  	s6 =	sor.u32 s6, s7  }
0xd4: {  	s3 =	sadd.s32 $0x10, s3;
	[tilespmem:s6+$0x11280] =	vst v1  }
0xd5: {  	s3 =	simm.s32 $0x10;
	[tilespmem:s1+$0x11F00] =	vst v1  }
.LBB2_50:
0xd6: {  	p0 =	sne.s32 s3, $0x1A0  }
.Ltmp26:
0xd7: {  	_ = 	snop;
	(pc) =	sbr.rel @p0 .LBB2_50-.Ltmp26, $4  }
0xd8: {  	s0 =	sadd.s32 $0x80, s0  }
0xd9: {  	s1 =	sand.u32 $0x70, s3;
	s4 =	sand.u32 $0xC00, s0  }
0xda: {  	s1 =	sor.u32 s1, s4  }
0xdb: {  	s3 =	sadd.s32 $0x10, s3;
	[tilespmem:s1+$0x11F00] =	vst v1;
	s1 =	simm.s32 $0x0  }
0xdc: {  	s0 =	sand.u32 $0x70, s1;
	s3 =	sand.u32 $0xC00, s1  }
0xdd: {  	s0 =	sor.u32 s0, s3  }
0xde: {  	s4 =	simm.s32 $0x0;
	s3 =	simm.s32 $0x10;
	[tilespmem:s0+$0x11F80] =	vst v1  }
.LBB2_52:
0xdf: {  	p0 =	sne.s32 s3, $0x1A0  }
.Ltmp27:
0xe0: {  	_ = 	snop;
	(pc) =	sbr.rel @p0 .LBB2_52-.Ltmp27, $4  }
0xe1: {  	s4 =	sadd.s32 $0x80, s4  }
0xe2: {  	s6 =	sand.u32 $0x70, s3;
	s7 =	sand.u32 $0xC00, s4  }
0xe3: {  	s6 =	sor.u32 s6, s7  }
0xe4: {  	s3 =	sadd.s32 $0x10, s3;
	[tilespmem:s6+$0x11F80] =	vst v1  }
0xe5: {  	s3 =	simm.s32 $0x10;
	[tilespmem:s0+$0x12000] =	vst v1  }
.LBB2_54:
0xe6: {  	p0 =	sne.s32 s3, $0x1A0  }
.Ltmp28:
0xe7: {  	_ = 	snop;
	(pc) =	sbr.rel @p0 .LBB2_54-.Ltmp28, $4  }
0xe8: {  	s1 =	sadd.s32 $0x80, s1  }
0xe9: {  	s0 =	sand.u32 $0x70, s3;
	s4 =	sand.u32 $0xC00, s1  }
0xea: {  	s0 =	sor.u32 s0, s4  }
0xeb: {  	s3 =	sadd.s32 $0x10, s3;
	[tilespmem:s0+$0x12000] =	vst v1;
	s0 =	simm.s32 $0x0  }
0xec: {  	s1 =	sand.u32 $0x70, s0;
	s3 =	sand.u32 $0xC00, s0  }
0xed: {  	s1 =	sor.u32 s1, s3  }
0xee: {  	s4 =	simm.s32 $0x0;
	s3 =	simm.s32 $0x10;
	[tilespmem:s1+$0x12080] =	vst v1  }
.LBB2_56:
0xef: {  	p0 =	sne.s32 s3, $0x1A0  }
.Ltmp29:
0xf0: {  	_ = 	snop;
	(pc) =	sbr.rel @p0 .LBB2_56-.Ltmp29, $4  }
0xf1: {  	s4 =	sadd.s32 $0x80, s4  }
0xf2: {  	s6 =	sand.u32 $0x70, s3;
	s7 =	sand.u32 $0xC00, s4  }
0xf3: {  	s6 =	sor.u32 s6, s7  }
0xf4: {  	s3 =	sadd.s32 $0x10, s3;
	[tilespmem:s6+$0x12080] =	vst v1  }
0xf5: {  	s3 =	simm.s32 $0x10;
	[tilespmem:s1+$0x12100] =	vst v1  }
.LBB2_58:
0xf6: {  	p0 =	sne.s32 s3, $0x1A0  }
.Ltmp30:
0xf7: {  	_ = 	snop;
	(pc) =	sbr.rel @p0 .LBB2_58-.Ltmp30, $4  }
0xf8: {  	s0 =	sadd.s32 $0x80, s0  }
0xf9: {  	s1 =	sand.u32 $0x70, s3;
	s4 =	sand.u32 $0xC00, s0  }
0xfa: {  	s1 =	sor.u32 s1, s4  }
0xfb: {  	s3 =	sadd.s32 $0x10, s3;
	[tilespmem:s1+$0x12100] =	vst v1;
	s1 =	simm.s32 $0x0  }
0xfc: {  	s0 =	sand.u32 $0x70, s1;
	s3 =	sand.u32 $0xC00, s1  }
0xfd: {  	s0 =	sor.u32 s0, s3  }
0xfe: {  	s4 =	simm.s32 $0x0;
	s3 =	simm.s32 $0x10;
	[tilespmem:s0+$0x12180] =	vst v1  }
.LBB2_60:
0xff: {  	p0 =	sne.s32 s3, $0x1A0  }
.Ltmp31:
0x100: {  	_ = 	snop;
	(pc) =	sbr.rel @p0 .LBB2_60-.Ltmp31, $4  }
0x101: {  	s4 =	sadd.s32 $0x80, s4  }
0x102: {  	s6 =	sand.u32 $0x70, s3;
	s7 =	sand.u32 $0xC00, s4  }
0x103: {  	s6 =	sor.u32 s6, s7  }
0x104: {  	s3 =	sadd.s32 $0x10, s3;
	[tilespmem:s6+$0x12180] =	vst v1  }
0x105: {  	s3 =	simm.s32 $0x10;
	[tilespmem:s0+$0x12200] =	vst v1  }
.LBB2_62:
0x106: {  	p0 =	sne.s32 s3, $0x1A0  }
.Ltmp32:
0x107: {  	_ = 	snop;
	(pc) =	sbr.rel @p0 .LBB2_62-.Ltmp32, $4  }
0x108: {  	s1 =	sadd.s32 $0x80, s1  }
0x109: {  	s0 =	sand.u32 $0x70, s3;
	s4 =	sand.u32 $0xC00, s1  }
0x10a: {  	s0 =	sor.u32 s0, s4  }
0x10b: {  	s3 =	sadd.s32 $0x10, s3;
	[tilespmem:s0+$0x12200] =	vst v1;
	s0 =	simm.s32 $0x0  }
0x10c: {  	s1 =	sand.u32 $0x70, s0;
	s3 =	sand.u32 $0xC00, s0  }
0x10d: {  	s1 =	sor.u32 s1, s3  }
0x10e: {  	s4 =	simm.s32 $0x0;
	s3 =	simm.s32 $0x10;
	[tilespmem:s1+$0x12280] =	vst v1  }
.LBB2_64:
0x10f: {  	p0 =	sne.s32 s3, $0x1A0  }
.Ltmp33:
0x110: {  	_ = 	snop;
	(pc) =	sbr.rel @p0 .LBB2_64-.Ltmp33, $4  }
0x111: {  	s4 =	sadd.s32 $0x80, s4  }
0x112: {  	s6 =	sand.u32 $0x70, s3;
	s7 =	sand.u32 $0xC00, s4  }
0x113: {  	s6 =	sor.u32 s6, s7  }
0x114: {  	s3 =	sadd.s32 $0x10, s3;
	[tilespmem:s6+$0x12280] =	vst v1  }
0x115: {  	s3 =	simm.s32 $0x10;
	[tilespmem:s1+$0x12F00] =	vst v1  }
.LBB2_66:
0x116: {  	p0 =	sne.s32 s3, $0x1A0  }
.Ltmp34:
0x117: {  	_ = 	snop;
	(pc) =	sbr.rel @p0 .LBB2_66-.Ltmp34, $4  }
0x118: {  	s0 =	sadd.s32 $0x80, s0  }
0x119: {  	s1 =	sand.u32 $0x70, s3;
	s4 =	sand.u32 $0xC00, s0  }
0x11a: {  	s1 =	sor.u32 s1, s4  }
0x11b: {  	s3 =	sadd.s32 $0x10, s3;
	[tilespmem:s1+$0x12F00] =	vst v1;
	s1 =	simm.s32 $0x0  }
0x11c: {  	s0 =	sand.u32 $0x70, s1;
	s3 =	sand.u32 $0xC00, s1  }
0x11d: {  	s0 =	sor.u32 s0, s3  }
0x11e: {  	s4 =	simm.s32 $0x0;
	s3 =	simm.s32 $0x10;
	[tilespmem:s0+$0x12F80] =	vst v1  }
.LBB2_68:
0x11f: {  	p0 =	sne.s32 s3, $0x1A0  }
.Ltmp35:
0x120: {  	_ = 	snop;
	(pc) =	sbr.rel @p0 .LBB2_68-.Ltmp35, $4  }
0x121: {  	s4 =	sadd.s32 $0x80, s4  }
0x122: {  	s6 =	sand.u32 $0x70, s3;
	s7 =	sand.u32 $0xC00, s4  }
0x123: {  	s6 =	sor.u32 s6, s7  }
0x124: {  	s3 =	sadd.s32 $0x10, s3;
	[tilespmem:s6+$0x12F80] =	vst v1  }
0x125: {  	s3 =	simm.s32 $0x10;
	[tilespmem:s0+$0x13000] =	vst v1  }
.LBB2_70:
0x126: {  	p0 =	sne.s32 s3, $0x1A0  }
.Ltmp36:
0x127: {  	_ = 	snop;
	(pc) =	sbr.rel @p0 .LBB2_70-.Ltmp36, $4  }
0x128: {  	s1 =	sadd.s32 $0x80, s1  }
0x129: {  	s0 =	sand.u32 $0x70, s3;
	s4 =	sand.u32 $0xC00, s1  }
0x12a: {  	s0 =	sor.u32 s0, s4  }
0x12b: {  	s3 =	sadd.s32 $0x10, s3;
	[tilespmem:s0+$0x13000] =	vst v1;
	s0 =	simm.s32 $0x0  }
0x12c: {  	s1 =	sand.u32 $0x70, s0;
	s3 =	sand.u32 $0xC00, s0  }
0x12d: {  	s1 =	sor.u32 s1, s3  }
0x12e: {  	s4 =	simm.s32 $0x0;
	s3 =	simm.s32 $0x10;
	[tilespmem:s1+$0x13080] =	vst v1  }
.LBB2_72:
0x12f: {  	p0 =	sne.s32 s3, $0x1A0  }
.Ltmp37:
0x130: {  	_ = 	snop;
	(pc) =	sbr.rel @p0 .LBB2_72-.Ltmp37, $4  }
0x131: {  	s4 =	sadd.s32 $0x80, s4  }
0x132: {  	s6 =	sand.u32 $0x70, s3;
	s7 =	sand.u32 $0xC00, s4  }
0x133: {  	s6 =	sor.u32 s6, s7  }
0x134: {  	s3 =	sadd.s32 $0x10, s3;
	[tilespmem:s6+$0x13080] =	vst v1  }
0x135: {  	s3 =	simm.s32 $0x10;
	[tilespmem:s1+$0x13100] =	vst v1  }
.LBB2_74:
0x136: {  	p0 =	sne.s32 s3, $0x1A0  }
.Ltmp38:
0x137: {  	_ = 	snop;
	(pc) =	sbr.rel @p0 .LBB2_74-.Ltmp38, $4  }
0x138: {  	s0 =	sadd.s32 $0x80, s0  }
0x139: {  	s1 =	sand.u32 $0x70, s3;
	s4 =	sand.u32 $0xC00, s0  }
0x13a: {  	s1 =	sor.u32 s1, s4  }
0x13b: {  	s3 =	sadd.s32 $0x10, s3;
	[tilespmem:s1+$0x13100] =	vst v1;
	s1 =	simm.s32 $0x0  }
0x13c: {  	s0 =	sand.u32 $0x70, s1;
	s3 =	sand.u32 $0xC00, s1  }
0x13d: {  	s0 =	sor.u32 s0, s3  }
0x13e: {  	s4 =	simm.s32 $0x0;
	s3 =	simm.s32 $0x10;
	[tilespmem:s0+$0x13180] =	vst v1  }
.LBB2_76:
0x13f: {  	p0 =	sne.s32 s3, $0x1A0  }
.Ltmp39:
0x140: {  	_ = 	snop;
	(pc) =	sbr.rel @p0 .LBB2_76-.Ltmp39, $4  }
0x141: {  	s4 =	sadd.s32 $0x80, s4  }
0x142: {  	s6 =	sand.u32 $0x70, s3;
	s7 =	sand.u32 $0xC00, s4  }
0x143: {  	s6 =	sor.u32 s6, s7  }
0x144: {  	s3 =	sadd.s32 $0x10, s3;
	[tilespmem:s6+$0x13180] =	vst v1  }
0x145: {  	s3 =	simm.s32 $0x10;
	[tilespmem:s0+$0x13200] =	vst v1  }
.LBB2_78:
0x146: {  	p0 =	sne.s32 s3, $0x1A0  }
.Ltmp40:
0x147: {  	_ = 	snop;
	(pc) =	sbr.rel @p0 .LBB2_78-.Ltmp40, $4  }
0x148: {  	s1 =	sadd.s32 $0x80, s1  }
0x149: {  	s0 =	sand.u32 $0x70, s3;
	s4 =	sand.u32 $0xC00, s1  }
0x14a: {  	s0 =	sor.u32 s0, s4  }
0x14b: {  	s3 =	sadd.s32 $0x10, s3;
	[tilespmem:s0+$0x13200] =	vst v1;
	s0 =	simm.s32 $0x0  }
0x14c: {  	s1 =	sand.u32 $0x70, s0;
	s3 =	sand.u32 $0xC00, s0  }
0x14d: {  	s1 =	sor.u32 s1, s3  }
0x14e: {  	s4 =	simm.s32 $0x0;
	s3 =	simm.s32 $0x10;
	[tilespmem:s1+$0x13280] =	vst v1  }
.LBB2_80:
0x14f: {  	p0 =	sne.s32 s3, $0x1A0  }
.Ltmp41:
0x150: {  	_ = 	snop;
	(pc) =	sbr.rel @p0 .LBB2_80-.Ltmp41, $4  }
0x151: {  	s4 =	sadd.s32 $0x80, s4  }
0x152: {  	s6 =	sand.u32 $0x70, s3;
	s7 =	sand.u32 $0xC00, s4  }
0x153: {  	s6 =	sor.u32 s6, s7  }
0x154: {  	s3 =	sadd.s32 $0x10, s3;
	[tilespmem:s6+$0x13280] =	vst v1  }
0x155: {  	s3 =	simm.s32 $0x10;
	[tilespmem:s1+$0x13F00] =	vst v1  }
.LBB2_82:
0x156: {  	p0 =	sne.s32 s3, $0x1A0  }
.Ltmp42:
0x157: {  	_ = 	snop;
	(pc) =	sbr.rel @p0 .LBB2_82-.Ltmp42, $4  }
0x158: {  	s0 =	sadd.s32 $0x80, s0  }
0x159: {  	s1 =	sand.u32 $0x70, s3;
	s4 =	sand.u32 $0xC00, s0  }
0x15a: {  	s1 =	sor.u32 s1, s4  }
0x15b: {  	s3 =	sadd.s32 $0x10, s3;
	[tilespmem:s1+$0x13F00] =	vst v1;
	s1 =	simm.s32 $0x0  }
0x15c: {  	s0 =	sand.u32 $0x70, s1;
	s3 =	sand.u32 $0xC00, s1  }
0x15d: {  	s0 =	sor.u32 s0, s3  }
0x15e: {  	s4 =	simm.s32 $0x0;
	s3 =	simm.s32 $0x10;
	[tilespmem:s0+$0x13F80] =	vst v1  }
.LBB2_84:
0x15f: {  	p0 =	sne.s32 s3, $0x1A0  }
.Ltmp43:
0x160: {  	_ = 	snop;
	(pc) =	sbr.rel @p0 .LBB2_84-.Ltmp43, $4  }
0x161: {  	s4 =	sadd.s32 $0x80, s4  }
0x162: {  	s6 =	sand.u32 $0x70, s3;
	s7 =	sand.u32 $0xC00, s4  }
0x163: {  	s6 =	sor.u32 s6, s7  }
0x164: {  	s3 =	sadd.s32 $0x10, s3;
	[tilespmem:s6+$0x13F80] =	vst v1  }
0x165: {  	s3 =	simm.s32 $0x10;
	[tilespmem:s0+$0x14000] =	vst v1  }
.LBB2_86:
0x166: {  	p0 =	sne.s32 s3, $0x1A0  }
.Ltmp44:
0x167: {  	_ = 	snop;
	(pc) =	sbr.rel @p0 .LBB2_86-.Ltmp44, $4  }
0x168: {  	s1 =	sadd.s32 $0x80, s1  }
0x169: {  	s0 =	sand.u32 $0x70, s3;
	s4 =	sand.u32 $0xC00, s1  }
0x16a: {  	s0 =	sor.u32 s0, s4  }
0x16b: {  	s3 =	sadd.s32 $0x10, s3;
	[tilespmem:s0+$0x14000] =	vst v1;
	s0 =	simm.s32 $0x0  }
0x16c: {  	s1 =	sand.u32 $0x70, s0;
	s3 =	sand.u32 $0xC00, s0  }
0x16d: {  	s1 =	sor.u32 s1, s3  }
0x16e: {  	s4 =	simm.s32 $0x0;
	s3 =	simm.s32 $0x10;
	[tilespmem:s1+$0x14080] =	vst v1  }
.LBB2_88:
0x16f: {  	p0 =	sne.s32 s3, $0x1A0  }
.Ltmp45:
0x170: {  	_ = 	snop;
	(pc) =	sbr.rel @p0 .LBB2_88-.Ltmp45, $4  }
0x171: {  	s4 =	sadd.s32 $0x80, s4  }
0x172: {  	s6 =	sand.u32 $0x70, s3;
	s7 =	sand.u32 $0xC00, s4  }
0x173: {  	s6 =	sor.u32 s6, s7  }
0x174: {  	s3 =	sadd.s32 $0x10, s3;
	[tilespmem:s6+$0x14080] =	vst v1  }
0x175: {  	s3 =	simm.s32 $0x10;
	[tilespmem:s1+$0x14100] =	vst v1  }
.LBB2_90:
0x176: {  	p0 =	sne.s32 s3, $0x1A0  }
.Ltmp46:
0x177: {  	_ = 	snop;
	(pc) =	sbr.rel @p0 .LBB2_90-.Ltmp46, $4  }
0x178: {  	s0 =	sadd.s32 $0x80, s0  }
0x179: {  	s1 =	sand.u32 $0x70, s3;
	s4 =	sand.u32 $0xC00, s0  }
0x17a: {  	s1 =	sor.u32 s1, s4  }
0x17b: {  	s3 =	sadd.s32 $0x10, s3;
	[tilespmem:s1+$0x14100] =	vst v1;
	s1 =	simm.s32 $0x0  }
0x17c: {  	s0 =	sand.u32 $0x70, s1;
	s3 =	sand.u32 $0xC00, s1  }
0x17d: {  	s0 =	sor.u32 s0, s3  }
0x17e: {  	s4 =	simm.s32 $0x0;
	s3 =	simm.s32 $0x10;
	[tilespmem:s0+$0x14180] =	vst v1  }
.LBB2_92:
0x17f: {  	p0 =	sne.s32 s3, $0x1A0  }
.Ltmp47:
0x180: {  	_ = 	snop;
	(pc) =	sbr.rel @p0 .LBB2_92-.Ltmp47, $4  }
0x181: {  	s4 =	sadd.s32 $0x80, s4  }
0x182: {  	s6 =	sand.u32 $0x70, s3;
	s7 =	sand.u32 $0xC00, s4  }
0x183: {  	s6 =	sor.u32 s6, s7  }
0x184: {  	s3 =	sadd.s32 $0x10, s3;
	[tilespmem:s6+$0x14180] =	vst v1  }
0x185: {  	s3 =	simm.s32 $0x10;
	[tilespmem:s0+$0x14200] =	vst v1  }
.LBB2_94:
0x186: {  	p0 =	sne.s32 s3, $0x1A0  }
.Ltmp48:
0x187: {  	_ = 	snop;
	(pc) =	sbr.rel @p0 .LBB2_94-.Ltmp48, $4  }
0x188: {  	s1 =	sadd.s32 $0x80, s1  }
0x189: {  	s0 =	sand.u32 $0x70, s3;
	s4 =	sand.u32 $0xC00, s1  }
0x18a: {  	s0 =	sor.u32 s0, s4  }
0x18b: {  	s3 =	sadd.s32 $0x10, s3;
	[tilespmem:s0+$0x14200] =	vst v1;
	s0 =	simm.s32 $0x0  }
0x18c: {  	s1 =	sand.u32 $0x70, s0;
	s3 =	sand.u32 $0xC00, s0  }
0x18d: {  	s1 =	sor.u32 s1, s3  }
0x18e: {  	s4 =	simm.s32 $0x0;
	s3 =	simm.s32 $0x10;
	[tilespmem:s1+$0x14280] =	vst v1  }
.LBB2_96:
0x18f: {  	p0 =	sne.s32 s3, $0x1A0  }
.Ltmp49:
0x190: {  	_ = 	snop;
	(pc) =	sbr.rel @p0 .LBB2_96-.Ltmp49, $4  }
0x191: {  	s4 =	sadd.s32 $0x80, s4  }
0x192: {  	s6 =	sand.u32 $0x70, s3;
	s7 =	sand.u32 $0xC00, s4  }
0x193: {  	s6 =	sor.u32 s6, s7  }
0x194: {  	s3 =	sadd.s32 $0x10, s3;
	[tilespmem:s6+$0x14280] =	vst v1  }
0x195: {  	s3 =	simm.s32 $0x10;
	[tilespmem:s1+$0x14F00] =	vst v1  }
.LBB2_98:
0x196: {  	p0 =	sne.s32 s3, $0x1A0  }
.Ltmp50:
0x197: {  	_ = 	snop;
	(pc) =	sbr.rel @p0 .LBB2_98-.Ltmp50, $4  }
0x198: {  	s0 =	sadd.s32 $0x80, s0  }
0x199: {  	s1 =	sand.u32 $0x70, s3;
	s4 =	sand.u32 $0xC00, s0  }
0x19a: {  	s1 =	sor.u32 s1, s4  }
0x19b: {  	s3 =	sadd.s32 $0x10, s3;
	[tilespmem:s1+$0x14F00] =	vst v1;
	s1 =	simm.s32 $0x0  }
0x19c: {  	s0 =	sand.u32 $0x70, s1;
	s3 =	sand.u32 $0xC00, s1  }
0x19d: {  	s0 =	sor.u32 s0, s3  }
0x19e: {  	s4 =	simm.s32 $0x0;
	s3 =	simm.s32 $0x10;
	[tilespmem:s0+$0x14F80] =	vst v1  }
.LBB2_100:
0x19f: {  	p0 =	sne.s32 s3, $0x1A0  }
.Ltmp51:
0x1a0: {  	_ = 	snop;
	(pc) =	sbr.rel @p0 .LBB2_100-.Ltmp51, $4  }
0x1a1: {  	s4 =	sadd.s32 $0x80, s4  }
0x1a2: {  	s6 =	sand.u32 $0x70, s3;
	s7 =	sand.u32 $0xC00, s4  }
0x1a3: {  	s6 =	sor.u32 s6, s7  }
0x1a4: {  	s3 =	sadd.s32 $0x10, s3;
	[tilespmem:s6+$0x14F80] =	vst v1  }
0x1a5: {  	s3 =	simm.s32 $0x10;
	[tilespmem:s0+$0x15000] =	vst v1  }
.LBB2_102:
0x1a6: {  	p0 =	sne.s32 s3, $0x1A0  }
.Ltmp52:
0x1a7: {  	_ = 	snop;
	(pc) =	sbr.rel @p0 .LBB2_102-.Ltmp52, $4  }
0x1a8: {  	s1 =	sadd.s32 $0x80, s1  }
0x1a9: {  	s0 =	sand.u32 $0x70, s3;
	s4 =	sand.u32 $0xC00, s1  }
0x1aa: {  	s0 =	sor.u32 s0, s4  }
0x1ab: {  	s3 =	sadd.s32 $0x10, s3;
	[tilespmem:s0+$0x15000] =	vst v1;
	s0 =	simm.s32 $0x0  }
0x1ac: {  	s1 =	sand.u32 $0x70, s0;
	s3 =	sand.u32 $0xC00, s0  }
0x1ad: {  	s1 =	sor.u32 s1, s3  }
0x1ae: {  	s4 =	simm.s32 $0x0;
	s3 =	simm.s32 $0x10;
	[tilespmem:s1+$0x15080] =	vst v1  }
.LBB2_104:
0x1af: {  	p0 =	sne.s32 s3, $0x1A0  }
.Ltmp53:
0x1b0: {  	_ = 	snop;
	(pc) =	sbr.rel @p0 .LBB2_104-.Ltmp53, $4  }
0x1b1: {  	s4 =	sadd.s32 $0x80, s4  }
0x1b2: {  	s6 =	sand.u32 $0x70, s3;
	s7 =	sand.u32 $0xC00, s4  }
0x1b3: {  	s6 =	sor.u32 s6, s7  }
0x1b4: {  	s3 =	sadd.s32 $0x10, s3;
	[tilespmem:s6+$0x15080] =	vst v1  }
0x1b5: {  	s3 =	simm.s32 $0x10;
	[tilespmem:s1+$0x15100] =	vst v1  }
.LBB2_106:
0x1b6: {  	p0 =	sne.s32 s3, $0x1A0  }
.Ltmp54:
0x1b7: {  	_ = 	snop;
	(pc) =	sbr.rel @p0 .LBB2_106-.Ltmp54, $4  }
0x1b8: {  	s0 =	sadd.s32 $0x80, s0  }
0x1b9: {  	s1 =	sand.u32 $0x70, s3;
	s4 =	sand.u32 $0xC00, s0  }
0x1ba: {  	s1 =	sor.u32 s1, s4  }
0x1bb: {  	s3 =	sadd.s32 $0x10, s3;
	[tilespmem:s1+$0x15100] =	vst v1;
	s1 =	simm.s32 $0x0  }
0x1bc: {  	s0 =	sand.u32 $0x70, s1;
	s3 =	sand.u32 $0xC00, s1  }
0x1bd: {  	s0 =	sor.u32 s0, s3  }
0x1be: {  	s4 =	simm.s32 $0x0;
	s3 =	simm.s32 $0x10;
	[tilespmem:s0+$0x15180] =	vst v1  }
.LBB2_108:
0x1bf: {  	p0 =	sne.s32 s3, $0x1A0  }
.Ltmp55:
0x1c0: {  	_ = 	snop;
	(pc) =	sbr.rel @p0 .LBB2_108-.Ltmp55, $4  }
0x1c1: {  	s4 =	sadd.s32 $0x80, s4  }
0x1c2: {  	s6 =	sand.u32 $0x70, s3;
	s7 =	sand.u32 $0xC00, s4  }
0x1c3: {  	s6 =	sor.u32 s6, s7  }
0x1c4: {  	s3 =	sadd.s32 $0x10, s3;
	[tilespmem:s6+$0x15180] =	vst v1  }
0x1c5: {  	s3 =	simm.s32 $0x10;
	[tilespmem:s0+$0x15200] =	vst v1  }
.LBB2_110:
0x1c6: {  	p0 =	sne.s32 s3, $0x1A0  }
.Ltmp56:
0x1c7: {  	_ = 	snop;
	(pc) =	sbr.rel @p0 .LBB2_110-.Ltmp56, $4  }
0x1c8: {  	s1 =	sadd.s32 $0x80, s1  }
0x1c9: {  	s0 =	sand.u32 $0x70, s3;
	s4 =	sand.u32 $0xC00, s1  }
0x1ca: {  	s0 =	sor.u32 s0, s4  }
0x1cb: {  	s3 =	sadd.s32 $0x10, s3;
	[tilespmem:s0+$0x15200] =	vst v1;
	s0 =	simm.s32 $0x0  }
0x1cc: {  	s1 =	sand.u32 $0x70, s0;
	s3 =	sand.u32 $0xC00, s0  }
0x1cd: {  	s1 =	sor.u32 s1, s3  }
0x1ce: {  	s4 =	simm.s32 $0x0;
	s3 =	simm.s32 $0x10;
	[tilespmem:s1+$0x15280] =	vst v1  }
.LBB2_112:
0x1cf: {  	p0 =	sne.s32 s3, $0x1A0  }
.Ltmp57:
0x1d0: {  	_ = 	snop;
	(pc) =	sbr.rel @p0 .LBB2_112-.Ltmp57, $4  }
0x1d1: {  	s4 =	sadd.s32 $0x80, s4  }
0x1d2: {  	s6 =	sand.u32 $0x70, s3;
	s7 =	sand.u32 $0xC00, s4  }
0x1d3: {  	s6 =	sor.u32 s6, s7  }
0x1d4: {  	s3 =	sadd.s32 $0x10, s3;
	[tilespmem:s6+$0x15280] =	vst v1  }
0x1d5: {  	s3 =	simm.s32 $0x10;
	[tilespmem:s1+$0x15F00] =	vst v1  }
.LBB2_114:
0x1d6: {  	p0 =	sne.s32 s3, $0x1A0  }
.Ltmp58:
0x1d7: {  	_ = 	snop;
	(pc) =	sbr.rel @p0 .LBB2_114-.Ltmp58, $4  }
0x1d8: {  	s0 =	sadd.s32 $0x80, s0  }
0x1d9: {  	s1 =	sand.u32 $0x70, s3;
	s4 =	sand.u32 $0xC00, s0  }
0x1da: {  	s1 =	sor.u32 s1, s4  }
0x1db: {  	s3 =	sadd.s32 $0x10, s3;
	[tilespmem:s1+$0x15F00] =	vst v1;
	s1 =	simm.s32 $0x0  }
0x1dc: {  	s0 =	sand.u32 $0x70, s1;
	s3 =	sand.u32 $0xC00, s1  }
0x1dd: {  	s0 =	sor.u32 s0, s3  }
0x1de: {  	s4 =	simm.s32 $0x0;
	s3 =	simm.s32 $0x10;
	[tilespmem:s0+$0x15F80] =	vst v1  }
.LBB2_116:
0x1df: {  	p0 =	sne.s32 s3, $0x1A0  }
.Ltmp59:
0x1e0: {  	_ = 	snop;
	(pc) =	sbr.rel @p0 .LBB2_116-.Ltmp59, $4  }
0x1e1: {  	s4 =	sadd.s32 $0x80, s4  }
0x1e2: {  	s6 =	sand.u32 $0x70, s3;
	s7 =	sand.u32 $0xC00, s4  }
0x1e3: {  	s6 =	sor.u32 s6, s7  }
0x1e4: {  	s3 =	sadd.s32 $0x10, s3;
	[tilespmem:s6+$0x15F80] =	vst v1  }
0x1e5: {  	s3 =	simm.s32 $0x10;
	[tilespmem:s0+$0x16000] =	vst v1  }
.LBB2_118:
0x1e6: {  	p0 =	sne.s32 s3, $0x1A0  }
.Ltmp60:
0x1e7: {  	_ = 	snop;
	(pc) =	sbr.rel @p0 .LBB2_118-.Ltmp60, $4  }
0x1e8: {  	s1 =	sadd.s32 $0x80, s1  }
0x1e9: {  	s0 =	sand.u32 $0x70, s3;
	s4 =	sand.u32 $0xC00, s1  }
0x1ea: {  	s0 =	sor.u32 s0, s4  }
0x1eb: {  	s3 =	sadd.s32 $0x10, s3;
	[tilespmem:s0+$0x16000] =	vst v1;
	s0 =	simm.s32 $0x0  }
0x1ec: {  	s1 =	sand.u32 $0x70, s0;
	s3 =	sand.u32 $0xC00, s0  }
0x1ed: {  	s1 =	sor.u32 s1, s3  }
0x1ee: {  	s4 =	simm.s32 $0x0;
	s3 =	simm.s32 $0x10;
	[tilespmem:s1+$0x16080] =	vst v1  }
.LBB2_120:
0x1ef: {  	p0 =	sne.s32 s3, $0x1A0  }
.Ltmp61:
0x1f0: {  	_ = 	snop;
	(pc) =	sbr.rel @p0 .LBB2_120-.Ltmp61, $4  }
0x1f1: {  	s4 =	sadd.s32 $0x80, s4  }
0x1f2: {  	s6 =	sand.u32 $0x70, s3;
	s7 =	sand.u32 $0xC00, s4  }
0x1f3: {  	s6 =	sor.u32 s6, s7  }
0x1f4: {  	s3 =	sadd.s32 $0x10, s3;
	[tilespmem:s6+$0x16080] =	vst v1  }
0x1f5: {  	s3 =	simm.s32 $0x10;
	[tilespmem:s1+$0x16100] =	vst v1  }
.LBB2_122:
0x1f6: {  	p0 =	sne.s32 s3, $0x1A0  }
.Ltmp62:
0x1f7: {  	_ = 	snop;
	(pc) =	sbr.rel @p0 .LBB2_122-.Ltmp62, $4  }
0x1f8: {  	s0 =	sadd.s32 $0x80, s0  }
0x1f9: {  	s1 =	sand.u32 $0x70, s3;
	s4 =	sand.u32 $0xC00, s0  }
0x1fa: {  	s1 =	sor.u32 s1, s4  }
0x1fb: {  	s3 =	sadd.s32 $0x10, s3;
	[tilespmem:s1+$0x16100] =	vst v1;
	s1 =	simm.s32 $0x0  }
0x1fc: {  	s0 =	sand.u32 $0x70, s1;
	s3 =	sand.u32 $0xC00, s1  }
0x1fd: {  	s0 =	sor.u32 s0, s3  }
0x1fe: {  	s4 =	simm.s32 $0x0;
	s3 =	simm.s32 $0x10;
	[tilespmem:s0+$0x16180] =	vst v1  }
.LBB2_124:
0x1ff: {  	p0 =	sne.s32 s3, $0x1A0  }
.Ltmp63:
0x200: {  	_ = 	snop;
	(pc) =	sbr.rel @p0 .LBB2_124-.Ltmp63, $4  }
0x201: {  	s4 =	sadd.s32 $0x80, s4  }
0x202: {  	s6 =	sand.u32 $0x70, s3;
	s7 =	sand.u32 $0xC00, s4  }
0x203: {  	s6 =	sor.u32 s6, s7  }
0x204: {  	s3 =	sadd.s32 $0x10, s3;
	[tilespmem:s6+$0x16180] =	vst v1  }
0x205: {  	s3 =	simm.s32 $0x10;
	[tilespmem:s0+$0x16200] =	vst v1  }
.LBB2_126:
0x206: {  	p0 =	sne.s32 s3, $0x1A0  }
.Ltmp64:
0x207: {  	_ = 	snop;
	(pc) =	sbr.rel @p0 .LBB2_126-.Ltmp64, $4  }
0x208: {  	s1 =	sadd.s32 $0x80, s1  }
0x209: {  	s0 =	sand.u32 $0x70, s3;
	s4 =	sand.u32 $0xC00, s1  }
0x20a: {  	s0 =	sor.u32 s0, s4  }
0x20b: {  	s3 =	sadd.s32 $0x10, s3;
	[tilespmem:s0+$0x16200] =	vst v1;
	s0 =	simm.s32 $0x0  }
0x20c: {  	s1 =	sand.u32 $0x70, s0;
	s3 =	sand.u32 $0xC00, s0  }
0x20d: {  	s1 =	sor.u32 s1, s3  }
0x20e: {  	s4 =	simm.s32 $0x0;
	s3 =	simm.s32 $0x10;
	[tilespmem:s1+$0x16280] =	vst v1  }
.LBB2_128:
0x20f: {  	p0 =	sne.s32 s3, $0x1A0  }
.Ltmp65:
0x210: {  	_ = 	snop;
	(pc) =	sbr.rel @p0 .LBB2_128-.Ltmp65, $4  }
0x211: {  	s4 =	sadd.s32 $0x80, s4  }
0x212: {  	s6 =	sand.u32 $0x70, s3;
	s7 =	sand.u32 $0xC00, s4  }
0x213: {  	s6 =	sor.u32 s6, s7  }
0x214: {  	s3 =	sadd.s32 $0x10, s3;
	[tilespmem:s6+$0x16280] =	vst v1  }
0x215: {  	s3 =	simm.s32 $0x10;
	[tilespmem:s1+$0x16F00] =	vst v1  }
.LBB2_130:
0x216: {  	p0 =	sne.s32 s3, $0x1A0  }
.Ltmp66:
0x217: {  	_ = 	snop;
	(pc) =	sbr.rel @p0 .LBB2_130-.Ltmp66, $4  }
0x218: {  	s0 =	sadd.s32 $0x80, s0  }
0x219: {  	s1 =	sand.u32 $0x70, s3;
	s4 =	sand.u32 $0xC00, s0  }
0x21a: {  	s1 =	sor.u32 s1, s4  }
0x21b: {  	s3 =	sadd.s32 $0x10, s3;
	[tilespmem:s1+$0x16F00] =	vst v1;
	s1 =	simm.s32 $0x0  }
0x21c: {  	s0 =	sand.u32 $0x70, s1;
	s3 =	sand.u32 $0xC00, s1  }
0x21d: {  	s0 =	sor.u32 s0, s3  }
0x21e: {  	s4 =	simm.s32 $0x0;
	s3 =	simm.s32 $0x10;
	[tilespmem:s0+$0x16F80] =	vst v1  }
.LBB2_132:
0x21f: {  	p0 =	sne.s32 s3, $0x1A0  }
.Ltmp67:
0x220: {  	_ = 	snop;
	(pc) =	sbr.rel @p0 .LBB2_132-.Ltmp67, $4  }
0x221: {  	s4 =	sadd.s32 $0x80, s4  }
0x222: {  	s6 =	sand.u32 $0x70, s3;
	s7 =	sand.u32 $0xC00, s4  }
0x223: {  	s6 =	sor.u32 s6, s7  }
0x224: {  	s3 =	sadd.s32 $0x10, s3;
	[tilespmem:s6+$0x16F80] =	vst v1  }
0x225: {  	s3 =	simm.s32 $0x10;
	[tilespmem:s0+$0x17000] =	vst v1  }
.LBB2_134:
0x226: {  	p0 =	sne.s32 s3, $0x1A0  }
.Ltmp68:
0x227: {  	_ = 	snop;
	(pc) =	sbr.rel @p0 .LBB2_134-.Ltmp68, $4  }
0x228: {  	s1 =	sadd.s32 $0x80, s1  }
0x229: {  	s0 =	sand.u32 $0x70, s3;
	s4 =	sand.u32 $0xC00, s1  }
0x22a: {  	s0 =	sor.u32 s0, s4  }
0x22b: {  	s3 =	sadd.s32 $0x10, s3;
	[tilespmem:s0+$0x17000] =	vst v1;
	s0 =	simm.s32 $0x0  }
0x22c: {  	s1 =	sand.u32 $0x70, s0;
	s3 =	sand.u32 $0xC00, s0  }
0x22d: {  	s1 =	sor.u32 s1, s3  }
0x22e: {  	s4 =	simm.s32 $0x0;
	s3 =	simm.s32 $0x10;
	[tilespmem:s1+$0x17080] =	vst v1  }
.LBB2_136:
0x22f: {  	p0 =	sne.s32 s3, $0x1A0  }
.Ltmp69:
0x230: {  	_ = 	snop;
	(pc) =	sbr.rel @p0 .LBB2_136-.Ltmp69, $4  }
0x231: {  	s4 =	sadd.s32 $0x80, s4  }
0x232: {  	s6 =	sand.u32 $0x70, s3;
	s7 =	sand.u32 $0xC00, s4  }
0x233: {  	s6 =	sor.u32 s6, s7  }
0x234: {  	s3 =	sadd.s32 $0x10, s3;
	[tilespmem:s6+$0x17080] =	vst v1  }
0x235: {  	s3 =	simm.s32 $0x10;
	[tilespmem:s1+$0x17100] =	vst v1  }
.LBB2_138:
0x236: {  	p0 =	sne.s32 s3, $0x1A0  }
.Ltmp70:
0x237: {  	_ = 	snop;
	(pc) =	sbr.rel @p0 .LBB2_138-.Ltmp70, $4  }
0x238: {  	s0 =	sadd.s32 $0x80, s0  }
0x239: {  	s1 =	sand.u32 $0x70, s3;
	s4 =	sand.u32 $0xC00, s0  }
0x23a: {  	s1 =	sor.u32 s1, s4  }
0x23b: {  	s3 =	sadd.s32 $0x10, s3;
	[tilespmem:s1+$0x17100] =	vst v1;
	s1 =	simm.s32 $0x0  }
0x23c: {  	s0 =	sand.u32 $0x70, s1;
	s3 =	sand.u32 $0xC00, s1  }
0x23d: {  	s0 =	sor.u32 s0, s3  }
0x23e: {  	s4 =	simm.s32 $0x0;
	s3 =	simm.s32 $0x10;
	[tilespmem:s0+$0x17180] =	vst v1  }
.LBB2_140:
0x23f: {  	p0 =	sne.s32 s3, $0x1A0  }
.Ltmp71:
0x240: {  	_ = 	snop;
	(pc) =	sbr.rel @p0 .LBB2_140-.Ltmp71, $4  }
0x241: {  	s4 =	sadd.s32 $0x80, s4  }
0x242: {  	s6 =	sand.u32 $0x70, s3;
	s7 =	sand.u32 $0xC00, s4  }
0x243: {  	s6 =	sor.u32 s6, s7  }
0x244: {  	s3 =	sadd.s32 $0x10, s3;
	[tilespmem:s6+$0x17180] =	vst v1  }
0x245: {  	s3 =	simm.s32 $0x10;
	[tilespmem:s0+$0x17200] =	vst v1  }
.LBB2_142:
0x246: {  	p0 =	sne.s32 s3, $0x1A0  }
.Ltmp72:
0x247: {  	_ = 	snop;
	(pc) =	sbr.rel @p0 .LBB2_142-.Ltmp72, $4  }
0x248: {  	s1 =	sadd.s32 $0x80, s1  }
0x249: {  	s0 =	sand.u32 $0x70, s3;
	s4 =	sand.u32 $0xC00, s1  }
0x24a: {  	s0 =	sor.u32 s0, s4  }
0x24b: {  	s3 =	sadd.s32 $0x10, s3;
	[tilespmem:s0+$0x17200] =	vst v1;
	s0 =	simm.s32 $0x0  }
0x24c: {  	s1 =	sand.u32 $0x70, s0;
	s3 =	sand.u32 $0xC00, s0  }
0x24d: {  	s1 =	sor.u32 s1, s3  }
0x24e: {  	s4 =	simm.s32 $0x0;
	s3 =	simm.s32 $0x10;
	[tilespmem:s1+$0x17280] =	vst v1  }
.LBB2_144:
0x24f: {  	p0 =	sne.s32 s3, $0x1A0  }
.Ltmp73:
0x250: {  	_ = 	snop;
	(pc) =	sbr.rel @p0 .LBB2_144-.Ltmp73, $4  }
0x251: {  	s4 =	sadd.s32 $0x80, s4  }
0x252: {  	s6 =	sand.u32 $0x70, s3;
	s7 =	sand.u32 $0xC00, s4  }
0x253: {  	s6 =	sor.u32 s6, s7  }
0x254: {  	s3 =	sadd.s32 $0x10, s3;
	[tilespmem:s6+$0x17280] =	vst v1  }
0x255: {  	s3 =	simm.s32 $0x10;
	[tilespmem:s1+$0x17F00] =	vst v1  }
.LBB2_146:
0x256: {  	p0 =	sne.s32 s3, $0x1A0  }
.Ltmp74:
0x257: {  	_ = 	snop;
	(pc) =	sbr.rel @p0 .LBB2_146-.Ltmp74, $4  }
0x258: {  	s0 =	sadd.s32 $0x80, s0  }
0x259: {  	s1 =	sand.u32 $0x70, s3;
	s4 =	sand.u32 $0xC00, s0  }
0x25a: {  	s1 =	sor.u32 s1, s4  }
0x25b: {  	s3 =	sadd.s32 $0x10, s3;
	[tilespmem:s1+$0x17F00] =	vst v1;
	s1 =	simm.s32 $0x0  }
0x25c: {  	s0 =	sand.u32 $0x70, s1;
	s3 =	sand.u32 $0xC00, s1  }
0x25d: {  	s0 =	sor.u32 s0, s3  }
0x25e: {  	s4 =	simm.s32 $0x0;
	s3 =	simm.s32 $0x10;
	[tilespmem:s0+$0x17F80] =	vst v1  }
.LBB2_148:
0x25f: {  	p0 =	sne.s32 s3, $0x1A0  }
.Ltmp75:
0x260: {  	_ = 	snop;
	(pc) =	sbr.rel @p0 .LBB2_148-.Ltmp75, $4  }
0x261: {  	s4 =	sadd.s32 $0x80, s4  }
0x262: {  	s6 =	sand.u32 $0x70, s3;
	s7 =	sand.u32 $0xC00, s4  }
0x263: {  	s6 =	sor.u32 s6, s7  }
0x264: {  	s3 =	sadd.s32 $0x10, s3;
	[tilespmem:s6+$0x17F80] =	vst v1  }
0x265: {  	s3 =	simm.s32 $0x10;
	[tilespmem:s0+$0x18000] =	vst v1  }
.LBB2_150:
0x266: {  	p0 =	sne.s32 s3, $0x1A0  }
.Ltmp76:
0x267: {  	_ = 	snop;
	(pc) =	sbr.rel @p0 .LBB2_150-.Ltmp76, $4  }
0x268: {  	s1 =	sadd.s32 $0x80, s1  }
0x269: {  	s0 =	sand.u32 $0x70, s3;
	s4 =	sand.u32 $0xC00, s1  }
0x26a: {  	s0 =	sor.u32 s0, s4  }
0x26b: {  	s3 =	sadd.s32 $0x10, s3;
	[tilespmem:s0+$0x18000] =	vst v1;
	s0 =	simm.s32 $0x0  }
0x26c: {  	s1 =	sand.u32 $0x70, s0;
	s3 =	sand.u32 $0xC00, s0  }
0x26d: {  	s1 =	sor.u32 s1, s3  }
0x26e: {  	s4 =	simm.s32 $0x0;
	s3 =	simm.s32 $0x10;
	[tilespmem:s1+$0x18080] =	vst v1  }
.LBB2_152:
0x26f: {  	p0 =	sne.s32 s3, $0x1A0  }
.Ltmp77:
0x270: {  	_ = 	snop;
	(pc) =	sbr.rel @p0 .LBB2_152-.Ltmp77, $4  }
0x271: {  	s4 =	sadd.s32 $0x80, s4  }
0x272: {  	s6 =	sand.u32 $0x70, s3;
	s7 =	sand.u32 $0xC00, s4  }
0x273: {  	s6 =	sor.u32 s6, s7  }
0x274: {  	s3 =	sadd.s32 $0x10, s3;
	[tilespmem:s6+$0x18080] =	vst v1  }
0x275: {  	s3 =	simm.s32 $0x10;
	[tilespmem:s1+$0x18100] =	vst v1  }
.LBB2_154:
0x276: {  	p0 =	sne.s32 s3, $0x1A0  }
.Ltmp78:
0x277: {  	_ = 	snop;
	(pc) =	sbr.rel @p0 .LBB2_154-.Ltmp78, $4  }
0x278: {  	s0 =	sadd.s32 $0x80, s0  }
0x279: {  	s1 =	sand.u32 $0x70, s3;
	s4 =	sand.u32 $0xC00, s0  }
0x27a: {  	s1 =	sor.u32 s1, s4  }
0x27b: {  	s3 =	sadd.s32 $0x10, s3;
	[tilespmem:s1+$0x18100] =	vst v1;
	s1 =	simm.s32 $0x0  }
0x27c: {  	s0 =	sand.u32 $0x70, s1;
	s3 =	sand.u32 $0xC00, s1  }
0x27d: {  	s0 =	sor.u32 s0, s3  }
0x27e: {  	s4 =	simm.s32 $0x0;
	s3 =	simm.s32 $0x10;
	[tilespmem:s0+$0x18180] =	vst v1  }
.LBB2_156:
0x27f: {  	p0 =	sne.s32 s3, $0x1A0  }
.Ltmp79:
0x280: {  	_ = 	snop;
	(pc) =	sbr.rel @p0 .LBB2_156-.Ltmp79, $4  }
0x281: {  	s4 =	sadd.s32 $0x80, s4  }
0x282: {  	s6 =	sand.u32 $0x70, s3;
	s7 =	sand.u32 $0xC00, s4  }
0x283: {  	s6 =	sor.u32 s6, s7  }
0x284: {  	s3 =	sadd.s32 $0x10, s3;
	[tilespmem:s6+$0x18180] =	vst v1  }
0x285: {  	s3 =	simm.s32 $0x10;
	[tilespmem:s0+$0x18200] =	vst v1  }
.LBB2_158:
0x286: {  	p0 =	sne.s32 s3, $0x1A0  }
.Ltmp80:
0x287: {  	_ = 	snop;
	(pc) =	sbr.rel @p0 .LBB2_158-.Ltmp80, $4  }
0x288: {  	s1 =	sadd.s32 $0x80, s1  }
0x289: {  	s0 =	sand.u32 $0x70, s3;
	s4 =	sand.u32 $0xC00, s1  }
0x28a: {  	s0 =	sor.u32 s0, s4  }
0x28b: {  	s3 =	sadd.s32 $0x10, s3;
	[tilespmem:s0+$0x18200] =	vst v1;
	s0 =	simm.s32 $0x0  }
0x28c: {  	s1 =	sand.u32 $0x70, s0;
	s3 =	sand.u32 $0xC00, s0  }
0x28d: {  	s1 =	sor.u32 s1, s3  }
0x28e: {  	s4 =	simm.s32 $0x0;
	s3 =	simm.s32 $0x10;
	[tilespmem:s1+$0x18280] =	vst v1  }
.LBB2_160:
0x28f: {  	p0 =	sne.s32 s3, $0x1A0  }
.Ltmp81:
0x290: {  	_ = 	snop;
	(pc) =	sbr.rel @p0 .LBB2_160-.Ltmp81, $4  }
0x291: {  	s4 =	sadd.s32 $0x80, s4  }
0x292: {  	s6 =	sand.u32 $0x70, s3;
	s7 =	sand.u32 $0xC00, s4  }
0x293: {  	s6 =	sor.u32 s6, s7  }
0x294: {  	s3 =	sadd.s32 $0x10, s3;
	[tilespmem:s6+$0x18280] =	vst v1  }
0x295: {  	s3 =	simm.s32 $0x10;
	[tilespmem:s1+$0x18F00] =	vst v1  }
.LBB2_162:
0x296: {  	p0 =	sne.s32 s3, $0x1A0  }
.Ltmp82:
0x297: {  	_ = 	snop;
	(pc) =	sbr.rel @p0 .LBB2_162-.Ltmp82, $4  }
0x298: {  	s0 =	sadd.s32 $0x80, s0  }
0x299: {  	s1 =	sand.u32 $0x70, s3;
	s4 =	sand.u32 $0xC00, s0  }
0x29a: {  	s1 =	sor.u32 s1, s4  }
0x29b: {  	s3 =	sadd.s32 $0x10, s3;
	[tilespmem:s1+$0x18F00] =	vst v1;
	s1 =	simm.s32 $0x0  }
0x29c: {  	s0 =	sand.u32 $0x70, s1;
	s3 =	sand.u32 $0xC00, s1  }
0x29d: {  	s0 =	sor.u32 s0, s3  }
0x29e: {  	s4 =	simm.s32 $0x0;
	s3 =	simm.s32 $0x10;
	[tilespmem:s0+$0x18F80] =	vst v1  }
.LBB2_164:
0x29f: {  	p0 =	sne.s32 s3, $0x1A0  }
.Ltmp83:
0x2a0: {  	_ = 	snop;
	(pc) =	sbr.rel @p0 .LBB2_164-.Ltmp83, $4  }
0x2a1: {  	s4 =	sadd.s32 $0x80, s4  }
0x2a2: {  	s6 =	sand.u32 $0x70, s3;
	s7 =	sand.u32 $0xC00, s4  }
0x2a3: {  	s6 =	sor.u32 s6, s7  }
0x2a4: {  	s3 =	sadd.s32 $0x10, s3;
	[tilespmem:s6+$0x18F80] =	vst v1  }
0x2a5: {  	s3 =	simm.s32 $0x10;
	[tilespmem:s0+$0x19000] =	vst v1  }
.LBB2_166:
0x2a6: {  	p0 =	sne.s32 s3, $0x1A0  }
.Ltmp84:
0x2a7: {  	_ = 	snop;
	(pc) =	sbr.rel @p0 .LBB2_166-.Ltmp84, $4  }
0x2a8: {  	s1 =	sadd.s32 $0x80, s1  }
0x2a9: {  	s0 =	sand.u32 $0x70, s3;
	s4 =	sand.u32 $0xC00, s1  }
0x2aa: {  	s0 =	sor.u32 s0, s4  }
0x2ab: {  	s3 =	sadd.s32 $0x10, s3;
	[tilespmem:s0+$0x19000] =	vst v1;
	s0 =	simm.s32 $0x0  }
0x2ac: {  	s1 =	sand.u32 $0x70, s0;
	s3 =	sand.u32 $0xC00, s0  }
0x2ad: {  	s1 =	sor.u32 s1, s3  }
0x2ae: {  	s4 =	simm.s32 $0x0;
	s3 =	simm.s32 $0x10;
	[tilespmem:s1+$0x19080] =	vst v1  }
.LBB2_168:
0x2af: {  	p0 =	sne.s32 s3, $0x1A0  }
.Ltmp85:
0x2b0: {  	_ = 	snop;
	(pc) =	sbr.rel @p0 .LBB2_168-.Ltmp85, $4  }
0x2b1: {  	s4 =	sadd.s32 $0x80, s4  }
0x2b2: {  	s6 =	sand.u32 $0x70, s3;
	s7 =	sand.u32 $0xC00, s4  }
0x2b3: {  	s6 =	sor.u32 s6, s7  }
0x2b4: {  	s3 =	sadd.s32 $0x10, s3;
	[tilespmem:s6+$0x19080] =	vst v1  }
0x2b5: {  	s3 =	simm.s32 $0x10;
	[tilespmem:s1+$0x19100] =	vst v1  }
.LBB2_170:
0x2b6: {  	p0 =	sne.s32 s3, $0x1A0  }
.Ltmp86:
0x2b7: {  	_ = 	snop;
	(pc) =	sbr.rel @p0 .LBB2_170-.Ltmp86, $4  }
0x2b8: {  	s0 =	sadd.s32 $0x80, s0  }
0x2b9: {  	s1 =	sand.u32 $0x70, s3;
	s4 =	sand.u32 $0xC00, s0  }
0x2ba: {  	s1 =	sor.u32 s1, s4  }
0x2bb: {  	s3 =	sadd.s32 $0x10, s3;
	[tilespmem:s1+$0x19100] =	vst v1;
	s1 =	simm.s32 $0x0  }
0x2bc: {  	s0 =	sand.u32 $0x70, s1;
	s3 =	sand.u32 $0xC00, s1  }
0x2bd: {  	s0 =	sor.u32 s0, s3  }
0x2be: {  	s4 =	simm.s32 $0x0;
	s3 =	simm.s32 $0x10;
	[tilespmem:s0+$0x19180] =	vst v1  }
.LBB2_172:
0x2bf: {  	p0 =	sne.s32 s3, $0x1A0  }
.Ltmp87:
0x2c0: {  	_ = 	snop;
	(pc) =	sbr.rel @p0 .LBB2_172-.Ltmp87, $4  }
0x2c1: {  	s4 =	sadd.s32 $0x80, s4  }
0x2c2: {  	s6 =	sand.u32 $0x70, s3;
	s7 =	sand.u32 $0xC00, s4  }
0x2c3: {  	s6 =	sor.u32 s6, s7  }
0x2c4: {  	s3 =	sadd.s32 $0x10, s3;
	[tilespmem:s6+$0x19180] =	vst v1  }
0x2c5: {  	s3 =	simm.s32 $0x10;
	[tilespmem:s0+$0x19200] =	vst v1  }
.LBB2_174:
0x2c6: {  	p0 =	sne.s32 s3, $0x1A0  }
.Ltmp88:
0x2c7: {  	_ = 	snop;
	(pc) =	sbr.rel @p0 .LBB2_174-.Ltmp88, $4  }
0x2c8: {  	s1 =	sadd.s32 $0x80, s1  }
0x2c9: {  	s0 =	sand.u32 $0x70, s3;
	s4 =	sand.u32 $0xC00, s1  }
0x2ca: {  	s0 =	sor.u32 s0, s4  }
0x2cb: {  	s3 =	sadd.s32 $0x10, s3;
	[tilespmem:s0+$0x19200] =	vst v1;
	s0 =	simm.s32 $0x0  }
0x2cc: {  	s1 =	sand.u32 $0x70, s0;
	s3 =	sand.u32 $0xC00, s0  }
0x2cd: {  	s1 =	sor.u32 s1, s3  }
0x2ce: {  	s4 =	simm.s32 $0x0;
	s3 =	simm.s32 $0x10;
	[tilespmem:s1+$0x19280] =	vst v1  }
.LBB2_176:
0x2cf: {  	p0 =	sne.s32 s3, $0x1A0  }
.Ltmp89:
0x2d0: {  	_ = 	snop;
	(pc) =	sbr.rel @p0 .LBB2_176-.Ltmp89, $4  }
0x2d1: {  	s4 =	sadd.s32 $0x80, s4  }
0x2d2: {  	s6 =	sand.u32 $0x70, s3;
	s7 =	sand.u32 $0xC00, s4  }
0x2d3: {  	s6 =	sor.u32 s6, s7  }
0x2d4: {  	s3 =	sadd.s32 $0x10, s3;
	[tilespmem:s6+$0x19280] =	vst v1  }
0x2d5: {  	s3 =	simm.s32 $0x10;
	[tilespmem:s1+$0x19F00] =	vst v1  }
.LBB2_178:
0x2d6: {  	p0 =	sne.s32 s3, $0x1A0  }
.Ltmp90:
0x2d7: {  	_ = 	snop;
	(pc) =	sbr.rel @p0 .LBB2_178-.Ltmp90, $4  }
0x2d8: {  	s0 =	sadd.s32 $0x80, s0  }
0x2d9: {  	s1 =	sand.u32 $0x70, s3;
	s4 =	sand.u32 $0xC00, s0  }
0x2da: {  	s1 =	sor.u32 s1, s4  }
0x2db: {  	s3 =	sadd.s32 $0x10, s3;
	[tilespmem:s1+$0x19F00] =	vst v1;
	s1 =	simm.s32 $0x0  }
0x2dc: {  	s0 =	sand.u32 $0x70, s1;
	s3 =	sand.u32 $0xC00, s1  }
0x2dd: {  	s0 =	sor.u32 s0, s3  }
0x2de: {  	s4 =	simm.s32 $0x0;
	s3 =	simm.s32 $0x10;
	[tilespmem:s0+$0x19F80] =	vst v1  }
.LBB2_180:
0x2df: {  	p0 =	sne.s32 s3, $0x1A0  }
.Ltmp91:
0x2e0: {  	_ = 	snop;
	(pc) =	sbr.rel @p0 .LBB2_180-.Ltmp91, $4  }
0x2e1: {  	s4 =	sadd.s32 $0x80, s4  }
0x2e2: {  	s6 =	sand.u32 $0x70, s3;
	s7 =	sand.u32 $0xC00, s4  }
0x2e3: {  	s6 =	sor.u32 s6, s7  }
0x2e4: {  	s3 =	sadd.s32 $0x10, s3;
	[tilespmem:s6+$0x19F80] =	vst v1  }
0x2e5: {  	s3 =	simm.s32 $0x10;
	[tilespmem:s0+$0x1A000] =	vst v1  }
.LBB2_182:
0x2e6: {  	p0 =	sne.s32 s3, $0x1A0  }
.Ltmp92:
0x2e7: {  	_ = 	snop;
	(pc) =	sbr.rel @p0 .LBB2_182-.Ltmp92, $4  }
0x2e8: {  	s1 =	sadd.s32 $0x80, s1  }
0x2e9: {  	s0 =	sand.u32 $0x70, s3;
	s4 =	sand.u32 $0xC00, s1  }
0x2ea: {  	s0 =	sor.u32 s0, s4  }
0x2eb: {  	s3 =	sadd.s32 $0x10, s3;
	[tilespmem:s0+$0x1A000] =	vst v1;
	s0 =	simm.s32 $0x0  }
0x2ec: {  	s1 =	sand.u32 $0x70, s0;
	s3 =	sand.u32 $0xC00, s0  }
0x2ed: {  	s1 =	sor.u32 s1, s3  }
0x2ee: {  	s4 =	simm.s32 $0x0;
	s3 =	simm.s32 $0x10;
	[tilespmem:s1+$0x1A080] =	vst v1  }
.LBB2_184:
0x2ef: {  	p0 =	sne.s32 s3, $0x1A0  }
.Ltmp93:
0x2f0: {  	_ = 	snop;
	(pc) =	sbr.rel @p0 .LBB2_184-.Ltmp93, $4  }
0x2f1: {  	s4 =	sadd.s32 $0x80, s4  }
0x2f2: {  	s6 =	sand.u32 $0x70, s3;
	s7 =	sand.u32 $0xC00, s4  }
0x2f3: {  	s6 =	sor.u32 s6, s7  }
0x2f4: {  	s3 =	sadd.s32 $0x10, s3;
	[tilespmem:s6+$0x1A080] =	vst v1  }
0x2f5: {  	s3 =	simm.s32 $0x10;
	[tilespmem:s1+$0x1A100] =	vst v1  }
.LBB2_186:
0x2f6: {  	p0 =	sne.s32 s3, $0x1A0  }
.Ltmp94:
0x2f7: {  	_ = 	snop;
	(pc) =	sbr.rel @p0 .LBB2_186-.Ltmp94, $4  }
0x2f8: {  	s0 =	sadd.s32 $0x80, s0  }
0x2f9: {  	s1 =	sand.u32 $0x70, s3;
	s4 =	sand.u32 $0xC00, s0  }
0x2fa: {  	s1 =	sor.u32 s1, s4  }
0x2fb: {  	s3 =	sadd.s32 $0x10, s3;
	[tilespmem:s1+$0x1A100] =	vst v1;
	s1 =	simm.s32 $0x0  }
0x2fc: {  	s0 =	sand.u32 $0x70, s1;
	s3 =	sand.u32 $0xC00, s1  }
0x2fd: {  	s0 =	sor.u32 s0, s3  }
0x2fe: {  	s4 =	simm.s32 $0x0;
	s3 =	simm.s32 $0x10;
	[tilespmem:s0+$0x1A180] =	vst v1  }
.LBB2_188:
0x2ff: {  	p0 =	sne.s32 s3, $0x1A0  }
.Ltmp95:
0x300: {  	_ = 	snop;
	(pc) =	sbr.rel @p0 .LBB2_188-.Ltmp95, $4  }
0x301: {  	s4 =	sadd.s32 $0x80, s4  }
0x302: {  	s6 =	sand.u32 $0x70, s3;
	s7 =	sand.u32 $0xC00, s4  }
0x303: {  	s6 =	sor.u32 s6, s7  }
0x304: {  	s3 =	sadd.s32 $0x10, s3;
	[tilespmem:s6+$0x1A180] =	vst v1  }
0x305: {  	s3 =	simm.s32 $0x10;
	[tilespmem:s0+$0x1A200] =	vst v1  }
.LBB2_190:
0x306: {  	p0 =	sne.s32 s3, $0x1A0  }
.Ltmp96:
0x307: {  	_ = 	snop;
	(pc) =	sbr.rel @p0 .LBB2_190-.Ltmp96, $4  }
0x308: {  	s1 =	sadd.s32 $0x80, s1  }
0x309: {  	s0 =	sand.u32 $0x70, s3;
	s4 =	sand.u32 $0xC00, s1  }
0x30a: {  	s0 =	sor.u32 s0, s4  }
0x30b: {  	s3 =	sadd.s32 $0x10, s3;
	[tilespmem:s0+$0x1A200] =	vst v1;
	s0 =	simm.s32 $0x0  }
0x30c: {  	s1 =	sand.u32 $0x70, s0;
	s3 =	sand.u32 $0xC00, s0  }
0x30d: {  	s1 =	sor.u32 s1, s3  }
0x30e: {  	s4 =	simm.s32 $0x0;
	s3 =	simm.s32 $0x10;
	[tilespmem:s1+$0x1A280] =	vst v1  }
.LBB2_192:
0x30f: {  	p0 =	sne.s32 s3, $0x1A0  }
.Ltmp97:
0x310: {  	_ = 	snop;
	(pc) =	sbr.rel @p0 .LBB2_192-.Ltmp97, $4  }
0x311: {  	s4 =	sadd.s32 $0x80, s4  }
0x312: {  	s6 =	sand.u32 $0x70, s3;
	s7 =	sand.u32 $0xC00, s4  }
0x313: {  	s6 =	sor.u32 s6, s7  }
0x314: {  	s3 =	sadd.s32 $0x10, s3;
	[tilespmem:s6+$0x1A280] =	vst v1  }
0x315: {  	s3 =	simm.s32 $0x10;
	[tilespmem:s1+$0x1AF00] =	vst v1  }
.LBB2_194:
0x316: {  	p0 =	sne.s32 s3, $0x1A0  }
.Ltmp98:
0x317: {  	_ = 	snop;
	(pc) =	sbr.rel @p0 .LBB2_194-.Ltmp98, $4  }
0x318: {  	s0 =	sadd.s32 $0x80, s0  }
0x319: {  	s1 =	sand.u32 $0x70, s3;
	s4 =	sand.u32 $0xC00, s0  }
0x31a: {  	s1 =	sor.u32 s1, s4  }
0x31b: {  	s3 =	sadd.s32 $0x10, s3;
	[tilespmem:s1+$0x1AF00] =	vst v1;
	s1 =	simm.s32 $0x0  }
0x31c: {  	s0 =	sand.u32 $0x70, s1;
	s3 =	sand.u32 $0xC00, s1  }
0x31d: {  	s0 =	sor.u32 s0, s3  }
0x31e: {  	s4 =	simm.s32 $0x0;
	s3 =	simm.s32 $0x10;
	[tilespmem:s0+$0x1AF80] =	vst v1  }
.LBB2_196:
0x31f: {  	p0 =	sne.s32 s3, $0x1A0  }
.Ltmp99:
0x320: {  	_ = 	snop;
	(pc) =	sbr.rel @p0 .LBB2_196-.Ltmp99, $4  }
0x321: {  	s4 =	sadd.s32 $0x80, s4  }
0x322: {  	s6 =	sand.u32 $0x70, s3;
	s7 =	sand.u32 $0xC00, s4  }
0x323: {  	s6 =	sor.u32 s6, s7  }
0x324: {  	s3 =	sadd.s32 $0x10, s3;
	[tilespmem:s6+$0x1AF80] =	vst v1  }
0x325: {  	s3 =	simm.s32 $0x10;
	[tilespmem:s0+$0x1B000] =	vst v1  }
.LBB2_198:
0x326: {  	p0 =	sne.s32 s3, $0x1A0  }
.Ltmp100:
0x327: {  	_ = 	snop;
	(pc) =	sbr.rel @p0 .LBB2_198-.Ltmp100, $4  }
0x328: {  	s1 =	sadd.s32 $0x80, s1  }
0x329: {  	s0 =	sand.u32 $0x70, s3;
	s4 =	sand.u32 $0xC00, s1  }
0x32a: {  	s0 =	sor.u32 s0, s4  }
0x32b: {  	s3 =	sadd.s32 $0x10, s3;
	[tilespmem:s0+$0x1B000] =	vst v1;
	s0 =	simm.s32 $0x0  }
0x32c: {  	s1 =	sand.u32 $0x70, s0;
	s3 =	sand.u32 $0xC00, s0  }
0x32d: {  	s1 =	sor.u32 s1, s3  }
0x32e: {  	s4 =	simm.s32 $0x0;
	s3 =	simm.s32 $0x10;
	[tilespmem:s1+$0x1B080] =	vst v1  }
.LBB2_200:
0x32f: {  	p0 =	sne.s32 s3, $0x1A0  }
.Ltmp101:
0x330: {  	_ = 	snop;
	(pc) =	sbr.rel @p0 .LBB2_200-.Ltmp101, $4  }
0x331: {  	s4 =	sadd.s32 $0x80, s4  }
0x332: {  	s6 =	sand.u32 $0x70, s3;
	s7 =	sand.u32 $0xC00, s4  }
0x333: {  	s6 =	sor.u32 s6, s7  }
0x334: {  	s3 =	sadd.s32 $0x10, s3;
	[tilespmem:s6+$0x1B080] =	vst v1  }
0x335: {  	s3 =	simm.s32 $0x10;
	[tilespmem:s1+$0x1B100] =	vst v1  }
.LBB2_202:
0x336: {  	p0 =	sne.s32 s3, $0x1A0  }
.Ltmp102:
0x337: {  	_ = 	snop;
	(pc) =	sbr.rel @p0 .LBB2_202-.Ltmp102, $4  }
0x338: {  	s0 =	sadd.s32 $0x80, s0  }
0x339: {  	s1 =	sand.u32 $0x70, s3;
	s4 =	sand.u32 $0xC00, s0  }
0x33a: {  	s1 =	sor.u32 s1, s4  }
0x33b: {  	s3 =	sadd.s32 $0x10, s3;
	[tilespmem:s1+$0x1B100] =	vst v1;
	s1 =	simm.s32 $0x0  }
0x33c: {  	s0 =	sand.u32 $0x70, s1;
	s3 =	sand.u32 $0xC00, s1  }
0x33d: {  	s0 =	sor.u32 s0, s3  }
0x33e: {  	s4 =	simm.s32 $0x0;
	s3 =	simm.s32 $0x10;
	[tilespmem:s0+$0x1B180] =	vst v1  }
.LBB2_204:
0x33f: {  	p0 =	sne.s32 s3, $0x1A0  }
.Ltmp103:
0x340: {  	_ = 	snop;
	(pc) =	sbr.rel @p0 .LBB2_204-.Ltmp103, $4  }
0x341: {  	s4 =	sadd.s32 $0x80, s4  }
0x342: {  	s6 =	sand.u32 $0x70, s3;
	s7 =	sand.u32 $0xC00, s4  }
0x343: {  	s6 =	sor.u32 s6, s7  }
0x344: {  	s3 =	sadd.s32 $0x10, s3;
	[tilespmem:s6+$0x1B180] =	vst v1  }
0x345: {  	s3 =	simm.s32 $0x10;
	[tilespmem:s0+$0x1B200] =	vst v1  }
.LBB2_206:
0x346: {  	p0 =	sne.s32 s3, $0x1A0  }
.Ltmp104:
0x347: {  	_ = 	snop;
	(pc) =	sbr.rel @p0 .LBB2_206-.Ltmp104, $4  }
0x348: {  	s1 =	sadd.s32 $0x80, s1  }
0x349: {  	s0 =	sand.u32 $0x70, s3;
	s4 =	sand.u32 $0xC00, s1  }
0x34a: {  	s0 =	sor.u32 s0, s4  }
0x34b: {  	s3 =	sadd.s32 $0x10, s3;
	[tilespmem:s0+$0x1B200] =	vst v1;
	s0 =	simm.s32 $0x0  }
0x34c: {  	s1 =	sand.u32 $0x70, s0;
	s3 =	sand.u32 $0xC00, s0  }
0x34d: {  	s1 =	sor.u32 s1, s3  }
0x34e: {  	s4 =	simm.s32 $0x0;
	s3 =	simm.s32 $0x10;
	[tilespmem:s1+$0x1B280] =	vst v1  }
.LBB2_208:
0x34f: {  	p0 =	sne.s32 s3, $0x1A0  }
.Ltmp105:
0x350: {  	_ = 	snop;
	(pc) =	sbr.rel @p0 .LBB2_208-.Ltmp105, $4  }
0x351: {  	s4 =	sadd.s32 $0x80, s4  }
0x352: {  	s6 =	sand.u32 $0x70, s3;
	s7 =	sand.u32 $0xC00, s4  }
0x353: {  	s6 =	sor.u32 s6, s7  }
0x354: {  	s3 =	sadd.s32 $0x10, s3;
	[tilespmem:s6+$0x1B280] =	vst v1  }
0x355: {  	s3 =	simm.s32 $0x10;
	[tilespmem:s1+$0x1BF00] =	vst v1  }
.LBB2_210:
0x356: {  	p0 =	sne.s32 s3, $0x1A0  }
.Ltmp106:
0x357: {  	_ = 	snop;
	(pc) =	sbr.rel @p0 .LBB2_210-.Ltmp106, $4  }
0x358: {  	s0 =	sadd.s32 $0x80, s0  }
0x359: {  	s1 =	sand.u32 $0x70, s3;
	s4 =	sand.u32 $0xC00, s0  }
0x35a: {  	s1 =	sor.u32 s1, s4  }
0x35b: {  	s3 =	sadd.s32 $0x10, s3;
	[tilespmem:s1+$0x1BF00] =	vst v1;
	s1 =	simm.s32 $0x0  }
0x35c: {  	s0 =	sand.u32 $0x70, s1;
	s3 =	sand.u32 $0xC00, s1  }
0x35d: {  	s0 =	sor.u32 s0, s3  }
0x35e: {  	s4 =	simm.s32 $0x0;
	s3 =	simm.s32 $0x10;
	[tilespmem:s0+$0x1BF80] =	vst v1  }
.LBB2_212:
0x35f: {  	p0 =	sne.s32 s3, $0x1A0  }
.Ltmp107:
0x360: {  	_ = 	snop;
	(pc) =	sbr.rel @p0 .LBB2_212-.Ltmp107, $4  }
0x361: {  	s4 =	sadd.s32 $0x80, s4  }
0x362: {  	s6 =	sand.u32 $0x70, s3;
	s7 =	sand.u32 $0xC00, s4  }
0x363: {  	s6 =	sor.u32 s6, s7  }
0x364: {  	s3 =	sadd.s32 $0x10, s3;
	[tilespmem:s6+$0x1BF80] =	vst v1  }
0x365: {  	s3 =	simm.s32 $0x10;
	[tilespmem:s0+$0x1C000] =	vst v1  }
.LBB2_214:
0x366: {  	p0 =	sne.s32 s3, $0x1A0  }
.Ltmp108:
0x367: {  	_ = 	snop;
	(pc) =	sbr.rel @p0 .LBB2_214-.Ltmp108, $4  }
0x368: {  	s1 =	sadd.s32 $0x80, s1  }
0x369: {  	s0 =	sand.u32 $0x70, s3;
	s4 =	sand.u32 $0xC00, s1  }
0x36a: {  	s0 =	sor.u32 s0, s4  }
0x36b: {  	s3 =	sadd.s32 $0x10, s3;
	[tilespmem:s0+$0x1C000] =	vst v1;
	s0 =	simm.s32 $0x0  }
0x36c: {  	s1 =	sand.u32 $0x70, s0;
	s3 =	sand.u32 $0xC00, s0  }
0x36d: {  	s1 =	sor.u32 s1, s3  }
0x36e: {  	s4 =	simm.s32 $0x0;
	s3 =	simm.s32 $0x10;
	[tilespmem:s1+$0x1C080] =	vst v1  }
.LBB2_216:
0x36f: {  	p0 =	sne.s32 s3, $0x1A0  }
.Ltmp109:
0x370: {  	_ = 	snop;
	(pc) =	sbr.rel @p0 .LBB2_216-.Ltmp109, $4  }
0x371: {  	s4 =	sadd.s32 $0x80, s4  }
0x372: {  	s6 =	sand.u32 $0x70, s3;
	s7 =	sand.u32 $0xC00, s4  }
0x373: {  	s6 =	sor.u32 s6, s7  }
0x374: {  	s3 =	sadd.s32 $0x10, s3;
	[tilespmem:s6+$0x1C080] =	vst v1  }
0x375: {  	s3 =	simm.s32 $0x10;
	[tilespmem:s1+$0x1C100] =	vst v1  }
.LBB2_218:
0x376: {  	p0 =	sne.s32 s3, $0x1A0  }
.Ltmp110:
0x377: {  	_ = 	snop;
	(pc) =	sbr.rel @p0 .LBB2_218-.Ltmp110, $4  }
0x378: {  	s0 =	sadd.s32 $0x80, s0  }
0x379: {  	s1 =	sand.u32 $0x70, s3;
	s4 =	sand.u32 $0xC00, s0  }
0x37a: {  	s1 =	sor.u32 s1, s4  }
0x37b: {  	s3 =	sadd.s32 $0x10, s3;
	[tilespmem:s1+$0x1C100] =	vst v1;
	s1 =	simm.s32 $0x0  }
0x37c: {  	s0 =	sand.u32 $0x70, s1;
	s3 =	sand.u32 $0xC00, s1  }
0x37d: {  	s0 =	sor.u32 s0, s3  }
0x37e: {  	s4 =	simm.s32 $0x0;
	s3 =	simm.s32 $0x10;
	[tilespmem:s0+$0x1C180] =	vst v1  }
.LBB2_220:
0x37f: {  	p0 =	sne.s32 s3, $0x1A0  }
.Ltmp111:
0x380: {  	_ = 	snop;
	(pc) =	sbr.rel @p0 .LBB2_220-.Ltmp111, $4  }
0x381: {  	s4 =	sadd.s32 $0x80, s4  }
0x382: {  	s6 =	sand.u32 $0x70, s3;
	s7 =	sand.u32 $0xC00, s4  }
0x383: {  	s6 =	sor.u32 s6, s7  }
0x384: {  	s3 =	sadd.s32 $0x10, s3;
	[tilespmem:s6+$0x1C180] =	vst v1  }
0x385: {  	s3 =	simm.s32 $0x10;
	[tilespmem:s0+$0x1C200] =	vst v1  }
.LBB2_222:
0x386: {  	p0 =	sne.s32 s3, $0x1A0  }
.Ltmp112:
0x387: {  	_ = 	snop;
	(pc) =	sbr.rel @p0 .LBB2_222-.Ltmp112, $4  }
0x388: {  	s1 =	sadd.s32 $0x80, s1  }
0x389: {  	s0 =	sand.u32 $0x70, s3;
	s4 =	sand.u32 $0xC00, s1  }
0x38a: {  	s0 =	sor.u32 s0, s4  }
0x38b: {  	s3 =	sadd.s32 $0x10, s3;
	[tilespmem:s0+$0x1C200] =	vst v1;
	s0 =	simm.s32 $0x0  }
0x38c: {  	s1 =	sand.u32 $0x70, s0;
	s3 =	sand.u32 $0xC00, s0  }
0x38d: {  	s1 =	sor.u32 s1, s3  }
0x38e: {  	s4 =	simm.s32 $0x0;
	s3 =	simm.s32 $0x10;
	[tilespmem:s1+$0x1C280] =	vst v1  }
.LBB2_224:
0x38f: {  	p0 =	sne.s32 s3, $0x1A0  }
.Ltmp113:
0x390: {  	_ = 	snop;
	(pc) =	sbr.rel @p0 .LBB2_224-.Ltmp113, $4  }
0x391: {  	s4 =	sadd.s32 $0x80, s4  }
0x392: {  	s6 =	sand.u32 $0x70, s3;
	s7 =	sand.u32 $0xC00, s4  }
0x393: {  	s6 =	sor.u32 s6, s7  }
0x394: {  	s3 =	sadd.s32 $0x10, s3;
	[tilespmem:s6+$0x1C280] =	vst v1  }
0x395: {  	s3 =	simm.s32 $0x10;
	[tilespmem:s1+$0x1CF00] =	vst v1  }
.LBB2_226:
0x396: {  	p0 =	sne.s32 s3, $0x1A0  }
.Ltmp114:
0x397: {  	_ = 	snop;
	(pc) =	sbr.rel @p0 .LBB2_226-.Ltmp114, $4  }
0x398: {  	s0 =	sadd.s32 $0x80, s0  }
0x399: {  	s1 =	sand.u32 $0x70, s3;
	s4 =	sand.u32 $0xC00, s0  }
0x39a: {  	s1 =	sor.u32 s1, s4  }
0x39b: {  	s3 =	sadd.s32 $0x10, s3;
	[tilespmem:s1+$0x1CF00] =	vst v1;
	s1 =	simm.s32 $0x0  }
0x39c: {  	s0 =	sand.u32 $0x70, s1;
	s3 =	sand.u32 $0xC00, s1  }
0x39d: {  	s0 =	sor.u32 s0, s3  }
0x39e: {  	s4 =	simm.s32 $0x0;
	s3 =	simm.s32 $0x10;
	[tilespmem:s0+$0x1CF80] =	vst v1  }
.LBB2_228:
0x39f: {  	p0 =	sne.s32 s3, $0x1A0  }
.Ltmp115:
0x3a0: {  	_ = 	snop;
	(pc) =	sbr.rel @p0 .LBB2_228-.Ltmp115, $4  }
0x3a1: {  	s4 =	sadd.s32 $0x80, s4  }
0x3a2: {  	s6 =	sand.u32 $0x70, s3;
	s7 =	sand.u32 $0xC00, s4  }
0x3a3: {  	s6 =	sor.u32 s6, s7  }
0x3a4: {  	s3 =	sadd.s32 $0x10, s3;
	[tilespmem:s6+$0x1CF80] =	vst v1  }
0x3a5: {  	s3 =	simm.s32 $0x10;
	[tilespmem:s0+$0x1D000] =	vst v1  }
.LBB2_230:
0x3a6: {  	p0 =	sne.s32 s3, $0x1A0  }
.Ltmp116:
0x3a7: {  	_ = 	snop;
	(pc) =	sbr.rel @p0 .LBB2_230-.Ltmp116, $4  }
0x3a8: {  	s1 =	sadd.s32 $0x80, s1  }
0x3a9: {  	s0 =	sand.u32 $0x70, s3;
	s4 =	sand.u32 $0xC00, s1  }
0x3aa: {  	s0 =	sor.u32 s0, s4  }
0x3ab: {  	s3 =	sadd.s32 $0x10, s3;
	[tilespmem:s0+$0x1D000] =	vst v1;
	s0 =	simm.s32 $0x0  }
0x3ac: {  	s1 =	sand.u32 $0x70, s0;
	s3 =	sand.u32 $0xC00, s0  }
0x3ad: {  	s1 =	sor.u32 s1, s3  }
0x3ae: {  	s4 =	simm.s32 $0x0;
	s3 =	simm.s32 $0x10;
	[tilespmem:s1+$0x1D080] =	vst v1  }
.LBB2_232:
0x3af: {  	p0 =	sne.s32 s3, $0x1A0  }
.Ltmp117:
0x3b0: {  	_ = 	snop;
	(pc) =	sbr.rel @p0 .LBB2_232-.Ltmp117, $4  }
0x3b1: {  	s4 =	sadd.s32 $0x80, s4  }
0x3b2: {  	s6 =	sand.u32 $0x70, s3;
	s7 =	sand.u32 $0xC00, s4  }
0x3b3: {  	s6 =	sor.u32 s6, s7  }
0x3b4: {  	s3 =	sadd.s32 $0x10, s3;
	[tilespmem:s6+$0x1D080] =	vst v1  }
0x3b5: {  	s3 =	simm.s32 $0x10;
	[tilespmem:s1+$0x1D100] =	vst v1  }
.LBB2_234:
0x3b6: {  	p0 =	sne.s32 s3, $0x1A0  }
.Ltmp118:
0x3b7: {  	_ = 	snop;
	(pc) =	sbr.rel @p0 .LBB2_234-.Ltmp118, $4  }
0x3b8: {  	s0 =	sadd.s32 $0x80, s0  }
0x3b9: {  	s1 =	sand.u32 $0x70, s3;
	s4 =	sand.u32 $0xC00, s0  }
0x3ba: {  	s1 =	sor.u32 s1, s4  }
0x3bb: {  	s3 =	sadd.s32 $0x10, s3;
	[tilespmem:s1+$0x1D100] =	vst v1;
	s1 =	simm.s32 $0x0  }
0x3bc: {  	s0 =	sand.u32 $0x70, s1;
	s3 =	sand.u32 $0xC00, s1  }
0x3bd: {  	s0 =	sor.u32 s0, s3  }
0x3be: {  	s4 =	simm.s32 $0x0;
	s3 =	simm.s32 $0x10;
	[tilespmem:s0+$0x1D180] =	vst v1  }
.LBB2_236:
0x3bf: {  	p0 =	sne.s32 s3, $0x1A0  }
.Ltmp119:
0x3c0: {  	_ = 	snop;
	(pc) =	sbr.rel @p0 .LBB2_236-.Ltmp119, $4  }
0x3c1: {  	s4 =	sadd.s32 $0x80, s4  }
0x3c2: {  	s6 =	sand.u32 $0x70, s3;
	s7 =	sand.u32 $0xC00, s4  }
0x3c3: {  	s6 =	sor.u32 s6, s7  }
0x3c4: {  	s3 =	sadd.s32 $0x10, s3;
	[tilespmem:s6+$0x1D180] =	vst v1  }
0x3c5: {  	s3 =	simm.s32 $0x10;
	[tilespmem:s0+$0x1D200] =	vst v1  }
.LBB2_238:
0x3c6: {  	p0 =	sne.s32 s3, $0x1A0  }
.Ltmp120:
0x3c7: {  	_ = 	snop;
	(pc) =	sbr.rel @p0 .LBB2_238-.Ltmp120, $4  }
0x3c8: {  	s1 =	sadd.s32 $0x80, s1  }
0x3c9: {  	s0 =	sand.u32 $0x70, s3;
	s4 =	sand.u32 $0xC00, s1  }
0x3ca: {  	s0 =	sor.u32 s0, s4  }
0x3cb: {  	s3 =	sadd.s32 $0x10, s3;
	[tilespmem:s0+$0x1D200] =	vst v1;
	s0 =	simm.s32 $0x0  }
0x3cc: {  	s1 =	sand.u32 $0x70, s0;
	s3 =	sand.u32 $0xC00, s0  }
0x3cd: {  	s1 =	sor.u32 s1, s3  }
0x3ce: {  	s4 =	simm.s32 $0x0;
	s3 =	simm.s32 $0x10;
	[tilespmem:s1+$0x1D280] =	vst v1  }
.LBB2_240:
0x3cf: {  	p0 =	sne.s32 s3, $0x1A0  }
.Ltmp121:
0x3d0: {  	_ = 	snop;
	(pc) =	sbr.rel @p0 .LBB2_240-.Ltmp121, $4  }
0x3d1: {  	s4 =	sadd.s32 $0x80, s4  }
0x3d2: {  	s6 =	sand.u32 $0x70, s3;
	s7 =	sand.u32 $0xC00, s4  }
0x3d3: {  	s6 =	sor.u32 s6, s7  }
0x3d4: {  	s3 =	sadd.s32 $0x10, s3;
	[tilespmem:s6+$0x1D280] =	vst v1  }
0x3d5: {  	s3 =	simm.s32 $0x10;
	[tilespmem:s1+$0x1DF00] =	vst v1  }
.LBB2_242:
0x3d6: {  	p0 =	sne.s32 s3, $0x1A0  }
.Ltmp122:
0x3d7: {  	_ = 	snop;
	(pc) =	sbr.rel @p0 .LBB2_242-.Ltmp122, $4  }
0x3d8: {  	s0 =	sadd.s32 $0x80, s0  }
0x3d9: {  	s1 =	sand.u32 $0x70, s3;
	s4 =	sand.u32 $0xC00, s0  }
0x3da: {  	s1 =	sor.u32 s1, s4  }
0x3db: {  	s3 =	sadd.s32 $0x10, s3;
	[tilespmem:s1+$0x1DF00] =	vst v1;
	s1 =	simm.s32 $0x0  }
0x3dc: {  	s0 =	sand.u32 $0x70, s1;
	s3 =	sand.u32 $0xC00, s1  }
0x3dd: {  	s0 =	sor.u32 s0, s3  }
0x3de: {  	s4 =	simm.s32 $0x0;
	s3 =	simm.s32 $0x10;
	[tilespmem:s0+$0x1DF80] =	vst v1  }
.LBB2_244:
0x3df: {  	p0 =	sne.s32 s3, $0x1A0  }
.Ltmp123:
0x3e0: {  	_ = 	snop;
	(pc) =	sbr.rel @p0 .LBB2_244-.Ltmp123, $4  }
0x3e1: {  	s4 =	sadd.s32 $0x80, s4  }
0x3e2: {  	s6 =	sand.u32 $0x70, s3;
	s7 =	sand.u32 $0xC00, s4  }
0x3e3: {  	s6 =	sor.u32 s6, s7  }
0x3e4: {  	s3 =	sadd.s32 $0x10, s3;
	[tilespmem:s6+$0x1DF80] =	vst v1  }
0x3e5: {  	s3 =	simm.s32 $0x10;
	[tilespmem:s0+$0x1E000] =	vst v1  }
.LBB2_246:
0x3e6: {  	p0 =	sne.s32 s3, $0x1A0  }
.Ltmp124:
0x3e7: {  	_ = 	snop;
	(pc) =	sbr.rel @p0 .LBB2_246-.Ltmp124, $4  }
0x3e8: {  	s1 =	sadd.s32 $0x80, s1  }
0x3e9: {  	s0 =	sand.u32 $0x70, s3;
	s4 =	sand.u32 $0xC00, s1  }
0x3ea: {  	s0 =	sor.u32 s0, s4  }
0x3eb: {  	s3 =	sadd.s32 $0x10, s3;
	[tilespmem:s0+$0x1E000] =	vst v1;
	s0 =	simm.s32 $0x0  }
0x3ec: {  	s1 =	sand.u32 $0x70, s0;
	s3 =	sand.u32 $0xC00, s0  }
0x3ed: {  	s1 =	sor.u32 s1, s3  }
0x3ee: {  	s4 =	simm.s32 $0x0;
	s3 =	simm.s32 $0x10;
	[tilespmem:s1+$0x1E080] =	vst v1  }
.LBB2_248:
0x3ef: {  	p0 =	sne.s32 s3, $0x1A0  }
.Ltmp125:
0x3f0: {  	_ = 	snop;
	(pc) =	sbr.rel @p0 .LBB2_248-.Ltmp125, $4  }
0x3f1: {  	s4 =	sadd.s32 $0x80, s4  }
0x3f2: {  	s6 =	sand.u32 $0x70, s3;
	s7 =	sand.u32 $0xC00, s4  }
0x3f3: {  	s6 =	sor.u32 s6, s7  }
0x3f4: {  	s3 =	sadd.s32 $0x10, s3;
	[tilespmem:s6+$0x1E080] =	vst v1  }
0x3f5: {  	s3 =	simm.s32 $0x10;
	[tilespmem:s1+$0x1E100] =	vst v1  }
.LBB2_250:
0x3f6: {  	p0 =	sne.s32 s3, $0x1A0  }
.Ltmp126:
0x3f7: {  	_ = 	snop;
	(pc) =	sbr.rel @p0 .LBB2_250-.Ltmp126, $4  }
0x3f8: {  	s0 =	sadd.s32 $0x80, s0  }
0x3f9: {  	s1 =	sand.u32 $0x70, s3;
	s4 =	sand.u32 $0xC00, s0  }
0x3fa: {  	s1 =	sor.u32 s1, s4  }
0x3fb: {  	s3 =	sadd.s32 $0x10, s3;
	[tilespmem:s1+$0x1E100] =	vst v1;
	s1 =	simm.s32 $0x0  }
0x3fc: {  	s0 =	sand.u32 $0x70, s1;
	s3 =	sand.u32 $0xC00, s1  }
0x3fd: {  	s0 =	sor.u32 s0, s3  }
0x3fe: {  	s4 =	simm.s32 $0x0;
	s3 =	simm.s32 $0x10;
	[tilespmem:s0+$0x1E180] =	vst v1  }
.LBB2_252:
0x3ff: {  	p0 =	sne.s32 s3, $0x1A0  }
.Ltmp127:
0x400: {  	_ = 	snop;
	(pc) =	sbr.rel @p0 .LBB2_252-.Ltmp127, $4  }
0x401: {  	s4 =	sadd.s32 $0x80, s4  }
0x402: {  	s6 =	sand.u32 $0x70, s3;
	s7 =	sand.u32 $0xC00, s4  }
0x403: {  	s6 =	sor.u32 s6, s7  }
0x404: {  	s3 =	sadd.s32 $0x10, s3;
	[tilespmem:s6+$0x1E180] =	vst v1  }
0x405: {  	s3 =	simm.s32 $0x10;
	[tilespmem:s0+$0x1E200] =	vst v1  }
.LBB2_254:
0x406: {  	p0 =	sne.s32 s3, $0x1A0  }
.Ltmp128:
0x407: {  	_ = 	snop;
	(pc) =	sbr.rel @p0 .LBB2_254-.Ltmp128, $4  }
0x408: {  	s1 =	sadd.s32 $0x80, s1  }
0x409: {  	s0 =	sand.u32 $0x70, s3;
	s4 =	sand.u32 $0xC00, s1  }
0x40a: {  	s0 =	sor.u32 s0, s4  }
0x40b: {  	s3 =	sadd.s32 $0x10, s3;
	s18 =	simm.s32 $0x0;
	[tilespmem:s0+$0x1E200] =	vst v1  }
0x40c: {  	s0 =	sand.u32 $0x70, s18;
	s1 =	sand.u32 $0xC00, s18  }
0x40d: {  	s1 =	sor.u32 s0, s1  }
0x40e: {  	s0 =	simm.s32 $0x10;
	[tilespmem:s1+$0x1E280] =	vst v1;
	s1 =	simm.s32 $0x0  }
.LBB2_256:
0x40f: {  	p0 =	seq.s32 s0, $0x1A0  }
.Ltmp129:
0x410: {  	_ = 	snop;
	(pc) =	sbr.rel @!p0 .LBB2_256-.Ltmp129, $4  }
0x411: {  	s1 =	sadd.s32 $0x80, s1  }
0x412: {  	s3 =	sand.u32 $0x70, s0;
	s4 =	sand.u32 $0xC00, s1  }
0x413: {  	s3 =	sor.u32 s3, s4  }
0x414: {  	s0 =	sadd.s32 $0x10, s0;
	[tilespmem:s3+$0x1E280] =	vst v1  }
0x415: {  	s1 =	simm.s32 $0x0;
	s19 =	simm.s32 $0x0  }
.LBB2_258:
0x416: {  	s0 =	smul.u32 $0xFA0, s19;
	_ =	sdelay $0x1  }
0x417: {  	s0 =	sshrl.u32 s0, $0x3  }
0x418: {  	s3 =	simm.s32 $0x0;
	s28 =	simm.s32 $0x2;
	s0 =	sadd.s32 s2, s0  }
0x419: {  	[tilespmem:s3], [sflag:$0x2] =	stream.linear.gather [hbm4b:s0+s3], $0xFA0, $0x38;
	[tilespmem:$0x1EF00] =	vst v63  }
0x41a: {  	_ =	swait.ge [sflag:s28], $0xFA0  }
0x41b: {  	[sflag:s28] =	ssyncset.done $0x0  }
0x41c: {  	s29 =	simm.s32 $0x0;
	[sflag:s28] =	ssyncadd.s32 $0xFFFFF060  }
0x41d: {  	v8 =	vld [tilespmem:s29+$0x0];
	_ =	sdelay $0x4  }
0x41e: {  	v8 =	vadd.s32 v0, v8  }
0x41f: {  	vm0 =	vlt.u32 v8, $0x3600  }
0x420: {  	v9 =	vsel vm0, $0x1, v3  }
0x421: {  	(xrf0) =	vadd.scan.msk.s32 $0xffff, v9;
	_ =	sdelay $0x5  }
0x422: {  	s30 =	sadd.s32 $0xFFFFFFFF, s1;
	v9, _, _ =	vpop (xrf0)  }
0x423: {  	v10 =	vadd.s32 s30, v9;
	(v2sf) =	vpush v9, $0xF  }
0x424: {  	v11 =	vmov s18  }
0x425: {  	v11 =	vshll.u32 v11, $0xE  }
0x426: {  	v11 =	vor.u32 v4, v11  }
0x427: {  	v8 =	vadd.s32 v11, v8  }
0x428: {  	s4 =	simm.s32 $0x10;
	s3 =	simm.s32 $0x80;
	s0 =	smov.u32 s18;
	[tilespmem:v10+s9+$0x0] =	vst.idx.msk vm0, v8  }
.LBB2_259:
0x429: {  	p0 =	sne.s32 s3, $0x3E40;
	v8 =	vld [tilespmem:s4+$0x0];
	_ =	sdelay $0x1  }
0x42a: {  	s0 =	sadd.s32 $0x10, s0  }
0x42b: {  	v9 =	vmov s0  }
0x42c: {  	v9 =	vshll.u32 v9, $0xE  }
0x42d: {  	v9 =	vor.u32 v4, v9;
	v8 =	vadd.s32 v0, v8  }
0x42e: {  	vm9 =	vlt.u32 v8, $0x3600;
	v8 =	vadd.s32 v9, v8  }
0x42f: {  	v9 =	vsel vm9, $0x1, v3  }
0x430: {  	(xrf0) =	vadd.scan.msk.s32 $0xffff, v9  }
0x431: {  	s4 =	spop (v2sf)  }
0x432: {  	s1 =	sadd.s32 s1, s4  }
0x433: {  	s4 =	sadd.s32 $0xFFFFFFFF, s1;
	_ =	sdelay $0x2  }
0x434: {  	v9, _, _ =	vpop (xrf0)  }
0x435: {  	v10 =	vadd.s32 s4, v9;
	(v2sf) =	vpush v9, $0xF  }
.Ltmp130:
0x436: {  	(pc) =	sbr.rel @p0 .LBB2_259-.Ltmp130, $2  }
0x437: {  	_ =	sdelay $0x2  }
0x438: {  	s4 =	sshra.s32 s3, $0x2;
	s3 =	sadd.s32 $0x40, s3;
	[tilespmem:v10+s9+$0x0] =	vst.idx.msk vm9, v8  }
0x439: {  	v8 =	vld [tilespmem:s4+$0x0];
	_ =	sdelay $0x4  }
0x43a: {  	v8 =	vadd.s32 v0, v8  }
0x43b: {  	vm9 =	vlt.u32 v8, $0x3600  }
0x43c: {  	v9 =	vsel vm9, $0x1, v3  }
0x43d: {  	(xrf0) =	vadd.scan.msk.s32 $0xffff, v9;
	_ =	sdelay $0x5  }
0x43e: {  	v9, _, _ =	vpop (xrf0)  }
0x43f: {  	(v2sf) =	vpush v9, $0xF;
	_ =	sdelay $0x7  }
0x440: {  	s3 =	spop (v2sf)  }
0x441: {  	s1 =	sadd.s32 s1, s3  }
0x442: {  	s19 =	sadd.s32 $0x1, s19;
	s3 =	sadd.s32 $0xFFFFFFFF, s1  }
0x443: {  	s0 =	sadd.s32 $0x10, s0;
	p0 =	seq.s32 s19, $0x4;
	v9 =	vadd.s32 s3, v9  }
.Ltmp131:
0x444: {  	v10 =	vmov s0;
	(pc) =	sbr.rel @!p0 .LBB2_258-.Ltmp131, $4  }
0x445: {  	v10 =	vshll.u32 v10, $0xE  }
0x446: {  	v10 =	vor.u32 v4, v10  }
0x447: {  	v8 =	vadd.s32 v10, v8;
	s30 =	spop (v2sf)  }
0x448: {  	s18 =	sadd.s32 $0xFA0, s18;
	[tilespmem:v9+s9+$0x0] =	vst.idx.msk vm9, v8;
	s1 =	sadd.s32 s1, s30  }
0x449: {  	s0 =	sadd.s32 $0xF, s1  }
.Ltmp132:
0x44a: {  	s3 =	sshra.s32 s0, $0x1F;
	(pc) =	sbr.rel .LBB2_262-.Ltmp132, $4  }
0x44b: {  	s3 =	sshrl.u32 s3, $0x1C  }
0x44c: {  	s3 =	sadd.s32 s3, s0  }
0x44d: {  	s2 =	sshra.s32 s3, $0x4  }
0x44e: {  	v8 =	vmov s1;
	s7 =	simm.s32 $0x0;
	vm9 =	vcmask $0xF0C;
	p0 =	slt.s32 s0, $0x10;
	[dreg:$0xa] =	wrdreg s2  }
.LBB2_283:
0x44f: {  	s7 =	rddreg [dreg:$0xb]  }
0x450: {  	s7 =	sadd.s32 $0x1, s7  }
0x451: {  	p1 =	sne.s32 s7, $0x4  }
.Ltmp133:
0x452: {  	_ = 	snop;
	(pc) =	sbr.rel @!p1 .LBB2_284-.Ltmp133, $2  }
0x453: {  	_ =	sdelay $0x2  }
0x454: {  	s5 =	simm.s32 $0x8F00  }
.LBB2_262:
.Ltmp134:
0x455: {  	(pc) =	sbr.rel @p0 .LBB2_269-.Ltmp134, $3  }
0x456: {  	_ = 	snop  }
0x457: {  	s0 =	smul.u32 $0xD80, s7;
	_ =	sdelay $0x1  }
0x458: {  	s10 =	simm.s32 $0x0;
	v9 =	vmov s0  }
0x459: {  	s2 =	rddreg [dreg:$0xa]  }
0x45a: {  	p2 =	sne.s32 s2, $0x1  }
.Ltmp135:
0x45b: {  	_ = 	snop;
	(pc) =	sbr.rel @!p2 .LBB2_264-.Ltmp135, $3  }
0x45c: {  	_ =	sdelay $0x1  }
0x45d: {  	s0 =	sadd.s32 $0xD80, s0;
	s1 =	simm.s32 $0x1000  }
0x45e: {  	s20 =	simm.s32 $0x0;
	p1 =	por $0x0, $0x0;
	v10 =	vmov s0;
	v11 =	vld [tilespmem:s1+$0x0];
	s0 =	sadd.s32 $0xFFFFFFFF, s2  }
0x45f: {  	_ =	sdelay $0x3  }
0x460: {  	v11 =	vand.u32 $0x3FFF, v11  }
0x461: {  	vm0 =	vge.u32 v11, v9;
	vm9 =	vlt.u32 v11, v10;
	v11 =	vor.u32 s20, v2  }
0x462: {  	vm0 =	vmand vm0, vm9;
	vm15 =	vlt.s32 v11, v8  }
0x463: {  	vm9 =	vmand vm15, vm0  }
0x464: {  	v12 =	vsel vm9, $0x1, v3  }
0x465: {  	(xrf0) =	vadd.scan.msk.s32 $0xffff, v12;
	_ =	sdelay $0x5  }
0x466: {  	s1 =	simm.s32 $0xFFFFFFFF;
	v12, _, _ =	vpop (xrf0)  }
0x467: {  	v13 =	vadd.s32 s1, v12;
	(v2sf) =	vpush v12, $0xF  }
0x468: {  	p2 =	sne.s32 s0, $0x1  }
.Ltmp136:
0x469: {  	_ = 	snop;
	(pc) =	sbr.rel @!p2 .LBB2_266-.Ltmp136, $3  }
0x46a: {  	_ =	sdelay $0x1  }
0x46b: {  	s3 =	simm.s32 $0x1010;
	s4 =	sadd.s32 $0xFFFFFFFF, s0;
	[tilespmem:v13+s31+$0x0] =	vst.idx.msk vm9, v11  }
0x46c: {  	p1 =	por $0x1, $0x1;
	s0 =	simm.s32 $0x0;
	s1 =	simm.s32 $0x0;
	v11 =	vld [tilespmem:s3+$0x0]  }
.LBB2_267:
0x46d: {  	p2 =	sne.s32 s4, $0x1;
	_ =	sdelay $0x3  }
0x46e: {  	s1 =	sadd.s32 $0x10, s1;
	v11 =	vand.u32 $0x3FFF, v11  }
0x46f: {  	vm9 =	vge.u32 v11, v9;
	vm10 =	vlt.u32 v11, v10;
	v11 =	vor.u32 s1, v2  }
0x470: {  	vm9 =	vmand vm9, vm10;
	vm10 =	vlt.s32 v11, v8  }
0x471: {  	vm9 =	vmand vm10, vm9  }
0x472: {  	v12 =	vsel vm9, $0x1, v3;
	s6 =	spop (v2sf)  }
0x473: {  	(xrf0) =	vadd.scan.msk.s32 $0xffff, v12;
	s0 =	sadd.s32 s0, s6  }
0x474: {  	s6 =	sadd.s32 $0xFFFFFFFF, s0;
	_ =	sdelay $0x4  }
0x475: {  	v12, _, _ =	vpop (xrf0)  }
0x476: {  	v13 =	vadd.s32 s6, v12;
	(v2sf) =	vpush v12, $0xF;
	_ =	sdelay $0x1  }
.Ltmp137:
0x477: {  	(pc) =	sbr.rel @p2 .LBB2_267-.Ltmp137, $3  }
0x478: {  	_ =	sdelay $0x1  }
0x479: {  	s3 =	sadd.s32 $0x10, s3;
	[tilespmem:v13+s31+$0x0] =	vst.idx.msk vm9, v11  }
0x47a: {  	s4 =	sadd.s32 $0xFFFFFFFF, s4;
	v11 =	vld [tilespmem:s3+$0x0]  }
.LBB2_268:
0x47b: {  	_ =	sdelay $0x2  }
0x47c: {  	s1 =	sadd.s32 @p1 $0x10, s1;
	s3 =	simm.s32 $0x0  }
0x47d: {  	s3 =	smov.u32 @p1 s1;
	v11 =	vand.u32 $0x3FFF, v11  }
0x47e: {  	vm9 =	vge.u32 v11, v9;
	vm10 =	vlt.u32 v11, v10;
	v10 =	vor.u32 s3, v2  }
0x47f: {  	vm9 =	vmand vm9, vm10;
	vm10 =	vlt.s32 v10, v8  }
0x480: {  	vm9 =	vmand vm10, vm9  }
0x481: {  	v11 =	vsel vm9, $0x1, v3  }
0x482: {  	(xrf0) =	vadd.scan.msk.s32 $0xffff, v11;
	_ =	sdelay $0x5  }
0x483: {  	v11, _, _ =	vpop (xrf0)  }
0x484: {  	(v2sf) =	vpush v11, $0xF;
	_ =	sdelay $0x6  }
0x485: {  	s1 =	spop @p1 (v2sf)  }
0x486: {  	s0 =	sadd.s32 @p1 s0, s1  }
0x487: {  	s20 =	smov.u32 @p1 s0  }
0x488: {  	s0 =	sadd.s32 $0xFFFFFFFF, s20  }
0x489: {  	v11 =	vadd.s32 s0, v11;
	_ =	sdelay $0x3  }
0x48a: {  	s30 =	spop (v2sf)  }
0x48b: {  	vm10 =	vcmask $0x704;
	[tilespmem:v11+s31+$0x0] =	vst.idx.msk vm9, v10;
	vm9 =	vcmask $0xF0C;
	s10 =	sadd.s32 s20, s30  }
.LBB2_269:
0x48c: {  	s0 =	sadd.s32 $0xBF, s10  }
0x48d: {  	s1 =	smulhi.u32 $0x2AAAAAAB, s0;
	s3 =	sshra.s32 s0, $0x1F  }
0x48e: {  	s2 =	rddreg [dreg:$0x7];
	s3 =	smul.u32 $0x2AAAAAAB, s3  }
0x48f: {  	s4 =	sadd.s32 s2, s7  }
0x490: {  	s6 =	sshrl.u32 s4, $0x1;
	s1 =	sadd.s32 s3, s1  }
0x491: {  	s25 =	smulhi.u32 $0x84210843, s6;
	s26 =	sshrl.u32 s1, $0x1F;
	s1 =	sshra.s32 s1, $0x5  }
0x492: {  	[dreg:$0xb] =	wrdreg s7;
	s1 =	sadd.s32 s26, s1  }
0x493: {  	s17 =	ssub.s32 $0xFFFFFF41, s10;
	s3 =	sshrl.u32 s25, $0x4;
	s6 =	smul.u32 $0xFFFFFF40, s1  }
0x494: {  	s30 =	simm.s32 $0x0;
	[dreg:$0xc] =	wrdreg s10;
	s28 =	smul.u32 $0x3E, s3  }
0x495: {  	p2 =	slt.s32 s0, $0x1;
	s3 =	smul.u32 $0xF80000, s3;
	p1 =	sne.s32 s6, s17  }
.Ltmp138:
0x496: {  	s29 =	ssub.s32 s4, s28;
	p1 =	por !p2, !p1;
	(pc) =	sbr.rel .LBB2_270-.Ltmp138, $4  }
0x497: {  	s4 =	simm.s32 $0x1;
	s0 =	sshll.u32 s29, $0xC;
	p1 =	por !p1, !p1  }
0x498: {  	[dreg:$0xf] =	wrdreg s30;
	s0 =	sor.u32 s3, s0;
	s4 =	simm.s32 @!p1 $0x0  }
0x499: {  	[dreg:$0xe] =	wrdreg s0;
	s1 =	ssub.s32 s1, s4  }
0x49a: {  	p1 =	slt.s32 s1, $0x1;
	[dreg:$0xd] =	wrdreg s1;
	p2 =	sgt.s32 s1, $0x1  }
.LBB2_280:
0x49b: {  	s2 =	rddreg [dreg:$0xf]  }
0x49c: {  	s0 =	smul.u32 $0x3E0000, s2  }
0x49d: {  	s1 =	rddreg [dreg:$0xe]  }
0x49e: {  	s28 =	rddreg [dreg:$0x6];
	s2 =	sadd.s32 $0x1, s2;
	s0 =	sadd.s32 s0, s1  }
0x49f: {  	s29 =	simm.s32 $0x3E000;
	p3 =	seq.s32 s2, $0x4;
	s0 =	sshrl.u32 s0, $0x3  }
.Ltmp139:
0x4a0: {  	s30 =	simm.s32 $0x2;
	s0 =	sadd.s32 s28, s0;
	(pc) =	sbr.rel @p3 .LBB2_281-.Ltmp139, $4  }
0x4a1: {  	[hbm4b:s0+s9] =	stream.strided.scatter [tilespmem:s8], [sflag:$0x2], $0x10000, s29, s9, $0x38;
	[tilespmem:$0x1EF00] =	vst v63  }
0x4a2: {  	_ =	swait.ge [sflag:s30], $0x10000  }
0x4a3: {  	[sflag:s30] =	ssyncset.done $0x0  }
0x4a4: {  	[dreg:$0xf] =	wrdreg s2;
	[sflag:s30] =	ssyncadd.s32 $0xFFFF0000  }
.LBB2_270:
.Ltmp140:
0x4a5: {  	(pc) =	sbr.rel @p1 .LBB2_280-.Ltmp140, $1  }
0x4a6: {  	_ =	sdelay $0x3  }
.Ltmp141:
0x4a7: {  	(pc) =	sbr.rel .LBB2_272-.Ltmp141, $4  }
0x4a8: {  	_ = 	snop  }
0x4a9: {  	s0 =	rddreg [dreg:$0xf];
	s24 =	simm.s32 $0x4F00;
	s6 =	simm.s32 $0x0  }
0x4aa: {  	[dreg:$0x10] =	wrdreg s10;
	p3 =	seq.s32 s0, $0x0;
	s0 =	sshll.u32 s0, $0x4  }
0x4ab: {  	s7 =	simm.s32 $0x0;
	p3 =	por p2, p3;
	[dreg:$0x3] =	wrdreg s0  }
.LBB2_279:
0x4ac: {  	s7 =	rddreg [dreg:$0x11]  }
0x4ad: {  	s0 =	rddreg [dreg:$0xd];
	s7 =	sadd.s32 $0x1, s7  }
0x4ae: {  	p4 =	sne.s32 s7, s0  }
.Ltmp142:
0x4af: {  	_ = 	snop;
	(pc) =	sbr.rel @!p4 .LBB2_280-.Ltmp142, $4  }
0x4b0: {  	_ = 	snop  }
0x4b1: {  	s30 =	rddreg [dreg:$0x10]  }
0x4b2: {  	s10 =	rddreg [dreg:$0xc];
	s0 =	sadd.s32 $0xFFFFFF40, s30  }
0x4b3: {  	s24 =	sadd.s32 $0xC0, s24;
	s6 =	sadd.s32 $0xC0, s6;
	[dreg:$0x10] =	wrdreg s0  }
.LBB2_272:
.Ltmp143:
0x4b4: {  	(pc) =	sbr.rel @!p3 .LBB2_276-.Ltmp143, $1  }
0x4b5: {  	_ =	sdelay $0x3  }
0x4b6: {  	s0 =	sadd.s32 $0x0, s24  }
0x4b7: {  	v10 =	vld [tilespmem:s0+$0x0];
	_ =	sdelay $0x4  }
0x4b8: {  	vm9 =	vgt.s32 v10, $0x0  }
0x4b9: {  	v10 =	vnsel vm9, $0x0, v10  }
0x4ba: {  	v10 =	vmin.u32 v10, $0x3EFF;
	_ =	sdelay $0x4  }
0x4bb: {  	v10 =	vld.idx.msk [tilespmem:v10+s9+$0x0], $0xffff;
	_ =	sdelay $0x4  }
0x4bc: {  	v10 =	vshra.s32 v10, $0xE  }
0x4bd: {  	vm9 =	vgt.s32 v10, $0x0  }
0x4be: {  	v10 =	vnsel vm9, $0x0, v10  }
0x4bf: {  	s3 =	simm.s32 $0x10;
	s1 =	simm.s32 $0x80;
	s0 =	simm.s32 $0x0;
	v10 =	vmin.u32 v10, $0x3E7F  }
.LBB2_274:
0x4c0: {  	p4 =	sne.s32 s1, $0x2C0;
	s4 =	sadd.s32 s3, s24;
	[tilespmem:s0+$0x8E00] =	vst v10;
	s0 =	smov.u32 s3  }
0x4c1: {  	v10 =	vld [tilespmem:s4+$0x0];
	_ =	sdelay $0x4  }
0x4c2: {  	vm9 =	vgt.s32 v10, $0x0  }
0x4c3: {  	v10 =	vnsel vm9, $0x0, v10  }
0x4c4: {  	v10 =	vmin.u32 v10, $0x3EFF;
	_ =	sdelay $0x4  }
0x4c5: {  	v10 =	vld.idx.msk [tilespmem:v10+s9+$0x0], $0xffff;
	_ =	sdelay $0x4  }
.Ltmp144:
0x4c6: {  	(pc) =	sbr.rel @p4 .LBB2_274-.Ltmp144, $4  }
0x4c7: {  	v10 =	vshra.s32 v10, $0xE  }
0x4c8: {  	vm9 =	vgt.s32 v10, $0x0  }
0x4c9: {  	v10 =	vnsel vm9, $0x0, v10  }
0x4ca: {  	s3 =	sshra.s32 s1, $0x2;
	s1 =	sadd.s32 $0x40, s1;
	v10 =	vmin.u32 v10, $0x3E7F  }
0x4cb: {  	s1 =	sadd.s32 s3, s24;
	[tilespmem:s0+$0x8E00] =	vst v10  }
0x4cc: {  	v10 =	vld [tilespmem:s1+$0x0];
	_ =	sdelay $0x4  }
0x4cd: {  	vm9 =	vgt.s32 v10, $0x0  }
0x4ce: {  	v10 =	vnsel vm9, $0x0, v10  }
0x4cf: {  	v10 =	vmin.u32 v10, $0x3EFF;
	_ =	sdelay $0x4  }
0x4d0: {  	v10 =	vld.idx.msk [tilespmem:v10+s9+$0x0], $0xffff;
	_ =	sdelay $0x4  }
0x4d1: {  	v10 =	vshra.s32 v10, $0xE  }
0x4d2: {  	vm9 =	vgt.s32 v10, $0x0  }
0x4d3: {  	v10 =	vnsel vm9, $0x0, v10  }
0x4d4: {  	s28 =	rddreg [dreg:$0x0];
	v10 =	vmin.u32 v10, $0x3E7F  }
0x4d5: {  	s29 =	simm.s32 $0xC0;
	s2 =	simm.s32 $0x8E00;
	s30 =	simm.s32 $0x1;
	[tilespmem:s3+$0x8E00] =	vst v10  }
0x4d6: {  	[tilespmem:s5], [sflag:$0x1] =	stream.indirect.gather [hbm4b:s28+s29], $0x80, s2, s29, $0xb8;
	[tilespmem:$0x1EF00] =	vst v63  }
0x4d7: {  	_ =	swait.ge [sflag:s30], $0x6000  }
0x4d8: {  	[sflag:s30] =	ssyncset.done $0x0  }
0x4d9: {  	vm9 =	vcmask $0xF0C;
	[sflag:s30] =	ssyncadd.s32 $0xFFFFA000  }
.LBB2_276:
0x4da: {  	s0 =	smul.u32 $0xC0, s7;
	_ =	sdelay $0x1  }
0x4db: {  	s0 =	ssub.s32 s10, s0  }
0x4dc: {  	v10 =	vld [tilespmem:$0x1FFF0];
	p4 =	slt.s32 s0, $0x1  }
.Ltmp145:
0x4dd: {  	vm13 =	vcmask $0x1714;
	vm14 =	vcmask $0x1F1C;
	(pc) =	sbr.rel @p4 .LBB2_279-.Ltmp145, $4  }
0x4de: {  	vm15 =	vcmask $0x2724;
	vm11 =	vcmask $0x3734;
	vm3 =	vcmask $0x2F2C  }
0x4df: {  	vm4 =	vcmask $0x300;
	vm5 =	vcmask $0x2320;
	vm6 =	vcmask $0x2B28  }
0x4e0: {  	vm7 =	vcmask $0x3330;
	vm8 =	vcmask $0x3B38;
	vm1 =	vcmask $0xB08  }
0x4e1: {  	[dreg:$0x11] =	wrdreg s7;
	vm2 =	vcmask $0x1310;
	vm12 =	vcmask $0x1B18;
	vm0 =	vnez.u8 v10  }
0x4e2: {  	s0 =	rddreg [dreg:$0x10]  }
0x4e3: {  	p4 =	sgt.s32 s0, $0x1  }
0x4e4: {  	s0 =	simm.s32 @!p4 $0x1  }
0x4e5: {  	s0 =	smin.u32 s0, $0xC0  }
0x4e6: {  	s29 =	simm.s32 $0x0;
	[dreg:$0x4] =	wrdreg s0  }
.LBB2_278:
0x4e7: {  	s0 =	sadd.s32 s29, s6  }
0x4e8: {  	v10 =	vmov s0;
	_ =	sdelay $0x4  }
0x4e9: {  	v10 =	vld.idx.msk [tilespmem:v10+s31+$0x0], $0xffff;
	_ =	sdelay $0x7  }
0x4ea: {  	v10 =	vld.idx.msk [tilespmem:v10+s9+$0x0], $0xffff;
	_ =	sdelay $0x4  }
0x4eb: {  	v11 =	vand.u32 $0x3FFF, v10  }
0x4ec: {  	v10 =	vsub.s32 v11, v9  }
0x4ed: {  	(v2sf) =	vpush v10, $0xD;
	_ =	sdelay $0x1  }
0x4ee: {  	(v2sf) =	vpush v10, $0xC;
	_ =	sdelay $0x1  }
0x4ef: {  	(v2sf) =	vpush v10, $0xE;
	_ =	sdelay $0x1  }
0x4f0: {  	(v2sf) =	vpush v10, $0xF;
	_ =	sdelay $0x1  }
0x4f1: {  	(v2sf) =	vpush v10, $0x9;
	_ =	sdelay $0x1  }
0x4f2: {  	(v2sf) =	vpush v10, $0x8;
	_ =	sdelay $0x1  }
0x4f3: {  	(v2sf) =	vpush v10, $0xA  }
0x4f4: {  	(v2sf) =	vpush v10, $0xB;
	_ =	sdelay $0x1  }
0x4f5: {  	(v2sf) =	vpush v10, $0x0;
	s25 =	spop (v2sf)  }
0x4f6: {  	s1 =	smulhi.u32 $0x4BDA12F7, s25;
	s0 =	sshra.s32 s25, $0x1F  }
0x4f7: {  	s3 =	spop (v2sf);
	s0 =	smul.u32 $0x4BDA12F7, s0  }
0x4f8: {  	(v2sf) =	vpush v10, $0x1;
	s4 =	smulhi.u32 $0x4BDA12F7, s3;
	s3 =	sshra.s32 s3, $0x1F  }
0x4f9: {  	(v2sf) =	vpush v10, $0x2;
	s26 =	spop (v2sf);
	s3 =	smul.u32 $0x4BDA12F7, s3  }
0x4fa: {  	s9 =	smov.u32 s6;
	s17 =	smulhi.u32 $0x4BDA12F7, s26;
	s6 =	sshra.s32 s26, $0x1F  }
0x4fb: {  	(v2sf) =	vpush v10, $0x3;
	s7 =	spop (v2sf);
	s6 =	smul.u32 $0x4BDA12F7, s6  }
0x4fc: {  	(v2sf) =	vpush v10, $0x4;
	s16 =	smulhi.u32 $0x4BDA12F7, s7;
	s7 =	sshra.s32 s7, $0x1F  }
0x4fd: {  	(v2sf) =	vpush v10, $0x5;
	s18 =	spop (v2sf);
	s7 =	smul.u32 $0x4BDA12F7, s7  }
0x4fe: {  	(v2sf) =	vpush v10, $0x6;
	s5 =	smulhi.u32 $0x4BDA12F7, s18;
	s18 =	sshra.s32 s18, $0x1F  }
0x4ff: {  	(v2sf) =	vpush v10, $0x7;
	s30 =	spop (v2sf);
	s2 =	smul.u32 $0x4BDA12F7, s18  }
0x500: {  	s13 =	smulhi.u32 $0x4BDA12F7, s30;
	s28 =	sshra.s32 s30, $0x1F  }
0x501: {  	s31 =	spop (v2sf);
	s11 =	smul.u32 $0x4BDA12F7, s28  }
0x502: {  	s19 =	spop (v2sf);
	s20 =	smulhi.u32 $0x4BDA12F7, s31  }
0x503: {  	s30 =	sshra.s32 s31, $0x1F;
	s31 =	sadd.s32 s0, s1;
	s0 =	sadd.s32 s3, s4  }
0x504: {  	s1 =	sadd.s32 s6, s17;
	s8 =	spop (v2sf);
	s15 =	smul.u32 $0x4BDA12F7, s30  }
0x505: {  	s10 =	smulhi.u32 $0x4BDA12F7, s19;
	s19 =	sshra.s32 s19, $0x1F;
	s28 =	sshrl.u32 s0, $0x1F  }
0x506: {  	s30 =	sadd.s32 s7, s16;
	s0 =	sshra.s32 s0, $0x7;
	s19 =	smul.u32 $0x4BDA12F7, s19  }
0x507: {  	s12 =	spop (v2sf);
	s26 =	smulhi.u32 $0x4BDA12F7, s8;
	s4 =	sshra.s32 s8, $0x1F  }
0x508: {  	s8 =	sshrl.u32 s31, $0x1F;
	s22 =	spop (v2sf);
	s25 =	smul.u32 $0x4BDA12F7, s4  }
0x509: {  	s17 =	smulhi.u32 $0x4BDA12F7, s12;
	s6 =	sshra.s32 s12, $0x1F;
	s12 =	sshrl.u32 s1, $0x1F  }
0x50a: {  	s4 =	sadd.s32 s2, s5;
	s23 =	spop (v2sf);
	s16 =	smul.u32 $0x4BDA12F7, s6  }
0x50b: {  	s2 =	smulhi.u32 $0x4BDA12F7, s22;
	s7 =	sshra.s32 s22, $0x1F;
	s21 =	spop (v2sf)  }
0x50c: {  	s6 =	sadd.s32 s11, s13;
	s3 =	sadd.s32 s19, s10;
	s14 =	spop (v2sf)  }
0x50d: {  	s11 =	smul.u32 $0x4BDA12F7, s7;
	s7 =	sadd.s32 s15, s20;
	s18 =	spop (v2sf)  }
0x50e: {  	s13 =	smulhi.u32 $0x4BDA12F7, s23;
	s22 =	sshra.s32 s23, $0x1F;
	s23 =	spop (v2sf)  }
0x50f: {  	s19 =	sadd.s32 s25, s26;
	s26 =	smulhi.u32 $0x4BDA12F7, s23;
	s15 =	sshra.s32 s23, $0x1F  }
0x510: {  	s5 =	sshrl.u32 s30, $0x1F;
	s20 =	sshrl.u32 s3, $0x1F;
	s15 =	smul.u32 $0x4BDA12F7, s15  }
0x511: {  	s2 =	sadd.s32 s11, s2;
	s11 =	smulhi.u32 $0x4BDA12F7, s21;
	s23 =	sshra.s32 s21, $0x1F  }
0x512: {  	s16 =	sadd.s32 s16, s17;
	s25 =	smul.u32 $0x4BDA12F7, s23;
	s17 =	sadd.s32 s15, s26  }
0x513: {  	s10 =	smul.u32 $0x4BDA12F7, s22;
	s22 =	sshrl.u32 s4, $0x1F;
	s26 =	sshra.s32 s17, $0x1F  }
0x514: {  	v13 =	vmov s28;
	s28 =	sshrl.u32 s16, $0x1F;
	s11 =	sadd.s32 s25, s11;
	s25 =	sshra.s32 s19, $0x7;
	v12 =	vmov s26  }
0x515: {  	s10 =	sadd.s32 s10, s13;
	s26 =	sshrl.u32 s19, $0x1F;
	s19 =	sshra.s32 s19, $0x1F;
	v12 =	vsel vm4, s25, v12  }
0x516: {  	v13 =	vsel vm1, s8, v13;
	s8 =	smulhi.u32 $0x4BDA12F7, s14;
	s14 =	sshra.s32 s14, $0x1F;
	s23 =	sshra.s32 s16, $0x7;
	v14 =	vmov s26;
	v12 =	vsel vm10, s19, v12  }
0x517: {  	v56 =	vmov s0;
	s14 =	smul.u32 $0x4BDA12F7, s14;
	s21 =	sshrl.u32 s6, $0x1F;
	s16 =	sshra.s32 s16, $0x1F;
	v14 =	vnsel vm4, $0x0, v14;
	v12 =	vsel vm1, s23, v12  }
0x518: {  	v13 =	vsel vm2, s12, v13;
	s26 =	smulhi.u32 $0x4BDA12F7, s18;
	v14 =	vsel vm1, s28, v14;
	s28 =	sshra.s32 s18, $0x1F;
	s18 =	sshra.s32 s2, $0x7;
	v12 =	vsel vm9, s16, v12  }
0x519: {  	v13 =	vsel vm12, s5, v13;
	s6 =	sshra.s32 s6, $0x7;
	v15 =	vmov s21;
	s25 =	sshrl.u32 s2, $0x1F;
	s2 =	sshra.s32 s2, $0x1F;
	v12 =	vsel vm2, s18, v12  }
0x51a: {  	s8 =	sadd.s32 s14, s8;
	v16 =	vmov s6;
	v15 =	vsel vm1, s22, v15;
	s22 =	sshra.s32 s10, $0x7;
	s15 =	sshrl.u32 s7, $0x1F;
	v12 =	vsel vm13, s2, v12  }
0x51b: {  	s14 =	sshra.s32 s4, $0x7;
	s21 =	sshrl.u32 s11, $0x1F;
	v15 =	vsel vm2, s15, v15;
	v14 =	vsel vm2, s25, v14;
	s25 =	sshra.s32 s10, $0x1F;
	v12 =	vsel vm12, s22, v12  }
0x51c: {  	v16 =	vsel vm1, s14, v16;
	v15 =	vsel vm12, s20, v15;
	s19 =	sshrl.u32 s10, $0x1F;
	s13 =	smul.u32 $0x4BDA12F7, s28;
	s28 =	sshra.s32 s11, $0x7;
	v12 =	vsel vm14, s25, v12  }
0x51d: {  	s12 =	sshra.s32 s11, $0x1F;
	s15 =	sshra.s32 s8, $0x7;
	v13 =	vcombine.low v15, v13;
	s16 =	sshra.s32 s7, $0x7;
	v14 =	vsel vm12, s19, v14;
	v12 =	vsel vm5, s28, v12  }
0x51e: {  	s20 =	sshra.s32 s3, $0x7;
	v16 =	vsel vm2, s16, v16;
	v14 =	vsel vm5, s21, v14;
	s5 =	sadd.s32 s13, s26;
	s13 =	sshra.s32 s31, $0x7;
	v12 =	vsel vm15, s12, v12  }
0x51f: {  	s1 =	sshra.s32 s1, $0x7;
	s23 =	sshrl.u32 s8, $0x1F;
	s18 =	sshra.s32 s8, $0x1F;
	v16 =	vsel vm12, s20, v16;
	v15 =	vsel vm1, s13, v56;
	v12 =	vsel vm6, s15, v12  }
0x520: {  	s19 =	sshra.s32 s30, $0x7;
	v14 =	vsel vm6, s23, v14;
	s26 =	sshrl.u32 s5, $0x1F;
	s21 =	sshra.s32 s5, $0x7;
	v15 =	vsel vm2, s1, v15;
	v12 =	vsel vm3, s18, v12  }
0x521: {  	s22 =	sshrl.u32 s17, $0x1F;
	s23 =	sshra.s32 s5, $0x1F;
	v14 =	vsel vm7, s26, v14;
	v15 =	vsel vm12, s19, v15;
	v12 =	vsel vm7, s21, v12  }
0x522: {  	s25 =	sshra.s32 s17, $0x7;
	v14 =	vsel vm8, s22, v14;
	v15 =	vcombine.low v16, v15;
	v12 =	vsel vm11, s23, v12  }
0x523: {  	v13 =	vperm.xlane v13, v5;
	v14 =	vperm.xlane v14, v6;
	v12 =	vsel vm8, s25, v12  }
0x524: {  	v15 =	vperm.xlane v15, v5;
	v12 =	vperm.xlane v12, v6;
	_ =	sdelay $0x1  }
0x525: {  	v13 =	vsel vm0, v14, v13;
	v12 =	vsel vm0, v12, v15  }
0x526: {  	vm9 =	vne.s32 v11, v9;
	v12 =	vadd.s32 v13, v12  }
0x527: {  	v11 =	vshra.s32 v10, $0x1F;
	v57 =	vsel vm9, $0x1, v3;
	v58 =	vmul.u32 $0xFFFFFE50, v12  }
0x528: {  	v59 =	vsub.s32 $0x0, v10;
	v11 =	vor.u32 v57, v11  }
0x529: {  	vm9 =	vne.s32 v11, $0x1;
	vm10 =	vne.s32 v58, v59  }
0x52a: {  	vm9 =	vmand vm10, vm9  }
0x52b: {  	v11 =	vsel vm9, $0xFFFFFFFF, v3  }
0x52c: {  	s26 =	rddreg [dreg:$0x3];
	s28 =	sshll.u32 s29, $0x7;
	v11 =	vadd.s32 v11, v12  }
0x52d: {  	s0 =	sor.u32 s26, s28;
	v12 =	vmul.u32 $0xFFFFFE50, v11  }
0x52e: {  	v60 =	vor.u32 s0, v2;
	v61 =	vshll.u32 v11, $0x9;
	v11 =	vshll.u32 v11, $0x7  }
0x52f: {  	v62 =	vand.u32 $0xFFFFF000, v61;
	v11 =	vand.u32 $0x380, v11;
	v10 =	vadd.s32 v10, v12  }
0x530: {  	v11 =	vor.u32 v11, v62;
	v63 =	vand.u32 $0x7F, v10;
	v10 =	vshll.u32 v10, $0x3  }
0x531: {  	v10 =	vand.u32 $0xFFFFFC00, v10;
	v11 =	vor.u32 v63, v11  }
0x532: {  	s30 =	rddreg [dreg:$0x4];
	s5 =	simm.s32 $0x8F00;
	s29 =	sadd.s32 $0x1, s29;
	v10 =	vadd.s32 v10, v11  }
0x533: {  	p4 =	sne.s32 s30, s29;
	v11 =	vld.idx.msk [tilespmem:v60+s5+$0x0], $0xffff;
	v10 =	vadd.s32 v7, v10  }
.Ltmp146:
0x534: {  	_ = 	snop;
	(pc) =	sbr.rel @p4 .LBB2_278-.Ltmp146, $3  }
0x535: {  	_ =	sdelay $0x1  }
0x536: {  	s8 =	simm.s32 $0xEF00  }
0x537: {  	s6 =	smov.u32 s9;
	s9 =	simm.s32 $0x1000;
	s31 =	simm.s32 $0x4F00;
	vm10 =	vcmask $0x704;
	vm9 =	vcmask $0xF0C;
	[tilespmem:v10+s8+$0x0] =	vst.idx.msk $0xffff, v11  }
.Ltmp147:
0x538: {  	_ = 	snop;
	(pc) =	sbr.rel .LBB2_279-.Ltmp147, $1  }
0x539: {  	_ =	sdelay $0x3  }
.LBB2_281:
0x53a: {  	p1 =	sgt.s32 s10, $0x0;
	v10 =	vld [tilespmem:$0x1FFF0]  }
.Ltmp148:
0x53b: {  	vm13 =	vcmask $0x1714;
	vm14 =	vcmask $0x1F1C;
	(pc) =	sbr.rel @!p1 .LBB2_283-.Ltmp148, $4  }
0x53c: {  	vm15 =	vcmask $0x2724;
	vm11 =	vcmask $0x3734;
	vm3 =	vcmask $0x2F2C  }
0x53d: {  	vm4 =	vcmask $0x300;
	vm5 =	vcmask $0x2320;
	vm6 =	vcmask $0x2B28  }
0x53e: {  	vm7 =	vcmask $0x3330;
	vm8 =	vcmask $0x3B38;
	vm1 =	vcmask $0xB08  }
0x53f: {  	s21 =	simm.s32 $0x0;
	vm2 =	vcmask $0x1310;
	vm12 =	vcmask $0x1B18;
	vm0 =	vnez.u8 v10  }
.LBB2_282:
0x540: {  	v10 =	vmov s21;
	_ =	sdelay $0x4  }
0x541: {  	v10 =	vld.idx.msk [tilespmem:v10+s31+$0x0], $0xffff;
	_ =	sdelay $0x7  }
0x542: {  	v10 =	vld.idx.msk [tilespmem:v10+s9+$0x0], $0xffff;
	_ =	sdelay $0x4  }
0x543: {  	v11 =	vand.u32 $0x3FFF, v10  }
0x544: {  	v10 =	vsub.s32 v11, v9  }
0x545: {  	(v2sf) =	vpush v10, $0xD;
	_ =	sdelay $0x1  }
0x546: {  	(v2sf) =	vpush v10, $0xC;
	_ =	sdelay $0x1  }
0x547: {  	(v2sf) =	vpush v10, $0xE;
	_ =	sdelay $0x1  }
0x548: {  	(v2sf) =	vpush v10, $0xF;
	_ =	sdelay $0x1  }
0x549: {  	(v2sf) =	vpush v10, $0x9;
	_ =	sdelay $0x1  }
0x54a: {  	(v2sf) =	vpush v10, $0x8;
	_ =	sdelay $0x1  }
0x54b: {  	(v2sf) =	vpush v10, $0xA;
	_ =	sdelay $0x1  }
0x54c: {  	(v2sf) =	vpush v10, $0xB  }
0x54d: {  	s0 =	spop (v2sf)  }
0x54e: {  	(v2sf) =	vpush v10, $0x0;
	s1 =	smulhi.u32 $0x4BDA12F7, s0;
	s0 =	sshra.s32 s0, $0x1F  }
0x54f: {  	s2 =	spop (v2sf);
	s0 =	smul.u32 $0x4BDA12F7, s0  }
0x550: {  	(v2sf) =	vpush v10, $0x1;
	s3 =	smulhi.u32 $0x4BDA12F7, s2;
	s2 =	sshra.s32 s2, $0x1F  }
0x551: {  	(v2sf) =	vpush v10, $0x2;
	s4 =	spop (v2sf);
	s2 =	smul.u32 $0x4BDA12F7, s2  }
0x552: {  	(v2sf) =	vpush v10, $0x3;
	s6 =	smulhi.u32 $0x4BDA12F7, s4;
	s4 =	sshra.s32 s4, $0x1F  }
0x553: {  	(v2sf) =	vpush v10, $0x4;
	s5 =	spop (v2sf);
	s4 =	smul.u32 $0x4BDA12F7, s4  }
0x554: {  	(v2sf) =	vpush v10, $0x5;
	s10 =	smulhi.u32 $0x4BDA12F7, s5;
	s5 =	sshra.s32 s5, $0x1F  }
0x555: {  	(v2sf) =	vpush v10, $0x6;
	s7 =	spop (v2sf);
	s5 =	smul.u32 $0x4BDA12F7, s5  }
0x556: {  	(v2sf) =	vpush v10, $0x7;
	s12 =	smulhi.u32 $0x4BDA12F7, s7;
	s7 =	sshra.s32 s7, $0x1F  }
0x557: {  	s23 =	sadd.s32 s0, s1;
	s8 =	spop (v2sf);
	s7 =	smul.u32 $0x4BDA12F7, s7  }
0x558: {  	s0 =	sadd.s32 s2, s3;
	s16 =	smulhi.u32 $0x4BDA12F7, s8;
	s8 =	sshra.s32 s8, $0x1F  }
0x559: {  	s11 =	spop (v2sf);
	s28 =	sshrl.u32 s0, $0x1F;
	s8 =	smul.u32 $0x4BDA12F7, s8  }
0x55a: {  	s1 =	sadd.s32 s4, s6;
	s20 =	smulhi.u32 $0x4BDA12F7, s11;
	s11 =	sshra.s32 s11, $0x1F  }
0x55b: {  	s0 =	sshra.s32 s0, $0x7;
	s13 =	spop (v2sf);
	s11 =	smul.u32 $0x4BDA12F7, s11  }
0x55c: {  	s22 =	sadd.s32 s5, s10;
	s26 =	smulhi.u32 $0x4BDA12F7, s13;
	s13 =	sshra.s32 s13, $0x1F  }
0x55d: {  	s14 =	spop (v2sf);
	s4 =	sadd.s32 s7, s12;
	s13 =	smul.u32 $0x4BDA12F7, s13  }
0x55e: {  	s12 =	sshrl.u32 s22, $0x1F;
	s2 =	smulhi.u32 $0x4BDA12F7, s14;
	s3 =	sshra.s32 s14, $0x1F  }
0x55f: {  	s15 =	spop (v2sf);
	s14 =	sshrl.u32 s23, $0x1F;
	s29 =	smul.u32 $0x4BDA12F7, s3  }
0x560: {  	s17 =	spop (v2sf);
	s30 =	smulhi.u32 $0x4BDA12F7, s15;
	s6 =	sshra.s32 s15, $0x1F  }
0x561: {  	s7 =	sadd.s32 s11, s20;
	s19 =	spop (v2sf);
	s5 =	smul.u32 $0x4BDA12F7, s6  }
0x562: {  	s10 =	smulhi.u32 $0x4BDA12F7, s17;
	s17 =	sshra.s32 s17, $0x1F;
	s24 =	spop (v2sf)  }
0x563: {  	s6 =	sadd.s32 s8, s16;
	s8 =	smul.u32 $0x4BDA12F7, s17;
	s25 =	spop (v2sf)  }
0x564: {  	s11 =	smulhi.u32 $0x4BDA12F7, s19;
	s19 =	sshra.s32 s19, $0x1F;
	s18 =	spop (v2sf)  }
0x565: {  	s3 =	sadd.s32 s13, s26;
	s13 =	smul.u32 $0x4BDA12F7, s19;
	s20 =	spop (v2sf)  }
0x566: {  	s15 =	sshrl.u32 s1, $0x1F;
	s17 =	smulhi.u32 $0x4BDA12F7, s20;
	s16 =	sshra.s32 s20, $0x1F  }
0x567: {  	s2 =	sadd.s32 s29, s2;
	s19 =	sshrl.u32 s4, $0x1F;
	s16 =	smul.u32 $0x4BDA12F7, s16  }
0x568: {  	s5 =	sadd.s32 s5, s30;
	s26 =	smulhi.u32 $0x4BDA12F7, s24;
	s29 =	sshra.s32 s24, $0x1F  }
0x569: {  	s24 =	sshrl.u32 s6, $0x1F;
	s20 =	smul.u32 $0x4BDA12F7, s29;
	s17 =	sadd.s32 s16, s17  }
0x56a: {  	s6 =	sshra.s32 s6, $0x7;
	s8 =	sadd.s32 s8, s10;
	s30 =	sshra.s32 s17, $0x1F  }
0x56b: {  	v13 =	vmov s28;
	s11 =	sadd.s32 s13, s11;
	s10 =	sadd.s32 s20, s26;
	s26 =	sshra.s32 s2, $0x7;
	v12 =	vmov s30  }
0x56c: {  	v13 =	vsel vm1, s14, v13;
	s28 =	sshrl.u32 s8, $0x1F;
	s29 =	sshrl.u32 s2, $0x1F;
	s2 =	sshra.s32 s2, $0x1F;
	v12 =	vsel vm4, s26, v12  }
0x56d: {  	v13 =	vsel vm2, s15, v13;
	s14 =	smulhi.u32 $0x4BDA12F7, s25;
	s25 =	sshra.s32 s25, $0x1F;
	v14 =	vmov s29;
	s26 =	sshra.s32 s5, $0x7;
	v12 =	vsel vm10, s2, v12  }
0x56e: {  	v13 =	vsel vm12, s12, v13;
	s12 =	smulhi.u32 $0x4BDA12F7, s18;
	v14 =	vnsel vm4, $0x0, v14;
	s30 =	sshrl.u32 s5, $0x1F;
	s5 =	sshra.s32 s5, $0x1F;
	v12 =	vsel vm1, s26, v12  }
0x56f: {  	v15 =	vmov s24;
	s29 =	smul.u32 $0x4BDA12F7, s25;
	v14 =	vsel vm1, s30, v14;
	s30 =	sshra.s32 s18, $0x1F;
	s18 =	sshra.s32 s8, $0x7;
	v12 =	vsel vm9, s5, v12  }
0x570: {  	v15 =	vsel vm1, s19, v15;
	s16 =	sshrl.u32 s7, $0x1F;
	s8 =	sshra.s32 s8, $0x1F;
	s25 =	smul.u32 $0x4BDA12F7, s30;
	v12 =	vsel vm2, s18, v12  }
0x571: {  	v57 =	vmov s0;
	s20 =	sshrl.u32 s3, $0x1F;
	v15 =	vsel vm2, s16, v15;
	s26 =	sadd.s32 s29, s14;
	s29 =	sshra.s32 s11, $0x7;
	v12 =	vsel vm13, s8, v12  }
0x572: {  	v16 =	vmov s6;
	s16 =	sshra.s32 s23, $0x7;
	v15 =	vsel vm12, s20, v15;
	s5 =	sadd.s32 s25, s12;
	s12 =	sshra.s32 s11, $0x1F;
	v12 =	vsel vm12, s29, v12  }
0x573: {  	s1 =	sshra.s32 s1, $0x7;
	v13 =	vcombine.low v15, v13;
	v15 =	vsel vm1, s16, v57;
	s14 =	sshra.s32 s10, $0x7;
	v12 =	vsel vm14, s12, v12  }
0x574: {  	s24 =	sshrl.u32 s11, $0x1F;
	s15 =	sshra.s32 s10, $0x1F;
	s23 =	sshra.s32 s22, $0x7;
	v14 =	vsel vm2, s28, v14;
	v15 =	vsel vm2, s1, v15;
	v12 =	vsel vm5, s14, v12  }
0x575: {  	s28 =	sshrl.u32 s10, $0x1F;
	v14 =	vsel vm12, s24, v14;
	v15 =	vsel vm12, s23, v15;
	s19 =	sshra.s32 s26, $0x7;
	s18 =	sshra.s32 s4, $0x7;
	v12 =	vsel vm15, s15, v12  }
0x576: {  	s20 =	sshra.s32 s7, $0x7;
	v14 =	vsel vm5, s28, v14;
	s30 =	sshrl.u32 s26, $0x1F;
	s2 =	sshra.s32 s26, $0x1F;
	v16 =	vsel vm1, s18, v16;
	v12 =	vsel vm6, s19, v12  }
0x577: {  	s24 =	sshra.s32 s3, $0x7;
	v14 =	vsel vm6, s30, v14;
	s13 =	sshrl.u32 s5, $0x1F;
	s25 =	sshra.s32 s5, $0x7;
	v16 =	vsel vm2, s20, v16;
	v12 =	vsel vm3, s2, v12  }
0x578: {  	s26 =	sshrl.u32 s17, $0x1F;
	s28 =	sshra.s32 s5, $0x1F;
	v14 =	vsel vm7, s13, v14;
	v16 =	vsel vm12, s24, v16;
	v12 =	vsel vm7, s25, v12  }
0x579: {  	v14 =	vsel vm8, s26, v14;
	s29 =	sshra.s32 s17, $0x7;
	v15 =	vcombine.low v16, v15;
	v12 =	vsel vm11, s28, v12  }
0x57a: {  	v13 =	vperm.xlane v13, v5;
	v14 =	vperm.xlane v14, v6;
	v12 =	vsel vm8, s29, v12  }
0x57b: {  	v15 =	vperm.xlane v15, v5;
	v12 =	vperm.xlane v12, v6;
	_ =	sdelay $0x1  }
0x57c: {  	v13 =	vsel vm0, v14, v13;
	v12 =	vsel vm0, v12, v15  }
0x57d: {  	vm9 =	vne.s32 v11, v9;
	v12 =	vadd.s32 v13, v12  }
0x57e: {  	v11 =	vshra.s32 v10, $0x1F;
	v58 =	vsel vm9, $0x1, v3;
	v59 =	vmul.u32 $0xFFFFFE50, v12  }
0x57f: {  	v60 =	vsub.s32 $0x0, v10;
	v11 =	vor.u32 v58, v11  }
0x580: {  	vm9 =	vne.s32 v11, $0x1;
	vm10 =	vne.s32 v59, v60  }
0x581: {  	vm9 =	vmand vm10, vm9  }
0x582: {  	v11 =	vsel vm9, $0xFFFFFFFF, v3  }
0x583: {  	v11 =	vadd.s32 v11, v12  }
0x584: {  	v12 =	vmul.u32 $0xFFFFFE50, v11  }
0x585: {  	v61 =	vshll.u32 v11, $0x9;
	v11 =	vshll.u32 v11, $0x7  }
0x586: {  	v62 =	vand.u32 $0xFFFFF000, v61;
	v11 =	vand.u32 $0x380, v11;
	v10 =	vadd.s32 v10, v12  }
0x587: {  	v11 =	vor.u32 v11, v62;
	v63 =	vand.u32 $0x7F, v10;
	v10 =	vshll.u32 v10, $0x3  }
0x588: {  	v10 =	vand.u32 $0xFFFFFC00, v10;
	v11 =	vor.u32 v63, v11  }
0x589: {  	s21 =	sadd.s32 $0x1, s21;
	s30 =	rddreg [dreg:$0xc];
	v10 =	vadd.s32 v10, v11  }
0x58a: {  	p1 =	sne.s32 s30, s21;
	v10 =	vadd.s32 v7, v10  }
.Ltmp149:
0x58b: {  	_ = 	snop;
	(pc) =	sbr.rel @p1 .LBB2_282-.Ltmp149, $3  }
0x58c: {  	_ =	sdelay $0x1  }
0x58d: {  	s8 =	simm.s32 $0xEF00  }
0x58e: {  	vm10 =	vcmask $0x704;
	vm9 =	vcmask $0xF0C;
	[tilespmem:v10+s8+$0x0] =	vst.idx.msk $0xffff, v1  }
.Ltmp150:
0x58f: {  	_ = 	snop;
	(pc) =	sbr.rel .LBB2_283-.Ltmp150, $1  }
0x590: {  	_ =	sdelay $0x3  }
.LBB2_264:
.Ltmp151:
0x591: {  	(pc) =	sbr.rel .LBB2_268-.Ltmp151, $2  }
0x592: {  	_ =	sdelay $0x2  }
0x593: {  	s1 =	simm.s32 $0x0;
	s0 =	simm.s32 $0x0  }
.LBB2_266:
.Ltmp152:
0x594: {  	(pc) =	sbr.rel .LBB2_268-.Ltmp152, $2  }
0x595: {  	_ =	sdelay $0x2  }
0x596: {  	s1 =	simm.s32 $0x0;
	s0 =	simm.s32 $0x0  }
.LBB2_285:
0x597: {  	_ =	sfence.sel $0x180000  }
0x598: {  	[bflag:$0x0] =	sbarrier.arrive $0xFFFF  }
0x599: {  	_ =	strace $0x90000047  }
0x59a: {  	s0 =	stileid.u32;
	[bflag:$0x2] =	sbarrier.arrive $0xFFFF  }
0x59b: {  	p0 =	sne.s32 s0, $0x0;
	s0 =	rddreg [dreg:$0x2]  }
0x59c: {  	s0 =	sadd.s32 @!p0 $0x100000, s0  }
0x59d: {  	[sflag:s0] =	ssyncadd.tile.s32 @!p0 $0x1;
	_ =	shalt  }
.Lfunc_end2:
_tile_overlayer_lowered:
.L_overlay_start_2:
0x59e: {  	(tag) =	ssettag $0x2  }
0x59f: {  	s0 =	rddreg [dreg:$0x0];
	s2 =	stileid.u32  }
0x5a0: {  	s1 =	rddreg [dreg:$0x1];
	p0 =	sne.s32 s2, $0x0  }
0x5a1: {  	s3 =	rddreg [dreg:$0x2];
	[bflag:$0x3] =	sbarrier.arrive $0xFFFF;
	s2 =	simm.s32 @!p0 $0x1C02  }
0x5a2: {  	[timem:s3], [sflag:s2] =	dma.local @!p0 [hbm:s0], s1  }
0x5a3: {  	s0 =	simm.s32 @!p0 $0x2  }
0x5a4: {  	_ =	swait.ge @!p0 [sflag:s0], s1  }
0x5a5: {  	s1 =	ssub.s32 @!p0 $0x0, s1;
	[sflag:s0] =	ssyncset.done @!p0 $0x0  }
0x5a6: {  	[sflag:s0] =	ssyncadd.s32 @!p0 s1  }
0x5a7: {  	[bflag:$0x3] =	sbarrier.arrive $0xFFFF  }
0x5a8: {  	_ =	shalt  }

</sc_bundles>
